<compile_context>
chip_gen: v7x
topology: tpu7x:2x2x1
jax: 0.10.2.dev20260603
libtpu: 0.0.44.dev20260713+nightly
codegen_flags: <defaults>
</compile_context>

<pallas_src>
import functools

import jax
import jax.numpy as jnp
from jax import lax
from jax.experimental import pallas as pl
from jax.experimental.pallas import tpu as pltpu
from jax.experimental.pallas import tpu_sc as plsc

N = 5000
C = 20
NP = 5120
NCH = NP // 16
SCORE_T = 0.05
IOU_T = 0.5
H = 600.0
W = 800.0
L = 16

_NC = 2
_NS = 16


def _nms_body(boxes_hbm, probs_hbm,
              ob_hbm, os_hbm, ok_hbm,
              vb0, vb1, vb2, vb3, vprob,
              vkey, vidx, vkey2, vidx2, hist,
              sy0, sx0, sy1, sx1, varea, vsupp, vos, vkeep):
    cls = lax.axis_index("s") * _NC + lax.axis_index("c")

    @pl.when(cls < C)
    def _():
        lanes = lax.iota(jnp.int32, L)
        zf = jnp.zeros((L,), jnp.float32)
        zi = jnp.zeros((L,), jnp.int32)
        ones_i = jnp.ones((L,), jnp.int32)

        pltpu.sync_copy(boxes_hbm.at[cls, 0], vb0)
        pltpu.sync_copy(boxes_hbm.at[cls, 1], vb1)
        pltpu.sync_copy(boxes_hbm.at[cls, 2], vb2)
        pltpu.sync_copy(boxes_hbm.at[cls, 3], vb3)
        pltpu.sync_copy(probs_hbm.at[cls], vprob)

        def compact_body(k, pos):
            b = k * L
            p = vprob[pl.ds(b, L)]
            m = p > SCORE_T
            key = ~plsc.bitcast(p, jnp.int32)
            plsc.store_compressed(vkey.at[pl.ds(pos, L)], key, mask=m)
            plsc.store_compressed(vidx.at[pl.ds(pos, L)], b + lanes, mask=m)
            mi = jnp.where(m, 1, 0).astype(jnp.int32)
            cnt = jnp.int32(0)
            for q in range(L):
                cnt = cnt + mi[q]
            return pos + cnt

        V = lax.fori_loop(0, NCH, compact_body, jnp.int32(0))
        nch = (V + (L - 1)) // L

        vkey[pl.ds(V, L)] = jnp.full((L,), -1, jnp.int32)
        vidx[pl.ds(V, L)] = zi

        bufs = [(vkey, vidx, vkey2, vidx2), (vkey2, vidx2, vkey, vidx)]
        for p in range(4):
            src_k, src_i, dst_k, dst_i = bufs[p % 2]
            shift = 8 * p

            for hk in range(256 // L):
                hist[pl.ds(hk * L, L)] = zi

            def hist_body(k, _, src_k=src_k, shift=shift):
                kb = src_k[pl.ds(k * L, L)]
                bucket = lax.shift_right_logical(kb, shift) & 255
                plsc.addupdate_scatter(hist, [bucket], ones_i)
                return 0

            lax.fori_loop(0, nch, hist_body, 0)

            def ps_body(c, run):
                h = hist[pl.ds(c * L, L)]
                ex = zi
                for q in range(L):
                    ex = jnp.where(lanes == q, run, ex)
                    run = run + h[q]
                hist[pl.ds(c * L, L)] = ex
                return run

            lax.fori_loop(0, 256 // L, ps_body, jnp.int32(0))

            def reord_body(k, _, src_k=src_k, src_i=src_i,
                           dst_k=dst_k, dst_i=dst_i, shift=shift):
                b = k * L
                kb = src_k[pl.ds(b, L)]
                ib = src_i[pl.ds(b, L)]
                bucket = lax.shift_right_logical(kb, shift) & 255
                fwd = zi
                for q in range(L - 1):
                    bq = jnp.full((L,), bucket[q], jnp.int32)
                    fwd = fwd + jnp.where((lanes > q) & (bucket == bq),
                                          1, 0).astype(jnp.int32)
                base = plsc.load_gather(hist, [bucket])
                dest = base + fwd
                plsc.store_scatter(dst_k, [dest], kb)
                plsc.store_scatter(dst_i, [dest], ib)
                plsc.addupdate_scatter(hist, [bucket], ones_i)
                return 0

            lax.fori_loop(0, nch, reord_body, 0)


        def zero_pref(k, _):
            vsupp[pl.ds(k * L, L)] = zf
            return 0

        lax.fori_loop(0, nch, zero_pref, 0)

        def zero_full(k, _):
            vos[pl.ds(k * L, L)] = zf
            vkeep[pl.ds(k * L, L)] = zf
            return 0

        lax.fori_loop(0, NCH, zero_full, 0)

        def gather_body(k, _):
            b = k * L
            idx = vidx[pl.ds(b, L)]
            y0 = jnp.minimum(jnp.maximum(plsc.load_gather(vb0, [idx]), 0.0), H)
            x0 = jnp.minimum(jnp.maximum(plsc.load_gather(vb1, [idx]), 0.0), W)
            y1 = jnp.minimum(jnp.maximum(plsc.load_gather(vb2, [idx]), 0.0), H)
            x1 = jnp.minimum(jnp.maximum(plsc.load_gather(vb3, [idx]), 0.0), W)
            sy0[pl.ds(b, L)] = y0
            sx0[pl.ds(b, L)] = x0
            sy1[pl.ds(b, L)] = y1
            sx1[pl.ds(b, L)] = x1
            varea[pl.ds(b, L)] = (y1 - y0) * (x1 - x0)
            return 0

        lax.fori_loop(0, nch, gather_body, 0)

        def pivot_body(i, _):
            @pl.when(vsupp[pl.ds(i, L)][0] == 0.0)
            def _():
                py0 = jnp.full((L,), sy0[pl.ds(i, L)][0], jnp.float32)
                px0 = jnp.full((L,), sx0[pl.ds(i, L)][0], jnp.float32)
                py1 = jnp.full((L,), sy1[pl.ds(i, L)][0], jnp.float32)
                px1 = jnp.full((L,), sx1[pl.ds(i, L)][0], jnp.float32)
                pa = jnp.full((L,), varea[pl.ds(i, L)][0], jnp.float32)

                def iou_mask(b):
                    jy0 = sy0[pl.ds(b, L)]
                    jx0 = sx0[pl.ds(b, L)]
                    jy1 = sy1[pl.ds(b, L)]
                    jx1 = sx1[pl.ds(b, L)]
                    ja = varea[pl.ds(b, L)]
                    hh = jnp.maximum(jnp.minimum(py1, jy1) -
                                     jnp.maximum(py0, jy0), 0.0)
                    ww = jnp.maximum(jnp.minimum(px1, jx1) -
                                     jnp.maximum(px0, jx0), 0.0)
                    inter = hh * ww
                    iou = inter / (pa + ja - inter + 1e-9)
                    return iou > IOU_T

                fc = (i // L) * L
                m0 = iou_mask(fc) & ((fc + lanes) > i)
                sv0 = vsupp[pl.ds(fc, L)]
                vsupp[pl.ds(fc, L)] = jnp.where(m0, 1.0, sv0)

                @plsc.parallel_loop(fc + L, nch * L, L, unroll=2)
                def sweep(b):
                    m = iou_mask(b)
                    sv = vsupp[pl.ds(b, L)]
                    vsupp[pl.ds(b, L)] = jnp.where(m, 1.0, sv)

            return 0

        lax.fori_loop(0, V, pivot_body, 0)

        def scatter_body(k, _):
            b = k * L
            idx = vidx[pl.ds(b, L)]
            kv = 1.0 - vsupp[pl.ds(b, L)]
            sc = plsc.bitcast(~vkey[pl.ds(b, L)], jnp.float32) * kv
            m = (b + lanes) < V
            plsc.store_scatter(vkeep, [idx], kv, mask=m)
            plsc.store_scatter(vos, [idx], sc, mask=m)
            return 0

        lax.fori_loop(0, nch, scatter_body, 0)

        def outbox_body(k, _):
            b = k * L
            kv = vkeep[pl.ds(b, L)]
            y0 = jnp.minimum(jnp.maximum(vb0[pl.ds(b, L)], 0.0), H) * kv
            x0 = jnp.minimum(jnp.maximum(vb1[pl.ds(b, L)], 0.0), W) * kv
            y1 = jnp.minimum(jnp.maximum(vb2[pl.ds(b, L)], 0.0), H) * kv
            x1 = jnp.minimum(jnp.maximum(vb3[pl.ds(b, L)], 0.0), W) * kv
            vb0[pl.ds(b, L)] = y0
            vb1[pl.ds(b, L)] = x0
            vb2[pl.ds(b, L)] = y1
            vb3[pl.ds(b, L)] = x1
            return 0

        lax.fori_loop(0, NCH, outbox_body, 0)

        pltpu.sync_copy(vb0, ob_hbm.at[cls, 0])
        pltpu.sync_copy(vb1, ob_hbm.at[cls, 1])
        pltpu.sync_copy(vb2, ob_hbm.at[cls, 2])
        pltpu.sync_copy(vb3, ob_hbm.at[cls, 3])
        pltpu.sync_copy(vos, os_hbm.at[cls])
        pltpu.sync_copy(vkeep, ok_hbm.at[cls])


_f = jnp.float32
_i = jnp.int32
_sc_nms = functools.partial(
    pl.kernel,
    out_type=(
        jax.ShapeDtypeStruct((C, 4, NP), _f),
        jax.ShapeDtypeStruct((C, NP), _f),
        jax.ShapeDtypeStruct((C, NP), _f),
    ),
    mesh=plsc.VectorSubcoreMesh(core_axis_name="c", subcore_axis_name="s",
                                num_cores=_NC, num_subcores=_NS),
    compiler_params=pltpu.CompilerParams(needs_layout_passes=False),
    scratch_types=[
        pltpu.VMEM((NP,), _f),
        pltpu.VMEM((NP,), _f),
        pltpu.VMEM((NP,), _f),
        pltpu.VMEM((NP,), _f),
        pltpu.VMEM((NP,), _f),
        pltpu.VMEM((NP + L,), _i),
        pltpu.VMEM((NP + L,), _i),
        pltpu.VMEM((NP + L,), _i),
        pltpu.VMEM((NP + L,), _i),
        pltpu.VMEM((256,), _i),
        pltpu.VMEM((NP + L,), _f),
        pltpu.VMEM((NP + L,), _f),
        pltpu.VMEM((NP + L,), _f),
        pltpu.VMEM((NP + L,), _f),
        pltpu.VMEM((NP + L,), _f),
        pltpu.VMEM((NP + L,), _f),
        pltpu.VMEM((NP,), _f),
        pltpu.VMEM((NP,), _f),
    ],
)(_nms_body)


def kernel(predicted_roi_bboxes, predicted_prob):
    bb = predicted_roi_bboxes.reshape(N, C + 1, 4)[:, 1:, :]
    boxes_pl = jnp.transpose(bb, (1, 2, 0))
    boxes_pl = jnp.pad(boxes_pl, ((0, 0), (0, 0), (0, NP - N)))
    probs_t = jnp.transpose(predicted_prob[:, 1:], (1, 0))
    probs_t = jnp.pad(probs_t, ((0, 0), (0, NP - N)))

    ob_pl, out_scores, keep_f = _sc_nms(boxes_pl, probs_t)

    out_boxes = jnp.transpose(ob_pl[:, :, :N], (0, 2, 1))
    keep = keep_f[:, :N] > 0.5
    labels = jnp.broadcast_to(jnp.arange(C, dtype=jnp.int32)[:, None], (C, N))
    return out_boxes, out_scores[:, :N], labels, keep

# --- scband reference (transcript-rebuilt; emitter-appended) ---
"""Pipeline reference for scband-faster-rcnn-50362786513021 (READ-ONLY COPY).

The authoritative reference and input builder live on the scoring server;
editing this copy changes nothing except your own understanding.
"""

import jax, jax.numpy as jnp
import numpy as np

N_ROI = 5000
N_CLASS = 20
SCORE_THRESH = 0.05
NMS_THRESH = 0.5
IMG_H = 600.0
IMG_W = 800.0


def setup_inputs(seed: int = 0) -> dict:
    key = jax.random.key(seed)
    k1, k2 = jax.random.split(key)
    # Two random corner points per (roi, class); sort so ymin<ymax, xmin<xmax -> valid boxes.
    pts = jax.random.uniform(k1, (N_ROI, N_CLASS + 1, 2, 2), dtype=jnp.float32)
    y = jnp.sort(pts[..., 0], axis=-1) * IMG_H
    x = jnp.sort(pts[..., 1], axis=-1) * IMG_W
    bboxes = jnp.stack([y[..., 0], x[..., 0], y[..., 1], x[..., 1]], axis=-1)
    predicted_roi_bboxes = bboxes.reshape(N_ROI, (N_CLASS + 1) * 4)
    logits = jax.random.normal(k2, (N_ROI, N_CLASS + 1), dtype=jnp.float32) * 2.0
    predicted_prob = jax.nn.softmax(logits, axis=1)
    return {"predicted_roi_bboxes": predicted_roi_bboxes, "predicted_prob": predicted_prob}


def _nms_keep(boxes, scores, iou_thresh):
    # Greedy NMS over fixed-size arrays. boxes: [N,4] (ymin,xmin,ymax,xmax), scores: [N].
    n = boxes.shape[0]
    order = jnp.argsort(-scores)
    b = boxes[order]
    s = scores[order]
    idx = jnp.arange(n)
    areas = (b[:, 2] - b[:, 0]) * (b[:, 3] - b[:, 1])

    def body(i, supp):
        valid = jnp.logical_not(supp[i]) & (s[i] > 0.0)
        yx1 = jnp.maximum(b[i, :2], b[:, :2])
        yx2 = jnp.minimum(b[i, 2:], b[:, 2:])
        wh = jnp.clip(yx2 - yx1, 0.0)
        inter = wh[:, 0] * wh[:, 1]
        area_i = (b[i, 2] - b[i, 0]) * (b[i, 3] - b[i, 1])
        iou = inter / (area_i + areas - inter + 1e-9)
        new_supp = (iou > iou_thresh) & (idx > i) & valid
        return supp | new_supp

    suppressed = jax.lax.fori_loop(0, n, body, jnp.zeros(n, dtype=bool))
    keep_sorted = jnp.logical_not(suppressed) & (s > 0.0)
    keep = jnp.zeros(n, dtype=bool).at[order].set(keep_sorted)
    return keep


def reference(predicted_roi_bboxes, predicted_prob):
    # Faithful jax port of FasterRCNN._suppress (per-class score threshold + NMS),
    # with fixed-shape padded outputs (keep mask marks survivors) instead of ragged concat.
    bboxes = predicted_roi_bboxes.reshape(-1, N_CLASS + 1, 4)
    # clamp to image bounds as in the original forward
    y = jnp.clip(bboxes[..., 0::2], 0.0, IMG_H)
    x = jnp.clip(bboxes[..., 1::2], 0.0, IMG_W)
    bboxes = jnp.stack([y[..., 0], x[..., 0], y[..., 1], x[..., 1]], axis=-1)
    # skip background class 0, as label_index in range(1, n_class+1)
    cls_boxes = jnp.transpose(bboxes[:, 1:, :], (1, 0, 2))  # [C, N, 4]
    cls_probs = jnp.transpose(predicted_prob[:, 1:], (1, 0))  # [C, N]
    masked_scores = jnp.where(cls_probs > SCORE_THRESH, cls_probs, 0.0)
    keep = jax.vmap(_nms_keep, in_axes=(0, 0, None))(cls_boxes, masked_scores, NMS_THRESH)
    keep_f = keep.astype(jnp.float32)
    out_boxes = cls_boxes * keep_f[..., None]
    out_scores = masked_scores * keep_f
    labels = jnp.broadcast_to(jnp.arange(N_CLASS, dtype=jnp.int32)[:, None], (N_CLASS, N_ROI))
    return out_boxes, out_scores, labels, keep

if __name__ == "__main__":
    import jax
    _d = setup_inputs()
    print(jax.jit(kernel)(*tuple(_d.values())))

</pallas_src>

<mosaic_0001>
#map = affine_map<(d0, d1) -> (0, 0, 0)>
#map1 = affine_map<(d0, d1) -> (0, 0)>
module attributes {stable_mosaic.version = 14 : i64} {
  func.func @_nms_body(%arg0: i32, %arg1: i32, %arg2: memref<20x4x5120xf32, #tpu.memory_space<hbm>>, %arg3: memref<20x5120xf32, #tpu.memory_space<hbm>>, %arg4: memref<20x4x5120xf32, #tpu.memory_space<hbm>>, %arg5: memref<20x5120xf32, #tpu.memory_space<hbm>>, %arg6: memref<20x5120xf32, #tpu.memory_space<hbm>>, %arg7: memref<5120xf32, #tpu.memory_space<vmem>>, %arg8: memref<5120xf32, #tpu.memory_space<vmem>>, %arg9: memref<5120xf32, #tpu.memory_space<vmem>>, %arg10: memref<5120xf32, #tpu.memory_space<vmem>>, %arg11: memref<5120xf32, #tpu.memory_space<vmem>>, %arg12: memref<5136xi32, #tpu.memory_space<vmem>>, %arg13: memref<5136xi32, #tpu.memory_space<vmem>>, %arg14: memref<5136xi32, #tpu.memory_space<vmem>>, %arg15: memref<5136xi32, #tpu.memory_space<vmem>>, %arg16: memref<256xi32, #tpu.memory_space<vmem>>, %arg17: memref<5136xf32, #tpu.memory_space<vmem>>, %arg18: memref<5136xf32, #tpu.memory_space<vmem>>, %arg19: memref<5136xf32, #tpu.memory_space<vmem>>, %arg20: memref<5136xf32, #tpu.memory_space<vmem>>, %arg21: memref<5136xf32, #tpu.memory_space<vmem>>, %arg22: memref<5136xf32, #tpu.memory_space<vmem>>, %arg23: memref<5120xf32, #tpu.memory_space<vmem>>, %arg24: memref<5120xf32, #tpu.memory_space<vmem>>) attributes {dimension_semantics = [#tpu.dimension_semantics<core_parallel>, #tpu.dimension_semantics<subcore_parallel>], iteration_bounds = array<i64: 2, 16>, scalar_prefetch = 0 : i64, scratch_operands = 18 : i64, tpu.core_type = #tpu.core_type<sc_vector_subcore>, window_params = [{transform_indices = #map}, {transform_indices = #map1}, {transform_indices = #map}, {transform_indices = #map1}, {transform_indices = #map1}]} {
    %mul3A = arith.constant 2 : i32
    %mul3A_0 = arith.muli %arg1, %mul3A : i32
    %add3A = arith.addi %mul3A_0, %arg0 : i32
    %lt3A = arith.constant 20 : i32
    %lt3A_1 = arith.cmpi slt, %add3A, %lt3A : i32
    %convert_element_type3A = arith.extui %lt3A_1 : i1 to i32
    %cond3A = arith.constant 0 : i32
    %cond3A_2 = arith.cmpi ne, %convert_element_type3A, %cond3A : i32
    scf.if %cond3A_2 {
      %iota3A = tpu.iota {dimensions = array<i32: 0>} : vector<16xi32>
      %broadcast_in_dim3A = arith.constant 0.000000e+00 : f32
      %broadcast_in_dim3A_3 = vector.broadcast %broadcast_in_dim3A : f32 to vector<16xf32>
      %broadcast_in_dim3A_4 = arith.constant 0 : i32
      %broadcast_in_dim3A_5 = vector.broadcast %broadcast_in_dim3A_4 : i32 to vector<16xi32>
      %broadcast_in_dim3A_6 = arith.constant 1 : i32
      %broadcast_in_dim3A_7 = vector.broadcast %broadcast_in_dim3A_6 : i32 to vector<16xi32>
      %run_scoped3A = arith.constant 0 : i32
      "tpu.region"() ({
        %run_scoped3A_357 = tpu.sem_alloc : memref<!tpu.dma_semaphore, #tpu.memory_space<semaphore_mem>>
        %dma_start3A = arith.constant 0 : i32
        %dma_start3A_358 = tpu.memref_slice %arg2[%add3A, %run_scoped3A, %dma_start3A] : memref<20x4x5120xf32, #tpu.memory_space<hbm>> -> memref<1x1x5120xf32, #tpu.memory_space<hbm>>
        %dma_start3A_359 = tpu.memref_squeeze %dma_start3A_358 : memref<1x1x5120xf32, #tpu.memory_space<hbm>> -> memref<5120xf32, #tpu.memory_space<hbm>>
        %dma_start3A_360 = arith.constant 0 : i32
        %dma_start3A_361 = tpu.memref_slice %arg2[%add3A, %run_scoped3A, %dma_start3A_360] : memref<20x4x5120xf32, #tpu.memory_space<hbm>> -> memref<1x1x5120xf32, #tpu.memory_space<hbm>>
        %dma_start3A_362 = tpu.memref_squeeze %dma_start3A_361 : memref<1x1x5120xf32, #tpu.memory_space<hbm>> -> memref<5120xf32, #tpu.memory_space<hbm>>
        tpu.enqueue_dma source(%dma_start3A_362 : memref<5120xf32, #tpu.memory_space<hbm>>) target(%arg7 : memref<5120xf32, #tpu.memory_space<vmem>>) target_semaphore(%run_scoped3A_357 : memref<!tpu.dma_semaphore, #tpu.memory_space<semaphore_mem>>)
        %dma_wait3A = arith.constant 0 : i32
        %dma_wait3A_363 = tpu.memref_slice %arg2[%add3A, %run_scoped3A, %dma_wait3A] : memref<20x4x5120xf32, #tpu.memory_space<hbm>> -> memref<1x1x5120xf32, #tpu.memory_space<hbm>>
        %dma_wait3A_364 = tpu.memref_squeeze %dma_wait3A_363 : memref<1x1x5120xf32, #tpu.memory_space<hbm>> -> memref<5120xf32, #tpu.memory_space<hbm>>
        %dma_wait3A_365 = arith.constant 0 : i32
        %dma_wait3A_366 = tpu.memref_slice %arg2[%add3A, %run_scoped3A, %dma_wait3A_365] : memref<20x4x5120xf32, #tpu.memory_space<hbm>> -> memref<1x1x5120xf32, #tpu.memory_space<hbm>>
        %dma_wait3A_367 = tpu.memref_squeeze %dma_wait3A_366 : memref<1x1x5120xf32, #tpu.memory_space<hbm>> -> memref<5120xf32, #tpu.memory_space<hbm>>
        tpu.wait_dma2 semaphore(%run_scoped3A_357 : memref<!tpu.dma_semaphore, #tpu.memory_space<semaphore_mem>>) src(%dma_wait3A_367 : memref<5120xf32, #tpu.memory_space<hbm>>) dst(%arg7 : memref<5120xf32, #tpu.memory_space<vmem>>)
        tpu.yield
      }) : () -> ()
      %run_scoped3A_8 = arith.constant 1 : i32
      "tpu.region"() ({
        %run_scoped3A_357 = tpu.sem_alloc : memref<!tpu.dma_semaphore, #tpu.memory_space<semaphore_mem>>
        %dma_start3A = arith.constant 0 : i32
        %dma_start3A_358 = tpu.memref_slice %arg2[%add3A, %run_scoped3A_8, %dma_start3A] : memref<20x4x5120xf32, #tpu.memory_space<hbm>> -> memref<1x1x5120xf32, #tpu.memory_space<hbm>>
        %dma_start3A_359 = tpu.memref_squeeze %dma_start3A_358 : memref<1x1x5120xf32, #tpu.memory_space<hbm>> -> memref<5120xf32, #tpu.memory_space<hbm>>
        %dma_start3A_360 = arith.constant 0 : i32
        %dma_start3A_361 = tpu.memref_slice %arg2[%add3A, %run_scoped3A_8, %dma_start3A_360] : memref<20x4x5120xf32, #tpu.memory_space<hbm>> -> memref<1x1x5120xf32, #tpu.memory_space<hbm>>
        %dma_start3A_362 = tpu.memref_squeeze %dma_start3A_361 : memref<1x1x5120xf32, #tpu.memory_space<hbm>> -> memref<5120xf32, #tpu.memory_space<hbm>>
        tpu.enqueue_dma source(%dma_start3A_362 : memref<5120xf32, #tpu.memory_space<hbm>>) target(%arg8 : memref<5120xf32, #tpu.memory_space<vmem>>) target_semaphore(%run_scoped3A_357 : memref<!tpu.dma_semaphore, #tpu.memory_space<semaphore_mem>>)
        %dma_wait3A = arith.constant 0 : i32
        %dma_wait3A_363 = tpu.memref_slice %arg2[%add3A, %run_scoped3A_8, %dma_wait3A] : memref<20x4x5120xf32, #tpu.memory_space<hbm>> -> memref<1x1x5120xf32, #tpu.memory_space<hbm>>
        %dma_wait3A_364 = tpu.memref_squeeze %dma_wait3A_363 : memref<1x1x5120xf32, #tpu.memory_space<hbm>> -> memref<5120xf32, #tpu.memory_space<hbm>>
        %dma_wait3A_365 = arith.constant 0 : i32
        %dma_wait3A_366 = tpu.memref_slice %arg2[%add3A, %run_scoped3A_8, %dma_wait3A_365] : memref<20x4x5120xf32, #tpu.memory_space<hbm>> -> memref<1x1x5120xf32, #tpu.memory_space<hbm>>
        %dma_wait3A_367 = tpu.memref_squeeze %dma_wait3A_366 : memref<1x1x5120xf32, #tpu.memory_space<hbm>> -> memref<5120xf32, #tpu.memory_space<hbm>>
        tpu.wait_dma2 semaphore(%run_scoped3A_357 : memref<!tpu.dma_semaphore, #tpu.memory_space<semaphore_mem>>) src(%dma_wait3A_367 : memref<5120xf32, #tpu.memory_space<hbm>>) dst(%arg8 : memref<5120xf32, #tpu.memory_space<vmem>>)
        tpu.yield
      }) : () -> ()
      %run_scoped3A_9 = arith.constant 2 : i32
      "tpu.region"() ({
        %run_scoped3A_357 = tpu.sem_alloc : memref<!tpu.dma_semaphore, #tpu.memory_space<semaphore_mem>>
        %dma_start3A = arith.constant 0 : i32
        %dma_start3A_358 = tpu.memref_slice %arg2[%add3A, %run_scoped3A_9, %dma_start3A] : memref<20x4x5120xf32, #tpu.memory_space<hbm>> -> memref<1x1x5120xf32, #tpu.memory_space<hbm>>
        %dma_start3A_359 = tpu.memref_squeeze %dma_start3A_358 : memref<1x1x5120xf32, #tpu.memory_space<hbm>> -> memref<5120xf32, #tpu.memory_space<hbm>>
        %dma_start3A_360 = arith.constant 0 : i32
        %dma_start3A_361 = tpu.memref_slice %arg2[%add3A, %run_scoped3A_9, %dma_start3A_360] : memref<20x4x5120xf32, #tpu.memory_space<hbm>> -> memref<1x1x5120xf32, #tpu.memory_space<hbm>>
        %dma_start3A_362 = tpu.memref_squeeze %dma_start3A_361 : memref<1x1x5120xf32, #tpu.memory_space<hbm>> -> memref<5120xf32, #tpu.memory_space<hbm>>
        tpu.enqueue_dma source(%dma_start3A_362 : memref<5120xf32, #tpu.memory_space<hbm>>) target(%arg9 : memref<5120xf32, #tpu.memory_space<vmem>>) target_semaphore(%run_scoped3A_357 : memref<!tpu.dma_semaphore, #tpu.memory_space<semaphore_mem>>)
        %dma_wait3A = arith.constant 0 : i32
        %dma_wait3A_363 = tpu.memref_slice %arg2[%add3A, %run_scoped3A_9, %dma_wait3A] : memref<20x4x5120xf32, #tpu.memory_space<hbm>> -> memref<1x1x5120xf32, #tpu.memory_space<hbm>>
        %dma_wait3A_364 = tpu.memref_squeeze %dma_wait3A_363 : memref<1x1x5120xf32, #tpu.memory_space<hbm>> -> memref<5120xf32, #tpu.memory_space<hbm>>
        %dma_wait3A_365 = arith.constant 0 : i32
        %dma_wait3A_366 = tpu.memref_slice %arg2[%add3A, %run_scoped3A_9, %dma_wait3A_365] : memref<20x4x5120xf32, #tpu.memory_space<hbm>> -> memref<1x1x5120xf32, #tpu.memory_space<hbm>>
        %dma_wait3A_367 = tpu.memref_squeeze %dma_wait3A_366 : memref<1x1x5120xf32, #tpu.memory_space<hbm>> -> memref<5120xf32, #tpu.memory_space<hbm>>
        tpu.wait_dma2 semaphore(%run_scoped3A_357 : memref<!tpu.dma_semaphore, #tpu.memory_space<semaphore_mem>>) src(%dma_wait3A_367 : memref<5120xf32, #tpu.memory_space<hbm>>) dst(%arg9 : memref<5120xf32, #tpu.memory_space<vmem>>)
        tpu.yield
      }) : () -> ()
      %run_scoped3A_10 = arith.constant 3 : i32
      "tpu.region"() ({
        %run_scoped3A_357 = tpu.sem_alloc : memref<!tpu.dma_semaphore, #tpu.memory_space<semaphore_mem>>
        %dma_start3A = arith.constant 0 : i32
        %dma_start3A_358 = tpu.memref_slice %arg2[%add3A, %run_scoped3A_10, %dma_start3A] : memref<20x4x5120xf32, #tpu.memory_space<hbm>> -> memref<1x1x5120xf32, #tpu.memory_space<hbm>>
        %dma_start3A_359 = tpu.memref_squeeze %dma_start3A_358 : memref<1x1x5120xf32, #tpu.memory_space<hbm>> -> memref<5120xf32, #tpu.memory_space<hbm>>
        %dma_start3A_360 = arith.constant 0 : i32
        %dma_start3A_361 = tpu.memref_slice %arg2[%add3A, %run_scoped3A_10, %dma_start3A_360] : memref<20x4x5120xf32, #tpu.memory_space<hbm>> -> memref<1x1x5120xf32, #tpu.memory_space<hbm>>
        %dma_start3A_362 = tpu.memref_squeeze %dma_start3A_361 : memref<1x1x5120xf32, #tpu.memory_space<hbm>> -> memref<5120xf32, #tpu.memory_space<hbm>>
        tpu.enqueue_dma source(%dma_start3A_362 : memref<5120xf32, #tpu.memory_space<hbm>>) target(%arg10 : memref<5120xf32, #tpu.memory_space<vmem>>) target_semaphore(%run_scoped3A_357 : memref<!tpu.dma_semaphore, #tpu.memory_space<semaphore_mem>>)
        %dma_wait3A = arith.constant 0 : i32
        %dma_wait3A_363 = tpu.memref_slice %arg2[%add3A, %run_scoped3A_10, %dma_wait3A] : memref<20x4x5120xf32, #tpu.memory_space<hbm>> -> memref<1x1x5120xf32, #tpu.memory_space<hbm>>
        %dma_wait3A_364 = tpu.memref_squeeze %dma_wait3A_363 : memref<1x1x5120xf32, #tpu.memory_space<hbm>> -> memref<5120xf32, #tpu.memory_space<hbm>>
        %dma_wait3A_365 = arith.constant 0 : i32
        %dma_wait3A_366 = tpu.memref_slice %arg2[%add3A, %run_scoped3A_10, %dma_wait3A_365] : memref<20x4x5120xf32, #tpu.memory_space<hbm>> -> memref<1x1x5120xf32, #tpu.memory_space<hbm>>
        %dma_wait3A_367 = tpu.memref_squeeze %dma_wait3A_366 : memref<1x1x5120xf32, #tpu.memory_space<hbm>> -> memref<5120xf32, #tpu.memory_space<hbm>>
        tpu.wait_dma2 semaphore(%run_scoped3A_357 : memref<!tpu.dma_semaphore, #tpu.memory_space<semaphore_mem>>) src(%dma_wait3A_367 : memref<5120xf32, #tpu.memory_space<hbm>>) dst(%arg10 : memref<5120xf32, #tpu.memory_space<vmem>>)
        tpu.yield
      }) : () -> ()
      "tpu.region"() ({
        %run_scoped3A_357 = tpu.sem_alloc : memref<!tpu.dma_semaphore, #tpu.memory_space<semaphore_mem>>
        %dma_start3A = arith.constant 0 : i32
        %dma_start3A_358 = tpu.memref_slice %arg3[%add3A, %dma_start3A] : memref<20x5120xf32, #tpu.memory_space<hbm>> -> memref<1x5120xf32, #tpu.memory_space<hbm>>
        %dma_start3A_359 = tpu.memref_squeeze %dma_start3A_358 : memref<1x5120xf32, #tpu.memory_space<hbm>> -> memref<5120xf32, #tpu.memory_space<hbm>>
        %dma_start3A_360 = arith.constant 0 : i32
        %dma_start3A_361 = tpu.memref_slice %arg3[%add3A, %dma_start3A_360] : memref<20x5120xf32, #tpu.memory_space<hbm>> -> memref<1x5120xf32, #tpu.memory_space<hbm>>
        %dma_start3A_362 = tpu.memref_squeeze %dma_start3A_361 : memref<1x5120xf32, #tpu.memory_space<hbm>> -> memref<5120xf32, #tpu.memory_space<hbm>>
        tpu.enqueue_dma source(%dma_start3A_362 : memref<5120xf32, #tpu.memory_space<hbm>>) target(%arg11 : memref<5120xf32, #tpu.memory_space<vmem>>) target_semaphore(%run_scoped3A_357 : memref<!tpu.dma_semaphore, #tpu.memory_space<semaphore_mem>>)
        %dma_wait3A = arith.constant 0 : i32
        %dma_wait3A_363 = tpu.memref_slice %arg3[%add3A, %dma_wait3A] : memref<20x5120xf32, #tpu.memory_space<hbm>> -> memref<1x5120xf32, #tpu.memory_space<hbm>>
        %dma_wait3A_364 = tpu.memref_squeeze %dma_wait3A_363 : memref<1x5120xf32, #tpu.memory_space<hbm>> -> memref<5120xf32, #tpu.memory_space<hbm>>
        %dma_wait3A_365 = arith.constant 0 : i32
        %dma_wait3A_366 = tpu.memref_slice %arg3[%add3A, %dma_wait3A_365] : memref<20x5120xf32, #tpu.memory_space<hbm>> -> memref<1x5120xf32, #tpu.memory_space<hbm>>
        %dma_wait3A_367 = tpu.memref_squeeze %dma_wait3A_366 : memref<1x5120xf32, #tpu.memory_space<hbm>> -> memref<5120xf32, #tpu.memory_space<hbm>>
        tpu.wait_dma2 semaphore(%run_scoped3A_357 : memref<!tpu.dma_semaphore, #tpu.memory_space<semaphore_mem>>) src(%dma_wait3A_367 : memref<5120xf32, #tpu.memory_space<hbm>>) dst(%arg11 : memref<5120xf32, #tpu.memory_space<vmem>>)
        tpu.yield
      }) : () -> ()
      %scan3A = arith.constant 0 : i32
      %scan3A_11 = arith.constant 0 : i32
      %scan3A_12 = arith.constant 320 : i32
      %scan3A_13 = arith.addi %scan3A_11, %scan3A_12 : i32
      %scan3A_14 = arith.constant 1 : i32
      %scan3A_15 = scf.for %scan3A_357 = %scan3A_11 to %scan3A_13 step %scan3A_14 iter_args(%scan3A_358 = %scan3A) -> (i32)  : i32 {
        %mul3A_359 = arith.constant 16 : i32
        %mul3A_360 = arith.muli %scan3A_357, %mul3A_359 : i32
        %get3A = arith.index_cast %mul3A_360 : i32 to index
        %get3A_361 = tpu.vector_load %arg11[%get3A] {strides = array<i32>} : memref<5120xf32, #tpu.memory_space<vmem>>, vector<16xf32>,
        %gt3A = arith.constant 5.000000e-02 : f32
        %gt3A_362 = vector.broadcast %gt3A : f32 to vector<16xf32>
        %gt3A_363 = arith.cmpf ogt, %get3A_361, %gt3A_362 : vector<16xf32>
        %bitcast3A = vector.bitcast %get3A_361 : vector<16xf32> to vector<16xi32>
        %not3A = arith.constant dense<-1> : vector<16xi32>
        %not3A_364 = arith.xori %bitcast3A, %not3A : vector<16xi32>
        %swap3A_365 = arith.index_cast %scan3A_358 : i32 to index
        %swap3A_366 = tpu.vector_load %arg12[%swap3A_365] masked %gt3A_363 {strides = array<i32>} : memref<5136xi32, #tpu.memory_space<vmem>>, vector<16xi32>, vector<16xi1>
        tpu.vector_store %arg12[%swap3A_365], %not3A_364 masked %gt3A_363 {strides = array<i32>} : memref<5136xi32, #tpu.memory_space<vmem>>, vector<16xi32>, vector<16xi1>
        %add3A_367 = vector.broadcast %mul3A_360 : i32 to vector<16xi32>
        %add3A_368 = arith.addi %add3A_367, %iota3A : vector<16xi32>
        %swap3A_369 = arith.index_cast %scan3A_358 : i32 to index
        %swap3A_370 = tpu.vector_load %arg13[%swap3A_369] masked %gt3A_363 {strides = array<i32>} : memref<5136xi32, #tpu.memory_space<vmem>>, vector<16xi32>, vector<16xi1>
        tpu.vector_store %arg13[%swap3A_369], %add3A_368 masked %gt3A_363 {strides = array<i32>} : memref<5136xi32, #tpu.memory_space<vmem>>, vector<16xi32>, vector<16xi1>
        %jit3A_371 = arith.constant 1 : i32
        %jit3A_372 = arith.constant 0 : i32
        %broadcast_in_dim3A_373 = vector.broadcast %jit3A_371 : i32 to vector<16xi32>
        %broadcast_in_dim3A_374 = vector.broadcast %jit3A_372 : i32 to vector<16xi32>
        %select_n3A_375 = arith.select %gt3A_363, %broadcast_in_dim3A_373, %broadcast_in_dim3A_374 : vector<16xi1>, vector<16xi32>
        %slice3A = vector.extract_strided_slice %select_n3A_375 {offsets = [0], sizes = [1], strides = [1]} : vector<16xi32> to vector<1xi32>
        %squeeze3A = vector.extract %slice3A[0] : i32 from vector<1xi32>
        %add3A_376 = arith.constant 0 : i32
        %add3A_377 = arith.addi %add3A_376, %squeeze3A : i32
        %slice3A_378 = vector.extract_strided_slice %select_n3A_375 {offsets = [1], sizes = [1], strides = [1]} : vector<16xi32> to vector<1xi32>
        %squeeze3A_379 = vector.extract %slice3A_378[0] : i32 from vector<1xi32>
        %add3A_380 = arith.addi %add3A_377, %squeeze3A_379 : i32
        %slice3A_381 = vector.extract_strided_slice %select_n3A_375 {offsets = [2], sizes = [1], strides = [1]} : vector<16xi32> to vector<1xi32>
        %squeeze3A_382 = vector.extract %slice3A_381[0] : i32 from vector<1xi32>
        %add3A_383 = arith.addi %add3A_380, %squeeze3A_382 : i32
        %slice3A_384 = vector.extract_strided_slice %select_n3A_375 {offsets = [3], sizes = [1], strides = [1]} : vector<16xi32> to vector<1xi32>
        %squeeze3A_385 = vector.extract %slice3A_384[0] : i32 from vector<1xi32>
        %add3A_386 = arith.addi %add3A_383, %squeeze3A_385 : i32
        %slice3A_387 = vector.extract_strided_slice %select_n3A_375 {offsets = [4], sizes = [1], strides = [1]} : vector<16xi32> to vector<1xi32>
        %squeeze3A_388 = vector.extract %slice3A_387[0] : i32 from vector<1xi32>
        %add3A_389 = arith.addi %add3A_386, %squeeze3A_388 : i32
        %slice3A_390 = vector.extract_strided_slice %select_n3A_375 {offsets = [5], sizes = [1], strides = [1]} : vector<16xi32> to vector<1xi32>
        %squeeze3A_391 = vector.extract %slice3A_390[0] : i32 from vector<1xi32>
        %add3A_392 = arith.addi %add3A_389, %squeeze3A_391 : i32
        %slice3A_393 = vector.extract_strided_slice %select_n3A_375 {offsets = [6], sizes = [1], strides = [1]} : vector<16xi32> to vector<1xi32>
        %squeeze3A_394 = vector.extract %slice3A_393[0] : i32 from vector<1xi32>
        %add3A_395 = arith.addi %add3A_392, %squeeze3A_394 : i32
        %slice3A_396 = vector.extract_strided_slice %select_n3A_375 {offsets = [7], sizes = [1], strides = [1]} : vector<16xi32> to vector<1xi32>
        %squeeze3A_397 = vector.extract %slice3A_396[0] : i32 from vector<1xi32>
        %add3A_398 = arith.addi %add3A_395, %squeeze3A_397 : i32
        %slice3A_399 = vector.extract_strided_slice %select_n3A_375 {offsets = [8], sizes = [1], strides = [1]} : vector<16xi32> to vector<1xi32>
        %squeeze3A_400 = vector.extract %slice3A_399[0] : i32 from vector<1xi32>
        %add3A_401 = arith.addi %add3A_398, %squeeze3A_400 : i32
        %slice3A_402 = vector.extract_strided_slice %select_n3A_375 {offsets = [9], sizes = [1], strides = [1]} : vector<16xi32> to vector<1xi32>
        %squeeze3A_403 = vector.extract %slice3A_402[0] : i32 from vector<1xi32>
        %add3A_404 = arith.addi %add3A_401, %squeeze3A_403 : i32
        %slice3A_405 = vector.extract_strided_slice %select_n3A_375 {offsets = [10], sizes = [1], strides = [1]} : vector<16xi32> to vector<1xi32>
        %squeeze3A_406 = vector.extract %slice3A_405[0] : i32 from vector<1xi32>
        %add3A_407 = arith.addi %add3A_404, %squeeze3A_406 : i32
        %slice3A_408 = vector.extract_strided_slice %select_n3A_375 {offsets = [11], sizes = [1], strides = [1]} : vector<16xi32> to vector<1xi32>
        %squeeze3A_409 = vector.extract %slice3A_408[0] : i32 from vector<1xi32>
        %add3A_410 = arith.addi %add3A_407, %squeeze3A_409 : i32
        %slice3A_411 = vector.extract_strided_slice %select_n3A_375 {offsets = [12], sizes = [1], strides = [1]} : vector<16xi32> to vector<1xi32>
        %squeeze3A_412 = vector.extract %slice3A_411[0] : i32 from vector<1xi32>
        %add3A_413 = arith.addi %add3A_410, %squeeze3A_412 : i32
        %slice3A_414 = vector.extract_strided_slice %select_n3A_375 {offsets = [13], sizes = [1], strides = [1]} : vector<16xi32> to vector<1xi32>
        %squeeze3A_415 = vector.extract %slice3A_414[0] : i32 from vector<1xi32>
        %add3A_416 = arith.addi %add3A_413, %squeeze3A_415 : i32
        %slice3A_417 = vector.extract_strided_slice %select_n3A_375 {offsets = [14], sizes = [1], strides = [1]} : vector<16xi32> to vector<1xi32>
        %squeeze3A_418 = vector.extract %slice3A_417[0] : i32 from vector<1xi32>
        %add3A_419 = arith.addi %add3A_416, %squeeze3A_418 : i32
        %slice3A_420 = vector.extract_strided_slice %select_n3A_375 {offsets = [15], sizes = [1], strides = [1]} : vector<16xi32> to vector<1xi32>
        %squeeze3A_421 = vector.extract %slice3A_420[0] : i32 from vector<1xi32>
        %add3A_422 = arith.addi %add3A_419, %squeeze3A_421 : i32
        %add3A_423 = arith.addi %scan3A_358, %add3A_422 : i32
        scf.yield %add3A_423 : i32
      }
      %scan3A_16 = arith.constant 320 : i32
      %add3A_17 = arith.constant 15 : i32
      %add3A_18 = arith.addi %scan3A_15, %add3A_17 : i32
      %jit3A = arith.constant 16 : i32
      %div3A = arith.divsi %add3A_18, %jit3A : i32
      %sign3A = arith.constant 0 : i32
      %sign3A_19 = arith.cmpi sgt, %add3A_18, %sign3A : i32
      %sign3A_20 = arith.extui %sign3A_19 : i1 to i32
      %sign3A_21 = arith.constant 0 : i32
      %sign3A_22 = arith.cmpi slt, %add3A_18, %sign3A_21 : i32
      %sign3A_23 = arith.extui %sign3A_22 : i1 to i32
      %sign3A_24 = arith.subi %sign3A_20, %sign3A_23 : i32
      %sign3A_25 = arith.constant 0 : i32
      %sign3A_26 = arith.cmpi sgt, %jit3A, %sign3A_25 : i32
      %sign3A_27 = arith.extui %sign3A_26 : i1 to i32
      %sign3A_28 = arith.constant 0 : i32
      %sign3A_29 = arith.cmpi slt, %jit3A, %sign3A_28 : i32
      %sign3A_30 = arith.extui %sign3A_29 : i1 to i32
      %sign3A_31 = arith.subi %sign3A_27, %sign3A_30 : i32
      %ne3A = arith.cmpi ne, %sign3A_24, %sign3A_31 : i32
      %rem3A = arith.remsi %add3A_18, %jit3A : i32
      %ne3A_32 = arith.constant 0 : i32
      %ne3A_33 = arith.cmpi ne, %rem3A, %ne3A_32 : i32
      %and3A = arith.andi %ne3A, %ne3A_33 : i1
      %sub3A = arith.constant 1 : i32
      %sub3A_34 = arith.subi %div3A, %sub3A : i32
      %select_n3A = arith.select %and3A, %sub3A_34, %div3A : i32
      %broadcast_in_dim3A_35 = arith.constant -1 : i32
      %broadcast_in_dim3A_36 = vector.broadcast %broadcast_in_dim3A_35 : i32 to vector<16xi32>
      %swap3A = arith.index_cast %scan3A_15 : i32 to index
      %swap3A_37 = tpu.vector_load %arg12[%swap3A] {strides = array<i32>} : memref<5136xi32, #tpu.memory_space<vmem>>, vector<16xi32>,
      tpu.vector_store %arg12[%swap3A], %broadcast_in_dim3A_36 {strides = array<i32>} : memref<5136xi32, #tpu.memory_space<vmem>>, vector<16xi32>,
      %swap3A_38 = arith.index_cast %scan3A_15 : i32 to index
      %swap3A_39 = tpu.vector_load %arg13[%swap3A_38] {strides = array<i32>} : memref<5136xi32, #tpu.memory_space<vmem>>, vector<16xi32>,
      tpu.vector_store %arg13[%swap3A_38], %broadcast_in_dim3A_5 {strides = array<i32>} : memref<5136xi32, #tpu.memory_space<vmem>>, vector<16xi32>,
      %swap3A_40 = arith.constant 0 : index
      %swap3A_41 = tpu.vector_load %arg16[%swap3A_40] {strides = array<i32>} : memref<256xi32, #tpu.memory_space<vmem>>, vector<16xi32>,
      tpu.vector_store %arg16[%swap3A_40], %broadcast_in_dim3A_5 {strides = array<i32>} : memref<256xi32, #tpu.memory_space<vmem>>, vector<16xi32>,
      %swap3A_42 = arith.constant 16 : index
      %swap3A_43 = tpu.vector_load %arg16[%swap3A_42] {strides = array<i32>} : memref<256xi32, #tpu.memory_space<vmem>>, vector<16xi32>,
      tpu.vector_store %arg16[%swap3A_42], %broadcast_in_dim3A_5 {strides = array<i32>} : memref<256xi32, #tpu.memory_space<vmem>>, vector<16xi32>,
      %swap3A_44 = arith.constant 32 : index
      %swap3A_45 = tpu.vector_load %arg16[%swap3A_44] {strides = array<i32>} : memref<256xi32, #tpu.memory_space<vmem>>, vector<16xi32>,
      tpu.vector_store %arg16[%swap3A_44], %broadcast_in_dim3A_5 {strides = array<i32>} : memref<256xi32, #tpu.memory_space<vmem>>, vector<16xi32>,
      %swap3A_46 = arith.constant 48 : index
      %swap3A_47 = tpu.vector_load %arg16[%swap3A_46] {strides = array<i32>} : memref<256xi32, #tpu.memory_space<vmem>>, vector<16xi32>,
      tpu.vector_store %arg16[%swap3A_46], %broadcast_in_dim3A_5 {strides = array<i32>} : memref<256xi32, #tpu.memory_space<vmem>>, vector<16xi32>,
      %swap3A_48 = arith.constant 64 : index
      %swap3A_49 = tpu.vector_load %arg16[%swap3A_48] {strides = array<i32>} : memref<256xi32, #tpu.memory_space<vmem>>, vector<16xi32>,
      tpu.vector_store %arg16[%swap3A_48], %broadcast_in_dim3A_5 {strides = array<i32>} : memref<256xi32, #tpu.memory_space<vmem>>, vector<16xi32>,
      %swap3A_50 = arith.constant 80 : index
      %swap3A_51 = tpu.vector_load %arg16[%swap3A_50] {strides = array<i32>} : memref<256xi32, #tpu.memory_space<vmem>>, vector<16xi32>,
      tpu.vector_store %arg16[%swap3A_50], %broadcast_in_dim3A_5 {strides = array<i32>} : memref<256xi32, #tpu.memory_space<vmem>>, vector<16xi32>,
      %swap3A_52 = arith.constant 96 : index
      %swap3A_53 = tpu.vector_load %arg16[%swap3A_52] {strides = array<i32>} : memref<256xi32, #tpu.memory_space<vmem>>, vector<16xi32>,
      tpu.vector_store %arg16[%swap3A_52], %broadcast_in_dim3A_5 {strides = array<i32>} : memref<256xi32, #tpu.memory_space<vmem>>, vector<16xi32>,
      %swap3A_54 = arith.constant 112 : index
      %swap3A_55 = tpu.vector_load %arg16[%swap3A_54] {strides = array<i32>} : memref<256xi32, #tpu.memory_space<vmem>>, vector<16xi32>,
      tpu.vector_store %arg16[%swap3A_54], %broadcast_in_dim3A_5 {strides = array<i32>} : memref<256xi32, #tpu.memory_space<vmem>>, vector<16xi32>,
      %swap3A_56 = arith.constant 128 : index
      %swap3A_57 = tpu.vector_load %arg16[%swap3A_56] {strides = array<i32>} : memref<256xi32, #tpu.memory_space<vmem>>, vector<16xi32>,
      tpu.vector_store %arg16[%swap3A_56], %broadcast_in_dim3A_5 {strides = array<i32>} : memref<256xi32, #tpu.memory_space<vmem>>, vector<16xi32>,
      %swap3A_58 = arith.constant 144 : index
      %swap3A_59 = tpu.vector_load %arg16[%swap3A_58] {strides = array<i32>} : memref<256xi32, #tpu.memory_space<vmem>>, vector<16xi32>,
      tpu.vector_store %arg16[%swap3A_58], %broadcast_in_dim3A_5 {strides = array<i32>} : memref<256xi32, #tpu.memory_space<vmem>>, vector<16xi32>,
      %swap3A_60 = arith.constant 160 : index
      %swap3A_61 = tpu.vector_load %arg16[%swap3A_60] {strides = array<i32>} : memref<256xi32, #tpu.memory_space<vmem>>, vector<16xi32>,
      tpu.vector_store %arg16[%swap3A_60], %broadcast_in_dim3A_5 {strides = array<i32>} : memref<256xi32, #tpu.memory_space<vmem>>, vector<16xi32>,
      %swap3A_62 = arith.constant 176 : index
      %swap3A_63 = tpu.vector_load %arg16[%swap3A_62] {strides = array<i32>} : memref<256xi32, #tpu.memory_space<vmem>>, vector<16xi32>,
      tpu.vector_store %arg16[%swap3A_62], %broadcast_in_dim3A_5 {strides = array<i32>} : memref<256xi32, #tpu.memory_space<vmem>>, vector<16xi32>,
      %swap3A_64 = arith.constant 192 : index
      %swap3A_65 = tpu.vector_load %arg16[%swap3A_64] {strides = array<i32>} : memref<256xi32, #tpu.memory_space<vmem>>, vector<16xi32>,
      tpu.vector_store %arg16[%swap3A_64], %broadcast_in_dim3A_5 {strides = array<i32>} : memref<256xi32, #tpu.memory_space<vmem>>, vector<16xi32>,
      %swap3A_66 = arith.constant 208 : index
      %swap3A_67 = tpu.vector_load %arg16[%swap3A_66] {strides = array<i32>} : memref<256xi32, #tpu.memory_space<vmem>>, vector<16xi32>,
      tpu.vector_store %arg16[%swap3A_66], %broadcast_in_dim3A_5 {strides = array<i32>} : memref<256xi32, #tpu.memory_space<vmem>>, vector<16xi32>,
      %swap3A_68 = arith.constant 224 : index
      %swap3A_69 = tpu.vector_load %arg16[%swap3A_68] {strides = array<i32>} : memref<256xi32, #tpu.memory_space<vmem>>, vector<16xi32>,
      tpu.vector_store %arg16[%swap3A_68], %broadcast_in_dim3A_5 {strides = array<i32>} : memref<256xi32, #tpu.memory_space<vmem>>, vector<16xi32>,
      %swap3A_70 = arith.constant 240 : index
      %swap3A_71 = tpu.vector_load %arg16[%swap3A_70] {strides = array<i32>} : memref<256xi32, #tpu.memory_space<vmem>>, vector<16xi32>,
      tpu.vector_store %arg16[%swap3A_70], %broadcast_in_dim3A_5 {strides = array<i32>} : memref<256xi32, #tpu.memory_space<vmem>>, vector<16xi32>,
      %while3A = arith.constant 0 : i32
      %while3A_72 = arith.constant 0 : i32
      %while3A_73 = arith.subi %select_n3A, %while3A : i32
      %while3A_74 = arith.addi %while3A, %while3A_73 : i32
      %while3A_75 = arith.constant 1 : i32
      %while3A_76 = arith.divsi %while3A_73, %while3A_75 : i32
      %while3A_77 = arith.muli %while3A_76, %while3A_75 : i32
      %while3A_78 = arith.addi %while3A, %while3A_77 : i32
      %while3A_79 = arith.constant 1 : i32
      %while3A_80 = scf.for %while3A_357 = %while3A to %while3A_78 step %while3A_79 iter_args(%while3A_358 = %while3A_72) -> (i32)  : i32 {
        %mul3A_359 = arith.constant 16 : i32
        %mul3A_360 = arith.muli %while3A_357, %mul3A_359 : i32
        %get3A = arith.index_cast %mul3A_360 : i32 to index
        %get3A_361 = tpu.vector_load %arg12[%get3A] {strides = array<i32>} : memref<5136xi32, #tpu.memory_space<vmem>>, vector<16xi32>,
        %shift_right_logical3A = arith.constant 0 : i32
        %shift_right_logical3A_362 = vector.broadcast %shift_right_logical3A : i32 to vector<16xi32>
        %shift_right_logical3A_363 = arith.shrui %get3A_361, %shift_right_logical3A_362 : vector<16xi32>
        %and3A_364 = arith.constant 255 : i32
        %and3A_365 = vector.broadcast %and3A_364 : i32 to vector<16xi32>
        %and3A_366 = arith.andi %shift_right_logical3A_363, %and3A_365 : vector<16xi32>
        tpu.vector_store_idx %arg16[%and3A_366], %broadcast_in_dim3A_7 {add = true} : memref<256xi32, #tpu.memory_space<vmem>>[vector<16xi32>], vector<16xi32>,
        %while3A_367 = arith.constant 0 : i32
        scf.yield %while3A_367 : i32
      }
      %while3A_81 = arith.constant 1 : i32
      %while3A_82 = scf.for %while3A_357 = %while3A_78 to %while3A_74 step %while3A_81 iter_args(%while3A_358 = %while3A_80) -> (i32)  : i32 {
        %mul3A_359 = arith.constant 16 : i32
        %mul3A_360 = arith.muli %while3A_357, %mul3A_359 : i32
        %get3A = arith.index_cast %mul3A_360 : i32 to index
        %get3A_361 = tpu.vector_load %arg12[%get3A] {strides = array<i32>} : memref<5136xi32, #tpu.memory_space<vmem>>, vector<16xi32>,
        %shift_right_logical3A = arith.constant 0 : i32
        %shift_right_logical3A_362 = vector.broadcast %shift_right_logical3A : i32 to vector<16xi32>
        %shift_right_logical3A_363 = arith.shrui %get3A_361, %shift_right_logical3A_362 : vector<16xi32>
        %and3A_364 = arith.constant 255 : i32
        %and3A_365 = vector.broadcast %and3A_364 : i32 to vector<16xi32>
        %and3A_366 = arith.andi %shift_right_logical3A_363, %and3A_365 : vector<16xi32>
        tpu.vector_store_idx %arg16[%and3A_366], %broadcast_in_dim3A_7 {add = true} : memref<256xi32, #tpu.memory_space<vmem>>[vector<16xi32>], vector<16xi32>,
        %while3A_367 = arith.constant 0 : i32
        scf.yield %while3A_367 : i32
      }
      %scan3A_83 = arith.constant 0 : i32
      %scan3A_84 = arith.constant 0 : i32
      %scan3A_85 = arith.constant 16 : i32
      %scan3A_86 = arith.addi %scan3A_84, %scan3A_85 : i32
      %scan3A_87 = arith.constant 1 : i32
      %scan3A_88 = scf.for %scan3A_357 = %scan3A_84 to %scan3A_86 step %scan3A_87 iter_args(%scan3A_358 = %scan3A_83) -> (i32)  : i32 {
        %mul3A_359 = arith.constant 16 : i32
        %mul3A_360 = arith.muli %scan3A_357, %mul3A_359 : i32
        %get3A = arith.index_cast %mul3A_360 : i32 to index
        %get3A_361 = tpu.vector_load %arg16[%get3A] {strides = array<i32>} : memref<256xi32, #tpu.memory_space<vmem>>, vector<16xi32>,
        %eq3A = arith.constant 0 : i32
        %eq3A_362 = vector.broadcast %eq3A : i32 to vector<16xi32>
        %eq3A_363 = arith.cmpi eq, %iota3A, %eq3A_362 : vector<16xi32>
        %broadcast_in_dim3A_364 = vector.broadcast %scan3A_358 : i32 to vector<16xi32>
        %select_n3A_365 = arith.select %eq3A_363, %broadcast_in_dim3A_364, %broadcast_in_dim3A_5 : vector<16xi1>, vector<16xi32>
        %slice3A = vector.extract_strided_slice %get3A_361 {offsets = [0], sizes = [1], strides = [1]} : vector<16xi32> to vector<1xi32>
        %squeeze3A = vector.extract %slice3A[0] : i32 from vector<1xi32>
        %add3A_366 = arith.addi %scan3A_358, %squeeze3A : i32
        %eq3A_367 = arith.constant 1 : i32
        %eq3A_368 = vector.broadcast %eq3A_367 : i32 to vector<16xi32>
        %eq3A_369 = arith.cmpi eq, %iota3A, %eq3A_368 : vector<16xi32>
        %broadcast_in_dim3A_370 = vector.broadcast %add3A_366 : i32 to vector<16xi32>
        %select_n3A_371 = arith.select %eq3A_369, %broadcast_in_dim3A_370, %select_n3A_365 : vector<16xi1>, vector<16xi32>
        %slice3A_372 = vector.extract_strided_slice %get3A_361 {offsets = [1], sizes = [1], strides = [1]} : vector<16xi32> to vector<1xi32>
        %squeeze3A_373 = vector.extract %slice3A_372[0] : i32 from vector<1xi32>
        %add3A_374 = arith.addi %add3A_366, %squeeze3A_373 : i32
        %eq3A_375 = arith.constant 2 : i32
        %eq3A_376 = vector.broadcast %eq3A_375 : i32 to vector<16xi32>
        %eq3A_377 = arith.cmpi eq, %iota3A, %eq3A_376 : vector<16xi32>
        %broadcast_in_dim3A_378 = vector.broadcast %add3A_374 : i32 to vector<16xi32>
        %select_n3A_379 = arith.select %eq3A_377, %broadcast_in_dim3A_378, %select_n3A_371 : vector<16xi1>, vector<16xi32>
        %slice3A_380 = vector.extract_strided_slice %get3A_361 {offsets = [2], sizes = [1], strides = [1]} : vector<16xi32> to vector<1xi32>
        %squeeze3A_381 = vector.extract %slice3A_380[0] : i32 from vector<1xi32>
        %add3A_382 = arith.addi %add3A_374, %squeeze3A_381 : i32
        %eq3A_383 = arith.constant 3 : i32
        %eq3A_384 = vector.broadcast %eq3A_383 : i32 to vector<16xi32>
        %eq3A_385 = arith.cmpi eq, %iota3A, %eq3A_384 : vector<16xi32>
        %broadcast_in_dim3A_386 = vector.broadcast %add3A_382 : i32 to vector<16xi32>
        %select_n3A_387 = arith.select %eq3A_385, %broadcast_in_dim3A_386, %select_n3A_379 : vector<16xi1>, vector<16xi32>
        %slice3A_388 = vector.extract_strided_slice %get3A_361 {offsets = [3], sizes = [1], strides = [1]} : vector<16xi32> to vector<1xi32>
        %squeeze3A_389 = vector.extract %slice3A_388[0] : i32 from vector<1xi32>
        %add3A_390 = arith.addi %add3A_382, %squeeze3A_389 : i32
        %eq3A_391 = arith.constant 4 : i32
        %eq3A_392 = vector.broadcast %eq3A_391 : i32 to vector<16xi32>
        %eq3A_393 = arith.cmpi eq, %iota3A, %eq3A_392 : vector<16xi32>
        %broadcast_in_dim3A_394 = vector.broadcast %add3A_390 : i32 to vector<16xi32>
        %select_n3A_395 = arith.select %eq3A_393, %broadcast_in_dim3A_394, %select_n3A_387 : vector<16xi1>, vector<16xi32>
        %slice3A_396 = vector.extract_strided_slice %get3A_361 {offsets = [4], sizes = [1], strides = [1]} : vector<16xi32> to vector<1xi32>
        %squeeze3A_397 = vector.extract %slice3A_396[0] : i32 from vector<1xi32>
        %add3A_398 = arith.addi %add3A_390, %squeeze3A_397 : i32
        %eq3A_399 = arith.constant 5 : i32
        %eq3A_400 = vector.broadcast %eq3A_399 : i32 to vector<16xi32>
        %eq3A_401 = arith.cmpi eq, %iota3A, %eq3A_400 : vector<16xi32>
        %broadcast_in_dim3A_402 = vector.broadcast %add3A_398 : i32 to vector<16xi32>
        %select_n3A_403 = arith.select %eq3A_401, %broadcast_in_dim3A_402, %select_n3A_395 : vector<16xi1>, vector<16xi32>
        %slice3A_404 = vector.extract_strided_slice %get3A_361 {offsets = [5], sizes = [1], strides = [1]} : vector<16xi32> to vector<1xi32>
        %squeeze3A_405 = vector.extract %slice3A_404[0] : i32 from vector<1xi32>
        %add3A_406 = arith.addi %add3A_398, %squeeze3A_405 : i32
        %eq3A_407 = arith.constant 6 : i32
        %eq3A_408 = vector.broadcast %eq3A_407 : i32 to vector<16xi32>
        %eq3A_409 = arith.cmpi eq, %iota3A, %eq3A_408 : vector<16xi32>
        %broadcast_in_dim3A_410 = vector.broadcast %add3A_406 : i32 to vector<16xi32>
        %select_n3A_411 = arith.select %eq3A_409, %broadcast_in_dim3A_410, %select_n3A_403 : vector<16xi1>, vector<16xi32>
        %slice3A_412 = vector.extract_strided_slice %get3A_361 {offsets = [6], sizes = [1], strides = [1]} : vector<16xi32> to vector<1xi32>
        %squeeze3A_413 = vector.extract %slice3A_412[0] : i32 from vector<1xi32>
        %add3A_414 = arith.addi %add3A_406, %squeeze3A_413 : i32
        %eq3A_415 = arith.constant 7 : i32
        %eq3A_416 = vector.broadcast %eq3A_415 : i32 to vector<16xi32>
        %eq3A_417 = arith.cmpi eq, %iota3A, %eq3A_416 : vector<16xi32>
        %broadcast_in_dim3A_418 = vector.broadcast %add3A_414 : i32 to vector<16xi32>
        %select_n3A_419 = arith.select %eq3A_417, %broadcast_in_dim3A_418, %select_n3A_411 : vector<16xi1>, vector<16xi32>
        %slice3A_420 = vector.extract_strided_slice %get3A_361 {offsets = [7], sizes = [1], strides = [1]} : vector<16xi32> to vector<1xi32>
        %squeeze3A_421 = vector.extract %slice3A_420[0] : i32 from vector<1xi32>
        %add3A_422 = arith.addi %add3A_414, %squeeze3A_421 : i32
        %eq3A_423 = arith.constant 8 : i32
        %eq3A_424 = vector.broadcast %eq3A_423 : i32 to vector<16xi32>
        %eq3A_425 = arith.cmpi eq, %iota3A, %eq3A_424 : vector<16xi32>
        %broadcast_in_dim3A_426 = vector.broadcast %add3A_422 : i32 to vector<16xi32>
        %select_n3A_427 = arith.select %eq3A_425, %broadcast_in_dim3A_426, %select_n3A_419 : vector<16xi1>, vector<16xi32>
        %slice3A_428 = vector.extract_strided_slice %get3A_361 {offsets = [8], sizes = [1], strides = [1]} : vector<16xi32> to vector<1xi32>
        %squeeze3A_429 = vector.extract %slice3A_428[0] : i32 from vector<1xi32>
        %add3A_430 = arith.addi %add3A_422, %squeeze3A_429 : i32
        %eq3A_431 = arith.constant 9 : i32
        %eq3A_432 = vector.broadcast %eq3A_431 : i32 to vector<16xi32>
        %eq3A_433 = arith.cmpi eq, %iota3A, %eq3A_432 : vector<16xi32>
        %broadcast_in_dim3A_434 = vector.broadcast %add3A_430 : i32 to vector<16xi32>
        %select_n3A_435 = arith.select %eq3A_433, %broadcast_in_dim3A_434, %select_n3A_427 : vector<16xi1>, vector<16xi32>
        %slice3A_436 = vector.extract_strided_slice %get3A_361 {offsets = [9], sizes = [1], strides = [1]} : vector<16xi32> to vector<1xi32>
        %squeeze3A_437 = vector.extract %slice3A_436[0] : i32 from vector<1xi32>
        %add3A_438 = arith.addi %add3A_430, %squeeze3A_437 : i32
        %eq3A_439 = arith.constant 10 : i32
        %eq3A_440 = vector.broadcast %eq3A_439 : i32 to vector<16xi32>
        %eq3A_441 = arith.cmpi eq, %iota3A, %eq3A_440 : vector<16xi32>
        %broadcast_in_dim3A_442 = vector.broadcast %add3A_438 : i32 to vector<16xi32>
        %select_n3A_443 = arith.select %eq3A_441, %broadcast_in_dim3A_442, %select_n3A_435 : vector<16xi1>, vector<16xi32>
        %slice3A_444 = vector.extract_strided_slice %get3A_361 {offsets = [10], sizes = [1], strides = [1]} : vector<16xi32> to vector<1xi32>
        %squeeze3A_445 = vector.extract %slice3A_444[0] : i32 from vector<1xi32>
        %add3A_446 = arith.addi %add3A_438, %squeeze3A_445 : i32
        %eq3A_447 = arith.constant 11 : i32
        %eq3A_448 = vector.broadcast %eq3A_447 : i32 to vector<16xi32>
        %eq3A_449 = arith.cmpi eq, %iota3A, %eq3A_448 : vector<16xi32>
        %broadcast_in_dim3A_450 = vector.broadcast %add3A_446 : i32 to vector<16xi32>
        %select_n3A_451 = arith.select %eq3A_449, %broadcast_in_dim3A_450, %select_n3A_443 : vector<16xi1>, vector<16xi32>
        %slice3A_452 = vector.extract_strided_slice %get3A_361 {offsets = [11], sizes = [1], strides = [1]} : vector<16xi32> to vector<1xi32>
        %squeeze3A_453 = vector.extract %slice3A_452[0] : i32 from vector<1xi32>
        %add3A_454 = arith.addi %add3A_446, %squeeze3A_453 : i32
        %eq3A_455 = arith.constant 12 : i32
        %eq3A_456 = vector.broadcast %eq3A_455 : i32 to vector<16xi32>
        %eq3A_457 = arith.cmpi eq, %iota3A, %eq3A_456 : vector<16xi32>
        %broadcast_in_dim3A_458 = vector.broadcast %add3A_454 : i32 to vector<16xi32>
        %select_n3A_459 = arith.select %eq3A_457, %broadcast_in_dim3A_458, %select_n3A_451 : vector<16xi1>, vector<16xi32>
        %slice3A_460 = vector.extract_strided_slice %get3A_361 {offsets = [12], sizes = [1], strides = [1]} : vector<16xi32> to vector<1xi32>
        %squeeze3A_461 = vector.extract %slice3A_460[0] : i32 from vector<1xi32>
        %add3A_462 = arith.addi %add3A_454, %squeeze3A_461 : i32
        %eq3A_463 = arith.constant 13 : i32
        %eq3A_464 = vector.broadcast %eq3A_463 : i32 to vector<16xi32>
        %eq3A_465 = arith.cmpi eq, %iota3A, %eq3A_464 : vector<16xi32>
        %broadcast_in_dim3A_466 = vector.broadcast %add3A_462 : i32 to vector<16xi32>
        %select_n3A_467 = arith.select %eq3A_465, %broadcast_in_dim3A_466, %select_n3A_459 : vector<16xi1>, vector<16xi32>
        %slice3A_468 = vector.extract_strided_slice %get3A_361 {offsets = [13], sizes = [1], strides = [1]} : vector<16xi32> to vector<1xi32>
        %squeeze3A_469 = vector.extract %slice3A_468[0] : i32 from vector<1xi32>
        %add3A_470 = arith.addi %add3A_462, %squeeze3A_469 : i32
        %eq3A_471 = arith.constant 14 : i32
        %eq3A_472 = vector.broadcast %eq3A_471 : i32 to vector<16xi32>
        %eq3A_473 = arith.cmpi eq, %iota3A, %eq3A_472 : vector<16xi32>
        %broadcast_in_dim3A_474 = vector.broadcast %add3A_470 : i32 to vector<16xi32>
        %select_n3A_475 = arith.select %eq3A_473, %broadcast_in_dim3A_474, %select_n3A_467 : vector<16xi1>, vector<16xi32>
        %slice3A_476 = vector.extract_strided_slice %get3A_361 {offsets = [14], sizes = [1], strides = [1]} : vector<16xi32> to vector<1xi32>
        %squeeze3A_477 = vector.extract %slice3A_476[0] : i32 from vector<1xi32>
        %add3A_478 = arith.addi %add3A_470, %squeeze3A_477 : i32
        %eq3A_479 = arith.constant 15 : i32
        %eq3A_480 = vector.broadcast %eq3A_479 : i32 to vector<16xi32>
        %eq3A_481 = arith.cmpi eq, %iota3A, %eq3A_480 : vector<16xi32>
        %broadcast_in_dim3A_482 = vector.broadcast %add3A_478 : i32 to vector<16xi32>
        %select_n3A_483 = arith.select %eq3A_481, %broadcast_in_dim3A_482, %select_n3A_475 : vector<16xi1>, vector<16xi32>
        %slice3A_484 = vector.extract_strided_slice %get3A_361 {offsets = [15], sizes = [1], strides = [1]} : vector<16xi32> to vector<1xi32>
        %squeeze3A_485 = vector.extract %slice3A_484[0] : i32 from vector<1xi32>
        %add3A_486 = arith.addi %add3A_478, %squeeze3A_485 : i32
        %mul3A_487 = arith.constant 16 : i32
        %mul3A_488 = arith.muli %scan3A_357, %mul3A_487 : i32
        %swap3A_489 = arith.index_cast %mul3A_488 : i32 to index
        %swap3A_490 = tpu.vector_load %arg16[%swap3A_489] {strides = array<i32>} : memref<256xi32, #tpu.memory_space<vmem>>, vector<16xi32>,
        tpu.vector_store %arg16[%swap3A_489], %select_n3A_483 {strides = array<i32>} : memref<256xi32, #tpu.memory_space<vmem>>, vector<16xi32>,
        scf.yield %add3A_486 : i32
      }
      %scan3A_89 = arith.constant 16 : i32
      %while3A_90 = arith.constant 0 : i32
      %while3A_91 = arith.constant 0 : i32
      %while3A_92 = arith.subi %select_n3A, %while3A_90 : i32
      %while3A_93 = arith.addi %while3A_90, %while3A_92 : i32
      %while3A_94 = arith.constant 1 : i32
      %while3A_95 = arith.divsi %while3A_92, %while3A_94 : i32
      %while3A_96 = arith.muli %while3A_95, %while3A_94 : i32
      %while3A_97 = arith.addi %while3A_90, %while3A_96 : i32
      %while3A_98 = arith.constant 1 : i32
      %while3A_99 = scf.for %while3A_357 = %while3A_90 to %while3A_97 step %while3A_98 iter_args(%while3A_358 = %while3A_91) -> (i32)  : i32 {
        %mul3A_359 = arith.constant 16 : i32
        %mul3A_360 = arith.muli %while3A_357, %mul3A_359 : i32
        %get3A = arith.index_cast %mul3A_360 : i32 to index
        %get3A_361 = tpu.vector_load %arg12[%get3A] {strides = array<i32>} : memref<5136xi32, #tpu.memory_space<vmem>>, vector<16xi32>,
        %get3A_362 = arith.index_cast %mul3A_360 : i32 to index
        %get3A_363 = tpu.vector_load %arg13[%get3A_362] {strides = array<i32>} : memref<5136xi32, #tpu.memory_space<vmem>>, vector<16xi32>,
        %shift_right_logical3A = arith.constant 0 : i32
        %shift_right_logical3A_364 = vector.broadcast %shift_right_logical3A : i32 to vector<16xi32>
        %shift_right_logical3A_365 = arith.shrui %get3A_361, %shift_right_logical3A_364 : vector<16xi32>
        %and3A_366 = arith.constant 255 : i32
        %and3A_367 = vector.broadcast %and3A_366 : i32 to vector<16xi32>
        %and3A_368 = arith.andi %shift_right_logical3A_365, %and3A_367 : vector<16xi32>
        %slice3A = vector.extract_strided_slice %and3A_368 {offsets = [0], sizes = [1], strides = [1]} : vector<16xi32> to vector<1xi32>
        %squeeze3A = vector.extract %slice3A[0] : i32 from vector<1xi32>
        %broadcast_in_dim3A_369 = vector.broadcast %squeeze3A : i32 to vector<16xi32>
        %gt3A = arith.constant 0 : i32
        %gt3A_370 = vector.broadcast %gt3A : i32 to vector<16xi32>
        %gt3A_371 = arith.cmpi sgt, %iota3A, %gt3A_370 : vector<16xi32>
        %eq3A = arith.cmpi eq, %and3A_368, %broadcast_in_dim3A_369 : vector<16xi32>
        %and3A_372 = arith.andi %gt3A_371, %eq3A : vector<16xi1>
        %jit3A_373 = arith.constant 1 : i32
        %jit3A_374 = arith.constant 0 : i32
        %broadcast_in_dim3A_375 = vector.broadcast %jit3A_373 : i32 to vector<16xi32>
        %broadcast_in_dim3A_376 = vector.broadcast %jit3A_374 : i32 to vector<16xi32>
        %select_n3A_377 = arith.select %and3A_372, %broadcast_in_dim3A_375, %broadcast_in_dim3A_376 : vector<16xi1>, vector<16xi32>
        %add3A_378 = arith.addi %broadcast_in_dim3A_5, %select_n3A_377 : vector<16xi32>
        %slice3A_379 = vector.extract_strided_slice %and3A_368 {offsets = [1], sizes = [1], strides = [1]} : vector<16xi32> to vector<1xi32>
        %squeeze3A_380 = vector.extract %slice3A_379[0] : i32 from vector<1xi32>
        %broadcast_in_dim3A_381 = vector.broadcast %squeeze3A_380 : i32 to vector<16xi32>
        %gt3A_382 = arith.constant 1 : i32
        %gt3A_383 = vector.broadcast %gt3A_382 : i32 to vector<16xi32>
        %gt3A_384 = arith.cmpi sgt, %iota3A, %gt3A_383 : vector<16xi32>
        %eq3A_385 = arith.cmpi eq, %and3A_368, %broadcast_in_dim3A_381 : vector<16xi32>
        %and3A_386 = arith.andi %gt3A_384, %eq3A_385 : vector<16xi1>
        %jit3A_387 = arith.constant 1 : i32
        %jit3A_388 = arith.constant 0 : i32
        %broadcast_in_dim3A_389 = vector.broadcast %jit3A_387 : i32 to vector<16xi32>
        %broadcast_in_dim3A_390 = vector.broadcast %jit3A_388 : i32 to vector<16xi32>
        %select_n3A_391 = arith.select %and3A_386, %broadcast_in_dim3A_389, %broadcast_in_dim3A_390 : vector<16xi1>, vector<16xi32>
        %add3A_392 = arith.addi %add3A_378, %select_n3A_391 : vector<16xi32>
        %slice3A_393 = vector.extract_strided_slice %and3A_368 {offsets = [2], sizes = [1], strides = [1]} : vector<16xi32> to vector<1xi32>
        %squeeze3A_394 = vector.extract %slice3A_393[0] : i32 from vector<1xi32>
        %broadcast_in_dim3A_395 = vector.broadcast %squeeze3A_394 : i32 to vector<16xi32>
        %gt3A_396 = arith.constant 2 : i32
        %gt3A_397 = vector.broadcast %gt3A_396 : i32 to vector<16xi32>
        %gt3A_398 = arith.cmpi sgt, %iota3A, %gt3A_397 : vector<16xi32>
        %eq3A_399 = arith.cmpi eq, %and3A_368, %broadcast_in_dim3A_395 : vector<16xi32>
        %and3A_400 = arith.andi %gt3A_398, %eq3A_399 : vector<16xi1>
        %jit3A_401 = arith.constant 1 : i32
        %jit3A_402 = arith.constant 0 : i32
        %broadcast_in_dim3A_403 = vector.broadcast %jit3A_401 : i32 to vector<16xi32>
        %broadcast_in_dim3A_404 = vector.broadcast %jit3A_402 : i32 to vector<16xi32>
        %select_n3A_405 = arith.select %and3A_400, %broadcast_in_dim3A_403, %broadcast_in_dim3A_404 : vector<16xi1>, vector<16xi32>
        %add3A_406 = arith.addi %add3A_392, %select_n3A_405 : vector<16xi32>
        %slice3A_407 = vector.extract_strided_slice %and3A_368 {offsets = [3], sizes = [1], strides = [1]} : vector<16xi32> to vector<1xi32>
        %squeeze3A_408 = vector.extract %slice3A_407[0] : i32 from vector<1xi32>
        %broadcast_in_dim3A_409 = vector.broadcast %squeeze3A_408 : i32 to vector<16xi32>
        %gt3A_410 = arith.constant 3 : i32
        %gt3A_411 = vector.broadcast %gt3A_410 : i32 to vector<16xi32>
        %gt3A_412 = arith.cmpi sgt, %iota3A, %gt3A_411 : vector<16xi32>
        %eq3A_413 = arith.cmpi eq, %and3A_368, %broadcast_in_dim3A_409 : vector<16xi32>
        %and3A_414 = arith.andi %gt3A_412, %eq3A_413 : vector<16xi1>
        %jit3A_415 = arith.constant 1 : i32
        %jit3A_416 = arith.constant 0 : i32
        %broadcast_in_dim3A_417 = vector.broadcast %jit3A_415 : i32 to vector<16xi32>
        %broadcast_in_dim3A_418 = vector.broadcast %jit3A_416 : i32 to vector<16xi32>
        %select_n3A_419 = arith.select %and3A_414, %broadcast_in_dim3A_417, %broadcast_in_dim3A_418 : vector<16xi1>, vector<16xi32>
        %add3A_420 = arith.addi %add3A_406, %select_n3A_419 : vector<16xi32>
        %slice3A_421 = vector.extract_strided_slice %and3A_368 {offsets = [4], sizes = [1], strides = [1]} : vector<16xi32> to vector<1xi32>
        %squeeze3A_422 = vector.extract %slice3A_421[0] : i32 from vector<1xi32>
        %broadcast_in_dim3A_423 = vector.broadcast %squeeze3A_422 : i32 to vector<16xi32>
        %gt3A_424 = arith.constant 4 : i32
        %gt3A_425 = vector.broadcast %gt3A_424 : i32 to vector<16xi32>
        %gt3A_426 = arith.cmpi sgt, %iota3A, %gt3A_425 : vector<16xi32>
        %eq3A_427 = arith.cmpi eq, %and3A_368, %broadcast_in_dim3A_423 : vector<16xi32>
        %and3A_428 = arith.andi %gt3A_426, %eq3A_427 : vector<16xi1>
        %jit3A_429 = arith.constant 1 : i32
        %jit3A_430 = arith.constant 0 : i32
        %broadcast_in_dim3A_431 = vector.broadcast %jit3A_429 : i32 to vector<16xi32>
        %broadcast_in_dim3A_432 = vector.broadcast %jit3A_430 : i32 to vector<16xi32>
        %select_n3A_433 = arith.select %and3A_428, %broadcast_in_dim3A_431, %broadcast_in_dim3A_432 : vector<16xi1>, vector<16xi32>
        %add3A_434 = arith.addi %add3A_420, %select_n3A_433 : vector<16xi32>
        %slice3A_435 = vector.extract_strided_slice %and3A_368 {offsets = [5], sizes = [1], strides = [1]} : vector<16xi32> to vector<1xi32>
        %squeeze3A_436 = vector.extract %slice3A_435[0] : i32 from vector<1xi32>
        %broadcast_in_dim3A_437 = vector.broadcast %squeeze3A_436 : i32 to vector<16xi32>
        %gt3A_438 = arith.constant 5 : i32
        %gt3A_439 = vector.broadcast %gt3A_438 : i32 to vector<16xi32>
        %gt3A_440 = arith.cmpi sgt, %iota3A, %gt3A_439 : vector<16xi32>
        %eq3A_441 = arith.cmpi eq, %and3A_368, %broadcast_in_dim3A_437 : vector<16xi32>
        %and3A_442 = arith.andi %gt3A_440, %eq3A_441 : vector<16xi1>
        %jit3A_443 = arith.constant 1 : i32
        %jit3A_444 = arith.constant 0 : i32
        %broadcast_in_dim3A_445 = vector.broadcast %jit3A_443 : i32 to vector<16xi32>
        %broadcast_in_dim3A_446 = vector.broadcast %jit3A_444 : i32 to vector<16xi32>
        %select_n3A_447 = arith.select %and3A_442, %broadcast_in_dim3A_445, %broadcast_in_dim3A_446 : vector<16xi1>, vector<16xi32>
        %add3A_448 = arith.addi %add3A_434, %select_n3A_447 : vector<16xi32>
        %slice3A_449 = vector.extract_strided_slice %and3A_368 {offsets = [6], sizes = [1], strides = [1]} : vector<16xi32> to vector<1xi32>
        %squeeze3A_450 = vector.extract %slice3A_449[0] : i32 from vector<1xi32>
        %broadcast_in_dim3A_451 = vector.broadcast %squeeze3A_450 : i32 to vector<16xi32>
        %gt3A_452 = arith.constant 6 : i32
        %gt3A_453 = vector.broadcast %gt3A_452 : i32 to vector<16xi32>
        %gt3A_454 = arith.cmpi sgt, %iota3A, %gt3A_453 : vector<16xi32>
        %eq3A_455 = arith.cmpi eq, %and3A_368, %broadcast_in_dim3A_451 : vector<16xi32>
        %and3A_456 = arith.andi %gt3A_454, %eq3A_455 : vector<16xi1>
        %jit3A_457 = arith.constant 1 : i32
        %jit3A_458 = arith.constant 0 : i32
        %broadcast_in_dim3A_459 = vector.broadcast %jit3A_457 : i32 to vector<16xi32>
        %broadcast_in_dim3A_460 = vector.broadcast %jit3A_458 : i32 to vector<16xi32>
        %select_n3A_461 = arith.select %and3A_456, %broadcast_in_dim3A_459, %broadcast_in_dim3A_460 : vector<16xi1>, vector<16xi32>
        %add3A_462 = arith.addi %add3A_448, %select_n3A_461 : vector<16xi32>
        %slice3A_463 = vector.extract_strided_slice %and3A_368 {offsets = [7], sizes = [1], strides = [1]} : vector<16xi32> to vector<1xi32>
        %squeeze3A_464 = vector.extract %slice3A_463[0] : i32 from vector<1xi32>
        %broadcast_in_dim3A_465 = vector.broadcast %squeeze3A_464 : i32 to vector<16xi32>
        %gt3A_466 = arith.constant 7 : i32
        %gt3A_467 = vector.broadcast %gt3A_466 : i32 to vector<16xi32>
        %gt3A_468 = arith.cmpi sgt, %iota3A, %gt3A_467 : vector<16xi32>
        %eq3A_469 = arith.cmpi eq, %and3A_368, %broadcast_in_dim3A_465 : vector<16xi32>
        %and3A_470 = arith.andi %gt3A_468, %eq3A_469 : vector<16xi1>
        %jit3A_471 = arith.constant 1 : i32
        %jit3A_472 = arith.constant 0 : i32
        %broadcast_in_dim3A_473 = vector.broadcast %jit3A_471 : i32 to vector<16xi32>
        %broadcast_in_dim3A_474 = vector.broadcast %jit3A_472 : i32 to vector<16xi32>
        %select_n3A_475 = arith.select %and3A_470, %broadcast_in_dim3A_473, %broadcast_in_dim3A_474 : vector<16xi1>, vector<16xi32>
        %add3A_476 = arith.addi %add3A_462, %select_n3A_475 : vector<16xi32>
        %slice3A_477 = vector.extract_strided_slice %and3A_368 {offsets = [8], sizes = [1], strides = [1]} : vector<16xi32> to vector<1xi32>
        %squeeze3A_478 = vector.extract %slice3A_477[0] : i32 from vector<1xi32>
        %broadcast_in_dim3A_479 = vector.broadcast %squeeze3A_478 : i32 to vector<16xi32>
        %gt3A_480 = arith.constant 8 : i32
        %gt3A_481 = vector.broadcast %gt3A_480 : i32 to vector<16xi32>
        %gt3A_482 = arith.cmpi sgt, %iota3A, %gt3A_481 : vector<16xi32>
        %eq3A_483 = arith.cmpi eq, %and3A_368, %broadcast_in_dim3A_479 : vector<16xi32>
        %and3A_484 = arith.andi %gt3A_482, %eq3A_483 : vector<16xi1>
        %jit3A_485 = arith.constant 1 : i32
        %jit3A_486 = arith.constant 0 : i32
        %broadcast_in_dim3A_487 = vector.broadcast %jit3A_485 : i32 to vector<16xi32>
        %broadcast_in_dim3A_488 = vector.broadcast %jit3A_486 : i32 to vector<16xi32>
        %select_n3A_489 = arith.select %and3A_484, %broadcast_in_dim3A_487, %broadcast_in_dim3A_488 : vector<16xi1>, vector<16xi32>
        %add3A_490 = arith.addi %add3A_476, %select_n3A_489 : vector<16xi32>
        %slice3A_491 = vector.extract_strided_slice %and3A_368 {offsets = [9], sizes = [1], strides = [1]} : vector<16xi32> to vector<1xi32>
        %squeeze3A_492 = vector.extract %slice3A_491[0] : i32 from vector<1xi32>
        %broadcast_in_dim3A_493 = vector.broadcast %squeeze3A_492 : i32 to vector<16xi32>
        %gt3A_494 = arith.constant 9 : i32
        %gt3A_495 = vector.broadcast %gt3A_494 : i32 to vector<16xi32>
        %gt3A_496 = arith.cmpi sgt, %iota3A, %gt3A_495 : vector<16xi32>
        %eq3A_497 = arith.cmpi eq, %and3A_368, %broadcast_in_dim3A_493 : vector<16xi32>
        %and3A_498 = arith.andi %gt3A_496, %eq3A_497 : vector<16xi1>
        %jit3A_499 = arith.constant 1 : i32
        %jit3A_500 = arith.constant 0 : i32
        %broadcast_in_dim3A_501 = vector.broadcast %jit3A_499 : i32 to vector<16xi32>
        %broadcast_in_dim3A_502 = vector.broadcast %jit3A_500 : i32 to vector<16xi32>
        %select_n3A_503 = arith.select %and3A_498, %broadcast_in_dim3A_501, %broadcast_in_dim3A_502 : vector<16xi1>, vector<16xi32>
        %add3A_504 = arith.addi %add3A_490, %select_n3A_503 : vector<16xi32>
        %slice3A_505 = vector.extract_strided_slice %and3A_368 {offsets = [10], sizes = [1], strides = [1]} : vector<16xi32> to vector<1xi32>
        %squeeze3A_506 = vector.extract %slice3A_505[0] : i32 from vector<1xi32>
        %broadcast_in_dim3A_507 = vector.broadcast %squeeze3A_506 : i32 to vector<16xi32>
        %gt3A_508 = arith.constant 10 : i32
        %gt3A_509 = vector.broadcast %gt3A_508 : i32 to vector<16xi32>
        %gt3A_510 = arith.cmpi sgt, %iota3A, %gt3A_509 : vector<16xi32>
        %eq3A_511 = arith.cmpi eq, %and3A_368, %broadcast_in_dim3A_507 : vector<16xi32>
        %and3A_512 = arith.andi %gt3A_510, %eq3A_511 : vector<16xi1>
        %jit3A_513 = arith.constant 1 : i32
        %jit3A_514 = arith.constant 0 : i32
        %broadcast_in_dim3A_515 = vector.broadcast %jit3A_513 : i32 to vector<16xi32>
        %broadcast_in_dim3A_516 = vector.broadcast %jit3A_514 : i32 to vector<16xi32>
        %select_n3A_517 = arith.select %and3A_512, %broadcast_in_dim3A_515, %broadcast_in_dim3A_516 : vector<16xi1>, vector<16xi32>
        %add3A_518 = arith.addi %add3A_504, %select_n3A_517 : vector<16xi32>
        %slice3A_519 = vector.extract_strided_slice %and3A_368 {offsets = [11], sizes = [1], strides = [1]} : vector<16xi32> to vector<1xi32>
        %squeeze3A_520 = vector.extract %slice3A_519[0] : i32 from vector<1xi32>
        %broadcast_in_dim3A_521 = vector.broadcast %squeeze3A_520 : i32 to vector<16xi32>
        %gt3A_522 = arith.constant 11 : i32
        %gt3A_523 = vector.broadcast %gt3A_522 : i32 to vector<16xi32>
        %gt3A_524 = arith.cmpi sgt, %iota3A, %gt3A_523 : vector<16xi32>
        %eq3A_525 = arith.cmpi eq, %and3A_368, %broadcast_in_dim3A_521 : vector<16xi32>
        %and3A_526 = arith.andi %gt3A_524, %eq3A_525 : vector<16xi1>
        %jit3A_527 = arith.constant 1 : i32
        %jit3A_528 = arith.constant 0 : i32
        %broadcast_in_dim3A_529 = vector.broadcast %jit3A_527 : i32 to vector<16xi32>
        %broadcast_in_dim3A_530 = vector.broadcast %jit3A_528 : i32 to vector<16xi32>
        %select_n3A_531 = arith.select %and3A_526, %broadcast_in_dim3A_529, %broadcast_in_dim3A_530 : vector<16xi1>, vector<16xi32>
        %add3A_532 = arith.addi %add3A_518, %select_n3A_531 : vector<16xi32>
        %slice3A_533 = vector.extract_strided_slice %and3A_368 {offsets = [12], sizes = [1], strides = [1]} : vector<16xi32> to vector<1xi32>
        %squeeze3A_534 = vector.extract %slice3A_533[0] : i32 from vector<1xi32>
        %broadcast_in_dim3A_535 = vector.broadcast %squeeze3A_534 : i32 to vector<16xi32>
        %gt3A_536 = arith.constant 12 : i32
        %gt3A_537 = vector.broadcast %gt3A_536 : i32 to vector<16xi32>
        %gt3A_538 = arith.cmpi sgt, %iota3A, %gt3A_537 : vector<16xi32>
        %eq3A_539 = arith.cmpi eq, %and3A_368, %broadcast_in_dim3A_535 : vector<16xi32>
        %and3A_540 = arith.andi %gt3A_538, %eq3A_539 : vector<16xi1>
        %jit3A_541 = arith.constant 1 : i32
        %jit3A_542 = arith.constant 0 : i32
        %broadcast_in_dim3A_543 = vector.broadcast %jit3A_541 : i32 to vector<16xi32>
        %broadcast_in_dim3A_544 = vector.broadcast %jit3A_542 : i32 to vector<16xi32>
        %select_n3A_545 = arith.select %and3A_540, %broadcast_in_dim3A_543, %broadcast_in_dim3A_544 : vector<16xi1>, vector<16xi32>
        %add3A_546 = arith.addi %add3A_532, %select_n3A_545 : vector<16xi32>
        %slice3A_547 = vector.extract_strided_slice %and3A_368 {offsets = [13], sizes = [1], strides = [1]} : vector<16xi32> to vector<1xi32>
        %squeeze3A_548 = vector.extract %slice3A_547[0] : i32 from vector<1xi32>
        %broadcast_in_dim3A_549 = vector.broadcast %squeeze3A_548 : i32 to vector<16xi32>
        %gt3A_550 = arith.constant 13 : i32
        %gt3A_551 = vector.broadcast %gt3A_550 : i32 to vector<16xi32>
        %gt3A_552 = arith.cmpi sgt, %iota3A, %gt3A_551 : vector<16xi32>
        %eq3A_553 = arith.cmpi eq, %and3A_368, %broadcast_in_dim3A_549 : vector<16xi32>
        %and3A_554 = arith.andi %gt3A_552, %eq3A_553 : vector<16xi1>
        %jit3A_555 = arith.constant 1 : i32
        %jit3A_556 = arith.constant 0 : i32
        %broadcast_in_dim3A_557 = vector.broadcast %jit3A_555 : i32 to vector<16xi32>
        %broadcast_in_dim3A_558 = vector.broadcast %jit3A_556 : i32 to vector<16xi32>
        %select_n3A_559 = arith.select %and3A_554, %broadcast_in_dim3A_557, %broadcast_in_dim3A_558 : vector<16xi1>, vector<16xi32>
        %add3A_560 = arith.addi %add3A_546, %select_n3A_559 : vector<16xi32>
        %slice3A_561 = vector.extract_strided_slice %and3A_368 {offsets = [14], sizes = [1], strides = [1]} : vector<16xi32> to vector<1xi32>
        %squeeze3A_562 = vector.extract %slice3A_561[0] : i32 from vector<1xi32>
        %broadcast_in_dim3A_563 = vector.broadcast %squeeze3A_562 : i32 to vector<16xi32>
        %gt3A_564 = arith.constant 14 : i32
        %gt3A_565 = vector.broadcast %gt3A_564 : i32 to vector<16xi32>
        %gt3A_566 = arith.cmpi sgt, %iota3A, %gt3A_565 : vector<16xi32>
        %eq3A_567 = arith.cmpi eq, %and3A_368, %broadcast_in_dim3A_563 : vector<16xi32>
        %and3A_568 = arith.andi %gt3A_566, %eq3A_567 : vector<16xi1>
        %jit3A_569 = arith.constant 1 : i32
        %jit3A_570 = arith.constant 0 : i32
        %broadcast_in_dim3A_571 = vector.broadcast %jit3A_569 : i32 to vector<16xi32>
        %broadcast_in_dim3A_572 = vector.broadcast %jit3A_570 : i32 to vector<16xi32>
        %select_n3A_573 = arith.select %and3A_568, %broadcast_in_dim3A_571, %broadcast_in_dim3A_572 : vector<16xi1>, vector<16xi32>
        %add3A_574 = arith.addi %add3A_560, %select_n3A_573 : vector<16xi32>
        %gather3A = tpu.vector_load_idx %arg16[%and3A_368] : memref<256xi32, #tpu.memory_space<vmem>>[vector<16xi32>], vector<16xi32>,
        %add3A_575 = arith.addi %gather3A, %add3A_574 : vector<16xi32>
        tpu.vector_store_idx %arg14[%add3A_575], %get3A_361 : memref<5136xi32, #tpu.memory_space<vmem>>[vector<16xi32>], vector<16xi32>,
        tpu.vector_store_idx %arg15[%add3A_575], %get3A_363 : memref<5136xi32, #tpu.memory_space<vmem>>[vector<16xi32>], vector<16xi32>,
        tpu.vector_store_idx %arg16[%and3A_368], %broadcast_in_dim3A_7 {add = true} : memref<256xi32, #tpu.memory_space<vmem>>[vector<16xi32>], vector<16xi32>,
        %while3A_576 = arith.constant 0 : i32
        scf.yield %while3A_576 : i32
      }
      %while3A_100 = arith.constant 1 : i32
      %while3A_101 = scf.for %while3A_357 = %while3A_97 to %while3A_93 step %while3A_100 iter_args(%while3A_358 = %while3A_99) -> (i32)  : i32 {
        %mul3A_359 = arith.constant 16 : i32
        %mul3A_360 = arith.muli %while3A_357, %mul3A_359 : i32
        %get3A = arith.index_cast %mul3A_360 : i32 to index
        %get3A_361 = tpu.vector_load %arg12[%get3A] {strides = array<i32>} : memref<5136xi32, #tpu.memory_space<vmem>>, vector<16xi32>,
        %get3A_362 = arith.index_cast %mul3A_360 : i32 to index
        %get3A_363 = tpu.vector_load %arg13[%get3A_362] {strides = array<i32>} : memref<5136xi32, #tpu.memory_space<vmem>>, vector<16xi32>,
        %shift_right_logical3A = arith.constant 0 : i32
        %shift_right_logical3A_364 = vector.broadcast %shift_right_logical3A : i32 to vector<16xi32>
        %shift_right_logical3A_365 = arith.shrui %get3A_361, %shift_right_logical3A_364 : vector<16xi32>
        %and3A_366 = arith.constant 255 : i32
        %and3A_367 = vector.broadcast %and3A_366 : i32 to vector<16xi32>
        %and3A_368 = arith.andi %shift_right_logical3A_365, %and3A_367 : vector<16xi32>
        %slice3A = vector.extract_strided_slice %and3A_368 {offsets = [0], sizes = [1], strides = [1]} : vector<16xi32> to vector<1xi32>
        %squeeze3A = vector.extract %slice3A[0] : i32 from vector<1xi32>
        %broadcast_in_dim3A_369 = vector.broadcast %squeeze3A : i32 to vector<16xi32>
        %gt3A = arith.constant 0 : i32
        %gt3A_370 = vector.broadcast %gt3A : i32 to vector<16xi32>
        %gt3A_371 = arith.cmpi sgt, %iota3A, %gt3A_370 : vector<16xi32>
        %eq3A = arith.cmpi eq, %and3A_368, %broadcast_in_dim3A_369 : vector<16xi32>
        %and3A_372 = arith.andi %gt3A_371, %eq3A : vector<16xi1>
        %jit3A_373 = arith.constant 1 : i32
        %jit3A_374 = arith.constant 0 : i32
        %broadcast_in_dim3A_375 = vector.broadcast %jit3A_373 : i32 to vector<16xi32>
        %broadcast_in_dim3A_376 = vector.broadcast %jit3A_374 : i32 to vector<16xi32>
        %select_n3A_377 = arith.select %and3A_372, %broadcast_in_dim3A_375, %broadcast_in_dim3A_376 : vector<16xi1>, vector<16xi32>
        %add3A_378 = arith.addi %broadcast_in_dim3A_5, %select_n3A_377 : vector<16xi32>
        %slice3A_379 = vector.extract_strided_slice %and3A_368 {offsets = [1], sizes = [1], strides = [1]} : vector<16xi32> to vector<1xi32>
        %squeeze3A_380 = vector.extract %slice3A_379[0] : i32 from vector<1xi32>
        %broadcast_in_dim3A_381 = vector.broadcast %squeeze3A_380 : i32 to vector<16xi32>
        %gt3A_382 = arith.constant 1 : i32
        %gt3A_383 = vector.broadcast %gt3A_382 : i32 to vector<16xi32>
        %gt3A_384 = arith.cmpi sgt, %iota3A, %gt3A_383 : vector<16xi32>
        %eq3A_385 = arith.cmpi eq, %and3A_368, %broadcast_in_dim3A_381 : vector<16xi32>
        %and3A_386 = arith.andi %gt3A_384, %eq3A_385 : vector<16xi1>
        %jit3A_387 = arith.constant 1 : i32
        %jit3A_388 = arith.constant 0 : i32
        %broadcast_in_dim3A_389 = vector.broadcast %jit3A_387 : i32 to vector<16xi32>
        %broadcast_in_dim3A_390 = vector.broadcast %jit3A_388 : i32 to vector<16xi32>
        %select_n3A_391 = arith.select %and3A_386, %broadcast_in_dim3A_389, %broadcast_in_dim3A_390 : vector<16xi1>, vector<16xi32>
        %add3A_392 = arith.addi %add3A_378, %select_n3A_391 : vector<16xi32>
        %slice3A_393 = vector.extract_strided_slice %and3A_368 {offsets = [2], sizes = [1], strides = [1]} : vector<16xi32> to vector<1xi32>
        %squeeze3A_394 = vector.extract %slice3A_393[0] : i32 from vector<1xi32>
        %broadcast_in_dim3A_395 = vector.broadcast %squeeze3A_394 : i32 to vector<16xi32>
        %gt3A_396 = arith.constant 2 : i32
        %gt3A_397 = vector.broadcast %gt3A_396 : i32 to vector<16xi32>
        %gt3A_398 = arith.cmpi sgt, %iota3A, %gt3A_397 : vector<16xi32>
        %eq3A_399 = arith.cmpi eq, %and3A_368, %broadcast_in_dim3A_395 : vector<16xi32>
        %and3A_400 = arith.andi %gt3A_398, %eq3A_399 : vector<16xi1>
        %jit3A_401 = arith.constant 1 : i32
        %jit3A_402 = arith.constant 0 : i32
        %broadcast_in_dim3A_403 = vector.broadcast %jit3A_401 : i32 to vector<16xi32>
        %broadcast_in_dim3A_404 = vector.broadcast %jit3A_402 : i32 to vector<16xi32>
        %select_n3A_405 = arith.select %and3A_400, %broadcast_in_dim3A_403, %broadcast_in_dim3A_404 : vector<16xi1>, vector<16xi32>
        %add3A_406 = arith.addi %add3A_392, %select_n3A_405 : vector<16xi32>
        %slice3A_407 = vector.extract_strided_slice %and3A_368 {offsets = [3], sizes = [1], strides = [1]} : vector<16xi32> to vector<1xi32>
        %squeeze3A_408 = vector.extract %slice3A_407[0] : i32 from vector<1xi32>
        %broadcast_in_dim3A_409 = vector.broadcast %squeeze3A_408 : i32 to vector<16xi32>
        %gt3A_410 = arith.constant 3 : i32
        %gt3A_411 = vector.broadcast %gt3A_410 : i32 to vector<16xi32>
        %gt3A_412 = arith.cmpi sgt, %iota3A, %gt3A_411 : vector<16xi32>
        %eq3A_413 = arith.cmpi eq, %and3A_368, %broadcast_in_dim3A_409 : vector<16xi32>
        %and3A_414 = arith.andi %gt3A_412, %eq3A_413 : vector<16xi1>
        %jit3A_415 = arith.constant 1 : i32
        %jit3A_416 = arith.constant 0 : i32
        %broadcast_in_dim3A_417 = vector.broadcast %jit3A_415 : i32 to vector<16xi32>
        %broadcast_in_dim3A_418 = vector.broadcast %jit3A_416 : i32 to vector<16xi32>
        %select_n3A_419 = arith.select %and3A_414, %broadcast_in_dim3A_417, %broadcast_in_dim3A_418 : vector<16xi1>, vector<16xi32>
        %add3A_420 = arith.addi %add3A_406, %select_n3A_419 : vector<16xi32>
        %slice3A_421 = vector.extract_strided_slice %and3A_368 {offsets = [4], sizes = [1], strides = [1]} : vector<16xi32> to vector<1xi32>
        %squeeze3A_422 = vector.extract %slice3A_421[0] : i32 from vector<1xi32>
        %broadcast_in_dim3A_423 = vector.broadcast %squeeze3A_422 : i32 to vector<16xi32>
        %gt3A_424 = arith.constant 4 : i32
        %gt3A_425 = vector.broadcast %gt3A_424 : i32 to vector<16xi32>
        %gt3A_426 = arith.cmpi sgt, %iota3A, %gt3A_425 : vector<16xi32>
        %eq3A_427 = arith.cmpi eq, %and3A_368, %broadcast_in_dim3A_423 : vector<16xi32>
        %and3A_428 = arith.andi %gt3A_426, %eq3A_427 : vector<16xi1>
        %jit3A_429 = arith.constant 1 : i32
        %jit3A_430 = arith.constant 0 : i32
        %broadcast_in_dim3A_431 = vector.broadcast %jit3A_429 : i32 to vector<16xi32>
        %broadcast_in_dim3A_432 = vector.broadcast %jit3A_430 : i32 to vector<16xi32>
        %select_n3A_433 = arith.select %and3A_428, %broadcast_in_dim3A_431, %broadcast_in_dim3A_432 : vector<16xi1>, vector<16xi32>
        %add3A_434 = arith.addi %add3A_420, %select_n3A_433 : vector<16xi32>
        %slice3A_435 = vector.extract_strided_slice %and3A_368 {offsets = [5], sizes = [1], strides = [1]} : vector<16xi32> to vector<1xi32>
        %squeeze3A_436 = vector.extract %slice3A_435[0] : i32 from vector<1xi32>
        %broadcast_in_dim3A_437 = vector.broadcast %squeeze3A_436 : i32 to vector<16xi32>
        %gt3A_438 = arith.constant 5 : i32
        %gt3A_439 = vector.broadcast %gt3A_438 : i32 to vector<16xi32>
        %gt3A_440 = arith.cmpi sgt, %iota3A, %gt3A_439 : vector<16xi32>
        %eq3A_441 = arith.cmpi eq, %and3A_368, %broadcast_in_dim3A_437 : vector<16xi32>
        %and3A_442 = arith.andi %gt3A_440, %eq3A_441 : vector<16xi1>
        %jit3A_443 = arith.constant 1 : i32
        %jit3A_444 = arith.constant 0 : i32
        %broadcast_in_dim3A_445 = vector.broadcast %jit3A_443 : i32 to vector<16xi32>
        %broadcast_in_dim3A_446 = vector.broadcast %jit3A_444 : i32 to vector<16xi32>
        %select_n3A_447 = arith.select %and3A_442, %broadcast_in_dim3A_445, %broadcast_in_dim3A_446 : vector<16xi1>, vector<16xi32>
        %add3A_448 = arith.addi %add3A_434, %select_n3A_447 : vector<16xi32>
        %slice3A_449 = vector.extract_strided_slice %and3A_368 {offsets = [6], sizes = [1], strides = [1]} : vector<16xi32> to vector<1xi32>
        %squeeze3A_450 = vector.extract %slice3A_449[0] : i32 from vector<1xi32>
        %broadcast_in_dim3A_451 = vector.broadcast %squeeze3A_450 : i32 to vector<16xi32>
        %gt3A_452 = arith.constant 6 : i32
        %gt3A_453 = vector.broadcast %gt3A_452 : i32 to vector<16xi32>
        %gt3A_454 = arith.cmpi sgt, %iota3A, %gt3A_453 : vector<16xi32>
        %eq3A_455 = arith.cmpi eq, %and3A_368, %broadcast_in_dim3A_451 : vector<16xi32>
        %and3A_456 = arith.andi %gt3A_454, %eq3A_455 : vector<16xi1>
        %jit3A_457 = arith.constant 1 : i32
        %jit3A_458 = arith.constant 0 : i32
        %broadcast_in_dim3A_459 = vector.broadcast %jit3A_457 : i32 to vector<16xi32>
        %broadcast_in_dim3A_460 = vector.broadcast %jit3A_458 : i32 to vector<16xi32>
        %select_n3A_461 = arith.select %and3A_456, %broadcast_in_dim3A_459, %broadcast_in_dim3A_460 : vector<16xi1>, vector<16xi32>
        %add3A_462 = arith.addi %add3A_448, %select_n3A_461 : vector<16xi32>
        %slice3A_463 = vector.extract_strided_slice %and3A_368 {offsets = [7], sizes = [1], strides = [1]} : vector<16xi32> to vector<1xi32>
        %squeeze3A_464 = vector.extract %slice3A_463[0] : i32 from vector<1xi32>
        %broadcast_in_dim3A_465 = vector.broadcast %squeeze3A_464 : i32 to vector<16xi32>
        %gt3A_466 = arith.constant 7 : i32
        %gt3A_467 = vector.broadcast %gt3A_466 : i32 to vector<16xi32>
        %gt3A_468 = arith.cmpi sgt, %iota3A, %gt3A_467 : vector<16xi32>
        %eq3A_469 = arith.cmpi eq, %and3A_368, %broadcast_in_dim3A_465 : vector<16xi32>
        %and3A_470 = arith.andi %gt3A_468, %eq3A_469 : vector<16xi1>
        %jit3A_471 = arith.constant 1 : i32
        %jit3A_472 = arith.constant 0 : i32
        %broadcast_in_dim3A_473 = vector.broadcast %jit3A_471 : i32 to vector<16xi32>
        %broadcast_in_dim3A_474 = vector.broadcast %jit3A_472 : i32 to vector<16xi32>
        %select_n3A_475 = arith.select %and3A_470, %broadcast_in_dim3A_473, %broadcast_in_dim3A_474 : vector<16xi1>, vector<16xi32>
        %add3A_476 = arith.addi %add3A_462, %select_n3A_475 : vector<16xi32>
        %slice3A_477 = vector.extract_strided_slice %and3A_368 {offsets = [8], sizes = [1], strides = [1]} : vector<16xi32> to vector<1xi32>
        %squeeze3A_478 = vector.extract %slice3A_477[0] : i32 from vector<1xi32>
        %broadcast_in_dim3A_479 = vector.broadcast %squeeze3A_478 : i32 to vector<16xi32>
        %gt3A_480 = arith.constant 8 : i32
        %gt3A_481 = vector.broadcast %gt3A_480 : i32 to vector<16xi32>
        %gt3A_482 = arith.cmpi sgt, %iota3A, %gt3A_481 : vector<16xi32>
        %eq3A_483 = arith.cmpi eq, %and3A_368, %broadcast_in_dim3A_479 : vector<16xi32>
        %and3A_484 = arith.andi %gt3A_482, %eq3A_483 : vector<16xi1>
        %jit3A_485 = arith.constant 1 : i32
        %jit3A_486 = arith.constant 0 : i32
        %broadcast_in_dim3A_487 = vector.broadcast %jit3A_485 : i32 to vector<16xi32>
        %broadcast_in_dim3A_488 = vector.broadcast %jit3A_486 : i32 to vector<16xi32>
        %select_n3A_489 = arith.select %and3A_484, %broadcast_in_dim3A_487, %broadcast_in_dim3A_488 : vector<16xi1>, vector<16xi32>
        %add3A_490 = arith.addi %add3A_476, %select_n3A_489 : vector<16xi32>
        %slice3A_491 = vector.extract_strided_slice %and3A_368 {offsets = [9], sizes = [1], strides = [1]} : vector<16xi32> to vector<1xi32>
        %squeeze3A_492 = vector.extract %slice3A_491[0] : i32 from vector<1xi32>
        %broadcast_in_dim3A_493 = vector.broadcast %squeeze3A_492 : i32 to vector<16xi32>
        %gt3A_494 = arith.constant 9 : i32
        %gt3A_495 = vector.broadcast %gt3A_494 : i32 to vector<16xi32>
        %gt3A_496 = arith.cmpi sgt, %iota3A, %gt3A_495 : vector<16xi32>
        %eq3A_497 = arith.cmpi eq, %and3A_368, %broadcast_in_dim3A_493 : vector<16xi32>
        %and3A_498 = arith.andi %gt3A_496, %eq3A_497 : vector<16xi1>
        %jit3A_499 = arith.constant 1 : i32
        %jit3A_500 = arith.constant 0 : i32
        %broadcast_in_dim3A_501 = vector.broadcast %jit3A_499 : i32 to vector<16xi32>
        %broadcast_in_dim3A_502 = vector.broadcast %jit3A_500 : i32 to vector<16xi32>
        %select_n3A_503 = arith.select %and3A_498, %broadcast_in_dim3A_501, %broadcast_in_dim3A_502 : vector<16xi1>, vector<16xi32>
        %add3A_504 = arith.addi %add3A_490, %select_n3A_503 : vector<16xi32>
        %slice3A_505 = vector.extract_strided_slice %and3A_368 {offsets = [10], sizes = [1], strides = [1]} : vector<16xi32> to vector<1xi32>
        %squeeze3A_506 = vector.extract %slice3A_505[0] : i32 from vector<1xi32>
        %broadcast_in_dim3A_507 = vector.broadcast %squeeze3A_506 : i32 to vector<16xi32>
        %gt3A_508 = arith.constant 10 : i32
        %gt3A_509 = vector.broadcast %gt3A_508 : i32 to vector<16xi32>
        %gt3A_510 = arith.cmpi sgt, %iota3A, %gt3A_509 : vector<16xi32>
        %eq3A_511 = arith.cmpi eq, %and3A_368, %broadcast_in_dim3A_507 : vector<16xi32>
        %and3A_512 = arith.andi %gt3A_510, %eq3A_511 : vector<16xi1>
        %jit3A_513 = arith.constant 1 : i32
        %jit3A_514 = arith.constant 0 : i32
        %broadcast_in_dim3A_515 = vector.broadcast %jit3A_513 : i32 to vector<16xi32>
        %broadcast_in_dim3A_516 = vector.broadcast %jit3A_514 : i32 to vector<16xi32>
        %select_n3A_517 = arith.select %and3A_512, %broadcast_in_dim3A_515, %broadcast_in_dim3A_516 : vector<16xi1>, vector<16xi32>
        %add3A_518 = arith.addi %add3A_504, %select_n3A_517 : vector<16xi32>
        %slice3A_519 = vector.extract_strided_slice %and3A_368 {offsets = [11], sizes = [1], strides = [1]} : vector<16xi32> to vector<1xi32>
        %squeeze3A_520 = vector.extract %slice3A_519[0] : i32 from vector<1xi32>
        %broadcast_in_dim3A_521 = vector.broadcast %squeeze3A_520 : i32 to vector<16xi32>
        %gt3A_522 = arith.constant 11 : i32
        %gt3A_523 = vector.broadcast %gt3A_522 : i32 to vector<16xi32>
        %gt3A_524 = arith.cmpi sgt, %iota3A, %gt3A_523 : vector<16xi32>
        %eq3A_525 = arith.cmpi eq, %and3A_368, %broadcast_in_dim3A_521 : vector<16xi32>
        %and3A_526 = arith.andi %gt3A_524, %eq3A_525 : vector<16xi1>
        %jit3A_527 = arith.constant 1 : i32
        %jit3A_528 = arith.constant 0 : i32
        %broadcast_in_dim3A_529 = vector.broadcast %jit3A_527 : i32 to vector<16xi32>
        %broadcast_in_dim3A_530 = vector.broadcast %jit3A_528 : i32 to vector<16xi32>
        %select_n3A_531 = arith.select %and3A_526, %broadcast_in_dim3A_529, %broadcast_in_dim3A_530 : vector<16xi1>, vector<16xi32>
        %add3A_532 = arith.addi %add3A_518, %select_n3A_531 : vector<16xi32>
        %slice3A_533 = vector.extract_strided_slice %and3A_368 {offsets = [12], sizes = [1], strides = [1]} : vector<16xi32> to vector<1xi32>
        %squeeze3A_534 = vector.extract %slice3A_533[0] : i32 from vector<1xi32>
        %broadcast_in_dim3A_535 = vector.broadcast %squeeze3A_534 : i32 to vector<16xi32>
        %gt3A_536 = arith.constant 12 : i32
        %gt3A_537 = vector.broadcast %gt3A_536 : i32 to vector<16xi32>
        %gt3A_538 = arith.cmpi sgt, %iota3A, %gt3A_537 : vector<16xi32>
        %eq3A_539 = arith.cmpi eq, %and3A_368, %broadcast_in_dim3A_535 : vector<16xi32>
        %and3A_540 = arith.andi %gt3A_538, %eq3A_539 : vector<16xi1>
        %jit3A_541 = arith.constant 1 : i32
        %jit3A_542 = arith.constant 0 : i32
        %broadcast_in_dim3A_543 = vector.broadcast %jit3A_541 : i32 to vector<16xi32>
        %broadcast_in_dim3A_544 = vector.broadcast %jit3A_542 : i32 to vector<16xi32>
        %select_n3A_545 = arith.select %and3A_540, %broadcast_in_dim3A_543, %broadcast_in_dim3A_544 : vector<16xi1>, vector<16xi32>
        %add3A_546 = arith.addi %add3A_532, %select_n3A_545 : vector<16xi32>
        %slice3A_547 = vector.extract_strided_slice %and3A_368 {offsets = [13], sizes = [1], strides = [1]} : vector<16xi32> to vector<1xi32>
        %squeeze3A_548 = vector.extract %slice3A_547[0] : i32 from vector<1xi32>
        %broadcast_in_dim3A_549 = vector.broadcast %squeeze3A_548 : i32 to vector<16xi32>
        %gt3A_550 = arith.constant 13 : i32
        %gt3A_551 = vector.broadcast %gt3A_550 : i32 to vector<16xi32>
        %gt3A_552 = arith.cmpi sgt, %iota3A, %gt3A_551 : vector<16xi32>
        %eq3A_553 = arith.cmpi eq, %and3A_368, %broadcast_in_dim3A_549 : vector<16xi32>
        %and3A_554 = arith.andi %gt3A_552, %eq3A_553 : vector<16xi1>
        %jit3A_555 = arith.constant 1 : i32
        %jit3A_556 = arith.constant 0 : i32
        %broadcast_in_dim3A_557 = vector.broadcast %jit3A_555 : i32 to vector<16xi32>
        %broadcast_in_dim3A_558 = vector.broadcast %jit3A_556 : i32 to vector<16xi32>
        %select_n3A_559 = arith.select %and3A_554, %broadcast_in_dim3A_557, %broadcast_in_dim3A_558 : vector<16xi1>, vector<16xi32>
        %add3A_560 = arith.addi %add3A_546, %select_n3A_559 : vector<16xi32>
        %slice3A_561 = vector.extract_strided_slice %and3A_368 {offsets = [14], sizes = [1], strides = [1]} : vector<16xi32> to vector<1xi32>
        %squeeze3A_562 = vector.extract %slice3A_561[0] : i32 from vector<1xi32>
        %broadcast_in_dim3A_563 = vector.broadcast %squeeze3A_562 : i32 to vector<16xi32>
        %gt3A_564 = arith.constant 14 : i32
        %gt3A_565 = vector.broadcast %gt3A_564 : i32 to vector<16xi32>
        %gt3A_566 = arith.cmpi sgt, %iota3A, %gt3A_565 : vector<16xi32>
        %eq3A_567 = arith.cmpi eq, %and3A_368, %broadcast_in_dim3A_563 : vector<16xi32>
        %and3A_568 = arith.andi %gt3A_566, %eq3A_567 : vector<16xi1>
        %jit3A_569 = arith.constant 1 : i32
        %jit3A_570 = arith.constant 0 : i32
        %broadcast_in_dim3A_571 = vector.broadcast %jit3A_569 : i32 to vector<16xi32>
        %broadcast_in_dim3A_572 = vector.broadcast %jit3A_570 : i32 to vector<16xi32>
        %select_n3A_573 = arith.select %and3A_568, %broadcast_in_dim3A_571, %broadcast_in_dim3A_572 : vector<16xi1>, vector<16xi32>
        %add3A_574 = arith.addi %add3A_560, %select_n3A_573 : vector<16xi32>
        %gather3A = tpu.vector_load_idx %arg16[%and3A_368] : memref<256xi32, #tpu.memory_space<vmem>>[vector<16xi32>], vector<16xi32>,
        %add3A_575 = arith.addi %gather3A, %add3A_574 : vector<16xi32>
        tpu.vector_store_idx %arg14[%add3A_575], %get3A_361 : memref<5136xi32, #tpu.memory_space<vmem>>[vector<16xi32>], vector<16xi32>,
        tpu.vector_store_idx %arg15[%add3A_575], %get3A_363 : memref<5136xi32, #tpu.memory_space<vmem>>[vector<16xi32>], vector<16xi32>,
        tpu.vector_store_idx %arg16[%and3A_368], %broadcast_in_dim3A_7 {add = true} : memref<256xi32, #tpu.memory_space<vmem>>[vector<16xi32>], vector<16xi32>,
        %while3A_576 = arith.constant 0 : i32
        scf.yield %while3A_576 : i32
      }
      %swap3A_102 = arith.constant 0 : index
      %swap3A_103 = tpu.vector_load %arg16[%swap3A_102] {strides = array<i32>} : memref<256xi32, #tpu.memory_space<vmem>>, vector<16xi32>,
      tpu.vector_store %arg16[%swap3A_102], %broadcast_in_dim3A_5 {strides = array<i32>} : memref<256xi32, #tpu.memory_space<vmem>>, vector<16xi32>,
      %swap3A_104 = arith.constant 16 : index
      %swap3A_105 = tpu.vector_load %arg16[%swap3A_104] {strides = array<i32>} : memref<256xi32, #tpu.memory_space<vmem>>, vector<16xi32>,
      tpu.vector_store %arg16[%swap3A_104], %broadcast_in_dim3A_5 {strides = array<i32>} : memref<256xi32, #tpu.memory_space<vmem>>, vector<16xi32>,
      %swap3A_106 = arith.constant 32 : index
      %swap3A_107 = tpu.vector_load %arg16[%swap3A_106] {strides = array<i32>} : memref<256xi32, #tpu.memory_space<vmem>>, vector<16xi32>,
      tpu.vector_store %arg16[%swap3A_106], %broadcast_in_dim3A_5 {strides = array<i32>} : memref<256xi32, #tpu.memory_space<vmem>>, vector<16xi32>,
      %swap3A_108 = arith.constant 48 : index
      %swap3A_109 = tpu.vector_load %arg16[%swap3A_108] {strides = array<i32>} : memref<256xi32, #tpu.memory_space<vmem>>, vector<16xi32>,
      tpu.vector_store %arg16[%swap3A_108], %broadcast_in_dim3A_5 {strides = array<i32>} : memref<256xi32, #tpu.memory_space<vmem>>, vector<16xi32>,
      %swap3A_110 = arith.constant 64 : index
      %swap3A_111 = tpu.vector_load %arg16[%swap3A_110] {strides = array<i32>} : memref<256xi32, #tpu.memory_space<vmem>>, vector<16xi32>,
      tpu.vector_store %arg16[%swap3A_110], %broadcast_in_dim3A_5 {strides = array<i32>} : memref<256xi32, #tpu.memory_space<vmem>>, vector<16xi32>,
      %swap3A_112 = arith.constant 80 : index
      %swap3A_113 = tpu.vector_load %arg16[%swap3A_112] {strides = array<i32>} : memref<256xi32, #tpu.memory_space<vmem>>, vector<16xi32>,
      tpu.vector_store %arg16[%swap3A_112], %broadcast_in_dim3A_5 {strides = array<i32>} : memref<256xi32, #tpu.memory_space<vmem>>, vector<16xi32>,
      %swap3A_114 = arith.constant 96 : index
      %swap3A_115 = tpu.vector_load %arg16[%swap3A_114] {strides = array<i32>} : memref<256xi32, #tpu.memory_space<vmem>>, vector<16xi32>,
      tpu.vector_store %arg16[%swap3A_114], %broadcast_in_dim3A_5 {strides = array<i32>} : memref<256xi32, #tpu.memory_space<vmem>>, vector<16xi32>,
      %swap3A_116 = arith.constant 112 : index
      %swap3A_117 = tpu.vector_load %arg16[%swap3A_116] {strides = array<i32>} : memref<256xi32, #tpu.memory_space<vmem>>, vector<16xi32>,
      tpu.vector_store %arg16[%swap3A_116], %broadcast_in_dim3A_5 {strides = array<i32>} : memref<256xi32, #tpu.memory_space<vmem>>, vector<16xi32>,
      %swap3A_118 = arith.constant 128 : index
      %swap3A_119 = tpu.vector_load %arg16[%swap3A_118] {strides = array<i32>} : memref<256xi32, #tpu.memory_space<vmem>>, vector<16xi32>,
      tpu.vector_store %arg16[%swap3A_118], %broadcast_in_dim3A_5 {strides = array<i32>} : memref<256xi32, #tpu.memory_space<vmem>>, vector<16xi32>,
      %swap3A_120 = arith.constant 144 : index
      %swap3A_121 = tpu.vector_load %arg16[%swap3A_120] {strides = array<i32>} : memref<256xi32, #tpu.memory_space<vmem>>, vector<16xi32>,
      tpu.vector_store %arg16[%swap3A_120], %broadcast_in_dim3A_5 {strides = array<i32>} : memref<256xi32, #tpu.memory_space<vmem>>, vector<16xi32>,
      %swap3A_122 = arith.constant 160 : index
      %swap3A_123 = tpu.vector_load %arg16[%swap3A_122] {strides = array<i32>} : memref<256xi32, #tpu.memory_space<vmem>>, vector<16xi32>,
      tpu.vector_store %arg16[%swap3A_122], %broadcast_in_dim3A_5 {strides = array<i32>} : memref<256xi32, #tpu.memory_space<vmem>>, vector<16xi32>,
      %swap3A_124 = arith.constant 176 : index
      %swap3A_125 = tpu.vector_load %arg16[%swap3A_124] {strides = array<i32>} : memref<256xi32, #tpu.memory_space<vmem>>, vector<16xi32>,
      tpu.vector_store %arg16[%swap3A_124], %broadcast_in_dim3A_5 {strides = array<i32>} : memref<256xi32, #tpu.memory_space<vmem>>, vector<16xi32>,
      %swap3A_126 = arith.constant 192 : index
      %swap3A_127 = tpu.vector_load %arg16[%swap3A_126] {strides = array<i32>} : memref<256xi32, #tpu.memory_space<vmem>>, vector<16xi32>,
      tpu.vector_store %arg16[%swap3A_126], %broadcast_in_dim3A_5 {strides = array<i32>} : memref<256xi32, #tpu.memory_space<vmem>>, vector<16xi32>,
      %swap3A_128 = arith.constant 208 : index
      %swap3A_129 = tpu.vector_load %arg16[%swap3A_128] {strides = array<i32>} : memref<256xi32, #tpu.memory_space<vmem>>, vector<16xi32>,
      tpu.vector_store %arg16[%swap3A_128], %broadcast_in_dim3A_5 {strides = array<i32>} : memref<256xi32, #tpu.memory_space<vmem>>, vector<16xi32>,
      %swap3A_130 = arith.constant 224 : index
      %swap3A_131 = tpu.vector_load %arg16[%swap3A_130] {strides = array<i32>} : memref<256xi32, #tpu.memory_space<vmem>>, vector<16xi32>,
      tpu.vector_store %arg16[%swap3A_130], %broadcast_in_dim3A_5 {strides = array<i32>} : memref<256xi32, #tpu.memory_space<vmem>>, vector<16xi32>,
      %swap3A_132 = arith.constant 240 : index
      %swap3A_133 = tpu.vector_load %arg16[%swap3A_132] {strides = array<i32>} : memref<256xi32, #tpu.memory_space<vmem>>, vector<16xi32>,
      tpu.vector_store %arg16[%swap3A_132], %broadcast_in_dim3A_5 {strides = array<i32>} : memref<256xi32, #tpu.memory_space<vmem>>, vector<16xi32>,
      %while3A_134 = arith.constant 0 : i32
      %while3A_135 = arith.constant 0 : i32
      %while3A_136 = arith.subi %select_n3A, %while3A_134 : i32
      %while3A_137 = arith.addi %while3A_134, %while3A_136 : i32
      %while3A_138 = arith.constant 1 : i32
      %while3A_139 = arith.divsi %while3A_136, %while3A_138 : i32
      %while3A_140 = arith.muli %while3A_139, %while3A_138 : i32
      %while3A_141 = arith.addi %while3A_134, %while3A_140 : i32
      %while3A_142 = arith.constant 1 : i32
      %while3A_143 = scf.for %while3A_357 = %while3A_134 to %while3A_141 step %while3A_142 iter_args(%while3A_358 = %while3A_135) -> (i32)  : i32 {
        %mul3A_359 = arith.constant 16 : i32
        %mul3A_360 = arith.muli %while3A_357, %mul3A_359 : i32
        %get3A = arith.index_cast %mul3A_360 : i32 to index
        %get3A_361 = tpu.vector_load %arg14[%get3A] {strides = array<i32>} : memref<5136xi32, #tpu.memory_space<vmem>>, vector<16xi32>,
        %shift_right_logical3A = arith.constant 8 : i32
        %shift_right_logical3A_362 = vector.broadcast %shift_right_logical3A : i32 to vector<16xi32>
        %shift_right_logical3A_363 = arith.shrui %get3A_361, %shift_right_logical3A_362 : vector<16xi32>
        %and3A_364 = arith.constant 255 : i32
        %and3A_365 = vector.broadcast %and3A_364 : i32 to vector<16xi32>
        %and3A_366 = arith.andi %shift_right_logical3A_363, %and3A_365 : vector<16xi32>
        tpu.vector_store_idx %arg16[%and3A_366], %broadcast_in_dim3A_7 {add = true} : memref<256xi32, #tpu.memory_space<vmem>>[vector<16xi32>], vector<16xi32>,
        %while3A_367 = arith.constant 0 : i32
        scf.yield %while3A_367 : i32
      }
      %while3A_144 = arith.constant 1 : i32
      %while3A_145 = scf.for %while3A_357 = %while3A_141 to %while3A_137 step %while3A_144 iter_args(%while3A_358 = %while3A_143) -> (i32)  : i32 {
        %mul3A_359 = arith.constant 16 : i32
        %mul3A_360 = arith.muli %while3A_357, %mul3A_359 : i32
        %get3A = arith.index_cast %mul3A_360 : i32 to index
        %get3A_361 = tpu.vector_load %arg14[%get3A] {strides = array<i32>} : memref<5136xi32, #tpu.memory_space<vmem>>, vector<16xi32>,
        %shift_right_logical3A = arith.constant 8 : i32
        %shift_right_logical3A_362 = vector.broadcast %shift_right_logical3A : i32 to vector<16xi32>
        %shift_right_logical3A_363 = arith.shrui %get3A_361, %shift_right_logical3A_362 : vector<16xi32>
        %and3A_364 = arith.constant 255 : i32
        %and3A_365 = vector.broadcast %and3A_364 : i32 to vector<16xi32>
        %and3A_366 = arith.andi %shift_right_logical3A_363, %and3A_365 : vector<16xi32>
        tpu.vector_store_idx %arg16[%and3A_366], %broadcast_in_dim3A_7 {add = true} : memref<256xi32, #tpu.memory_space<vmem>>[vector<16xi32>], vector<16xi32>,
        %while3A_367 = arith.constant 0 : i32
        scf.yield %while3A_367 : i32
      }
      %scan3A_146 = arith.constant 0 : i32
      %scan3A_147 = arith.constant 0 : i32
      %scan3A_148 = arith.constant 16 : i32
      %scan3A_149 = arith.addi %scan3A_147, %scan3A_148 : i32
      %scan3A_150 = arith.constant 1 : i32
      %scan3A_151 = scf.for %scan3A_357 = %scan3A_147 to %scan3A_149 step %scan3A_150 iter_args(%scan3A_358 = %scan3A_146) -> (i32)  : i32 {
        %mul3A_359 = arith.constant 16 : i32
        %mul3A_360 = arith.muli %scan3A_357, %mul3A_359 : i32
        %get3A = arith.index_cast %mul3A_360 : i32 to index
        %get3A_361 = tpu.vector_load %arg16[%get3A] {strides = array<i32>} : memref<256xi32, #tpu.memory_space<vmem>>, vector<16xi32>,
        %eq3A = arith.constant 0 : i32
        %eq3A_362 = vector.broadcast %eq3A : i32 to vector<16xi32>
        %eq3A_363 = arith.cmpi eq, %iota3A, %eq3A_362 : vector<16xi32>
        %broadcast_in_dim3A_364 = vector.broadcast %scan3A_358 : i32 to vector<16xi32>
        %select_n3A_365 = arith.select %eq3A_363, %broadcast_in_dim3A_364, %broadcast_in_dim3A_5 : vector<16xi1>, vector<16xi32>
        %slice3A = vector.extract_strided_slice %get3A_361 {offsets = [0], sizes = [1], strides = [1]} : vector<16xi32> to vector<1xi32>
        %squeeze3A = vector.extract %slice3A[0] : i32 from vector<1xi32>
        %add3A_366 = arith.addi %scan3A_358, %squeeze3A : i32
        %eq3A_367 = arith.constant 1 : i32
        %eq3A_368 = vector.broadcast %eq3A_367 : i32 to vector<16xi32>
        %eq3A_369 = arith.cmpi eq, %iota3A, %eq3A_368 : vector<16xi32>
        %broadcast_in_dim3A_370 = vector.broadcast %add3A_366 : i32 to vector<16xi32>
        %select_n3A_371 = arith.select %eq3A_369, %broadcast_in_dim3A_370, %select_n3A_365 : vector<16xi1>, vector<16xi32>
        %slice3A_372 = vector.extract_strided_slice %get3A_361 {offsets = [1], sizes = [1], strides = [1]} : vector<16xi32> to vector<1xi32>
        %squeeze3A_373 = vector.extract %slice3A_372[0] : i32 from vector<1xi32>
        %add3A_374 = arith.addi %add3A_366, %squeeze3A_373 : i32
        %eq3A_375 = arith.constant 2 : i32
        %eq3A_376 = vector.broadcast %eq3A_375 : i32 to vector<16xi32>
        %eq3A_377 = arith.cmpi eq, %iota3A, %eq3A_376 : vector<16xi32>
        %broadcast_in_dim3A_378 = vector.broadcast %add3A_374 : i32 to vector<16xi32>
        %select_n3A_379 = arith.select %eq3A_377, %broadcast_in_dim3A_378, %select_n3A_371 : vector<16xi1>, vector<16xi32>
        %slice3A_380 = vector.extract_strided_slice %get3A_361 {offsets = [2], sizes = [1], strides = [1]} : vector<16xi32> to vector<1xi32>
        %squeeze3A_381 = vector.extract %slice3A_380[0] : i32 from vector<1xi32>
        %add3A_382 = arith.addi %add3A_374, %squeeze3A_381 : i32
        %eq3A_383 = arith.constant 3 : i32
        %eq3A_384 = vector.broadcast %eq3A_383 : i32 to vector<16xi32>
        %eq3A_385 = arith.cmpi eq, %iota3A, %eq3A_384 : vector<16xi32>
        %broadcast_in_dim3A_386 = vector.broadcast %add3A_382 : i32 to vector<16xi32>
        %select_n3A_387 = arith.select %eq3A_385, %broadcast_in_dim3A_386, %select_n3A_379 : vector<16xi1>, vector<16xi32>
        %slice3A_388 = vector.extract_strided_slice %get3A_361 {offsets = [3], sizes = [1], strides = [1]} : vector<16xi32> to vector<1xi32>
        %squeeze3A_389 = vector.extract %slice3A_388[0] : i32 from vector<1xi32>
        %add3A_390 = arith.addi %add3A_382, %squeeze3A_389 : i32
        %eq3A_391 = arith.constant 4 : i32
        %eq3A_392 = vector.broadcast %eq3A_391 : i32 to vector<16xi32>
        %eq3A_393 = arith.cmpi eq, %iota3A, %eq3A_392 : vector<16xi32>
        %broadcast_in_dim3A_394 = vector.broadcast %add3A_390 : i32 to vector<16xi32>
        %select_n3A_395 = arith.select %eq3A_393, %broadcast_in_dim3A_394, %select_n3A_387 : vector<16xi1>, vector<16xi32>
        %slice3A_396 = vector.extract_strided_slice %get3A_361 {offsets = [4], sizes = [1], strides = [1]} : vector<16xi32> to vector<1xi32>
        %squeeze3A_397 = vector.extract %slice3A_396[0] : i32 from vector<1xi32>
        %add3A_398 = arith.addi %add3A_390, %squeeze3A_397 : i32
        %eq3A_399 = arith.constant 5 : i32
        %eq3A_400 = vector.broadcast %eq3A_399 : i32 to vector<16xi32>
        %eq3A_401 = arith.cmpi eq, %iota3A, %eq3A_400 : vector<16xi32>
        %broadcast_in_dim3A_402 = vector.broadcast %add3A_398 : i32 to vector<16xi32>
        %select_n3A_403 = arith.select %eq3A_401, %broadcast_in_dim3A_402, %select_n3A_395 : vector<16xi1>, vector<16xi32>
        %slice3A_404 = vector.extract_strided_slice %get3A_361 {offsets = [5], sizes = [1], strides = [1]} : vector<16xi32> to vector<1xi32>
        %squeeze3A_405 = vector.extract %slice3A_404[0] : i32 from vector<1xi32>
        %add3A_406 = arith.addi %add3A_398, %squeeze3A_405 : i32
        %eq3A_407 = arith.constant 6 : i32
        %eq3A_408 = vector.broadcast %eq3A_407 : i32 to vector<16xi32>
        %eq3A_409 = arith.cmpi eq, %iota3A, %eq3A_408 : vector<16xi32>
        %broadcast_in_dim3A_410 = vector.broadcast %add3A_406 : i32 to vector<16xi32>
        %select_n3A_411 = arith.select %eq3A_409, %broadcast_in_dim3A_410, %select_n3A_403 : vector<16xi1>, vector<16xi32>
        %slice3A_412 = vector.extract_strided_slice %get3A_361 {offsets = [6], sizes = [1], strides = [1]} : vector<16xi32> to vector<1xi32>
        %squeeze3A_413 = vector.extract %slice3A_412[0] : i32 from vector<1xi32>
        %add3A_414 = arith.addi %add3A_406, %squeeze3A_413 : i32
        %eq3A_415 = arith.constant 7 : i32
        %eq3A_416 = vector.broadcast %eq3A_415 : i32 to vector<16xi32>
        %eq3A_417 = arith.cmpi eq, %iota3A, %eq3A_416 : vector<16xi32>
        %broadcast_in_dim3A_418 = vector.broadcast %add3A_414 : i32 to vector<16xi32>
        %select_n3A_419 = arith.select %eq3A_417, %broadcast_in_dim3A_418, %select_n3A_411 : vector<16xi1>, vector<16xi32>
        %slice3A_420 = vector.extract_strided_slice %get3A_361 {offsets = [7], sizes = [1], strides = [1]} : vector<16xi32> to vector<1xi32>
        %squeeze3A_421 = vector.extract %slice3A_420[0] : i32 from vector<1xi32>
        %add3A_422 = arith.addi %add3A_414, %squeeze3A_421 : i32
        %eq3A_423 = arith.constant 8 : i32
        %eq3A_424 = vector.broadcast %eq3A_423 : i32 to vector<16xi32>
        %eq3A_425 = arith.cmpi eq, %iota3A, %eq3A_424 : vector<16xi32>
        %broadcast_in_dim3A_426 = vector.broadcast %add3A_422 : i32 to vector<16xi32>
        %select_n3A_427 = arith.select %eq3A_425, %broadcast_in_dim3A_426, %select_n3A_419 : vector<16xi1>, vector<16xi32>
        %slice3A_428 = vector.extract_strided_slice %get3A_361 {offsets = [8], sizes = [1], strides = [1]} : vector<16xi32> to vector<1xi32>
        %squeeze3A_429 = vector.extract %slice3A_428[0] : i32 from vector<1xi32>
        %add3A_430 = arith.addi %add3A_422, %squeeze3A_429 : i32
        %eq3A_431 = arith.constant 9 : i32
        %eq3A_432 = vector.broadcast %eq3A_431 : i32 to vector<16xi32>
        %eq3A_433 = arith.cmpi eq, %iota3A, %eq3A_432 : vector<16xi32>
        %broadcast_in_dim3A_434 = vector.broadcast %add3A_430 : i32 to vector<16xi32>
        %select_n3A_435 = arith.select %eq3A_433, %broadcast_in_dim3A_434, %select_n3A_427 : vector<16xi1>, vector<16xi32>
        %slice3A_436 = vector.extract_strided_slice %get3A_361 {offsets = [9], sizes = [1], strides = [1]} : vector<16xi32> to vector<1xi32>
        %squeeze3A_437 = vector.extract %slice3A_436[0] : i32 from vector<1xi32>
        %add3A_438 = arith.addi %add3A_430, %squeeze3A_437 : i32
        %eq3A_439 = arith.constant 10 : i32
        %eq3A_440 = vector.broadcast %eq3A_439 : i32 to vector<16xi32>
        %eq3A_441 = arith.cmpi eq, %iota3A, %eq3A_440 : vector<16xi32>
        %broadcast_in_dim3A_442 = vector.broadcast %add3A_438 : i32 to vector<16xi32>
        %select_n3A_443 = arith.select %eq3A_441, %broadcast_in_dim3A_442, %select_n3A_435 : vector<16xi1>, vector<16xi32>
        %slice3A_444 = vector.extract_strided_slice %get3A_361 {offsets = [10], sizes = [1], strides = [1]} : vector<16xi32> to vector<1xi32>
        %squeeze3A_445 = vector.extract %slice3A_444[0] : i32 from vector<1xi32>
        %add3A_446 = arith.addi %add3A_438, %squeeze3A_445 : i32
        %eq3A_447 = arith.constant 11 : i32
        %eq3A_448 = vector.broadcast %eq3A_447 : i32 to vector<16xi32>
        %eq3A_449 = arith.cmpi eq, %iota3A, %eq3A_448 : vector<16xi32>
        %broadcast_in_dim3A_450 = vector.broadcast %add3A_446 : i32 to vector<16xi32>
        %select_n3A_451 = arith.select %eq3A_449, %broadcast_in_dim3A_450, %select_n3A_443 : vector<16xi1>, vector<16xi32>
        %slice3A_452 = vector.extract_strided_slice %get3A_361 {offsets = [11], sizes = [1], strides = [1]} : vector<16xi32> to vector<1xi32>
        %squeeze3A_453 = vector.extract %slice3A_452[0] : i32 from vector<1xi32>
        %add3A_454 = arith.addi %add3A_446, %squeeze3A_453 : i32
        %eq3A_455 = arith.constant 12 : i32
        %eq3A_456 = vector.broadcast %eq3A_455 : i32 to vector<16xi32>
        %eq3A_457 = arith.cmpi eq, %iota3A, %eq3A_456 : vector<16xi32>
        %broadcast_in_dim3A_458 = vector.broadcast %add3A_454 : i32 to vector<16xi32>
        %select_n3A_459 = arith.select %eq3A_457, %broadcast_in_dim3A_458, %select_n3A_451 : vector<16xi1>, vector<16xi32>
        %slice3A_460 = vector.extract_strided_slice %get3A_361 {offsets = [12], sizes = [1], strides = [1]} : vector<16xi32> to vector<1xi32>
        %squeeze3A_461 = vector.extract %slice3A_460[0] : i32 from vector<1xi32>
        %add3A_462 = arith.addi %add3A_454, %squeeze3A_461 : i32
        %eq3A_463 = arith.constant 13 : i32
        %eq3A_464 = vector.broadcast %eq3A_463 : i32 to vector<16xi32>
        %eq3A_465 = arith.cmpi eq, %iota3A, %eq3A_464 : vector<16xi32>
        %broadcast_in_dim3A_466 = vector.broadcast %add3A_462 : i32 to vector<16xi32>
        %select_n3A_467 = arith.select %eq3A_465, %broadcast_in_dim3A_466, %select_n3A_459 : vector<16xi1>, vector<16xi32>
        %slice3A_468 = vector.extract_strided_slice %get3A_361 {offsets = [13], sizes = [1], strides = [1]} : vector<16xi32> to vector<1xi32>
        %squeeze3A_469 = vector.extract %slice3A_468[0] : i32 from vector<1xi32>
        %add3A_470 = arith.addi %add3A_462, %squeeze3A_469 : i32
        %eq3A_471 = arith.constant 14 : i32
        %eq3A_472 = vector.broadcast %eq3A_471 : i32 to vector<16xi32>
        %eq3A_473 = arith.cmpi eq, %iota3A, %eq3A_472 : vector<16xi32>
        %broadcast_in_dim3A_474 = vector.broadcast %add3A_470 : i32 to vector<16xi32>
        %select_n3A_475 = arith.select %eq3A_473, %broadcast_in_dim3A_474, %select_n3A_467 : vector<16xi1>, vector<16xi32>
        %slice3A_476 = vector.extract_strided_slice %get3A_361 {offsets = [14], sizes = [1], strides = [1]} : vector<16xi32> to vector<1xi32>
        %squeeze3A_477 = vector.extract %slice3A_476[0] : i32 from vector<1xi32>
        %add3A_478 = arith.addi %add3A_470, %squeeze3A_477 : i32
        %eq3A_479 = arith.constant 15 : i32
        %eq3A_480 = vector.broadcast %eq3A_479 : i32 to vector<16xi32>
        %eq3A_481 = arith.cmpi eq, %iota3A, %eq3A_480 : vector<16xi32>
        %broadcast_in_dim3A_482 = vector.broadcast %add3A_478 : i32 to vector<16xi32>
        %select_n3A_483 = arith.select %eq3A_481, %broadcast_in_dim3A_482, %select_n3A_475 : vector<16xi1>, vector<16xi32>
        %slice3A_484 = vector.extract_strided_slice %get3A_361 {offsets = [15], sizes = [1], strides = [1]} : vector<16xi32> to vector<1xi32>
        %squeeze3A_485 = vector.extract %slice3A_484[0] : i32 from vector<1xi32>
        %add3A_486 = arith.addi %add3A_478, %squeeze3A_485 : i32
        %mul3A_487 = arith.constant 16 : i32
        %mul3A_488 = arith.muli %scan3A_357, %mul3A_487 : i32
        %swap3A_489 = arith.index_cast %mul3A_488 : i32 to index
        %swap3A_490 = tpu.vector_load %arg16[%swap3A_489] {strides = array<i32>} : memref<256xi32, #tpu.memory_space<vmem>>, vector<16xi32>,
        tpu.vector_store %arg16[%swap3A_489], %select_n3A_483 {strides = array<i32>} : memref<256xi32, #tpu.memory_space<vmem>>, vector<16xi32>,
        scf.yield %add3A_486 : i32
      }
      %scan3A_152 = arith.constant 16 : i32
      %while3A_153 = arith.constant 0 : i32
      %while3A_154 = arith.constant 0 : i32
      %while3A_155 = arith.subi %select_n3A, %while3A_153 : i32
      %while3A_156 = arith.addi %while3A_153, %while3A_155 : i32
      %while3A_157 = arith.constant 1 : i32
      %while3A_158 = arith.divsi %while3A_155, %while3A_157 : i32
      %while3A_159 = arith.muli %while3A_158, %while3A_157 : i32
      %while3A_160 = arith.addi %while3A_153, %while3A_159 : i32
      %while3A_161 = arith.constant 1 : i32
      %while3A_162 = scf.for %while3A_357 = %while3A_153 to %while3A_160 step %while3A_161 iter_args(%while3A_358 = %while3A_154) -> (i32)  : i32 {
        %mul3A_359 = arith.constant 16 : i32
        %mul3A_360 = arith.muli %while3A_357, %mul3A_359 : i32
        %get3A = arith.index_cast %mul3A_360 : i32 to index
        %get3A_361 = tpu.vector_load %arg14[%get3A] {strides = array<i32>} : memref<5136xi32, #tpu.memory_space<vmem>>, vector<16xi32>,
        %get3A_362 = arith.index_cast %mul3A_360 : i32 to index
        %get3A_363 = tpu.vector_load %arg15[%get3A_362] {strides = array<i32>} : memref<5136xi32, #tpu.memory_space<vmem>>, vector<16xi32>,
        %shift_right_logical3A = arith.constant 8 : i32
        %shift_right_logical3A_364 = vector.broadcast %shift_right_logical3A : i32 to vector<16xi32>
        %shift_right_logical3A_365 = arith.shrui %get3A_361, %shift_right_logical3A_364 : vector<16xi32>
        %and3A_366 = arith.constant 255 : i32
        %and3A_367 = vector.broadcast %and3A_366 : i32 to vector<16xi32>
        %and3A_368 = arith.andi %shift_right_logical3A_365, %and3A_367 : vector<16xi32>
        %slice3A = vector.extract_strided_slice %and3A_368 {offsets = [0], sizes = [1], strides = [1]} : vector<16xi32> to vector<1xi32>
        %squeeze3A = vector.extract %slice3A[0] : i32 from vector<1xi32>
        %broadcast_in_dim3A_369 = vector.broadcast %squeeze3A : i32 to vector<16xi32>
        %gt3A = arith.constant 0 : i32
        %gt3A_370 = vector.broadcast %gt3A : i32 to vector<16xi32>
        %gt3A_371 = arith.cmpi sgt, %iota3A, %gt3A_370 : vector<16xi32>
        %eq3A = arith.cmpi eq, %and3A_368, %broadcast_in_dim3A_369 : vector<16xi32>
        %and3A_372 = arith.andi %gt3A_371, %eq3A : vector<16xi1>
        %jit3A_373 = arith.constant 1 : i32
        %jit3A_374 = arith.constant 0 : i32
        %broadcast_in_dim3A_375 = vector.broadcast %jit3A_373 : i32 to vector<16xi32>
        %broadcast_in_dim3A_376 = vector.broadcast %jit3A_374 : i32 to vector<16xi32>
        %select_n3A_377 = arith.select %and3A_372, %broadcast_in_dim3A_375, %broadcast_in_dim3A_376 : vector<16xi1>, vector<16xi32>
        %add3A_378 = arith.addi %broadcast_in_dim3A_5, %select_n3A_377 : vector<16xi32>
        %slice3A_379 = vector.extract_strided_slice %and3A_368 {offsets = [1], sizes = [1], strides = [1]} : vector<16xi32> to vector<1xi32>
        %squeeze3A_380 = vector.extract %slice3A_379[0] : i32 from vector<1xi32>
        %broadcast_in_dim3A_381 = vector.broadcast %squeeze3A_380 : i32 to vector<16xi32>
        %gt3A_382 = arith.constant 1 : i32
        %gt3A_383 = vector.broadcast %gt3A_382 : i32 to vector<16xi32>
        %gt3A_384 = arith.cmpi sgt, %iota3A, %gt3A_383 : vector<16xi32>
        %eq3A_385 = arith.cmpi eq, %and3A_368, %broadcast_in_dim3A_381 : vector<16xi32>
        %and3A_386 = arith.andi %gt3A_384, %eq3A_385 : vector<16xi1>
        %jit3A_387 = arith.constant 1 : i32
        %jit3A_388 = arith.constant 0 : i32
        %broadcast_in_dim3A_389 = vector.broadcast %jit3A_387 : i32 to vector<16xi32>
        %broadcast_in_dim3A_390 = vector.broadcast %jit3A_388 : i32 to vector<16xi32>
        %select_n3A_391 = arith.select %and3A_386, %broadcast_in_dim3A_389, %broadcast_in_dim3A_390 : vector<16xi1>, vector<16xi32>
        %add3A_392 = arith.addi %add3A_378, %select_n3A_391 : vector<16xi32>
        %slice3A_393 = vector.extract_strided_slice %and3A_368 {offsets = [2], sizes = [1], strides = [1]} : vector<16xi32> to vector<1xi32>
        %squeeze3A_394 = vector.extract %slice3A_393[0] : i32 from vector<1xi32>
        %broadcast_in_dim3A_395 = vector.broadcast %squeeze3A_394 : i32 to vector<16xi32>
        %gt3A_396 = arith.constant 2 : i32
        %gt3A_397 = vector.broadcast %gt3A_396 : i32 to vector<16xi32>
        %gt3A_398 = arith.cmpi sgt, %iota3A, %gt3A_397 : vector<16xi32>
        %eq3A_399 = arith.cmpi eq, %and3A_368, %broadcast_in_dim3A_395 : vector<16xi32>
        %and3A_400 = arith.andi %gt3A_398, %eq3A_399 : vector<16xi1>
        %jit3A_401 = arith.constant 1 : i32
        %jit3A_402 = arith.constant 0 : i32
        %broadcast_in_dim3A_403 = vector.broadcast %jit3A_401 : i32 to vector<16xi32>
        %broadcast_in_dim3A_404 = vector.broadcast %jit3A_402 : i32 to vector<16xi32>
        %select_n3A_405 = arith.select %and3A_400, %broadcast_in_dim3A_403, %broadcast_in_dim3A_404 : vector<16xi1>, vector<16xi32>
        %add3A_406 = arith.addi %add3A_392, %select_n3A_405 : vector<16xi32>
        %slice3A_407 = vector.extract_strided_slice %and3A_368 {offsets = [3], sizes = [1], strides = [1]} : vector<16xi32> to vector<1xi32>
        %squeeze3A_408 = vector.extract %slice3A_407[0] : i32 from vector<1xi32>
        %broadcast_in_dim3A_409 = vector.broadcast %squeeze3A_408 : i32 to vector<16xi32>
        %gt3A_410 = arith.constant 3 : i32
        %gt3A_411 = vector.broadcast %gt3A_410 : i32 to vector<16xi32>
        %gt3A_412 = arith.cmpi sgt, %iota3A, %gt3A_411 : vector<16xi32>
        %eq3A_413 = arith.cmpi eq, %and3A_368, %broadcast_in_dim3A_409 : vector<16xi32>
        %and3A_414 = arith.andi %gt3A_412, %eq3A_413 : vector<16xi1>
        %jit3A_415 = arith.constant 1 : i32
        %jit3A_416 = arith.constant 0 : i32
        %broadcast_in_dim3A_417 = vector.broadcast %jit3A_415 : i32 to vector<16xi32>
        %broadcast_in_dim3A_418 = vector.broadcast %jit3A_416 : i32 to vector<16xi32>
        %select_n3A_419 = arith.select %and3A_414, %broadcast_in_dim3A_417, %broadcast_in_dim3A_418 : vector<16xi1>, vector<16xi32>
        %add3A_420 = arith.addi %add3A_406, %select_n3A_419 : vector<16xi32>
        %slice3A_421 = vector.extract_strided_slice %and3A_368 {offsets = [4], sizes = [1], strides = [1]} : vector<16xi32> to vector<1xi32>
        %squeeze3A_422 = vector.extract %slice3A_421[0] : i32 from vector<1xi32>
        %broadcast_in_dim3A_423 = vector.broadcast %squeeze3A_422 : i32 to vector<16xi32>
        %gt3A_424 = arith.constant 4 : i32
        %gt3A_425 = vector.broadcast %gt3A_424 : i32 to vector<16xi32>
        %gt3A_426 = arith.cmpi sgt, %iota3A, %gt3A_425 : vector<16xi32>
        %eq3A_427 = arith.cmpi eq, %and3A_368, %broadcast_in_dim3A_423 : vector<16xi32>
        %and3A_428 = arith.andi %gt3A_426, %eq3A_427 : vector<16xi1>
        %jit3A_429 = arith.constant 1 : i32
        %jit3A_430 = arith.constant 0 : i32
        %broadcast_in_dim3A_431 = vector.broadcast %jit3A_429 : i32 to vector<16xi32>
        %broadcast_in_dim3A_432 = vector.broadcast %jit3A_430 : i32 to vector<16xi32>
        %select_n3A_433 = arith.select %and3A_428, %broadcast_in_dim3A_431, %broadcast_in_dim3A_432 : vector<16xi1>, vector<16xi32>
        %add3A_434 = arith.addi %add3A_420, %select_n3A_433 : vector<16xi32>
        %slice3A_435 = vector.extract_strided_slice %and3A_368 {offsets = [5], sizes = [1], strides = [1]} : vector<16xi32> to vector<1xi32>
        %squeeze3A_436 = vector.extract %slice3A_435[0] : i32 from vector<1xi32>
        %broadcast_in_dim3A_437 = vector.broadcast %squeeze3A_436 : i32 to vector<16xi32>
        %gt3A_438 = arith.constant 5 : i32
        %gt3A_439 = vector.broadcast %gt3A_438 : i32 to vector<16xi32>
        %gt3A_440 = arith.cmpi sgt, %iota3A, %gt3A_439 : vector<16xi32>
        %eq3A_441 = arith.cmpi eq, %and3A_368, %broadcast_in_dim3A_437 : vector<16xi32>
        %and3A_442 = arith.andi %gt3A_440, %eq3A_441 : vector<16xi1>
        %jit3A_443 = arith.constant 1 : i32
        %jit3A_444 = arith.constant 0 : i32
        %broadcast_in_dim3A_445 = vector.broadcast %jit3A_443 : i32 to vector<16xi32>
        %broadcast_in_dim3A_446 = vector.broadcast %jit3A_444 : i32 to vector<16xi32>
        %select_n3A_447 = arith.select %and3A_442, %broadcast_in_dim3A_445, %broadcast_in_dim3A_446 : vector<16xi1>, vector<16xi32>
        %add3A_448 = arith.addi %add3A_434, %select_n3A_447 : vector<16xi32>
        %slice3A_449 = vector.extract_strided_slice %and3A_368 {offsets = [6], sizes = [1], strides = [1]} : vector<16xi32> to vector<1xi32>
        %squeeze3A_450 = vector.extract %slice3A_449[0] : i32 from vector<1xi32>
        %broadcast_in_dim3A_451 = vector.broadcast %squeeze3A_450 : i32 to vector<16xi32>
        %gt3A_452 = arith.constant 6 : i32
        %gt3A_453 = vector.broadcast %gt3A_452 : i32 to vector<16xi32>
        %gt3A_454 = arith.cmpi sgt, %iota3A, %gt3A_453 : vector<16xi32>
        %eq3A_455 = arith.cmpi eq, %and3A_368, %broadcast_in_dim3A_451 : vector<16xi32>
        %and3A_456 = arith.andi %gt3A_454, %eq3A_455 : vector<16xi1>
        %jit3A_457 = arith.constant 1 : i32
        %jit3A_458 = arith.constant 0 : i32
        %broadcast_in_dim3A_459 = vector.broadcast %jit3A_457 : i32 to vector<16xi32>
        %broadcast_in_dim3A_460 = vector.broadcast %jit3A_458 : i32 to vector<16xi32>
        %select_n3A_461 = arith.select %and3A_456, %broadcast_in_dim3A_459, %broadcast_in_dim3A_460 : vector<16xi1>, vector<16xi32>
        %add3A_462 = arith.addi %add3A_448, %select_n3A_461 : vector<16xi32>
        %slice3A_463 = vector.extract_strided_slice %and3A_368 {offsets = [7], sizes = [1], strides = [1]} : vector<16xi32> to vector<1xi32>
        %squeeze3A_464 = vector.extract %slice3A_463[0] : i32 from vector<1xi32>
        %broadcast_in_dim3A_465 = vector.broadcast %squeeze3A_464 : i32 to vector<16xi32>
        %gt3A_466 = arith.constant 7 : i32
        %gt3A_467 = vector.broadcast %gt3A_466 : i32 to vector<16xi32>
        %gt3A_468 = arith.cmpi sgt, %iota3A, %gt3A_467 : vector<16xi32>
        %eq3A_469 = arith.cmpi eq, %and3A_368, %broadcast_in_dim3A_465 : vector<16xi32>
        %and3A_470 = arith.andi %gt3A_468, %eq3A_469 : vector<16xi1>
        %jit3A_471 = arith.constant 1 : i32
        %jit3A_472 = arith.constant 0 : i32
        %broadcast_in_dim3A_473 = vector.broadcast %jit3A_471 : i32 to vector<16xi32>
        %broadcast_in_dim3A_474 = vector.broadcast %jit3A_472 : i32 to vector<16xi32>
        %select_n3A_475 = arith.select %and3A_470, %broadcast_in_dim3A_473, %broadcast_in_dim3A_474 : vector<16xi1>, vector<16xi32>
        %add3A_476 = arith.addi %add3A_462, %select_n3A_475 : vector<16xi32>
        %slice3A_477 = vector.extract_strided_slice %and3A_368 {offsets = [8], sizes = [1], strides = [1]} : vector<16xi32> to vector<1xi32>
        %squeeze3A_478 = vector.extract %slice3A_477[0] : i32 from vector<1xi32>
        %broadcast_in_dim3A_479 = vector.broadcast %squeeze3A_478 : i32 to vector<16xi32>
        %gt3A_480 = arith.constant 8 : i32
        %gt3A_481 = vector.broadcast %gt3A_480 : i32 to vector<16xi32>
        %gt3A_482 = arith.cmpi sgt, %iota3A, %gt3A_481 : vector<16xi32>
        %eq3A_483 = arith.cmpi eq, %and3A_368, %broadcast_in_dim3A_479 : vector<16xi32>
        %and3A_484 = arith.andi %gt3A_482, %eq3A_483 : vector<16xi1>
        %jit3A_485 = arith.constant 1 : i32
        %jit3A_486 = arith.constant 0 : i32
        %broadcast_in_dim3A_487 = vector.broadcast %jit3A_485 : i32 to vector<16xi32>
        %broadcast_in_dim3A_488 = vector.broadcast %jit3A_486 : i32 to vector<16xi32>
        %select_n3A_489 = arith.select %and3A_484, %broadcast_in_dim3A_487, %broadcast_in_dim3A_488 : vector<16xi1>, vector<16xi32>
        %add3A_490 = arith.addi %add3A_476, %select_n3A_489 : vector<16xi32>
        %slice3A_491 = vector.extract_strided_slice %and3A_368 {offsets = [9], sizes = [1], strides = [1]} : vector<16xi32> to vector<1xi32>
        %squeeze3A_492 = vector.extract %slice3A_491[0] : i32 from vector<1xi32>
        %broadcast_in_dim3A_493 = vector.broadcast %squeeze3A_492 : i32 to vector<16xi32>
        %gt3A_494 = arith.constant 9 : i32
        %gt3A_495 = vector.broadcast %gt3A_494 : i32 to vector<16xi32>
        %gt3A_496 = arith.cmpi sgt, %iota3A, %gt3A_495 : vector<16xi32>
        %eq3A_497 = arith.cmpi eq, %and3A_368, %broadcast_in_dim3A_493 : vector<16xi32>
        %and3A_498 = arith.andi %gt3A_496, %eq3A_497 : vector<16xi1>
        %jit3A_499 = arith.constant 1 : i32
        %jit3A_500 = arith.constant 0 : i32
        %broadcast_in_dim3A_501 = vector.broadcast %jit3A_499 : i32 to vector<16xi32>
        %broadcast_in_dim3A_502 = vector.broadcast %jit3A_500 : i32 to vector<16xi32>
        %select_n3A_503 = arith.select %and3A_498, %broadcast_in_dim3A_501, %broadcast_in_dim3A_502 : vector<16xi1>, vector<16xi32>
        %add3A_504 = arith.addi %add3A_490, %select_n3A_503 : vector<16xi32>
        %slice3A_505 = vector.extract_strided_slice %and3A_368 {offsets = [10], sizes = [1], strides = [1]} : vector<16xi32> to vector<1xi32>
        %squeeze3A_506 = vector.extract %slice3A_505[0] : i32 from vector<1xi32>
        %broadcast_in_dim3A_507 = vector.broadcast %squeeze3A_506 : i32 to vector<16xi32>
        %gt3A_508 = arith.constant 10 : i32
        %gt3A_509 = vector.broadcast %gt3A_508 : i32 to vector<16xi32>
        %gt3A_510 = arith.cmpi sgt, %iota3A, %gt3A_509 : vector<16xi32>
        %eq3A_511 = arith.cmpi eq, %and3A_368, %broadcast_in_dim3A_507 : vector<16xi32>
        %and3A_512 = arith.andi %gt3A_510, %eq3A_511 : vector<16xi1>
        %jit3A_513 = arith.constant 1 : i32
        %jit3A_514 = arith.constant 0 : i32
        %broadcast_in_dim3A_515 = vector.broadcast %jit3A_513 : i32 to vector<16xi32>
        %broadcast_in_dim3A_516 = vector.broadcast %jit3A_514 : i32 to vector<16xi32>
        %select_n3A_517 = arith.select %and3A_512, %broadcast_in_dim3A_515, %broadcast_in_dim3A_516 : vector<16xi1>, vector<16xi32>
        %add3A_518 = arith.addi %add3A_504, %select_n3A_517 : vector<16xi32>
        %slice3A_519 = vector.extract_strided_slice %and3A_368 {offsets = [11], sizes = [1], strides = [1]} : vector<16xi32> to vector<1xi32>
        %squeeze3A_520 = vector.extract %slice3A_519[0] : i32 from vector<1xi32>
        %broadcast_in_dim3A_521 = vector.broadcast %squeeze3A_520 : i32 to vector<16xi32>
        %gt3A_522 = arith.constant 11 : i32
        %gt3A_523 = vector.broadcast %gt3A_522 : i32 to vector<16xi32>
        %gt3A_524 = arith.cmpi sgt, %iota3A, %gt3A_523 : vector<16xi32>
        %eq3A_525 = arith.cmpi eq, %and3A_368, %broadcast_in_dim3A_521 : vector<16xi32>
        %and3A_526 = arith.andi %gt3A_524, %eq3A_525 : vector<16xi1>
        %jit3A_527 = arith.constant 1 : i32
        %jit3A_528 = arith.constant 0 : i32
        %broadcast_in_dim3A_529 = vector.broadcast %jit3A_527 : i32 to vector<16xi32>
        %broadcast_in_dim3A_530 = vector.broadcast %jit3A_528 : i32 to vector<16xi32>
        %select_n3A_531 = arith.select %and3A_526, %broadcast_in_dim3A_529, %broadcast_in_dim3A_530 : vector<16xi1>, vector<16xi32>
        %add3A_532 = arith.addi %add3A_518, %select_n3A_531 : vector<16xi32>
        %slice3A_533 = vector.extract_strided_slice %and3A_368 {offsets = [12], sizes = [1], strides = [1]} : vector<16xi32> to vector<1xi32>
        %squeeze3A_534 = vector.extract %slice3A_533[0] : i32 from vector<1xi32>
        %broadcast_in_dim3A_535 = vector.broadcast %squeeze3A_534 : i32 to vector<16xi32>
        %gt3A_536 = arith.constant 12 : i32
        %gt3A_537 = vector.broadcast %gt3A_536 : i32 to vector<16xi32>
        %gt3A_538 = arith.cmpi sgt, %iota3A, %gt3A_537 : vector<16xi32>
        %eq3A_539 = arith.cmpi eq, %and3A_368, %broadcast_in_dim3A_535 : vector<16xi32>
        %and3A_540 = arith.andi %gt3A_538, %eq3A_539 : vector<16xi1>
        %jit3A_541 = arith.constant 1 : i32
        %jit3A_542 = arith.constant 0 : i32
        %broadcast_in_dim3A_543 = vector.broadcast %jit3A_541 : i32 to vector<16xi32>
        %broadcast_in_dim3A_544 = vector.broadcast %jit3A_542 : i32 to vector<16xi32>
        %select_n3A_545 = arith.select %and3A_540, %broadcast_in_dim3A_543, %broadcast_in_dim3A_544 : vector<16xi1>, vector<16xi32>
        %add3A_546 = arith.addi %add3A_532, %select_n3A_545 : vector<16xi32>
        %slice3A_547 = vector.extract_strided_slice %and3A_368 {offsets = [13], sizes = [1], strides = [1]} : vector<16xi32> to vector<1xi32>
        %squeeze3A_548 = vector.extract %slice3A_547[0] : i32 from vector<1xi32>
        %broadcast_in_dim3A_549 = vector.broadcast %squeeze3A_548 : i32 to vector<16xi32>
        %gt3A_550 = arith.constant 13 : i32
        %gt3A_551 = vector.broadcast %gt3A_550 : i32 to vector<16xi32>
        %gt3A_552 = arith.cmpi sgt, %iota3A, %gt3A_551 : vector<16xi32>
        %eq3A_553 = arith.cmpi eq, %and3A_368, %broadcast_in_dim3A_549 : vector<16xi32>
        %and3A_554 = arith.andi %gt3A_552, %eq3A_553 : vector<16xi1>
        %jit3A_555 = arith.constant 1 : i32
        %jit3A_556 = arith.constant 0 : i32
        %broadcast_in_dim3A_557 = vector.broadcast %jit3A_555 : i32 to vector<16xi32>
        %broadcast_in_dim3A_558 = vector.broadcast %jit3A_556 : i32 to vector<16xi32>
        %select_n3A_559 = arith.select %and3A_554, %broadcast_in_dim3A_557, %broadcast_in_dim3A_558 : vector<16xi1>, vector<16xi32>
        %add3A_560 = arith.addi %add3A_546, %select_n3A_559 : vector<16xi32>
        %slice3A_561 = vector.extract_strided_slice %and3A_368 {offsets = [14], sizes = [1], strides = [1]} : vector<16xi32> to vector<1xi32>
        %squeeze3A_562 = vector.extract %slice3A_561[0] : i32 from vector<1xi32>
        %broadcast_in_dim3A_563 = vector.broadcast %squeeze3A_562 : i32 to vector<16xi32>
        %gt3A_564 = arith.constant 14 : i32
        %gt3A_565 = vector.broadcast %gt3A_564 : i32 to vector<16xi32>
        %gt3A_566 = arith.cmpi sgt, %iota3A, %gt3A_565 : vector<16xi32>
        %eq3A_567 = arith.cmpi eq, %and3A_368, %broadcast_in_dim3A_563 : vector<16xi32>
        %and3A_568 = arith.andi %gt3A_566, %eq3A_567 : vector<16xi1>
        %jit3A_569 = arith.constant 1 : i32
        %jit3A_570 = arith.constant 0 : i32
        %broadcast_in_dim3A_571 = vector.broadcast %jit3A_569 : i32 to vector<16xi32>
        %broadcast_in_dim3A_572 = vector.broadcast %jit3A_570 : i32 to vector<16xi32>
        %select_n3A_573 = arith.select %and3A_568, %broadcast_in_dim3A_571, %broadcast_in_dim3A_572 : vector<16xi1>, vector<16xi32>
        %add3A_574 = arith.addi %add3A_560, %select_n3A_573 : vector<16xi32>
        %gather3A = tpu.vector_load_idx %arg16[%and3A_368] : memref<256xi32, #tpu.memory_space<vmem>>[vector<16xi32>], vector<16xi32>,
        %add3A_575 = arith.addi %gather3A, %add3A_574 : vector<16xi32>
        tpu.vector_store_idx %arg12[%add3A_575], %get3A_361 : memref<5136xi32, #tpu.memory_space<vmem>>[vector<16xi32>], vector<16xi32>,
        tpu.vector_store_idx %arg13[%add3A_575], %get3A_363 : memref<5136xi32, #tpu.memory_space<vmem>>[vector<16xi32>], vector<16xi32>,
        tpu.vector_store_idx %arg16[%and3A_368], %broadcast_in_dim3A_7 {add = true} : memref<256xi32, #tpu.memory_space<vmem>>[vector<16xi32>], vector<16xi32>,
        %while3A_576 = arith.constant 0 : i32
        scf.yield %while3A_576 : i32
      }
      %while3A_163 = arith.constant 1 : i32
      %while3A_164 = scf.for %while3A_357 = %while3A_160 to %while3A_156 step %while3A_163 iter_args(%while3A_358 = %while3A_162) -> (i32)  : i32 {
        %mul3A_359 = arith.constant 16 : i32
        %mul3A_360 = arith.muli %while3A_357, %mul3A_359 : i32
        %get3A = arith.index_cast %mul3A_360 : i32 to index
        %get3A_361 = tpu.vector_load %arg14[%get3A] {strides = array<i32>} : memref<5136xi32, #tpu.memory_space<vmem>>, vector<16xi32>,
        %get3A_362 = arith.index_cast %mul3A_360 : i32 to index
        %get3A_363 = tpu.vector_load %arg15[%get3A_362] {strides = array<i32>} : memref<5136xi32, #tpu.memory_space<vmem>>, vector<16xi32>,
        %shift_right_logical3A = arith.constant 8 : i32
        %shift_right_logical3A_364 = vector.broadcast %shift_right_logical3A : i32 to vector<16xi32>
        %shift_right_logical3A_365 = arith.shrui %get3A_361, %shift_right_logical3A_364 : vector<16xi32>
        %and3A_366 = arith.constant 255 : i32
        %and3A_367 = vector.broadcast %and3A_366 : i32 to vector<16xi32>
        %and3A_368 = arith.andi %shift_right_logical3A_365, %and3A_367 : vector<16xi32>
        %slice3A = vector.extract_strided_slice %and3A_368 {offsets = [0], sizes = [1], strides = [1]} : vector<16xi32> to vector<1xi32>
        %squeeze3A = vector.extract %slice3A[0] : i32 from vector<1xi32>
        %broadcast_in_dim3A_369 = vector.broadcast %squeeze3A : i32 to vector<16xi32>
        %gt3A = arith.constant 0 : i32
        %gt3A_370 = vector.broadcast %gt3A : i32 to vector<16xi32>
        %gt3A_371 = arith.cmpi sgt, %iota3A, %gt3A_370 : vector<16xi32>
        %eq3A = arith.cmpi eq, %and3A_368, %broadcast_in_dim3A_369 : vector<16xi32>
        %and3A_372 = arith.andi %gt3A_371, %eq3A : vector<16xi1>
        %jit3A_373 = arith.constant 1 : i32
        %jit3A_374 = arith.constant 0 : i32
        %broadcast_in_dim3A_375 = vector.broadcast %jit3A_373 : i32 to vector<16xi32>
        %broadcast_in_dim3A_376 = vector.broadcast %jit3A_374 : i32 to vector<16xi32>
        %select_n3A_377 = arith.select %and3A_372, %broadcast_in_dim3A_375, %broadcast_in_dim3A_376 : vector<16xi1>, vector<16xi32>
        %add3A_378 = arith.addi %broadcast_in_dim3A_5, %select_n3A_377 : vector<16xi32>
        %slice3A_379 = vector.extract_strided_slice %and3A_368 {offsets = [1], sizes = [1], strides = [1]} : vector<16xi32> to vector<1xi32>
        %squeeze3A_380 = vector.extract %slice3A_379[0] : i32 from vector<1xi32>
        %broadcast_in_dim3A_381 = vector.broadcast %squeeze3A_380 : i32 to vector<16xi32>
        %gt3A_382 = arith.constant 1 : i32
        %gt3A_383 = vector.broadcast %gt3A_382 : i32 to vector<16xi32>
        %gt3A_384 = arith.cmpi sgt, %iota3A, %gt3A_383 : vector<16xi32>
        %eq3A_385 = arith.cmpi eq, %and3A_368, %broadcast_in_dim3A_381 : vector<16xi32>
        %and3A_386 = arith.andi %gt3A_384, %eq3A_385 : vector<16xi1>
        %jit3A_387 = arith.constant 1 : i32
        %jit3A_388 = arith.constant 0 : i32
        %broadcast_in_dim3A_389 = vector.broadcast %jit3A_387 : i32 to vector<16xi32>
        %broadcast_in_dim3A_390 = vector.broadcast %jit3A_388 : i32 to vector<16xi32>
        %select_n3A_391 = arith.select %and3A_386, %broadcast_in_dim3A_389, %broadcast_in_dim3A_390 : vector<16xi1>, vector<16xi32>
        %add3A_392 = arith.addi %add3A_378, %select_n3A_391 : vector<16xi32>
        %slice3A_393 = vector.extract_strided_slice %and3A_368 {offsets = [2], sizes = [1], strides = [1]} : vector<16xi32> to vector<1xi32>
        %squeeze3A_394 = vector.extract %slice3A_393[0] : i32 from vector<1xi32>
        %broadcast_in_dim3A_395 = vector.broadcast %squeeze3A_394 : i32 to vector<16xi32>
        %gt3A_396 = arith.constant 2 : i32
        %gt3A_397 = vector.broadcast %gt3A_396 : i32 to vector<16xi32>
        %gt3A_398 = arith.cmpi sgt, %iota3A, %gt3A_397 : vector<16xi32>
        %eq3A_399 = arith.cmpi eq, %and3A_368, %broadcast_in_dim3A_395 : vector<16xi32>
        %and3A_400 = arith.andi %gt3A_398, %eq3A_399 : vector<16xi1>
        %jit3A_401 = arith.constant 1 : i32
        %jit3A_402 = arith.constant 0 : i32
        %broadcast_in_dim3A_403 = vector.broadcast %jit3A_401 : i32 to vector<16xi32>
        %broadcast_in_dim3A_404 = vector.broadcast %jit3A_402 : i32 to vector<16xi32>
        %select_n3A_405 = arith.select %and3A_400, %broadcast_in_dim3A_403, %broadcast_in_dim3A_404 : vector<16xi1>, vector<16xi32>
        %add3A_406 = arith.addi %add3A_392, %select_n3A_405 : vector<16xi32>
        %slice3A_407 = vector.extract_strided_slice %and3A_368 {offsets = [3], sizes = [1], strides = [1]} : vector<16xi32> to vector<1xi32>
        %squeeze3A_408 = vector.extract %slice3A_407[0] : i32 from vector<1xi32>
        %broadcast_in_dim3A_409 = vector.broadcast %squeeze3A_408 : i32 to vector<16xi32>
        %gt3A_410 = arith.constant 3 : i32
        %gt3A_411 = vector.broadcast %gt3A_410 : i32 to vector<16xi32>
        %gt3A_412 = arith.cmpi sgt, %iota3A, %gt3A_411 : vector<16xi32>
        %eq3A_413 = arith.cmpi eq, %and3A_368, %broadcast_in_dim3A_409 : vector<16xi32>
        %and3A_414 = arith.andi %gt3A_412, %eq3A_413 : vector<16xi1>
        %jit3A_415 = arith.constant 1 : i32
        %jit3A_416 = arith.constant 0 : i32
        %broadcast_in_dim3A_417 = vector.broadcast %jit3A_415 : i32 to vector<16xi32>
        %broadcast_in_dim3A_418 = vector.broadcast %jit3A_416 : i32 to vector<16xi32>
        %select_n3A_419 = arith.select %and3A_414, %broadcast_in_dim3A_417, %broadcast_in_dim3A_418 : vector<16xi1>, vector<16xi32>
        %add3A_420 = arith.addi %add3A_406, %select_n3A_419 : vector<16xi32>
        %slice3A_421 = vector.extract_strided_slice %and3A_368 {offsets = [4], sizes = [1], strides = [1]} : vector<16xi32> to vector<1xi32>
        %squeeze3A_422 = vector.extract %slice3A_421[0] : i32 from vector<1xi32>
        %broadcast_in_dim3A_423 = vector.broadcast %squeeze3A_422 : i32 to vector<16xi32>
        %gt3A_424 = arith.constant 4 : i32
        %gt3A_425 = vector.broadcast %gt3A_424 : i32 to vector<16xi32>
        %gt3A_426 = arith.cmpi sgt, %iota3A, %gt3A_425 : vector<16xi32>
        %eq3A_427 = arith.cmpi eq, %and3A_368, %broadcast_in_dim3A_423 : vector<16xi32>
        %and3A_428 = arith.andi %gt3A_426, %eq3A_427 : vector<16xi1>
        %jit3A_429 = arith.constant 1 : i32
        %jit3A_430 = arith.constant 0 : i32
        %broadcast_in_dim3A_431 = vector.broadcast %jit3A_429 : i32 to vector<16xi32>
        %broadcast_in_dim3A_432 = vector.broadcast %jit3A_430 : i32 to vector<16xi32>
        %select_n3A_433 = arith.select %and3A_428, %broadcast_in_dim3A_431, %broadcast_in_dim3A_432 : vector<16xi1>, vector<16xi32>
        %add3A_434 = arith.addi %add3A_420, %select_n3A_433 : vector<16xi32>
        %slice3A_435 = vector.extract_strided_slice %and3A_368 {offsets = [5], sizes = [1], strides = [1]} : vector<16xi32> to vector<1xi32>
        %squeeze3A_436 = vector.extract %slice3A_435[0] : i32 from vector<1xi32>
        %broadcast_in_dim3A_437 = vector.broadcast %squeeze3A_436 : i32 to vector<16xi32>
        %gt3A_438 = arith.constant 5 : i32
        %gt3A_439 = vector.broadcast %gt3A_438 : i32 to vector<16xi32>
        %gt3A_440 = arith.cmpi sgt, %iota3A, %gt3A_439 : vector<16xi32>
        %eq3A_441 = arith.cmpi eq, %and3A_368, %broadcast_in_dim3A_437 : vector<16xi32>
        %and3A_442 = arith.andi %gt3A_440, %eq3A_441 : vector<16xi1>
        %jit3A_443 = arith.constant 1 : i32
        %jit3A_444 = arith.constant 0 : i32
        %broadcast_in_dim3A_445 = vector.broadcast %jit3A_443 : i32 to vector<16xi32>
        %broadcast_in_dim3A_446 = vector.broadcast %jit3A_444 : i32 to vector<16xi32>
        %select_n3A_447 = arith.select %and3A_442, %broadcast_in_dim3A_445, %broadcast_in_dim3A_446 : vector<16xi1>, vector<16xi32>
        %add3A_448 = arith.addi %add3A_434, %select_n3A_447 : vector<16xi32>
        %slice3A_449 = vector.extract_strided_slice %and3A_368 {offsets = [6], sizes = [1], strides = [1]} : vector<16xi32> to vector<1xi32>
        %squeeze3A_450 = vector.extract %slice3A_449[0] : i32 from vector<1xi32>
        %broadcast_in_dim3A_451 = vector.broadcast %squeeze3A_450 : i32 to vector<16xi32>
        %gt3A_452 = arith.constant 6 : i32
        %gt3A_453 = vector.broadcast %gt3A_452 : i32 to vector<16xi32>
        %gt3A_454 = arith.cmpi sgt, %iota3A, %gt3A_453 : vector<16xi32>
        %eq3A_455 = arith.cmpi eq, %and3A_368, %broadcast_in_dim3A_451 : vector<16xi32>
        %and3A_456 = arith.andi %gt3A_454, %eq3A_455 : vector<16xi1>
        %jit3A_457 = arith.constant 1 : i32
        %jit3A_458 = arith.constant 0 : i32
        %broadcast_in_dim3A_459 = vector.broadcast %jit3A_457 : i32 to vector<16xi32>
        %broadcast_in_dim3A_460 = vector.broadcast %jit3A_458 : i32 to vector<16xi32>
        %select_n3A_461 = arith.select %and3A_456, %broadcast_in_dim3A_459, %broadcast_in_dim3A_460 : vector<16xi1>, vector<16xi32>
        %add3A_462 = arith.addi %add3A_448, %select_n3A_461 : vector<16xi32>
        %slice3A_463 = vector.extract_strided_slice %and3A_368 {offsets = [7], sizes = [1], strides = [1]} : vector<16xi32> to vector<1xi32>
        %squeeze3A_464 = vector.extract %slice3A_463[0] : i32 from vector<1xi32>
        %broadcast_in_dim3A_465 = vector.broadcast %squeeze3A_464 : i32 to vector<16xi32>
        %gt3A_466 = arith.constant 7 : i32
        %gt3A_467 = vector.broadcast %gt3A_466 : i32 to vector<16xi32>
        %gt3A_468 = arith.cmpi sgt, %iota3A, %gt3A_467 : vector<16xi32>
        %eq3A_469 = arith.cmpi eq, %and3A_368, %broadcast_in_dim3A_465 : vector<16xi32>
        %and3A_470 = arith.andi %gt3A_468, %eq3A_469 : vector<16xi1>
        %jit3A_471 = arith.constant 1 : i32
        %jit3A_472 = arith.constant 0 : i32
        %broadcast_in_dim3A_473 = vector.broadcast %jit3A_471 : i32 to vector<16xi32>
        %broadcast_in_dim3A_474 = vector.broadcast %jit3A_472 : i32 to vector<16xi32>
        %select_n3A_475 = arith.select %and3A_470, %broadcast_in_dim3A_473, %broadcast_in_dim3A_474 : vector<16xi1>, vector<16xi32>
        %add3A_476 = arith.addi %add3A_462, %select_n3A_475 : vector<16xi32>
        %slice3A_477 = vector.extract_strided_slice %and3A_368 {offsets = [8], sizes = [1], strides = [1]} : vector<16xi32> to vector<1xi32>
        %squeeze3A_478 = vector.extract %slice3A_477[0] : i32 from vector<1xi32>
        %broadcast_in_dim3A_479 = vector.broadcast %squeeze3A_478 : i32 to vector<16xi32>
        %gt3A_480 = arith.constant 8 : i32
        %gt3A_481 = vector.broadcast %gt3A_480 : i32 to vector<16xi32>
        %gt3A_482 = arith.cmpi sgt, %iota3A, %gt3A_481 : vector<16xi32>
        %eq3A_483 = arith.cmpi eq, %and3A_368, %broadcast_in_dim3A_479 : vector<16xi32>
        %and3A_484 = arith.andi %gt3A_482, %eq3A_483 : vector<16xi1>
        %jit3A_485 = arith.constant 1 : i32
        %jit3A_486 = arith.constant 0 : i32
        %broadcast_in_dim3A_487 = vector.broadcast %jit3A_485 : i32 to vector<16xi32>
        %broadcast_in_dim3A_488 = vector.broadcast %jit3A_486 : i32 to vector<16xi32>
        %select_n3A_489 = arith.select %and3A_484, %broadcast_in_dim3A_487, %broadcast_in_dim3A_488 : vector<16xi1>, vector<16xi32>
        %add3A_490 = arith.addi %add3A_476, %select_n3A_489 : vector<16xi32>
        %slice3A_491 = vector.extract_strided_slice %and3A_368 {offsets = [9], sizes = [1], strides = [1]} : vector<16xi32> to vector<1xi32>
        %squeeze3A_492 = vector.extract %slice3A_491[0] : i32 from vector<1xi32>
        %broadcast_in_dim3A_493 = vector.broadcast %squeeze3A_492 : i32 to vector<16xi32>
        %gt3A_494 = arith.constant 9 : i32
        %gt3A_495 = vector.broadcast %gt3A_494 : i32 to vector<16xi32>
        %gt3A_496 = arith.cmpi sgt, %iota3A, %gt3A_495 : vector<16xi32>
        %eq3A_497 = arith.cmpi eq, %and3A_368, %broadcast_in_dim3A_493 : vector<16xi32>
        %and3A_498 = arith.andi %gt3A_496, %eq3A_497 : vector<16xi1>
        %jit3A_499 = arith.constant 1 : i32
        %jit3A_500 = arith.constant 0 : i32
        %broadcast_in_dim3A_501 = vector.broadcast %jit3A_499 : i32 to vector<16xi32>
        %broadcast_in_dim3A_502 = vector.broadcast %jit3A_500 : i32 to vector<16xi32>
        %select_n3A_503 = arith.select %and3A_498, %broadcast_in_dim3A_501, %broadcast_in_dim3A_502 : vector<16xi1>, vector<16xi32>
        %add3A_504 = arith.addi %add3A_490, %select_n3A_503 : vector<16xi32>
        %slice3A_505 = vector.extract_strided_slice %and3A_368 {offsets = [10], sizes = [1], strides = [1]} : vector<16xi32> to vector<1xi32>
        %squeeze3A_506 = vector.extract %slice3A_505[0] : i32 from vector<1xi32>
        %broadcast_in_dim3A_507 = vector.broadcast %squeeze3A_506 : i32 to vector<16xi32>
        %gt3A_508 = arith.constant 10 : i32
        %gt3A_509 = vector.broadcast %gt3A_508 : i32 to vector<16xi32>
        %gt3A_510 = arith.cmpi sgt, %iota3A, %gt3A_509 : vector<16xi32>
        %eq3A_511 = arith.cmpi eq, %and3A_368, %broadcast_in_dim3A_507 : vector<16xi32>
        %and3A_512 = arith.andi %gt3A_510, %eq3A_511 : vector<16xi1>
        %jit3A_513 = arith.constant 1 : i32
        %jit3A_514 = arith.constant 0 : i32
        %broadcast_in_dim3A_515 = vector.broadcast %jit3A_513 : i32 to vector<16xi32>
        %broadcast_in_dim3A_516 = vector.broadcast %jit3A_514 : i32 to vector<16xi32>
        %select_n3A_517 = arith.select %and3A_512, %broadcast_in_dim3A_515, %broadcast_in_dim3A_516 : vector<16xi1>, vector<16xi32>
        %add3A_518 = arith.addi %add3A_504, %select_n3A_517 : vector<16xi32>
        %slice3A_519 = vector.extract_strided_slice %and3A_368 {offsets = [11], sizes = [1], strides = [1]} : vector<16xi32> to vector<1xi32>
        %squeeze3A_520 = vector.extract %slice3A_519[0] : i32 from vector<1xi32>
        %broadcast_in_dim3A_521 = vector.broadcast %squeeze3A_520 : i32 to vector<16xi32>
        %gt3A_522 = arith.constant 11 : i32
        %gt3A_523 = vector.broadcast %gt3A_522 : i32 to vector<16xi32>
        %gt3A_524 = arith.cmpi sgt, %iota3A, %gt3A_523 : vector<16xi32>
        %eq3A_525 = arith.cmpi eq, %and3A_368, %broadcast_in_dim3A_521 : vector<16xi32>
        %and3A_526 = arith.andi %gt3A_524, %eq3A_525 : vector<16xi1>
        %jit3A_527 = arith.constant 1 : i32
        %jit3A_528 = arith.constant 0 : i32
        %broadcast_in_dim3A_529 = vector.broadcast %jit3A_527 : i32 to vector<16xi32>
        %broadcast_in_dim3A_530 = vector.broadcast %jit3A_528 : i32 to vector<16xi32>
        %select_n3A_531 = arith.select %and3A_526, %broadcast_in_dim3A_529, %broadcast_in_dim3A_530 : vector<16xi1>, vector<16xi32>
        %add3A_532 = arith.addi %add3A_518, %select_n3A_531 : vector<16xi32>
        %slice3A_533 = vector.extract_strided_slice %and3A_368 {offsets = [12], sizes = [1], strides = [1]} : vector<16xi32> to vector<1xi32>
        %squeeze3A_534 = vector.extract %slice3A_533[0] : i32 from vector<1xi32>
        %broadcast_in_dim3A_535 = vector.broadcast %squeeze3A_534 : i32 to vector<16xi32>
        %gt3A_536 = arith.constant 12 : i32
        %gt3A_537 = vector.broadcast %gt3A_536 : i32 to vector<16xi32>
        %gt3A_538 = arith.cmpi sgt, %iota3A, %gt3A_537 : vector<16xi32>
        %eq3A_539 = arith.cmpi eq, %and3A_368, %broadcast_in_dim3A_535 : vector<16xi32>
        %and3A_540 = arith.andi %gt3A_538, %eq3A_539 : vector<16xi1>
        %jit3A_541 = arith.constant 1 : i32
        %jit3A_542 = arith.constant 0 : i32
        %broadcast_in_dim3A_543 = vector.broadcast %jit3A_541 : i32 to vector<16xi32>
        %broadcast_in_dim3A_544 = vector.broadcast %jit3A_542 : i32 to vector<16xi32>
        %select_n3A_545 = arith.select %and3A_540, %broadcast_in_dim3A_543, %broadcast_in_dim3A_544 : vector<16xi1>, vector<16xi32>
        %add3A_546 = arith.addi %add3A_532, %select_n3A_545 : vector<16xi32>
        %slice3A_547 = vector.extract_strided_slice %and3A_368 {offsets = [13], sizes = [1], strides = [1]} : vector<16xi32> to vector<1xi32>
        %squeeze3A_548 = vector.extract %slice3A_547[0] : i32 from vector<1xi32>
        %broadcast_in_dim3A_549 = vector.broadcast %squeeze3A_548 : i32 to vector<16xi32>
        %gt3A_550 = arith.constant 13 : i32
        %gt3A_551 = vector.broadcast %gt3A_550 : i32 to vector<16xi32>
        %gt3A_552 = arith.cmpi sgt, %iota3A, %gt3A_551 : vector<16xi32>
        %eq3A_553 = arith.cmpi eq, %and3A_368, %broadcast_in_dim3A_549 : vector<16xi32>
        %and3A_554 = arith.andi %gt3A_552, %eq3A_553 : vector<16xi1>
        %jit3A_555 = arith.constant 1 : i32
        %jit3A_556 = arith.constant 0 : i32
        %broadcast_in_dim3A_557 = vector.broadcast %jit3A_555 : i32 to vector<16xi32>
        %broadcast_in_dim3A_558 = vector.broadcast %jit3A_556 : i32 to vector<16xi32>
        %select_n3A_559 = arith.select %and3A_554, %broadcast_in_dim3A_557, %broadcast_in_dim3A_558 : vector<16xi1>, vector<16xi32>
        %add3A_560 = arith.addi %add3A_546, %select_n3A_559 : vector<16xi32>
        %slice3A_561 = vector.extract_strided_slice %and3A_368 {offsets = [14], sizes = [1], strides = [1]} : vector<16xi32> to vector<1xi32>
        %squeeze3A_562 = vector.extract %slice3A_561[0] : i32 from vector<1xi32>
        %broadcast_in_dim3A_563 = vector.broadcast %squeeze3A_562 : i32 to vector<16xi32>
        %gt3A_564 = arith.constant 14 : i32
        %gt3A_565 = vector.broadcast %gt3A_564 : i32 to vector<16xi32>
        %gt3A_566 = arith.cmpi sgt, %iota3A, %gt3A_565 : vector<16xi32>
        %eq3A_567 = arith.cmpi eq, %and3A_368, %broadcast_in_dim3A_563 : vector<16xi32>
        %and3A_568 = arith.andi %gt3A_566, %eq3A_567 : vector<16xi1>
        %jit3A_569 = arith.constant 1 : i32
        %jit3A_570 = arith.constant 0 : i32
        %broadcast_in_dim3A_571 = vector.broadcast %jit3A_569 : i32 to vector<16xi32>
        %broadcast_in_dim3A_572 = vector.broadcast %jit3A_570 : i32 to vector<16xi32>
        %select_n3A_573 = arith.select %and3A_568, %broadcast_in_dim3A_571, %broadcast_in_dim3A_572 : vector<16xi1>, vector<16xi32>
        %add3A_574 = arith.addi %add3A_560, %select_n3A_573 : vector<16xi32>
        %gather3A = tpu.vector_load_idx %arg16[%and3A_368] : memref<256xi32, #tpu.memory_space<vmem>>[vector<16xi32>], vector<16xi32>,
        %add3A_575 = arith.addi %gather3A, %add3A_574 : vector<16xi32>
        tpu.vector_store_idx %arg12[%add3A_575], %get3A_361 : memref<5136xi32, #tpu.memory_space<vmem>>[vector<16xi32>], vector<16xi32>,
        tpu.vector_store_idx %arg13[%add3A_575], %get3A_363 : memref<5136xi32, #tpu.memory_space<vmem>>[vector<16xi32>], vector<16xi32>,
        tpu.vector_store_idx %arg16[%and3A_368], %broadcast_in_dim3A_7 {add = true} : memref<256xi32, #tpu.memory_space<vmem>>[vector<16xi32>], vector<16xi32>,
        %while3A_576 = arith.constant 0 : i32
        scf.yield %while3A_576 : i32
      }
      %swap3A_165 = arith.constant 0 : index
      %swap3A_166 = tpu.vector_load %arg16[%swap3A_165] {strides = array<i32>} : memref<256xi32, #tpu.memory_space<vmem>>, vector<16xi32>,
      tpu.vector_store %arg16[%swap3A_165], %broadcast_in_dim3A_5 {strides = array<i32>} : memref<256xi32, #tpu.memory_space<vmem>>, vector<16xi32>,
      %swap3A_167 = arith.constant 16 : index
      %swap3A_168 = tpu.vector_load %arg16[%swap3A_167] {strides = array<i32>} : memref<256xi32, #tpu.memory_space<vmem>>, vector<16xi32>,
      tpu.vector_store %arg16[%swap3A_167], %broadcast_in_dim3A_5 {strides = array<i32>} : memref<256xi32, #tpu.memory_space<vmem>>, vector<16xi32>,
      %swap3A_169 = arith.constant 32 : index
      %swap3A_170 = tpu.vector_load %arg16[%swap3A_169] {strides = array<i32>} : memref<256xi32, #tpu.memory_space<vmem>>, vector<16xi32>,
      tpu.vector_store %arg16[%swap3A_169], %broadcast_in_dim3A_5 {strides = array<i32>} : memref<256xi32, #tpu.memory_space<vmem>>, vector<16xi32>,
      %swap3A_171 = arith.constant 48 : index
      %swap3A_172 = tpu.vector_load %arg16[%swap3A_171] {strides = array<i32>} : memref<256xi32, #tpu.memory_space<vmem>>, vector<16xi32>,
      tpu.vector_store %arg16[%swap3A_171], %broadcast_in_dim3A_5 {strides = array<i32>} : memref<256xi32, #tpu.memory_space<vmem>>, vector<16xi32>,
      %swap3A_173 = arith.constant 64 : index
      %swap3A_174 = tpu.vector_load %arg16[%swap3A_173] {strides = array<i32>} : memref<256xi32, #tpu.memory_space<vmem>>, vector<16xi32>,
      tpu.vector_store %arg16[%swap3A_173], %broadcast_in_dim3A_5 {strides = array<i32>} : memref<256xi32, #tpu.memory_space<vmem>>, vector<16xi32>,
      %swap3A_175 = arith.constant 80 : index
      %swap3A_176 = tpu.vector_load %arg16[%swap3A_175] {strides = array<i32>} : memref<256xi32, #tpu.memory_space<vmem>>, vector<16xi32>,
      tpu.vector_store %arg16[%swap3A_175], %broadcast_in_dim3A_5 {strides = array<i32>} : memref<256xi32, #tpu.memory_space<vmem>>, vector<16xi32>,
      %swap3A_177 = arith.constant 96 : index
      %swap3A_178 = tpu.vector_load %arg16[%swap3A_177] {strides = array<i32>} : memref<256xi32, #tpu.memory_space<vmem>>, vector<16xi32>,
      tpu.vector_store %arg16[%swap3A_177], %broadcast_in_dim3A_5 {strides = array<i32>} : memref<256xi32, #tpu.memory_space<vmem>>, vector<16xi32>,
      %swap3A_179 = arith.constant 112 : index
      %swap3A_180 = tpu.vector_load %arg16[%swap3A_179] {strides = array<i32>} : memref<256xi32, #tpu.memory_space<vmem>>, vector<16xi32>,
      tpu.vector_store %arg16[%swap3A_179], %broadcast_in_dim3A_5 {strides = array<i32>} : memref<256xi32, #tpu.memory_space<vmem>>, vector<16xi32>,
      %swap3A_181 = arith.constant 128 : index
      %swap3A_182 = tpu.vector_load %arg16[%swap3A_181] {strides = array<i32>} : memref<256xi32, #tpu.memory_space<vmem>>, vector<16xi32>,
      tpu.vector_store %arg16[%swap3A_181], %broadcast_in_dim3A_5 {strides = array<i32>} : memref<256xi32, #tpu.memory_space<vmem>>, vector<16xi32>,
      %swap3A_183 = arith.constant 144 : index
      %swap3A_184 = tpu.vector_load %arg16[%swap3A_183] {strides = array<i32>} : memref<256xi32, #tpu.memory_space<vmem>>, vector<16xi32>,
      tpu.vector_store %arg16[%swap3A_183], %broadcast_in_dim3A_5 {strides = array<i32>} : memref<256xi32, #tpu.memory_space<vmem>>, vector<16xi32>,
      %swap3A_185 = arith.constant 160 : index
      %swap3A_186 = tpu.vector_load %arg16[%swap3A_185] {strides = array<i32>} : memref<256xi32, #tpu.memory_space<vmem>>, vector<16xi32>,
      tpu.vector_store %arg16[%swap3A_185], %broadcast_in_dim3A_5 {strides = array<i32>} : memref<256xi32, #tpu.memory_space<vmem>>, vector<16xi32>,
      %swap3A_187 = arith.constant 176 : index
      %swap3A_188 = tpu.vector_load %arg16[%swap3A_187] {strides = array<i32>} : memref<256xi32, #tpu.memory_space<vmem>>, vector<16xi32>,
      tpu.vector_store %arg16[%swap3A_187], %broadcast_in_dim3A_5 {strides = array<i32>} : memref<256xi32, #tpu.memory_space<vmem>>, vector<16xi32>,
      %swap3A_189 = arith.constant 192 : index
      %swap3A_190 = tpu.vector_load %arg16[%swap3A_189] {strides = array<i32>} : memref<256xi32, #tpu.memory_space<vmem>>, vector<16xi32>,
      tpu.vector_store %arg16[%swap3A_189], %broadcast_in_dim3A_5 {strides = array<i32>} : memref<256xi32, #tpu.memory_space<vmem>>, vector<16xi32>,
      %swap3A_191 = arith.constant 208 : index
      %swap3A_192 = tpu.vector_load %arg16[%swap3A_191] {strides = array<i32>} : memref<256xi32, #tpu.memory_space<vmem>>, vector<16xi32>,
      tpu.vector_store %arg16[%swap3A_191], %broadcast_in_dim3A_5 {strides = array<i32>} : memref<256xi32, #tpu.memory_space<vmem>>, vector<16xi32>,
      %swap3A_193 = arith.constant 224 : index
      %swap3A_194 = tpu.vector_load %arg16[%swap3A_193] {strides = array<i32>} : memref<256xi32, #tpu.memory_space<vmem>>, vector<16xi32>,
      tpu.vector_store %arg16[%swap3A_193], %broadcast_in_dim3A_5 {strides = array<i32>} : memref<256xi32, #tpu.memory_space<vmem>>, vector<16xi32>,
      %swap3A_195 = arith.constant 240 : index
      %swap3A_196 = tpu.vector_load %arg16[%swap3A_195] {strides = array<i32>} : memref<256xi32, #tpu.memory_space<vmem>>, vector<16xi32>,
      tpu.vector_store %arg16[%swap3A_195], %broadcast_in_dim3A_5 {strides = array<i32>} : memref<256xi32, #tpu.memory_space<vmem>>, vector<16xi32>,
      %while3A_197 = arith.constant 0 : i32
      %while3A_198 = arith.constant 0 : i32
      %while3A_199 = arith.subi %select_n3A, %while3A_197 : i32
      %while3A_200 = arith.addi %while3A_197, %while3A_199 : i32
      %while3A_201 = arith.constant 1 : i32
      %while3A_202 = arith.divsi %while3A_199, %while3A_201 : i32
      %while3A_203 = arith.muli %while3A_202, %while3A_201 : i32
      %while3A_204 = arith.addi %while3A_197, %while3A_203 : i32
      %while3A_205 = arith.constant 1 : i32
      %while3A_206 = scf.for %while3A_357 = %while3A_197 to %while3A_204 step %while3A_205 iter_args(%while3A_358 = %while3A_198) -> (i32)  : i32 {
        %mul3A_359 = arith.constant 16 : i32
        %mul3A_360 = arith.muli %while3A_357, %mul3A_359 : i32
        %get3A = arith.index_cast %mul3A_360 : i32 to index
        %get3A_361 = tpu.vector_load %arg12[%get3A] {strides = array<i32>} : memref<5136xi32, #tpu.memory_space<vmem>>, vector<16xi32>,
        %shift_right_logical3A = arith.constant 16 : i32
        %shift_right_logical3A_362 = vector.broadcast %shift_right_logical3A : i32 to vector<16xi32>
        %shift_right_logical3A_363 = arith.shrui %get3A_361, %shift_right_logical3A_362 : vector<16xi32>
        %and3A_364 = arith.constant 255 : i32
        %and3A_365 = vector.broadcast %and3A_364 : i32 to vector<16xi32>
        %and3A_366 = arith.andi %shift_right_logical3A_363, %and3A_365 : vector<16xi32>
        tpu.vector_store_idx %arg16[%and3A_366], %broadcast_in_dim3A_7 {add = true} : memref<256xi32, #tpu.memory_space<vmem>>[vector<16xi32>], vector<16xi32>,
        %while3A_367 = arith.constant 0 : i32
        scf.yield %while3A_367 : i32
      }
      %while3A_207 = arith.constant 1 : i32
      %while3A_208 = scf.for %while3A_357 = %while3A_204 to %while3A_200 step %while3A_207 iter_args(%while3A_358 = %while3A_206) -> (i32)  : i32 {
        %mul3A_359 = arith.constant 16 : i32
        %mul3A_360 = arith.muli %while3A_357, %mul3A_359 : i32
        %get3A = arith.index_cast %mul3A_360 : i32 to index
        %get3A_361 = tpu.vector_load %arg12[%get3A] {strides = array<i32>} : memref<5136xi32, #tpu.memory_space<vmem>>, vector<16xi32>,
        %shift_right_logical3A = arith.constant 16 : i32
        %shift_right_logical3A_362 = vector.broadcast %shift_right_logical3A : i32 to vector<16xi32>
        %shift_right_logical3A_363 = arith.shrui %get3A_361, %shift_right_logical3A_362 : vector<16xi32>
        %and3A_364 = arith.constant 255 : i32
        %and3A_365 = vector.broadcast %and3A_364 : i32 to vector<16xi32>
        %and3A_366 = arith.andi %shift_right_logical3A_363, %and3A_365 : vector<16xi32>
        tpu.vector_store_idx %arg16[%and3A_366], %broadcast_in_dim3A_7 {add = true} : memref<256xi32, #tpu.memory_space<vmem>>[vector<16xi32>], vector<16xi32>,
        %while3A_367 = arith.constant 0 : i32
        scf.yield %while3A_367 : i32
      }
      %scan3A_209 = arith.constant 0 : i32
      %scan3A_210 = arith.constant 0 : i32
      %scan3A_211 = arith.constant 16 : i32
      %scan3A_212 = arith.addi %scan3A_210, %scan3A_211 : i32
      %scan3A_213 = arith.constant 1 : i32
      %scan3A_214 = scf.for %scan3A_357 = %scan3A_210 to %scan3A_212 step %scan3A_213 iter_args(%scan3A_358 = %scan3A_209) -> (i32)  : i32 {
        %mul3A_359 = arith.constant 16 : i32
        %mul3A_360 = arith.muli %scan3A_357, %mul3A_359 : i32
        %get3A = arith.index_cast %mul3A_360 : i32 to index
        %get3A_361 = tpu.vector_load %arg16[%get3A] {strides = array<i32>} : memref<256xi32, #tpu.memory_space<vmem>>, vector<16xi32>,
        %eq3A = arith.constant 0 : i32
        %eq3A_362 = vector.broadcast %eq3A : i32 to vector<16xi32>
        %eq3A_363 = arith.cmpi eq, %iota3A, %eq3A_362 : vector<16xi32>
        %broadcast_in_dim3A_364 = vector.broadcast %scan3A_358 : i32 to vector<16xi32>
        %select_n3A_365 = arith.select %eq3A_363, %broadcast_in_dim3A_364, %broadcast_in_dim3A_5 : vector<16xi1>, vector<16xi32>
        %slice3A = vector.extract_strided_slice %get3A_361 {offsets = [0], sizes = [1], strides = [1]} : vector<16xi32> to vector<1xi32>
        %squeeze3A = vector.extract %slice3A[0] : i32 from vector<1xi32>
        %add3A_366 = arith.addi %scan3A_358, %squeeze3A : i32
        %eq3A_367 = arith.constant 1 : i32
        %eq3A_368 = vector.broadcast %eq3A_367 : i32 to vector<16xi32>
        %eq3A_369 = arith.cmpi eq, %iota3A, %eq3A_368 : vector<16xi32>
        %broadcast_in_dim3A_370 = vector.broadcast %add3A_366 : i32 to vector<16xi32>
        %select_n3A_371 = arith.select %eq3A_369, %broadcast_in_dim3A_370, %select_n3A_365 : vector<16xi1>, vector<16xi32>
        %slice3A_372 = vector.extract_strided_slice %get3A_361 {offsets = [1], sizes = [1], strides = [1]} : vector<16xi32> to vector<1xi32>
        %squeeze3A_373 = vector.extract %slice3A_372[0] : i32 from vector<1xi32>
        %add3A_374 = arith.addi %add3A_366, %squeeze3A_373 : i32
        %eq3A_375 = arith.constant 2 : i32
        %eq3A_376 = vector.broadcast %eq3A_375 : i32 to vector<16xi32>
        %eq3A_377 = arith.cmpi eq, %iota3A, %eq3A_376 : vector<16xi32>
        %broadcast_in_dim3A_378 = vector.broadcast %add3A_374 : i32 to vector<16xi32>
        %select_n3A_379 = arith.select %eq3A_377, %broadcast_in_dim3A_378, %select_n3A_371 : vector<16xi1>, vector<16xi32>
        %slice3A_380 = vector.extract_strided_slice %get3A_361 {offsets = [2], sizes = [1], strides = [1]} : vector<16xi32> to vector<1xi32>
        %squeeze3A_381 = vector.extract %slice3A_380[0] : i32 from vector<1xi32>
        %add3A_382 = arith.addi %add3A_374, %squeeze3A_381 : i32
        %eq3A_383 = arith.constant 3 : i32
        %eq3A_384 = vector.broadcast %eq3A_383 : i32 to vector<16xi32>
        %eq3A_385 = arith.cmpi eq, %iota3A, %eq3A_384 : vector<16xi32>
        %broadcast_in_dim3A_386 = vector.broadcast %add3A_382 : i32 to vector<16xi32>
        %select_n3A_387 = arith.select %eq3A_385, %broadcast_in_dim3A_386, %select_n3A_379 : vector<16xi1>, vector<16xi32>
        %slice3A_388 = vector.extract_strided_slice %get3A_361 {offsets = [3], sizes = [1], strides = [1]} : vector<16xi32> to vector<1xi32>
        %squeeze3A_389 = vector.extract %slice3A_388[0] : i32 from vector<1xi32>
        %add3A_390 = arith.addi %add3A_382, %squeeze3A_389 : i32
        %eq3A_391 = arith.constant 4 : i32
        %eq3A_392 = vector.broadcast %eq3A_391 : i32 to vector<16xi32>
        %eq3A_393 = arith.cmpi eq, %iota3A, %eq3A_392 : vector<16xi32>
        %broadcast_in_dim3A_394 = vector.broadcast %add3A_390 : i32 to vector<16xi32>
        %select_n3A_395 = arith.select %eq3A_393, %broadcast_in_dim3A_394, %select_n3A_387 : vector<16xi1>, vector<16xi32>
        %slice3A_396 = vector.extract_strided_slice %get3A_361 {offsets = [4], sizes = [1], strides = [1]} : vector<16xi32> to vector<1xi32>
        %squeeze3A_397 = vector.extract %slice3A_396[0] : i32 from vector<1xi32>
        %add3A_398 = arith.addi %add3A_390, %squeeze3A_397 : i32
        %eq3A_399 = arith.constant 5 : i32
        %eq3A_400 = vector.broadcast %eq3A_399 : i32 to vector<16xi32>
        %eq3A_401 = arith.cmpi eq, %iota3A, %eq3A_400 : vector<16xi32>
        %broadcast_in_dim3A_402 = vector.broadcast %add3A_398 : i32 to vector<16xi32>
        %select_n3A_403 = arith.select %eq3A_401, %broadcast_in_dim3A_402, %select_n3A_395 : vector<16xi1>, vector<16xi32>
        %slice3A_404 = vector.extract_strided_slice %get3A_361 {offsets = [5], sizes = [1], strides = [1]} : vector<16xi32> to vector<1xi32>
        %squeeze3A_405 = vector.extract %slice3A_404[0] : i32 from vector<1xi32>
        %add3A_406 = arith.addi %add3A_398, %squeeze3A_405 : i32
        %eq3A_407 = arith.constant 6 : i32
        %eq3A_408 = vector.broadcast %eq3A_407 : i32 to vector<16xi32>
        %eq3A_409 = arith.cmpi eq, %iota3A, %eq3A_408 : vector<16xi32>
        %broadcast_in_dim3A_410 = vector.broadcast %add3A_406 : i32 to vector<16xi32>
        %select_n3A_411 = arith.select %eq3A_409, %broadcast_in_dim3A_410, %select_n3A_403 : vector<16xi1>, vector<16xi32>
        %slice3A_412 = vector.extract_strided_slice %get3A_361 {offsets = [6], sizes = [1], strides = [1]} : vector<16xi32> to vector<1xi32>
        %squeeze3A_413 = vector.extract %slice3A_412[0] : i32 from vector<1xi32>
        %add3A_414 = arith.addi %add3A_406, %squeeze3A_413 : i32
        %eq3A_415 = arith.constant 7 : i32
        %eq3A_416 = vector.broadcast %eq3A_415 : i32 to vector<16xi32>
        %eq3A_417 = arith.cmpi eq, %iota3A, %eq3A_416 : vector<16xi32>
        %broadcast_in_dim3A_418 = vector.broadcast %add3A_414 : i32 to vector<16xi32>
        %select_n3A_419 = arith.select %eq3A_417, %broadcast_in_dim3A_418, %select_n3A_411 : vector<16xi1>, vector<16xi32>
        %slice3A_420 = vector.extract_strided_slice %get3A_361 {offsets = [7], sizes = [1], strides = [1]} : vector<16xi32> to vector<1xi32>
        %squeeze3A_421 = vector.extract %slice3A_420[0] : i32 from vector<1xi32>
        %add3A_422 = arith.addi %add3A_414, %squeeze3A_421 : i32
        %eq3A_423 = arith.constant 8 : i32
        %eq3A_424 = vector.broadcast %eq3A_423 : i32 to vector<16xi32>
        %eq3A_425 = arith.cmpi eq, %iota3A, %eq3A_424 : vector<16xi32>
        %broadcast_in_dim3A_426 = vector.broadcast %add3A_422 : i32 to vector<16xi32>
        %select_n3A_427 = arith.select %eq3A_425, %broadcast_in_dim3A_426, %select_n3A_419 : vector<16xi1>, vector<16xi32>
        %slice3A_428 = vector.extract_strided_slice %get3A_361 {offsets = [8], sizes = [1], strides = [1]} : vector<16xi32> to vector<1xi32>
        %squeeze3A_429 = vector.extract %slice3A_428[0] : i32 from vector<1xi32>
        %add3A_430 = arith.addi %add3A_422, %squeeze3A_429 : i32
        %eq3A_431 = arith.constant 9 : i32
        %eq3A_432 = vector.broadcast %eq3A_431 : i32 to vector<16xi32>
        %eq3A_433 = arith.cmpi eq, %iota3A, %eq3A_432 : vector<16xi32>
        %broadcast_in_dim3A_434 = vector.broadcast %add3A_430 : i32 to vector<16xi32>
        %select_n3A_435 = arith.select %eq3A_433, %broadcast_in_dim3A_434, %select_n3A_427 : vector<16xi1>, vector<16xi32>
        %slice3A_436 = vector.extract_strided_slice %get3A_361 {offsets = [9], sizes = [1], strides = [1]} : vector<16xi32> to vector<1xi32>
        %squeeze3A_437 = vector.extract %slice3A_436[0] : i32 from vector<1xi32>
        %add3A_438 = arith.addi %add3A_430, %squeeze3A_437 : i32
        %eq3A_439 = arith.constant 10 : i32
        %eq3A_440 = vector.broadcast %eq3A_439 : i32 to vector<16xi32>
        %eq3A_441 = arith.cmpi eq, %iota3A, %eq3A_440 : vector<16xi32>
        %broadcast_in_dim3A_442 = vector.broadcast %add3A_438 : i32 to vector<16xi32>
        %select_n3A_443 = arith.select %eq3A_441, %broadcast_in_dim3A_442, %select_n3A_435 : vector<16xi1>, vector<16xi32>
        %slice3A_444 = vector.extract_strided_slice %get3A_361 {offsets = [10], sizes = [1], strides = [1]} : vector<16xi32> to vector<1xi32>
        %squeeze3A_445 = vector.extract %slice3A_444[0] : i32 from vector<1xi32>
        %add3A_446 = arith.addi %add3A_438, %squeeze3A_445 : i32
        %eq3A_447 = arith.constant 11 : i32
        %eq3A_448 = vector.broadcast %eq3A_447 : i32 to vector<16xi32>
        %eq3A_449 = arith.cmpi eq, %iota3A, %eq3A_448 : vector<16xi32>
        %broadcast_in_dim3A_450 = vector.broadcast %add3A_446 : i32 to vector<16xi32>
        %select_n3A_451 = arith.select %eq3A_449, %broadcast_in_dim3A_450, %select_n3A_443 : vector<16xi1>, vector<16xi32>
        %slice3A_452 = vector.extract_strided_slice %get3A_361 {offsets = [11], sizes = [1], strides = [1]} : vector<16xi32> to vector<1xi32>
        %squeeze3A_453 = vector.extract %slice3A_452[0] : i32 from vector<1xi32>
        %add3A_454 = arith.addi %add3A_446, %squeeze3A_453 : i32
        %eq3A_455 = arith.constant 12 : i32
        %eq3A_456 = vector.broadcast %eq3A_455 : i32 to vector<16xi32>
        %eq3A_457 = arith.cmpi eq, %iota3A, %eq3A_456 : vector<16xi32>
        %broadcast_in_dim3A_458 = vector.broadcast %add3A_454 : i32 to vector<16xi32>
        %select_n3A_459 = arith.select %eq3A_457, %broadcast_in_dim3A_458, %select_n3A_451 : vector<16xi1>, vector<16xi32>
        %slice3A_460 = vector.extract_strided_slice %get3A_361 {offsets = [12], sizes = [1], strides = [1]} : vector<16xi32> to vector<1xi32>
        %squeeze3A_461 = vector.extract %slice3A_460[0] : i32 from vector<1xi32>
        %add3A_462 = arith.addi %add3A_454, %squeeze3A_461 : i32
        %eq3A_463 = arith.constant 13 : i32
        %eq3A_464 = vector.broadcast %eq3A_463 : i32 to vector<16xi32>
        %eq3A_465 = arith.cmpi eq, %iota3A, %eq3A_464 : vector<16xi32>
        %broadcast_in_dim3A_466 = vector.broadcast %add3A_462 : i32 to vector<16xi32>
        %select_n3A_467 = arith.select %eq3A_465, %broadcast_in_dim3A_466, %select_n3A_459 : vector<16xi1>, vector<16xi32>
        %slice3A_468 = vector.extract_strided_slice %get3A_361 {offsets = [13], sizes = [1], strides = [1]} : vector<16xi32> to vector<1xi32>
        %squeeze3A_469 = vector.extract %slice3A_468[0] : i32 from vector<1xi32>
        %add3A_470 = arith.addi %add3A_462, %squeeze3A_469 : i32
        %eq3A_471 = arith.constant 14 : i32
        %eq3A_472 = vector.broadcast %eq3A_471 : i32 to vector<16xi32>
        %eq3A_473 = arith.cmpi eq, %iota3A, %eq3A_472 : vector<16xi32>
        %broadcast_in_dim3A_474 = vector.broadcast %add3A_470 : i32 to vector<16xi32>
        %select_n3A_475 = arith.select %eq3A_473, %broadcast_in_dim3A_474, %select_n3A_467 : vector<16xi1>, vector<16xi32>
        %slice3A_476 = vector.extract_strided_slice %get3A_361 {offsets = [14], sizes = [1], strides = [1]} : vector<16xi32> to vector<1xi32>
        %squeeze3A_477 = vector.extract %slice3A_476[0] : i32 from vector<1xi32>
        %add3A_478 = arith.addi %add3A_470, %squeeze3A_477 : i32
        %eq3A_479 = arith.constant 15 : i32
        %eq3A_480 = vector.broadcast %eq3A_479 : i32 to vector<16xi32>
        %eq3A_481 = arith.cmpi eq, %iota3A, %eq3A_480 : vector<16xi32>
        %broadcast_in_dim3A_482 = vector.broadcast %add3A_478 : i32 to vector<16xi32>
        %select_n3A_483 = arith.select %eq3A_481, %broadcast_in_dim3A_482, %select_n3A_475 : vector<16xi1>, vector<16xi32>
        %slice3A_484 = vector.extract_strided_slice %get3A_361 {offsets = [15], sizes = [1], strides = [1]} : vector<16xi32> to vector<1xi32>
        %squeeze3A_485 = vector.extract %slice3A_484[0] : i32 from vector<1xi32>
        %add3A_486 = arith.addi %add3A_478, %squeeze3A_485 : i32
        %mul3A_487 = arith.constant 16 : i32
        %mul3A_488 = arith.muli %scan3A_357, %mul3A_487 : i32
        %swap3A_489 = arith.index_cast %mul3A_488 : i32 to index
        %swap3A_490 = tpu.vector_load %arg16[%swap3A_489] {strides = array<i32>} : memref<256xi32, #tpu.memory_space<vmem>>, vector<16xi32>,
        tpu.vector_store %arg16[%swap3A_489], %select_n3A_483 {strides = array<i32>} : memref<256xi32, #tpu.memory_space<vmem>>, vector<16xi32>,
        scf.yield %add3A_486 : i32
      }
      %scan3A_215 = arith.constant 16 : i32
      %while3A_216 = arith.constant 0 : i32
      %while3A_217 = arith.constant 0 : i32
      %while3A_218 = arith.subi %select_n3A, %while3A_216 : i32
      %while3A_219 = arith.addi %while3A_216, %while3A_218 : i32
      %while3A_220 = arith.constant 1 : i32
      %while3A_221 = arith.divsi %while3A_218, %while3A_220 : i32
      %while3A_222 = arith.muli %while3A_221, %while3A_220 : i32
      %while3A_223 = arith.addi %while3A_216, %while3A_222 : i32
      %while3A_224 = arith.constant 1 : i32
      %while3A_225 = scf.for %while3A_357 = %while3A_216 to %while3A_223 step %while3A_224 iter_args(%while3A_358 = %while3A_217) -> (i32)  : i32 {
        %mul3A_359 = arith.constant 16 : i32
        %mul3A_360 = arith.muli %while3A_357, %mul3A_359 : i32
        %get3A = arith.index_cast %mul3A_360 : i32 to index
        %get3A_361 = tpu.vector_load %arg12[%get3A] {strides = array<i32>} : memref<5136xi32, #tpu.memory_space<vmem>>, vector<16xi32>,
        %get3A_362 = arith.index_cast %mul3A_360 : i32 to index
        %get3A_363 = tpu.vector_load %arg13[%get3A_362] {strides = array<i32>} : memref<5136xi32, #tpu.memory_space<vmem>>, vector<16xi32>,
        %shift_right_logical3A = arith.constant 16 : i32
        %shift_right_logical3A_364 = vector.broadcast %shift_right_logical3A : i32 to vector<16xi32>
        %shift_right_logical3A_365 = arith.shrui %get3A_361, %shift_right_logical3A_364 : vector<16xi32>
        %and3A_366 = arith.constant 255 : i32
        %and3A_367 = vector.broadcast %and3A_366 : i32 to vector<16xi32>
        %and3A_368 = arith.andi %shift_right_logical3A_365, %and3A_367 : vector<16xi32>
        %slice3A = vector.extract_strided_slice %and3A_368 {offsets = [0], sizes = [1], strides = [1]} : vector<16xi32> to vector<1xi32>
        %squeeze3A = vector.extract %slice3A[0] : i32 from vector<1xi32>
        %broadcast_in_dim3A_369 = vector.broadcast %squeeze3A : i32 to vector<16xi32>
        %gt3A = arith.constant 0 : i32
        %gt3A_370 = vector.broadcast %gt3A : i32 to vector<16xi32>
        %gt3A_371 = arith.cmpi sgt, %iota3A, %gt3A_370 : vector<16xi32>
        %eq3A = arith.cmpi eq, %and3A_368, %broadcast_in_dim3A_369 : vector<16xi32>
        %and3A_372 = arith.andi %gt3A_371, %eq3A : vector<16xi1>
        %jit3A_373 = arith.constant 1 : i32
        %jit3A_374 = arith.constant 0 : i32
        %broadcast_in_dim3A_375 = vector.broadcast %jit3A_373 : i32 to vector<16xi32>
        %broadcast_in_dim3A_376 = vector.broadcast %jit3A_374 : i32 to vector<16xi32>
        %select_n3A_377 = arith.select %and3A_372, %broadcast_in_dim3A_375, %broadcast_in_dim3A_376 : vector<16xi1>, vector<16xi32>
        %add3A_378 = arith.addi %broadcast_in_dim3A_5, %select_n3A_377 : vector<16xi32>
        %slice3A_379 = vector.extract_strided_slice %and3A_368 {offsets = [1], sizes = [1], strides = [1]} : vector<16xi32> to vector<1xi32>
        %squeeze3A_380 = vector.extract %slice3A_379[0] : i32 from vector<1xi32>
        %broadcast_in_dim3A_381 = vector.broadcast %squeeze3A_380 : i32 to vector<16xi32>
        %gt3A_382 = arith.constant 1 : i32
        %gt3A_383 = vector.broadcast %gt3A_382 : i32 to vector<16xi32>
        %gt3A_384 = arith.cmpi sgt, %iota3A, %gt3A_383 : vector<16xi32>
        %eq3A_385 = arith.cmpi eq, %and3A_368, %broadcast_in_dim3A_381 : vector<16xi32>
        %and3A_386 = arith.andi %gt3A_384, %eq3A_385 : vector<16xi1>
        %jit3A_387 = arith.constant 1 : i32
        %jit3A_388 = arith.constant 0 : i32
        %broadcast_in_dim3A_389 = vector.broadcast %jit3A_387 : i32 to vector<16xi32>
        %broadcast_in_dim3A_390 = vector.broadcast %jit3A_388 : i32 to vector<16xi32>
        %select_n3A_391 = arith.select %and3A_386, %broadcast_in_dim3A_389, %broadcast_in_dim3A_390 : vector<16xi1>, vector<16xi32>
        %add3A_392 = arith.addi %add3A_378, %select_n3A_391 : vector<16xi32>
        %slice3A_393 = vector.extract_strided_slice %and3A_368 {offsets = [2], sizes = [1], strides = [1]} : vector<16xi32> to vector<1xi32>
        %squeeze3A_394 = vector.extract %slice3A_393[0] : i32 from vector<1xi32>
        %broadcast_in_dim3A_395 = vector.broadcast %squeeze3A_394 : i32 to vector<16xi32>
        %gt3A_396 = arith.constant 2 : i32
        %gt3A_397 = vector.broadcast %gt3A_396 : i32 to vector<16xi32>
        %gt3A_398 = arith.cmpi sgt, %iota3A, %gt3A_397 : vector<16xi32>
        %eq3A_399 = arith.cmpi eq, %and3A_368, %broadcast_in_dim3A_395 : vector<16xi32>
        %and3A_400 = arith.andi %gt3A_398, %eq3A_399 : vector<16xi1>
        %jit3A_401 = arith.constant 1 : i32
        %jit3A_402 = arith.constant 0 : i32
        %broadcast_in_dim3A_403 = vector.broadcast %jit3A_401 : i32 to vector<16xi32>
        %broadcast_in_dim3A_404 = vector.broadcast %jit3A_402 : i32 to vector<16xi32>
        %select_n3A_405 = arith.select %and3A_400, %broadcast_in_dim3A_403, %broadcast_in_dim3A_404 : vector<16xi1>, vector<16xi32>
        %add3A_406 = arith.addi %add3A_392, %select_n3A_405 : vector<16xi32>
        %slice3A_407 = vector.extract_strided_slice %and3A_368 {offsets = [3], sizes = [1], strides = [1]} : vector<16xi32> to vector<1xi32>
        %squeeze3A_408 = vector.extract %slice3A_407[0] : i32 from vector<1xi32>
        %broadcast_in_dim3A_409 = vector.broadcast %squeeze3A_408 : i32 to vector<16xi32>
        %gt3A_410 = arith.constant 3 : i32
        %gt3A_411 = vector.broadcast %gt3A_410 : i32 to vector<16xi32>
        %gt3A_412 = arith.cmpi sgt, %iota3A, %gt3A_411 : vector<16xi32>
        %eq3A_413 = arith.cmpi eq, %and3A_368, %broadcast_in_dim3A_409 : vector<16xi32>
        %and3A_414 = arith.andi %gt3A_412, %eq3A_413 : vector<16xi1>
        %jit3A_415 = arith.constant 1 : i32
        %jit3A_416 = arith.constant 0 : i32
        %broadcast_in_dim3A_417 = vector.broadcast %jit3A_415 : i32 to vector<16xi32>
        %broadcast_in_dim3A_418 = vector.broadcast %jit3A_416 : i32 to vector<16xi32>
        %select_n3A_419 = arith.select %and3A_414, %broadcast_in_dim3A_417, %broadcast_in_dim3A_418 : vector<16xi1>, vector<16xi32>
        %add3A_420 = arith.addi %add3A_406, %select_n3A_419 : vector<16xi32>
        %slice3A_421 = vector.extract_strided_slice %and3A_368 {offsets = [4], sizes = [1], strides = [1]} : vector<16xi32> to vector<1xi32>
        %squeeze3A_422 = vector.extract %slice3A_421[0] : i32 from vector<1xi32>
        %broadcast_in_dim3A_423 = vector.broadcast %squeeze3A_422 : i32 to vector<16xi32>
        %gt3A_424 = arith.constant 4 : i32
        %gt3A_425 = vector.broadcast %gt3A_424 : i32 to vector<16xi32>
        %gt3A_426 = arith.cmpi sgt, %iota3A, %gt3A_425 : vector<16xi32>
        %eq3A_427 = arith.cmpi eq, %and3A_368, %broadcast_in_dim3A_423 : vector<16xi32>
        %and3A_428 = arith.andi %gt3A_426, %eq3A_427 : vector<16xi1>
        %jit3A_429 = arith.constant 1 : i32
        %jit3A_430 = arith.constant 0 : i32
        %broadcast_in_dim3A_431 = vector.broadcast %jit3A_429 : i32 to vector<16xi32>
        %broadcast_in_dim3A_432 = vector.broadcast %jit3A_430 : i32 to vector<16xi32>
        %select_n3A_433 = arith.select %and3A_428, %broadcast_in_dim3A_431, %broadcast_in_dim3A_432 : vector<16xi1>, vector<16xi32>
        %add3A_434 = arith.addi %add3A_420, %select_n3A_433 : vector<16xi32>
        %slice3A_435 = vector.extract_strided_slice %and3A_368 {offsets = [5], sizes = [1], strides = [1]} : vector<16xi32> to vector<1xi32>
        %squeeze3A_436 = vector.extract %slice3A_435[0] : i32 from vector<1xi32>
        %broadcast_in_dim3A_437 = vector.broadcast %squeeze3A_436 : i32 to vector<16xi32>
        %gt3A_438 = arith.constant 5 : i32
        %gt3A_439 = vector.broadcast %gt3A_438 : i32 to vector<16xi32>
        %gt3A_440 = arith.cmpi sgt, %iota3A, %gt3A_439 : vector<16xi32>
        %eq3A_441 = arith.cmpi eq, %and3A_368, %broadcast_in_dim3A_437 : vector<16xi32>
        %and3A_442 = arith.andi %gt3A_440, %eq3A_441 : vector<16xi1>
        %jit3A_443 = arith.constant 1 : i32
        %jit3A_444 = arith.constant 0 : i32
        %broadcast_in_dim3A_445 = vector.broadcast %jit3A_443 : i32 to vector<16xi32>
        %broadcast_in_dim3A_446 = vector.broadcast %jit3A_444 : i32 to vector<16xi32>
        %select_n3A_447 = arith.select %and3A_442, %broadcast_in_dim3A_445, %broadcast_in_dim3A_446 : vector<16xi1>, vector<16xi32>
        %add3A_448 = arith.addi %add3A_434, %select_n3A_447 : vector<16xi32>
        %slice3A_449 = vector.extract_strided_slice %and3A_368 {offsets = [6], sizes = [1], strides = [1]} : vector<16xi32> to vector<1xi32>
        %squeeze3A_450 = vector.extract %slice3A_449[0] : i32 from vector<1xi32>
        %broadcast_in_dim3A_451 = vector.broadcast %squeeze3A_450 : i32 to vector<16xi32>
        %gt3A_452 = arith.constant 6 : i32
        %gt3A_453 = vector.broadcast %gt3A_452 : i32 to vector<16xi32>
        %gt3A_454 = arith.cmpi sgt, %iota3A, %gt3A_453 : vector<16xi32>
        %eq3A_455 = arith.cmpi eq, %and3A_368, %broadcast_in_dim3A_451 : vector<16xi32>
        %and3A_456 = arith.andi %gt3A_454, %eq3A_455 : vector<16xi1>
        %jit3A_457 = arith.constant 1 : i32
        %jit3A_458 = arith.constant 0 : i32
        %broadcast_in_dim3A_459 = vector.broadcast %jit3A_457 : i32 to vector<16xi32>
        %broadcast_in_dim3A_460 = vector.broadcast %jit3A_458 : i32 to vector<16xi32>
        %select_n3A_461 = arith.select %and3A_456, %broadcast_in_dim3A_459, %broadcast_in_dim3A_460 : vector<16xi1>, vector<16xi32>
        %add3A_462 = arith.addi %add3A_448, %select_n3A_461 : vector<16xi32>
        %slice3A_463 = vector.extract_strided_slice %and3A_368 {offsets = [7], sizes = [1], strides = [1]} : vector<16xi32> to vector<1xi32>
        %squeeze3A_464 = vector.extract %slice3A_463[0] : i32 from vector<1xi32>
        %broadcast_in_dim3A_465 = vector.broadcast %squeeze3A_464 : i32 to vector<16xi32>
        %gt3A_466 = arith.constant 7 : i32
        %gt3A_467 = vector.broadcast %gt3A_466 : i32 to vector<16xi32>
        %gt3A_468 = arith.cmpi sgt, %iota3A, %gt3A_467 : vector<16xi32>
        %eq3A_469 = arith.cmpi eq, %and3A_368, %broadcast_in_dim3A_465 : vector<16xi32>
        %and3A_470 = arith.andi %gt3A_468, %eq3A_469 : vector<16xi1>
        %jit3A_471 = arith.constant 1 : i32
        %jit3A_472 = arith.constant 0 : i32
        %broadcast_in_dim3A_473 = vector.broadcast %jit3A_471 : i32 to vector<16xi32>
        %broadcast_in_dim3A_474 = vector.broadcast %jit3A_472 : i32 to vector<16xi32>
        %select_n3A_475 = arith.select %and3A_470, %broadcast_in_dim3A_473, %broadcast_in_dim3A_474 : vector<16xi1>, vector<16xi32>
        %add3A_476 = arith.addi %add3A_462, %select_n3A_475 : vector<16xi32>
        %slice3A_477 = vector.extract_strided_slice %and3A_368 {offsets = [8], sizes = [1], strides = [1]} : vector<16xi32> to vector<1xi32>
        %squeeze3A_478 = vector.extract %slice3A_477[0] : i32 from vector<1xi32>
        %broadcast_in_dim3A_479 = vector.broadcast %squeeze3A_478 : i32 to vector<16xi32>
        %gt3A_480 = arith.constant 8 : i32
        %gt3A_481 = vector.broadcast %gt3A_480 : i32 to vector<16xi32>
        %gt3A_482 = arith.cmpi sgt, %iota3A, %gt3A_481 : vector<16xi32>
        %eq3A_483 = arith.cmpi eq, %and3A_368, %broadcast_in_dim3A_479 : vector<16xi32>
        %and3A_484 = arith.andi %gt3A_482, %eq3A_483 : vector<16xi1>
        %jit3A_485 = arith.constant 1 : i32
        %jit3A_486 = arith.constant 0 : i32
        %broadcast_in_dim3A_487 = vector.broadcast %jit3A_485 : i32 to vector<16xi32>
        %broadcast_in_dim3A_488 = vector.broadcast %jit3A_486 : i32 to vector<16xi32>
        %select_n3A_489 = arith.select %and3A_484, %broadcast_in_dim3A_487, %broadcast_in_dim3A_488 : vector<16xi1>, vector<16xi32>
        %add3A_490 = arith.addi %add3A_476, %select_n3A_489 : vector<16xi32>
        %slice3A_491 = vector.extract_strided_slice %and3A_368 {offsets = [9], sizes = [1], strides = [1]} : vector<16xi32> to vector<1xi32>
        %squeeze3A_492 = vector.extract %slice3A_491[0] : i32 from vector<1xi32>
        %broadcast_in_dim3A_493 = vector.broadcast %squeeze3A_492 : i32 to vector<16xi32>
        %gt3A_494 = arith.constant 9 : i32
        %gt3A_495 = vector.broadcast %gt3A_494 : i32 to vector<16xi32>
        %gt3A_496 = arith.cmpi sgt, %iota3A, %gt3A_495 : vector<16xi32>
        %eq3A_497 = arith.cmpi eq, %and3A_368, %broadcast_in_dim3A_493 : vector<16xi32>
        %and3A_498 = arith.andi %gt3A_496, %eq3A_497 : vector<16xi1>
        %jit3A_499 = arith.constant 1 : i32
        %jit3A_500 = arith.constant 0 : i32
        %broadcast_in_dim3A_501 = vector.broadcast %jit3A_499 : i32 to vector<16xi32>
        %broadcast_in_dim3A_502 = vector.broadcast %jit3A_500 : i32 to vector<16xi32>
        %select_n3A_503 = arith.select %and3A_498, %broadcast_in_dim3A_501, %broadcast_in_dim3A_502 : vector<16xi1>, vector<16xi32>
        %add3A_504 = arith.addi %add3A_490, %select_n3A_503 : vector<16xi32>
        %slice3A_505 = vector.extract_strided_slice %and3A_368 {offsets = [10], sizes = [1], strides = [1]} : vector<16xi32> to vector<1xi32>
        %squeeze3A_506 = vector.extract %slice3A_505[0] : i32 from vector<1xi32>
        %broadcast_in_dim3A_507 = vector.broadcast %squeeze3A_506 : i32 to vector<16xi32>
        %gt3A_508 = arith.constant 10 : i32
        %gt3A_509 = vector.broadcast %gt3A_508 : i32 to vector<16xi32>
        %gt3A_510 = arith.cmpi sgt, %iota3A, %gt3A_509 : vector<16xi32>
        %eq3A_511 = arith.cmpi eq, %and3A_368, %broadcast_in_dim3A_507 : vector<16xi32>
        %and3A_512 = arith.andi %gt3A_510, %eq3A_511 : vector<16xi1>
        %jit3A_513 = arith.constant 1 : i32
        %jit3A_514 = arith.constant 0 : i32
        %broadcast_in_dim3A_515 = vector.broadcast %jit3A_513 : i32 to vector<16xi32>
        %broadcast_in_dim3A_516 = vector.broadcast %jit3A_514 : i32 to vector<16xi32>
        %select_n3A_517 = arith.select %and3A_512, %broadcast_in_dim3A_515, %broadcast_in_dim3A_516 : vector<16xi1>, vector<16xi32>
        %add3A_518 = arith.addi %add3A_504, %select_n3A_517 : vector<16xi32>
        %slice3A_519 = vector.extract_strided_slice %and3A_368 {offsets = [11], sizes = [1], strides = [1]} : vector<16xi32> to vector<1xi32>
        %squeeze3A_520 = vector.extract %slice3A_519[0] : i32 from vector<1xi32>
        %broadcast_in_dim3A_521 = vector.broadcast %squeeze3A_520 : i32 to vector<16xi32>
        %gt3A_522 = arith.constant 11 : i32
        %gt3A_523 = vector.broadcast %gt3A_522 : i32 to vector<16xi32>
        %gt3A_524 = arith.cmpi sgt, %iota3A, %gt3A_523 : vector<16xi32>
        %eq3A_525 = arith.cmpi eq, %and3A_368, %broadcast_in_dim3A_521 : vector<16xi32>
        %and3A_526 = arith.andi %gt3A_524, %eq3A_525 : vector<16xi1>
        %jit3A_527 = arith.constant 1 : i32
        %jit3A_528 = arith.constant 0 : i32
        %broadcast_in_dim3A_529 = vector.broadcast %jit3A_527 : i32 to vector<16xi32>
        %broadcast_in_dim3A_530 = vector.broadcast %jit3A_528 : i32 to vector<16xi32>
        %select_n3A_531 = arith.select %and3A_526, %broadcast_in_dim3A_529, %broadcast_in_dim3A_530 : vector<16xi1>, vector<16xi32>
        %add3A_532 = arith.addi %add3A_518, %select_n3A_531 : vector<16xi32>
        %slice3A_533 = vector.extract_strided_slice %and3A_368 {offsets = [12], sizes = [1], strides = [1]} : vector<16xi32> to vector<1xi32>
        %squeeze3A_534 = vector.extract %slice3A_533[0] : i32 from vector<1xi32>
        %broadcast_in_dim3A_535 = vector.broadcast %squeeze3A_534 : i32 to vector<16xi32>
        %gt3A_536 = arith.constant 12 : i32
        %gt3A_537 = vector.broadcast %gt3A_536 : i32 to vector<16xi32>
        %gt3A_538 = arith.cmpi sgt, %iota3A, %gt3A_537 : vector<16xi32>
        %eq3A_539 = arith.cmpi eq, %and3A_368, %broadcast_in_dim3A_535 : vector<16xi32>
        %and3A_540 = arith.andi %gt3A_538, %eq3A_539 : vector<16xi1>
        %jit3A_541 = arith.constant 1 : i32
        %jit3A_542 = arith.constant 0 : i32
        %broadcast_in_dim3A_543 = vector.broadcast %jit3A_541 : i32 to vector<16xi32>
        %broadcast_in_dim3A_544 = vector.broadcast %jit3A_542 : i32 to vector<16xi32>
        %select_n3A_545 = arith.select %and3A_540, %broadcast_in_dim3A_543, %broadcast_in_dim3A_544 : vector<16xi1>, vector<16xi32>
        %add3A_546 = arith.addi %add3A_532, %select_n3A_545 : vector<16xi32>
        %slice3A_547 = vector.extract_strided_slice %and3A_368 {offsets = [13], sizes = [1], strides = [1]} : vector<16xi32> to vector<1xi32>
        %squeeze3A_548 = vector.extract %slice3A_547[0] : i32 from vector<1xi32>
        %broadcast_in_dim3A_549 = vector.broadcast %squeeze3A_548 : i32 to vector<16xi32>
        %gt3A_550 = arith.constant 13 : i32
        %gt3A_551 = vector.broadcast %gt3A_550 : i32 to vector<16xi32>
        %gt3A_552 = arith.cmpi sgt, %iota3A, %gt3A_551 : vector<16xi32>
        %eq3A_553 = arith.cmpi eq, %and3A_368, %broadcast_in_dim3A_549 : vector<16xi32>
        %and3A_554 = arith.andi %gt3A_552, %eq3A_553 : vector<16xi1>
        %jit3A_555 = arith.constant 1 : i32
        %jit3A_556 = arith.constant 0 : i32
        %broadcast_in_dim3A_557 = vector.broadcast %jit3A_555 : i32 to vector<16xi32>
        %broadcast_in_dim3A_558 = vector.broadcast %jit3A_556 : i32 to vector<16xi32>
        %select_n3A_559 = arith.select %and3A_554, %broadcast_in_dim3A_557, %broadcast_in_dim3A_558 : vector<16xi1>, vector<16xi32>
        %add3A_560 = arith.addi %add3A_546, %select_n3A_559 : vector<16xi32>
        %slice3A_561 = vector.extract_strided_slice %and3A_368 {offsets = [14], sizes = [1], strides = [1]} : vector<16xi32> to vector<1xi32>
        %squeeze3A_562 = vector.extract %slice3A_561[0] : i32 from vector<1xi32>
        %broadcast_in_dim3A_563 = vector.broadcast %squeeze3A_562 : i32 to vector<16xi32>
        %gt3A_564 = arith.constant 14 : i32
        %gt3A_565 = vector.broadcast %gt3A_564 : i32 to vector<16xi32>
        %gt3A_566 = arith.cmpi sgt, %iota3A, %gt3A_565 : vector<16xi32>
        %eq3A_567 = arith.cmpi eq, %and3A_368, %broadcast_in_dim3A_563 : vector<16xi32>
        %and3A_568 = arith.andi %gt3A_566, %eq3A_567 : vector<16xi1>
        %jit3A_569 = arith.constant 1 : i32
        %jit3A_570 = arith.constant 0 : i32
        %broadcast_in_dim3A_571 = vector.broadcast %jit3A_569 : i32 to vector<16xi32>
        %broadcast_in_dim3A_572 = vector.broadcast %jit3A_570 : i32 to vector<16xi32>
        %select_n3A_573 = arith.select %and3A_568, %broadcast_in_dim3A_571, %broadcast_in_dim3A_572 : vector<16xi1>, vector<16xi32>
        %add3A_574 = arith.addi %add3A_560, %select_n3A_573 : vector<16xi32>
        %gather3A = tpu.vector_load_idx %arg16[%and3A_368] : memref<256xi32, #tpu.memory_space<vmem>>[vector<16xi32>], vector<16xi32>,
        %add3A_575 = arith.addi %gather3A, %add3A_574 : vector<16xi32>
        tpu.vector_store_idx %arg14[%add3A_575], %get3A_361 : memref<5136xi32, #tpu.memory_space<vmem>>[vector<16xi32>], vector<16xi32>,
        tpu.vector_store_idx %arg15[%add3A_575], %get3A_363 : memref<5136xi32, #tpu.memory_space<vmem>>[vector<16xi32>], vector<16xi32>,
        tpu.vector_store_idx %arg16[%and3A_368], %broadcast_in_dim3A_7 {add = true} : memref<256xi32, #tpu.memory_space<vmem>>[vector<16xi32>], vector<16xi32>,
        %while3A_576 = arith.constant 0 : i32
        scf.yield %while3A_576 : i32
      }
      %while3A_226 = arith.constant 1 : i32
      %while3A_227 = scf.for %while3A_357 = %while3A_223 to %while3A_219 step %while3A_226 iter_args(%while3A_358 = %while3A_225) -> (i32)  : i32 {
        %mul3A_359 = arith.constant 16 : i32
        %mul3A_360 = arith.muli %while3A_357, %mul3A_359 : i32
        %get3A = arith.index_cast %mul3A_360 : i32 to index
        %get3A_361 = tpu.vector_load %arg12[%get3A] {strides = array<i32>} : memref<5136xi32, #tpu.memory_space<vmem>>, vector<16xi32>,
        %get3A_362 = arith.index_cast %mul3A_360 : i32 to index
        %get3A_363 = tpu.vector_load %arg13[%get3A_362] {strides = array<i32>} : memref<5136xi32, #tpu.memory_space<vmem>>, vector<16xi32>,
        %shift_right_logical3A = arith.constant 16 : i32
        %shift_right_logical3A_364 = vector.broadcast %shift_right_logical3A : i32 to vector<16xi32>
        %shift_right_logical3A_365 = arith.shrui %get3A_361, %shift_right_logical3A_364 : vector<16xi32>
        %and3A_366 = arith.constant 255 : i32
        %and3A_367 = vector.broadcast %and3A_366 : i32 to vector<16xi32>
        %and3A_368 = arith.andi %shift_right_logical3A_365, %and3A_367 : vector<16xi32>
        %slice3A = vector.extract_strided_slice %and3A_368 {offsets = [0], sizes = [1], strides = [1]} : vector<16xi32> to vector<1xi32>
        %squeeze3A = vector.extract %slice3A[0] : i32 from vector<1xi32>
        %broadcast_in_dim3A_369 = vector.broadcast %squeeze3A : i32 to vector<16xi32>
        %gt3A = arith.constant 0 : i32
        %gt3A_370 = vector.broadcast %gt3A : i32 to vector<16xi32>
        %gt3A_371 = arith.cmpi sgt, %iota3A, %gt3A_370 : vector<16xi32>
        %eq3A = arith.cmpi eq, %and3A_368, %broadcast_in_dim3A_369 : vector<16xi32>
        %and3A_372 = arith.andi %gt3A_371, %eq3A : vector<16xi1>
        %jit3A_373 = arith.constant 1 : i32
        %jit3A_374 = arith.constant 0 : i32
        %broadcast_in_dim3A_375 = vector.broadcast %jit3A_373 : i32 to vector<16xi32>
        %broadcast_in_dim3A_376 = vector.broadcast %jit3A_374 : i32 to vector<16xi32>
        %select_n3A_377 = arith.select %and3A_372, %broadcast_in_dim3A_375, %broadcast_in_dim3A_376 : vector<16xi1>, vector<16xi32>
        %add3A_378 = arith.addi %broadcast_in_dim3A_5, %select_n3A_377 : vector<16xi32>
        %slice3A_379 = vector.extract_strided_slice %and3A_368 {offsets = [1], sizes = [1], strides = [1]} : vector<16xi32> to vector<1xi32>
        %squeeze3A_380 = vector.extract %slice3A_379[0] : i32 from vector<1xi32>
        %broadcast_in_dim3A_381 = vector.broadcast %squeeze3A_380 : i32 to vector<16xi32>
        %gt3A_382 = arith.constant 1 : i32
        %gt3A_383 = vector.broadcast %gt3A_382 : i32 to vector<16xi32>
        %gt3A_384 = arith.cmpi sgt, %iota3A, %gt3A_383 : vector<16xi32>
        %eq3A_385 = arith.cmpi eq, %and3A_368, %broadcast_in_dim3A_381 : vector<16xi32>
        %and3A_386 = arith.andi %gt3A_384, %eq3A_385 : vector<16xi1>
        %jit3A_387 = arith.constant 1 : i32
        %jit3A_388 = arith.constant 0 : i32
        %broadcast_in_dim3A_389 = vector.broadcast %jit3A_387 : i32 to vector<16xi32>
        %broadcast_in_dim3A_390 = vector.broadcast %jit3A_388 : i32 to vector<16xi32>
        %select_n3A_391 = arith.select %and3A_386, %broadcast_in_dim3A_389, %broadcast_in_dim3A_390 : vector<16xi1>, vector<16xi32>
        %add3A_392 = arith.addi %add3A_378, %select_n3A_391 : vector<16xi32>
        %slice3A_393 = vector.extract_strided_slice %and3A_368 {offsets = [2], sizes = [1], strides = [1]} : vector<16xi32> to vector<1xi32>
        %squeeze3A_394 = vector.extract %slice3A_393[0] : i32 from vector<1xi32>
        %broadcast_in_dim3A_395 = vector.broadcast %squeeze3A_394 : i32 to vector<16xi32>
        %gt3A_396 = arith.constant 2 : i32
        %gt3A_397 = vector.broadcast %gt3A_396 : i32 to vector<16xi32>
        %gt3A_398 = arith.cmpi sgt, %iota3A, %gt3A_397 : vector<16xi32>
        %eq3A_399 = arith.cmpi eq, %and3A_368, %broadcast_in_dim3A_395 : vector<16xi32>
        %and3A_400 = arith.andi %gt3A_398, %eq3A_399 : vector<16xi1>
        %jit3A_401 = arith.constant 1 : i32
        %jit3A_402 = arith.constant 0 : i32
        %broadcast_in_dim3A_403 = vector.broadcast %jit3A_401 : i32 to vector<16xi32>
        %broadcast_in_dim3A_404 = vector.broadcast %jit3A_402 : i32 to vector<16xi32>
        %select_n3A_405 = arith.select %and3A_400, %broadcast_in_dim3A_403, %broadcast_in_dim3A_404 : vector<16xi1>, vector<16xi32>
        %add3A_406 = arith.addi %add3A_392, %select_n3A_405 : vector<16xi32>
        %slice3A_407 = vector.extract_strided_slice %and3A_368 {offsets = [3], sizes = [1], strides = [1]} : vector<16xi32> to vector<1xi32>
        %squeeze3A_408 = vector.extract %slice3A_407[0] : i32 from vector<1xi32>
        %broadcast_in_dim3A_409 = vector.broadcast %squeeze3A_408 : i32 to vector<16xi32>
        %gt3A_410 = arith.constant 3 : i32
        %gt3A_411 = vector.broadcast %gt3A_410 : i32 to vector<16xi32>
        %gt3A_412 = arith.cmpi sgt, %iota3A, %gt3A_411 : vector<16xi32>
        %eq3A_413 = arith.cmpi eq, %and3A_368, %broadcast_in_dim3A_409 : vector<16xi32>
        %and3A_414 = arith.andi %gt3A_412, %eq3A_413 : vector<16xi1>
        %jit3A_415 = arith.constant 1 : i32
        %jit3A_416 = arith.constant 0 : i32
        %broadcast_in_dim3A_417 = vector.broadcast %jit3A_415 : i32 to vector<16xi32>
        %broadcast_in_dim3A_418 = vector.broadcast %jit3A_416 : i32 to vector<16xi32>
        %select_n3A_419 = arith.select %and3A_414, %broadcast_in_dim3A_417, %broadcast_in_dim3A_418 : vector<16xi1>, vector<16xi32>
        %add3A_420 = arith.addi %add3A_406, %select_n3A_419 : vector<16xi32>
        %slice3A_421 = vector.extract_strided_slice %and3A_368 {offsets = [4], sizes = [1], strides = [1]} : vector<16xi32> to vector<1xi32>
        %squeeze3A_422 = vector.extract %slice3A_421[0] : i32 from vector<1xi32>
        %broadcast_in_dim3A_423 = vector.broadcast %squeeze3A_422 : i32 to vector<16xi32>
        %gt3A_424 = arith.constant 4 : i32
        %gt3A_425 = vector.broadcast %gt3A_424 : i32 to vector<16xi32>
        %gt3A_426 = arith.cmpi sgt, %iota3A, %gt3A_425 : vector<16xi32>
        %eq3A_427 = arith.cmpi eq, %and3A_368, %broadcast_in_dim3A_423 : vector<16xi32>
        %and3A_428 = arith.andi %gt3A_426, %eq3A_427 : vector<16xi1>
        %jit3A_429 = arith.constant 1 : i32
        %jit3A_430 = arith.constant 0 : i32
        %broadcast_in_dim3A_431 = vector.broadcast %jit3A_429 : i32 to vector<16xi32>
        %broadcast_in_dim3A_432 = vector.broadcast %jit3A_430 : i32 to vector<16xi32>
        %select_n3A_433 = arith.select %and3A_428, %broadcast_in_dim3A_431, %broadcast_in_dim3A_432 : vector<16xi1>, vector<16xi32>
        %add3A_434 = arith.addi %add3A_420, %select_n3A_433 : vector<16xi32>
        %slice3A_435 = vector.extract_strided_slice %and3A_368 {offsets = [5], sizes = [1], strides = [1]} : vector<16xi32> to vector<1xi32>
        %squeeze3A_436 = vector.extract %slice3A_435[0] : i32 from vector<1xi32>
        %broadcast_in_dim3A_437 = vector.broadcast %squeeze3A_436 : i32 to vector<16xi32>
        %gt3A_438 = arith.constant 5 : i32
        %gt3A_439 = vector.broadcast %gt3A_438 : i32 to vector<16xi32>
        %gt3A_440 = arith.cmpi sgt, %iota3A, %gt3A_439 : vector<16xi32>
        %eq3A_441 = arith.cmpi eq, %and3A_368, %broadcast_in_dim3A_437 : vector<16xi32>
        %and3A_442 = arith.andi %gt3A_440, %eq3A_441 : vector<16xi1>
        %jit3A_443 = arith.constant 1 : i32
        %jit3A_444 = arith.constant 0 : i32
        %broadcast_in_dim3A_445 = vector.broadcast %jit3A_443 : i32 to vector<16xi32>
        %broadcast_in_dim3A_446 = vector.broadcast %jit3A_444 : i32 to vector<16xi32>
        %select_n3A_447 = arith.select %and3A_442, %broadcast_in_dim3A_445, %broadcast_in_dim3A_446 : vector<16xi1>, vector<16xi32>
        %add3A_448 = arith.addi %add3A_434, %select_n3A_447 : vector<16xi32>
        %slice3A_449 = vector.extract_strided_slice %and3A_368 {offsets = [6], sizes = [1], strides = [1]} : vector<16xi32> to vector<1xi32>
        %squeeze3A_450 = vector.extract %slice3A_449[0] : i32 from vector<1xi32>
        %broadcast_in_dim3A_451 = vector.broadcast %squeeze3A_450 : i32 to vector<16xi32>
        %gt3A_452 = arith.constant 6 : i32
        %gt3A_453 = vector.broadcast %gt3A_452 : i32 to vector<16xi32>
        %gt3A_454 = arith.cmpi sgt, %iota3A, %gt3A_453 : vector<16xi32>
        %eq3A_455 = arith.cmpi eq, %and3A_368, %broadcast_in_dim3A_451 : vector<16xi32>
        %and3A_456 = arith.andi %gt3A_454, %eq3A_455 : vector<16xi1>
        %jit3A_457 = arith.constant 1 : i32
        %jit3A_458 = arith.constant 0 : i32
        %broadcast_in_dim3A_459 = vector.broadcast %jit3A_457 : i32 to vector<16xi32>
        %broadcast_in_dim3A_460 = vector.broadcast %jit3A_458 : i32 to vector<16xi32>
        %select_n3A_461 = arith.select %and3A_456, %broadcast_in_dim3A_459, %broadcast_in_dim3A_460 : vector<16xi1>, vector<16xi32>
        %add3A_462 = arith.addi %add3A_448, %select_n3A_461 : vector<16xi32>
        %slice3A_463 = vector.extract_strided_slice %and3A_368 {offsets = [7], sizes = [1], strides = [1]} : vector<16xi32> to vector<1xi32>
        %squeeze3A_464 = vector.extract %slice3A_463[0] : i32 from vector<1xi32>
        %broadcast_in_dim3A_465 = vector.broadcast %squeeze3A_464 : i32 to vector<16xi32>
        %gt3A_466 = arith.constant 7 : i32
        %gt3A_467 = vector.broadcast %gt3A_466 : i32 to vector<16xi32>
        %gt3A_468 = arith.cmpi sgt, %iota3A, %gt3A_467 : vector<16xi32>
        %eq3A_469 = arith.cmpi eq, %and3A_368, %broadcast_in_dim3A_465 : vector<16xi32>
        %and3A_470 = arith.andi %gt3A_468, %eq3A_469 : vector<16xi1>
        %jit3A_471 = arith.constant 1 : i32
        %jit3A_472 = arith.constant 0 : i32
        %broadcast_in_dim3A_473 = vector.broadcast %jit3A_471 : i32 to vector<16xi32>
        %broadcast_in_dim3A_474 = vector.broadcast %jit3A_472 : i32 to vector<16xi32>
        %select_n3A_475 = arith.select %and3A_470, %broadcast_in_dim3A_473, %broadcast_in_dim3A_474 : vector<16xi1>, vector<16xi32>
        %add3A_476 = arith.addi %add3A_462, %select_n3A_475 : vector<16xi32>
        %slice3A_477 = vector.extract_strided_slice %and3A_368 {offsets = [8], sizes = [1], strides = [1]} : vector<16xi32> to vector<1xi32>
        %squeeze3A_478 = vector.extract %slice3A_477[0] : i32 from vector<1xi32>
        %broadcast_in_dim3A_479 = vector.broadcast %squeeze3A_478 : i32 to vector<16xi32>
        %gt3A_480 = arith.constant 8 : i32
        %gt3A_481 = vector.broadcast %gt3A_480 : i32 to vector<16xi32>
        %gt3A_482 = arith.cmpi sgt, %iota3A, %gt3A_481 : vector<16xi32>
        %eq3A_483 = arith.cmpi eq, %and3A_368, %broadcast_in_dim3A_479 : vector<16xi32>
        %and3A_484 = arith.andi %gt3A_482, %eq3A_483 : vector<16xi1>
        %jit3A_485 = arith.constant 1 : i32
        %jit3A_486 = arith.constant 0 : i32
        %broadcast_in_dim3A_487 = vector.broadcast %jit3A_485 : i32 to vector<16xi32>
        %broadcast_in_dim3A_488 = vector.broadcast %jit3A_486 : i32 to vector<16xi32>
        %select_n3A_489 = arith.select %and3A_484, %broadcast_in_dim3A_487, %broadcast_in_dim3A_488 : vector<16xi1>, vector<16xi32>
        %add3A_490 = arith.addi %add3A_476, %select_n3A_489 : vector<16xi32>
        %slice3A_491 = vector.extract_strided_slice %and3A_368 {offsets = [9], sizes = [1], strides = [1]} : vector<16xi32> to vector<1xi32>
        %squeeze3A_492 = vector.extract %slice3A_491[0] : i32 from vector<1xi32>
        %broadcast_in_dim3A_493 = vector.broadcast %squeeze3A_492 : i32 to vector<16xi32>
        %gt3A_494 = arith.constant 9 : i32
        %gt3A_495 = vector.broadcast %gt3A_494 : i32 to vector<16xi32>
        %gt3A_496 = arith.cmpi sgt, %iota3A, %gt3A_495 : vector<16xi32>
        %eq3A_497 = arith.cmpi eq, %and3A_368, %broadcast_in_dim3A_493 : vector<16xi32>
        %and3A_498 = arith.andi %gt3A_496, %eq3A_497 : vector<16xi1>
        %jit3A_499 = arith.constant 1 : i32
        %jit3A_500 = arith.constant 0 : i32
        %broadcast_in_dim3A_501 = vector.broadcast %jit3A_499 : i32 to vector<16xi32>
        %broadcast_in_dim3A_502 = vector.broadcast %jit3A_500 : i32 to vector<16xi32>
        %select_n3A_503 = arith.select %and3A_498, %broadcast_in_dim3A_501, %broadcast_in_dim3A_502 : vector<16xi1>, vector<16xi32>
        %add3A_504 = arith.addi %add3A_490, %select_n3A_503 : vector<16xi32>
        %slice3A_505 = vector.extract_strided_slice %and3A_368 {offsets = [10], sizes = [1], strides = [1]} : vector<16xi32> to vector<1xi32>
        %squeeze3A_506 = vector.extract %slice3A_505[0] : i32 from vector<1xi32>
        %broadcast_in_dim3A_507 = vector.broadcast %squeeze3A_506 : i32 to vector<16xi32>
        %gt3A_508 = arith.constant 10 : i32
        %gt3A_509 = vector.broadcast %gt3A_508 : i32 to vector<16xi32>
        %gt3A_510 = arith.cmpi sgt, %iota3A, %gt3A_509 : vector<16xi32>
        %eq3A_511 = arith.cmpi eq, %and3A_368, %broadcast_in_dim3A_507 : vector<16xi32>
        %and3A_512 = arith.andi %gt3A_510, %eq3A_511 : vector<16xi1>
        %jit3A_513 = arith.constant 1 : i32
        %jit3A_514 = arith.constant 0 : i32
        %broadcast_in_dim3A_515 = vector.broadcast %jit3A_513 : i32 to vector<16xi32>
        %broadcast_in_dim3A_516 = vector.broadcast %jit3A_514 : i32 to vector<16xi32>
        %select_n3A_517 = arith.select %and3A_512, %broadcast_in_dim3A_515, %broadcast_in_dim3A_516 : vector<16xi1>, vector<16xi32>
        %add3A_518 = arith.addi %add3A_504, %select_n3A_517 : vector<16xi32>
        %slice3A_519 = vector.extract_strided_slice %and3A_368 {offsets = [11], sizes = [1], strides = [1]} : vector<16xi32> to vector<1xi32>
        %squeeze3A_520 = vector.extract %slice3A_519[0] : i32 from vector<1xi32>
        %broadcast_in_dim3A_521 = vector.broadcast %squeeze3A_520 : i32 to vector<16xi32>
        %gt3A_522 = arith.constant 11 : i32
        %gt3A_523 = vector.broadcast %gt3A_522 : i32 to vector<16xi32>
        %gt3A_524 = arith.cmpi sgt, %iota3A, %gt3A_523 : vector<16xi32>
        %eq3A_525 = arith.cmpi eq, %and3A_368, %broadcast_in_dim3A_521 : vector<16xi32>
        %and3A_526 = arith.andi %gt3A_524, %eq3A_525 : vector<16xi1>
        %jit3A_527 = arith.constant 1 : i32
        %jit3A_528 = arith.constant 0 : i32
        %broadcast_in_dim3A_529 = vector.broadcast %jit3A_527 : i32 to vector<16xi32>
        %broadcast_in_dim3A_530 = vector.broadcast %jit3A_528 : i32 to vector<16xi32>
        %select_n3A_531 = arith.select %and3A_526, %broadcast_in_dim3A_529, %broadcast_in_dim3A_530 : vector<16xi1>, vector<16xi32>
        %add3A_532 = arith.addi %add3A_518, %select_n3A_531 : vector<16xi32>
        %slice3A_533 = vector.extract_strided_slice %and3A_368 {offsets = [12], sizes = [1], strides = [1]} : vector<16xi32> to vector<1xi32>
        %squeeze3A_534 = vector.extract %slice3A_533[0] : i32 from vector<1xi32>
        %broadcast_in_dim3A_535 = vector.broadcast %squeeze3A_534 : i32 to vector<16xi32>
        %gt3A_536 = arith.constant 12 : i32
        %gt3A_537 = vector.broadcast %gt3A_536 : i32 to vector<16xi32>
        %gt3A_538 = arith.cmpi sgt, %iota3A, %gt3A_537 : vector<16xi32>
        %eq3A_539 = arith.cmpi eq, %and3A_368, %broadcast_in_dim3A_535 : vector<16xi32>
        %and3A_540 = arith.andi %gt3A_538, %eq3A_539 : vector<16xi1>
        %jit3A_541 = arith.constant 1 : i32
        %jit3A_542 = arith.constant 0 : i32
        %broadcast_in_dim3A_543 = vector.broadcast %jit3A_541 : i32 to vector<16xi32>
        %broadcast_in_dim3A_544 = vector.broadcast %jit3A_542 : i32 to vector<16xi32>
        %select_n3A_545 = arith.select %and3A_540, %broadcast_in_dim3A_543, %broadcast_in_dim3A_544 : vector<16xi1>, vector<16xi32>
        %add3A_546 = arith.addi %add3A_532, %select_n3A_545 : vector<16xi32>
        %slice3A_547 = vector.extract_strided_slice %and3A_368 {offsets = [13], sizes = [1], strides = [1]} : vector<16xi32> to vector<1xi32>
        %squeeze3A_548 = vector.extract %slice3A_547[0] : i32 from vector<1xi32>
        %broadcast_in_dim3A_549 = vector.broadcast %squeeze3A_548 : i32 to vector<16xi32>
        %gt3A_550 = arith.constant 13 : i32
        %gt3A_551 = vector.broadcast %gt3A_550 : i32 to vector<16xi32>
        %gt3A_552 = arith.cmpi sgt, %iota3A, %gt3A_551 : vector<16xi32>
        %eq3A_553 = arith.cmpi eq, %and3A_368, %broadcast_in_dim3A_549 : vector<16xi32>
        %and3A_554 = arith.andi %gt3A_552, %eq3A_553 : vector<16xi1>
        %jit3A_555 = arith.constant 1 : i32
        %jit3A_556 = arith.constant 0 : i32
        %broadcast_in_dim3A_557 = vector.broadcast %jit3A_555 : i32 to vector<16xi32>
        %broadcast_in_dim3A_558 = vector.broadcast %jit3A_556 : i32 to vector<16xi32>
        %select_n3A_559 = arith.select %and3A_554, %broadcast_in_dim3A_557, %broadcast_in_dim3A_558 : vector<16xi1>, vector<16xi32>
        %add3A_560 = arith.addi %add3A_546, %select_n3A_559 : vector<16xi32>
        %slice3A_561 = vector.extract_strided_slice %and3A_368 {offsets = [14], sizes = [1], strides = [1]} : vector<16xi32> to vector<1xi32>
        %squeeze3A_562 = vector.extract %slice3A_561[0] : i32 from vector<1xi32>
        %broadcast_in_dim3A_563 = vector.broadcast %squeeze3A_562 : i32 to vector<16xi32>
        %gt3A_564 = arith.constant 14 : i32
        %gt3A_565 = vector.broadcast %gt3A_564 : i32 to vector<16xi32>
        %gt3A_566 = arith.cmpi sgt, %iota3A, %gt3A_565 : vector<16xi32>
        %eq3A_567 = arith.cmpi eq, %and3A_368, %broadcast_in_dim3A_563 : vector<16xi32>
        %and3A_568 = arith.andi %gt3A_566, %eq3A_567 : vector<16xi1>
        %jit3A_569 = arith.constant 1 : i32
        %jit3A_570 = arith.constant 0 : i32
        %broadcast_in_dim3A_571 = vector.broadcast %jit3A_569 : i32 to vector<16xi32>
        %broadcast_in_dim3A_572 = vector.broadcast %jit3A_570 : i32 to vector<16xi32>
        %select_n3A_573 = arith.select %and3A_568, %broadcast_in_dim3A_571, %broadcast_in_dim3A_572 : vector<16xi1>, vector<16xi32>
        %add3A_574 = arith.addi %add3A_560, %select_n3A_573 : vector<16xi32>
        %gather3A = tpu.vector_load_idx %arg16[%and3A_368] : memref<256xi32, #tpu.memory_space<vmem>>[vector<16xi32>], vector<16xi32>,
        %add3A_575 = arith.addi %gather3A, %add3A_574 : vector<16xi32>
        tpu.vector_store_idx %arg14[%add3A_575], %get3A_361 : memref<5136xi32, #tpu.memory_space<vmem>>[vector<16xi32>], vector<16xi32>,
        tpu.vector_store_idx %arg15[%add3A_575], %get3A_363 : memref<5136xi32, #tpu.memory_space<vmem>>[vector<16xi32>], vector<16xi32>,
        tpu.vector_store_idx %arg16[%and3A_368], %broadcast_in_dim3A_7 {add = true} : memref<256xi32, #tpu.memory_space<vmem>>[vector<16xi32>], vector<16xi32>,
        %while3A_576 = arith.constant 0 : i32
        scf.yield %while3A_576 : i32
      }
      %swap3A_228 = arith.constant 0 : index
      %swap3A_229 = tpu.vector_load %arg16[%swap3A_228] {strides = array<i32>} : memref<256xi32, #tpu.memory_space<vmem>>, vector<16xi32>,
      tpu.vector_store %arg16[%swap3A_228], %broadcast_in_dim3A_5 {strides = array<i32>} : memref<256xi32, #tpu.memory_space<vmem>>, vector<16xi32>,
      %swap3A_230 = arith.constant 16 : index
      %swap3A_231 = tpu.vector_load %arg16[%swap3A_230] {strides = array<i32>} : memref<256xi32, #tpu.memory_space<vmem>>, vector<16xi32>,
      tpu.vector_store %arg16[%swap3A_230], %broadcast_in_dim3A_5 {strides = array<i32>} : memref<256xi32, #tpu.memory_space<vmem>>, vector<16xi32>,
      %swap3A_232 = arith.constant 32 : index
      %swap3A_233 = tpu.vector_load %arg16[%swap3A_232] {strides = array<i32>} : memref<256xi32, #tpu.memory_space<vmem>>, vector<16xi32>,
      tpu.vector_store %arg16[%swap3A_232], %broadcast_in_dim3A_5 {strides = array<i32>} : memref<256xi32, #tpu.memory_space<vmem>>, vector<16xi32>,
      %swap3A_234 = arith.constant 48 : index
      %swap3A_235 = tpu.vector_load %arg16[%swap3A_234] {strides = array<i32>} : memref<256xi32, #tpu.memory_space<vmem>>, vector<16xi32>,
      tpu.vector_store %arg16[%swap3A_234], %broadcast_in_dim3A_5 {strides = array<i32>} : memref<256xi32, #tpu.memory_space<vmem>>, vector<16xi32>,
      %swap3A_236 = arith.constant 64 : index
      %swap3A_237 = tpu.vector_load %arg16[%swap3A_236] {strides = array<i32>} : memref<256xi32, #tpu.memory_space<vmem>>, vector<16xi32>,
      tpu.vector_store %arg16[%swap3A_236], %broadcast_in_dim3A_5 {strides = array<i32>} : memref<256xi32, #tpu.memory_space<vmem>>, vector<16xi32>,
      %swap3A_238 = arith.constant 80 : index
      %swap3A_239 = tpu.vector_load %arg16[%swap3A_238] {strides = array<i32>} : memref<256xi32, #tpu.memory_space<vmem>>, vector<16xi32>,
      tpu.vector_store %arg16[%swap3A_238], %broadcast_in_dim3A_5 {strides = array<i32>} : memref<256xi32, #tpu.memory_space<vmem>>, vector<16xi32>,
      %swap3A_240 = arith.constant 96 : index
      %swap3A_241 = tpu.vector_load %arg16[%swap3A_240] {strides = array<i32>} : memref<256xi32, #tpu.memory_space<vmem>>, vector<16xi32>,
      tpu.vector_store %arg16[%swap3A_240], %broadcast_in_dim3A_5 {strides = array<i32>} : memref<256xi32, #tpu.memory_space<vmem>>, vector<16xi32>,
      %swap3A_242 = arith.constant 112 : index
      %swap3A_243 = tpu.vector_load %arg16[%swap3A_242] {strides = array<i32>} : memref<256xi32, #tpu.memory_space<vmem>>, vector<16xi32>,
      tpu.vector_store %arg16[%swap3A_242], %broadcast_in_dim3A_5 {strides = array<i32>} : memref<256xi32, #tpu.memory_space<vmem>>, vector<16xi32>,
      %swap3A_244 = arith.constant 128 : index
      %swap3A_245 = tpu.vector_load %arg16[%swap3A_244] {strides = array<i32>} : memref<256xi32, #tpu.memory_space<vmem>>, vector<16xi32>,
      tpu.vector_store %arg16[%swap3A_244], %broadcast_in_dim3A_5 {strides = array<i32>} : memref<256xi32, #tpu.memory_space<vmem>>, vector<16xi32>,
      %swap3A_246 = arith.constant 144 : index
      %swap3A_247 = tpu.vector_load %arg16[%swap3A_246] {strides = array<i32>} : memref<256xi32, #tpu.memory_space<vmem>>, vector<16xi32>,
      tpu.vector_store %arg16[%swap3A_246], %broadcast_in_dim3A_5 {strides = array<i32>} : memref<256xi32, #tpu.memory_space<vmem>>, vector<16xi32>,
      %swap3A_248 = arith.constant 160 : index
      %swap3A_249 = tpu.vector_load %arg16[%swap3A_248] {strides = array<i32>} : memref<256xi32, #tpu.memory_space<vmem>>, vector<16xi32>,
      tpu.vector_store %arg16[%swap3A_248], %broadcast_in_dim3A_5 {strides = array<i32>} : memref<256xi32, #tpu.memory_space<vmem>>, vector<16xi32>,
      %swap3A_250 = arith.constant 176 : index
      %swap3A_251 = tpu.vector_load %arg16[%swap3A_250] {strides = array<i32>} : memref<256xi32, #tpu.memory_space<vmem>>, vector<16xi32>,
      tpu.vector_store %arg16[%swap3A_250], %broadcast_in_dim3A_5 {strides = array<i32>} : memref<256xi32, #tpu.memory_space<vmem>>, vector<16xi32>,
      %swap3A_252 = arith.constant 192 : index
      %swap3A_253 = tpu.vector_load %arg16[%swap3A_252] {strides = array<i32>} : memref<256xi32, #tpu.memory_space<vmem>>, vector<16xi32>,
      tpu.vector_store %arg16[%swap3A_252], %broadcast_in_dim3A_5 {strides = array<i32>} : memref<256xi32, #tpu.memory_space<vmem>>, vector<16xi32>,
      %swap3A_254 = arith.constant 208 : index
      %swap3A_255 = tpu.vector_load %arg16[%swap3A_254] {strides = array<i32>} : memref<256xi32, #tpu.memory_space<vmem>>, vector<16xi32>,
      tpu.vector_store %arg16[%swap3A_254], %broadcast_in_dim3A_5 {strides = array<i32>} : memref<256xi32, #tpu.memory_space<vmem>>, vector<16xi32>,
      %swap3A_256 = arith.constant 224 : index
      %swap3A_257 = tpu.vector_load %arg16[%swap3A_256] {strides = array<i32>} : memref<256xi32, #tpu.memory_space<vmem>>, vector<16xi32>,
      tpu.vector_store %arg16[%swap3A_256], %broadcast_in_dim3A_5 {strides = array<i32>} : memref<256xi32, #tpu.memory_space<vmem>>, vector<16xi32>,
      %swap3A_258 = arith.constant 240 : index
      %swap3A_259 = tpu.vector_load %arg16[%swap3A_258] {strides = array<i32>} : memref<256xi32, #tpu.memory_space<vmem>>, vector<16xi32>,
      tpu.vector_store %arg16[%swap3A_258], %broadcast_in_dim3A_5 {strides = array<i32>} : memref<256xi32, #tpu.memory_space<vmem>>, vector<16xi32>,
      %while3A_260 = arith.constant 0 : i32
      %while3A_261 = arith.constant 0 : i32
      %while3A_262 = arith.subi %select_n3A, %while3A_260 : i32
      %while3A_263 = arith.addi %while3A_260, %while3A_262 : i32
      %while3A_264 = arith.constant 1 : i32
      %while3A_265 = arith.divsi %while3A_262, %while3A_264 : i32
      %while3A_266 = arith.muli %while3A_265, %while3A_264 : i32
      %while3A_267 = arith.addi %while3A_260, %while3A_266 : i32
      %while3A_268 = arith.constant 1 : i32
      %while3A_269 = scf.for %while3A_357 = %while3A_260 to %while3A_267 step %while3A_268 iter_args(%while3A_358 = %while3A_261) -> (i32)  : i32 {
        %mul3A_359 = arith.constant 16 : i32
        %mul3A_360 = arith.muli %while3A_357, %mul3A_359 : i32
        %get3A = arith.index_cast %mul3A_360 : i32 to index
        %get3A_361 = tpu.vector_load %arg14[%get3A] {strides = array<i32>} : memref<5136xi32, #tpu.memory_space<vmem>>, vector<16xi32>,
        %shift_right_logical3A = arith.constant 24 : i32
        %shift_right_logical3A_362 = vector.broadcast %shift_right_logical3A : i32 to vector<16xi32>
        %shift_right_logical3A_363 = arith.shrui %get3A_361, %shift_right_logical3A_362 : vector<16xi32>
        %and3A_364 = arith.constant 255 : i32
        %and3A_365 = vector.broadcast %and3A_364 : i32 to vector<16xi32>
        %and3A_366 = arith.andi %shift_right_logical3A_363, %and3A_365 : vector<16xi32>
        tpu.vector_store_idx %arg16[%and3A_366], %broadcast_in_dim3A_7 {add = true} : memref<256xi32, #tpu.memory_space<vmem>>[vector<16xi32>], vector<16xi32>,
        %while3A_367 = arith.constant 0 : i32
        scf.yield %while3A_367 : i32
      }
      %while3A_270 = arith.constant 1 : i32
      %while3A_271 = scf.for %while3A_357 = %while3A_267 to %while3A_263 step %while3A_270 iter_args(%while3A_358 = %while3A_269) -> (i32)  : i32 {
        %mul3A_359 = arith.constant 16 : i32
        %mul3A_360 = arith.muli %while3A_357, %mul3A_359 : i32
        %get3A = arith.index_cast %mul3A_360 : i32 to index
        %get3A_361 = tpu.vector_load %arg14[%get3A] {strides = array<i32>} : memref<5136xi32, #tpu.memory_space<vmem>>, vector<16xi32>,
        %shift_right_logical3A = arith.constant 24 : i32
        %shift_right_logical3A_362 = vector.broadcast %shift_right_logical3A : i32 to vector<16xi32>
        %shift_right_logical3A_363 = arith.shrui %get3A_361, %shift_right_logical3A_362 : vector<16xi32>
        %and3A_364 = arith.constant 255 : i32
        %and3A_365 = vector.broadcast %and3A_364 : i32 to vector<16xi32>
        %and3A_366 = arith.andi %shift_right_logical3A_363, %and3A_365 : vector<16xi32>
        tpu.vector_store_idx %arg16[%and3A_366], %broadcast_in_dim3A_7 {add = true} : memref<256xi32, #tpu.memory_space<vmem>>[vector<16xi32>], vector<16xi32>,
        %while3A_367 = arith.constant 0 : i32
        scf.yield %while3A_367 : i32
      }
      %scan3A_272 = arith.constant 0 : i32
      %scan3A_273 = arith.constant 0 : i32
      %scan3A_274 = arith.constant 16 : i32
      %scan3A_275 = arith.addi %scan3A_273, %scan3A_274 : i32
      %scan3A_276 = arith.constant 1 : i32
      %scan3A_277 = scf.for %scan3A_357 = %scan3A_273 to %scan3A_275 step %scan3A_276 iter_args(%scan3A_358 = %scan3A_272) -> (i32)  : i32 {
        %mul3A_359 = arith.constant 16 : i32
        %mul3A_360 = arith.muli %scan3A_357, %mul3A_359 : i32
        %get3A = arith.index_cast %mul3A_360 : i32 to index
        %get3A_361 = tpu.vector_load %arg16[%get3A] {strides = array<i32>} : memref<256xi32, #tpu.memory_space<vmem>>, vector<16xi32>,
        %eq3A = arith.constant 0 : i32
        %eq3A_362 = vector.broadcast %eq3A : i32 to vector<16xi32>
        %eq3A_363 = arith.cmpi eq, %iota3A, %eq3A_362 : vector<16xi32>
        %broadcast_in_dim3A_364 = vector.broadcast %scan3A_358 : i32 to vector<16xi32>
        %select_n3A_365 = arith.select %eq3A_363, %broadcast_in_dim3A_364, %broadcast_in_dim3A_5 : vector<16xi1>, vector<16xi32>
        %slice3A = vector.extract_strided_slice %get3A_361 {offsets = [0], sizes = [1], strides = [1]} : vector<16xi32> to vector<1xi32>
        %squeeze3A = vector.extract %slice3A[0] : i32 from vector<1xi32>
        %add3A_366 = arith.addi %scan3A_358, %squeeze3A : i32
        %eq3A_367 = arith.constant 1 : i32
        %eq3A_368 = vector.broadcast %eq3A_367 : i32 to vector<16xi32>
        %eq3A_369 = arith.cmpi eq, %iota3A, %eq3A_368 : vector<16xi32>
        %broadcast_in_dim3A_370 = vector.broadcast %add3A_366 : i32 to vector<16xi32>
        %select_n3A_371 = arith.select %eq3A_369, %broadcast_in_dim3A_370, %select_n3A_365 : vector<16xi1>, vector<16xi32>
        %slice3A_372 = vector.extract_strided_slice %get3A_361 {offsets = [1], sizes = [1], strides = [1]} : vector<16xi32> to vector<1xi32>
        %squeeze3A_373 = vector.extract %slice3A_372[0] : i32 from vector<1xi32>
        %add3A_374 = arith.addi %add3A_366, %squeeze3A_373 : i32
        %eq3A_375 = arith.constant 2 : i32
        %eq3A_376 = vector.broadcast %eq3A_375 : i32 to vector<16xi32>
        %eq3A_377 = arith.cmpi eq, %iota3A, %eq3A_376 : vector<16xi32>
        %broadcast_in_dim3A_378 = vector.broadcast %add3A_374 : i32 to vector<16xi32>
        %select_n3A_379 = arith.select %eq3A_377, %broadcast_in_dim3A_378, %select_n3A_371 : vector<16xi1>, vector<16xi32>
        %slice3A_380 = vector.extract_strided_slice %get3A_361 {offsets = [2], sizes = [1], strides = [1]} : vector<16xi32> to vector<1xi32>
        %squeeze3A_381 = vector.extract %slice3A_380[0] : i32 from vector<1xi32>
        %add3A_382 = arith.addi %add3A_374, %squeeze3A_381 : i32
        %eq3A_383 = arith.constant 3 : i32
        %eq3A_384 = vector.broadcast %eq3A_383 : i32 to vector<16xi32>
        %eq3A_385 = arith.cmpi eq, %iota3A, %eq3A_384 : vector<16xi32>
        %broadcast_in_dim3A_386 = vector.broadcast %add3A_382 : i32 to vector<16xi32>
        %select_n3A_387 = arith.select %eq3A_385, %broadcast_in_dim3A_386, %select_n3A_379 : vector<16xi1>, vector<16xi32>
        %slice3A_388 = vector.extract_strided_slice %get3A_361 {offsets = [3], sizes = [1], strides = [1]} : vector<16xi32> to vector<1xi32>
        %squeeze3A_389 = vector.extract %slice3A_388[0] : i32 from vector<1xi32>
        %add3A_390 = arith.addi %add3A_382, %squeeze3A_389 : i32
        %eq3A_391 = arith.constant 4 : i32
        %eq3A_392 = vector.broadcast %eq3A_391 : i32 to vector<16xi32>
        %eq3A_393 = arith.cmpi eq, %iota3A, %eq3A_392 : vector<16xi32>
        %broadcast_in_dim3A_394 = vector.broadcast %add3A_390 : i32 to vector<16xi32>
        %select_n3A_395 = arith.select %eq3A_393, %broadcast_in_dim3A_394, %select_n3A_387 : vector<16xi1>, vector<16xi32>
        %slice3A_396 = vector.extract_strided_slice %get3A_361 {offsets = [4], sizes = [1], strides = [1]} : vector<16xi32> to vector<1xi32>
        %squeeze3A_397 = vector.extract %slice3A_396[0] : i32 from vector<1xi32>
        %add3A_398 = arith.addi %add3A_390, %squeeze3A_397 : i32
        %eq3A_399 = arith.constant 5 : i32
        %eq3A_400 = vector.broadcast %eq3A_399 : i32 to vector<16xi32>
        %eq3A_401 = arith.cmpi eq, %iota3A, %eq3A_400 : vector<16xi32>
        %broadcast_in_dim3A_402 = vector.broadcast %add3A_398 : i32 to vector<16xi32>
        %select_n3A_403 = arith.select %eq3A_401, %broadcast_in_dim3A_402, %select_n3A_395 : vector<16xi1>, vector<16xi32>
        %slice3A_404 = vector.extract_strided_slice %get3A_361 {offsets = [5], sizes = [1], strides = [1]} : vector<16xi32> to vector<1xi32>
        %squeeze3A_405 = vector.extract %slice3A_404[0] : i32 from vector<1xi32>
        %add3A_406 = arith.addi %add3A_398, %squeeze3A_405 : i32
        %eq3A_407 = arith.constant 6 : i32
        %eq3A_408 = vector.broadcast %eq3A_407 : i32 to vector<16xi32>
        %eq3A_409 = arith.cmpi eq, %iota3A, %eq3A_408 : vector<16xi32>
        %broadcast_in_dim3A_410 = vector.broadcast %add3A_406 : i32 to vector<16xi32>
        %select_n3A_411 = arith.select %eq3A_409, %broadcast_in_dim3A_410, %select_n3A_403 : vector<16xi1>, vector<16xi32>
        %slice3A_412 = vector.extract_strided_slice %get3A_361 {offsets = [6], sizes = [1], strides = [1]} : vector<16xi32> to vector<1xi32>
        %squeeze3A_413 = vector.extract %slice3A_412[0] : i32 from vector<1xi32>
        %add3A_414 = arith.addi %add3A_406, %squeeze3A_413 : i32
        %eq3A_415 = arith.constant 7 : i32
        %eq3A_416 = vector.broadcast %eq3A_415 : i32 to vector<16xi32>
        %eq3A_417 = arith.cmpi eq, %iota3A, %eq3A_416 : vector<16xi32>
        %broadcast_in_dim3A_418 = vector.broadcast %add3A_414 : i32 to vector<16xi32>
        %select_n3A_419 = arith.select %eq3A_417, %broadcast_in_dim3A_418, %select_n3A_411 : vector<16xi1>, vector<16xi32>
        %slice3A_420 = vector.extract_strided_slice %get3A_361 {offsets = [7], sizes = [1], strides = [1]} : vector<16xi32> to vector<1xi32>
        %squeeze3A_421 = vector.extract %slice3A_420[0] : i32 from vector<1xi32>
        %add3A_422 = arith.addi %add3A_414, %squeeze3A_421 : i32
        %eq3A_423 = arith.constant 8 : i32
        %eq3A_424 = vector.broadcast %eq3A_423 : i32 to vector<16xi32>
        %eq3A_425 = arith.cmpi eq, %iota3A, %eq3A_424 : vector<16xi32>
        %broadcast_in_dim3A_426 = vector.broadcast %add3A_422 : i32 to vector<16xi32>
        %select_n3A_427 = arith.select %eq3A_425, %broadcast_in_dim3A_426, %select_n3A_419 : vector<16xi1>, vector<16xi32>
        %slice3A_428 = vector.extract_strided_slice %get3A_361 {offsets = [8], sizes = [1], strides = [1]} : vector<16xi32> to vector<1xi32>
        %squeeze3A_429 = vector.extract %slice3A_428[0] : i32 from vector<1xi32>
        %add3A_430 = arith.addi %add3A_422, %squeeze3A_429 : i32
        %eq3A_431 = arith.constant 9 : i32
        %eq3A_432 = vector.broadcast %eq3A_431 : i32 to vector<16xi32>
        %eq3A_433 = arith.cmpi eq, %iota3A, %eq3A_432 : vector<16xi32>
        %broadcast_in_dim3A_434 = vector.broadcast %add3A_430 : i32 to vector<16xi32>
        %select_n3A_435 = arith.select %eq3A_433, %broadcast_in_dim3A_434, %select_n3A_427 : vector<16xi1>, vector<16xi32>
        %slice3A_436 = vector.extract_strided_slice %get3A_361 {offsets = [9], sizes = [1], strides = [1]} : vector<16xi32> to vector<1xi32>
        %squeeze3A_437 = vector.extract %slice3A_436[0] : i32 from vector<1xi32>
        %add3A_438 = arith.addi %add3A_430, %squeeze3A_437 : i32
        %eq3A_439 = arith.constant 10 : i32
        %eq3A_440 = vector.broadcast %eq3A_439 : i32 to vector<16xi32>
        %eq3A_441 = arith.cmpi eq, %iota3A, %eq3A_440 : vector<16xi32>
        %broadcast_in_dim3A_442 = vector.broadcast %add3A_438 : i32 to vector<16xi32>
        %select_n3A_443 = arith.select %eq3A_441, %broadcast_in_dim3A_442, %select_n3A_435 : vector<16xi1>, vector<16xi32>
        %slice3A_444 = vector.extract_strided_slice %get3A_361 {offsets = [10], sizes = [1], strides = [1]} : vector<16xi32> to vector<1xi32>
        %squeeze3A_445 = vector.extract %slice3A_444[0] : i32 from vector<1xi32>
        %add3A_446 = arith.addi %add3A_438, %squeeze3A_445 : i32
        %eq3A_447 = arith.constant 11 : i32
        %eq3A_448 = vector.broadcast %eq3A_447 : i32 to vector<16xi32>
        %eq3A_449 = arith.cmpi eq, %iota3A, %eq3A_448 : vector<16xi32>
        %broadcast_in_dim3A_450 = vector.broadcast %add3A_446 : i32 to vector<16xi32>
        %select_n3A_451 = arith.select %eq3A_449, %broadcast_in_dim3A_450, %select_n3A_443 : vector<16xi1>, vector<16xi32>
        %slice3A_452 = vector.extract_strided_slice %get3A_361 {offsets = [11], sizes = [1], strides = [1]} : vector<16xi32> to vector<1xi32>
        %squeeze3A_453 = vector.extract %slice3A_452[0] : i32 from vector<1xi32>
        %add3A_454 = arith.addi %add3A_446, %squeeze3A_453 : i32
        %eq3A_455 = arith.constant 12 : i32
        %eq3A_456 = vector.broadcast %eq3A_455 : i32 to vector<16xi32>
        %eq3A_457 = arith.cmpi eq, %iota3A, %eq3A_456 : vector<16xi32>
        %broadcast_in_dim3A_458 = vector.broadcast %add3A_454 : i32 to vector<16xi32>
        %select_n3A_459 = arith.select %eq3A_457, %broadcast_in_dim3A_458, %select_n3A_451 : vector<16xi1>, vector<16xi32>
        %slice3A_460 = vector.extract_strided_slice %get3A_361 {offsets = [12], sizes = [1], strides = [1]} : vector<16xi32> to vector<1xi32>
        %squeeze3A_461 = vector.extract %slice3A_460[0] : i32 from vector<1xi32>
        %add3A_462 = arith.addi %add3A_454, %squeeze3A_461 : i32
        %eq3A_463 = arith.constant 13 : i32
        %eq3A_464 = vector.broadcast %eq3A_463 : i32 to vector<16xi32>
        %eq3A_465 = arith.cmpi eq, %iota3A, %eq3A_464 : vector<16xi32>
        %broadcast_in_dim3A_466 = vector.broadcast %add3A_462 : i32 to vector<16xi32>
        %select_n3A_467 = arith.select %eq3A_465, %broadcast_in_dim3A_466, %select_n3A_459 : vector<16xi1>, vector<16xi32>
        %slice3A_468 = vector.extract_strided_slice %get3A_361 {offsets = [13], sizes = [1], strides = [1]} : vector<16xi32> to vector<1xi32>
        %squeeze3A_469 = vector.extract %slice3A_468[0] : i32 from vector<1xi32>
        %add3A_470 = arith.addi %add3A_462, %squeeze3A_469 : i32
        %eq3A_471 = arith.constant 14 : i32
        %eq3A_472 = vector.broadcast %eq3A_471 : i32 to vector<16xi32>
        %eq3A_473 = arith.cmpi eq, %iota3A, %eq3A_472 : vector<16xi32>
        %broadcast_in_dim3A_474 = vector.broadcast %add3A_470 : i32 to vector<16xi32>
        %select_n3A_475 = arith.select %eq3A_473, %broadcast_in_dim3A_474, %select_n3A_467 : vector<16xi1>, vector<16xi32>
        %slice3A_476 = vector.extract_strided_slice %get3A_361 {offsets = [14], sizes = [1], strides = [1]} : vector<16xi32> to vector<1xi32>
        %squeeze3A_477 = vector.extract %slice3A_476[0] : i32 from vector<1xi32>
        %add3A_478 = arith.addi %add3A_470, %squeeze3A_477 : i32
        %eq3A_479 = arith.constant 15 : i32
        %eq3A_480 = vector.broadcast %eq3A_479 : i32 to vector<16xi32>
        %eq3A_481 = arith.cmpi eq, %iota3A, %eq3A_480 : vector<16xi32>
        %broadcast_in_dim3A_482 = vector.broadcast %add3A_478 : i32 to vector<16xi32>
        %select_n3A_483 = arith.select %eq3A_481, %broadcast_in_dim3A_482, %select_n3A_475 : vector<16xi1>, vector<16xi32>
        %slice3A_484 = vector.extract_strided_slice %get3A_361 {offsets = [15], sizes = [1], strides = [1]} : vector<16xi32> to vector<1xi32>
        %squeeze3A_485 = vector.extract %slice3A_484[0] : i32 from vector<1xi32>
        %add3A_486 = arith.addi %add3A_478, %squeeze3A_485 : i32
        %mul3A_487 = arith.constant 16 : i32
        %mul3A_488 = arith.muli %scan3A_357, %mul3A_487 : i32
        %swap3A_489 = arith.index_cast %mul3A_488 : i32 to index
        %swap3A_490 = tpu.vector_load %arg16[%swap3A_489] {strides = array<i32>} : memref<256xi32, #tpu.memory_space<vmem>>, vector<16xi32>,
        tpu.vector_store %arg16[%swap3A_489], %select_n3A_483 {strides = array<i32>} : memref<256xi32, #tpu.memory_space<vmem>>, vector<16xi32>,
        scf.yield %add3A_486 : i32
      }
      %scan3A_278 = arith.constant 16 : i32
      %while3A_279 = arith.constant 0 : i32
      %while3A_280 = arith.constant 0 : i32
      %while3A_281 = arith.subi %select_n3A, %while3A_279 : i32
      %while3A_282 = arith.addi %while3A_279, %while3A_281 : i32
      %while3A_283 = arith.constant 1 : i32
      %while3A_284 = arith.divsi %while3A_281, %while3A_283 : i32
      %while3A_285 = arith.muli %while3A_284, %while3A_283 : i32
      %while3A_286 = arith.addi %while3A_279, %while3A_285 : i32
      %while3A_287 = arith.constant 1 : i32
      %while3A_288 = scf.for %while3A_357 = %while3A_279 to %while3A_286 step %while3A_287 iter_args(%while3A_358 = %while3A_280) -> (i32)  : i32 {
        %mul3A_359 = arith.constant 16 : i32
        %mul3A_360 = arith.muli %while3A_357, %mul3A_359 : i32
        %get3A = arith.index_cast %mul3A_360 : i32 to index
        %get3A_361 = tpu.vector_load %arg14[%get3A] {strides = array<i32>} : memref<5136xi32, #tpu.memory_space<vmem>>, vector<16xi32>,
        %get3A_362 = arith.index_cast %mul3A_360 : i32 to index
        %get3A_363 = tpu.vector_load %arg15[%get3A_362] {strides = array<i32>} : memref<5136xi32, #tpu.memory_space<vmem>>, vector<16xi32>,
        %shift_right_logical3A = arith.constant 24 : i32
        %shift_right_logical3A_364 = vector.broadcast %shift_right_logical3A : i32 to vector<16xi32>
        %shift_right_logical3A_365 = arith.shrui %get3A_361, %shift_right_logical3A_364 : vector<16xi32>
        %and3A_366 = arith.constant 255 : i32
        %and3A_367 = vector.broadcast %and3A_366 : i32 to vector<16xi32>
        %and3A_368 = arith.andi %shift_right_logical3A_365, %and3A_367 : vector<16xi32>
        %slice3A = vector.extract_strided_slice %and3A_368 {offsets = [0], sizes = [1], strides = [1]} : vector<16xi32> to vector<1xi32>
        %squeeze3A = vector.extract %slice3A[0] : i32 from vector<1xi32>
        %broadcast_in_dim3A_369 = vector.broadcast %squeeze3A : i32 to vector<16xi32>
        %gt3A = arith.constant 0 : i32
        %gt3A_370 = vector.broadcast %gt3A : i32 to vector<16xi32>
        %gt3A_371 = arith.cmpi sgt, %iota3A, %gt3A_370 : vector<16xi32>
        %eq3A = arith.cmpi eq, %and3A_368, %broadcast_in_dim3A_369 : vector<16xi32>
        %and3A_372 = arith.andi %gt3A_371, %eq3A : vector<16xi1>
        %jit3A_373 = arith.constant 1 : i32
        %jit3A_374 = arith.constant 0 : i32
        %broadcast_in_dim3A_375 = vector.broadcast %jit3A_373 : i32 to vector<16xi32>
        %broadcast_in_dim3A_376 = vector.broadcast %jit3A_374 : i32 to vector<16xi32>
        %select_n3A_377 = arith.select %and3A_372, %broadcast_in_dim3A_375, %broadcast_in_dim3A_376 : vector<16xi1>, vector<16xi32>
        %add3A_378 = arith.addi %broadcast_in_dim3A_5, %select_n3A_377 : vector<16xi32>
        %slice3A_379 = vector.extract_strided_slice %and3A_368 {offsets = [1], sizes = [1], strides = [1]} : vector<16xi32> to vector<1xi32>
        %squeeze3A_380 = vector.extract %slice3A_379[0] : i32 from vector<1xi32>
        %broadcast_in_dim3A_381 = vector.broadcast %squeeze3A_380 : i32 to vector<16xi32>
        %gt3A_382 = arith.constant 1 : i32
        %gt3A_383 = vector.broadcast %gt3A_382 : i32 to vector<16xi32>
        %gt3A_384 = arith.cmpi sgt, %iota3A, %gt3A_383 : vector<16xi32>
        %eq3A_385 = arith.cmpi eq, %and3A_368, %broadcast_in_dim3A_381 : vector<16xi32>
        %and3A_386 = arith.andi %gt3A_384, %eq3A_385 : vector<16xi1>
        %jit3A_387 = arith.constant 1 : i32
        %jit3A_388 = arith.constant 0 : i32
        %broadcast_in_dim3A_389 = vector.broadcast %jit3A_387 : i32 to vector<16xi32>
        %broadcast_in_dim3A_390 = vector.broadcast %jit3A_388 : i32 to vector<16xi32>
        %select_n3A_391 = arith.select %and3A_386, %broadcast_in_dim3A_389, %broadcast_in_dim3A_390 : vector<16xi1>, vector<16xi32>
        %add3A_392 = arith.addi %add3A_378, %select_n3A_391 : vector<16xi32>
        %slice3A_393 = vector.extract_strided_slice %and3A_368 {offsets = [2], sizes = [1], strides = [1]} : vector<16xi32> to vector<1xi32>
        %squeeze3A_394 = vector.extract %slice3A_393[0] : i32 from vector<1xi32>
        %broadcast_in_dim3A_395 = vector.broadcast %squeeze3A_394 : i32 to vector<16xi32>
        %gt3A_396 = arith.constant 2 : i32
        %gt3A_397 = vector.broadcast %gt3A_396 : i32 to vector<16xi32>
        %gt3A_398 = arith.cmpi sgt, %iota3A, %gt3A_397 : vector<16xi32>
        %eq3A_399 = arith.cmpi eq, %and3A_368, %broadcast_in_dim3A_395 : vector<16xi32>
        %and3A_400 = arith.andi %gt3A_398, %eq3A_399 : vector<16xi1>
        %jit3A_401 = arith.constant 1 : i32
        %jit3A_402 = arith.constant 0 : i32
        %broadcast_in_dim3A_403 = vector.broadcast %jit3A_401 : i32 to vector<16xi32>
        %broadcast_in_dim3A_404 = vector.broadcast %jit3A_402 : i32 to vector<16xi32>
        %select_n3A_405 = arith.select %and3A_400, %broadcast_in_dim3A_403, %broadcast_in_dim3A_404 : vector<16xi1>, vector<16xi32>
        %add3A_406 = arith.addi %add3A_392, %select_n3A_405 : vector<16xi32>
        %slice3A_407 = vector.extract_strided_slice %and3A_368 {offsets = [3], sizes = [1], strides = [1]} : vector<16xi32> to vector<1xi32>
        %squeeze3A_408 = vector.extract %slice3A_407[0] : i32 from vector<1xi32>
        %broadcast_in_dim3A_409 = vector.broadcast %squeeze3A_408 : i32 to vector<16xi32>
        %gt3A_410 = arith.constant 3 : i32
        %gt3A_411 = vector.broadcast %gt3A_410 : i32 to vector<16xi32>
        %gt3A_412 = arith.cmpi sgt, %iota3A, %gt3A_411 : vector<16xi32>
        %eq3A_413 = arith.cmpi eq, %and3A_368, %broadcast_in_dim3A_409 : vector<16xi32>
        %and3A_414 = arith.andi %gt3A_412, %eq3A_413 : vector<16xi1>
        %jit3A_415 = arith.constant 1 : i32
        %jit3A_416 = arith.constant 0 : i32
        %broadcast_in_dim3A_417 = vector.broadcast %jit3A_415 : i32 to vector<16xi32>
        %broadcast_in_dim3A_418 = vector.broadcast %jit3A_416 : i32 to vector<16xi32>
        %select_n3A_419 = arith.select %and3A_414, %broadcast_in_dim3A_417, %broadcast_in_dim3A_418 : vector<16xi1>, vector<16xi32>
        %add3A_420 = arith.addi %add3A_406, %select_n3A_419 : vector<16xi32>
        %slice3A_421 = vector.extract_strided_slice %and3A_368 {offsets = [4], sizes = [1], strides = [1]} : vector<16xi32> to vector<1xi32>
        %squeeze3A_422 = vector.extract %slice3A_421[0] : i32 from vector<1xi32>
        %broadcast_in_dim3A_423 = vector.broadcast %squeeze3A_422 : i32 to vector<16xi32>
        %gt3A_424 = arith.constant 4 : i32
        %gt3A_425 = vector.broadcast %gt3A_424 : i32 to vector<16xi32>
        %gt3A_426 = arith.cmpi sgt, %iota3A, %gt3A_425 : vector<16xi32>
        %eq3A_427 = arith.cmpi eq, %and3A_368, %broadcast_in_dim3A_423 : vector<16xi32>
        %and3A_428 = arith.andi %gt3A_426, %eq3A_427 : vector<16xi1>
        %jit3A_429 = arith.constant 1 : i32
        %jit3A_430 = arith.constant 0 : i32
        %broadcast_in_dim3A_431 = vector.broadcast %jit3A_429 : i32 to vector<16xi32>
        %broadcast_in_dim3A_432 = vector.broadcast %jit3A_430 : i32 to vector<16xi32>
        %select_n3A_433 = arith.select %and3A_428, %broadcast_in_dim3A_431, %broadcast_in_dim3A_432 : vector<16xi1>, vector<16xi32>
        %add3A_434 = arith.addi %add3A_420, %select_n3A_433 : vector<16xi32>
        %slice3A_435 = vector.extract_strided_slice %and3A_368 {offsets = [5], sizes = [1], strides = [1]} : vector<16xi32> to vector<1xi32>
        %squeeze3A_436 = vector.extract %slice3A_435[0] : i32 from vector<1xi32>
        %broadcast_in_dim3A_437 = vector.broadcast %squeeze3A_436 : i32 to vector<16xi32>
        %gt3A_438 = arith.constant 5 : i32
        %gt3A_439 = vector.broadcast %gt3A_438 : i32 to vector<16xi32>
        %gt3A_440 = arith.cmpi sgt, %iota3A, %gt3A_439 : vector<16xi32>
        %eq3A_441 = arith.cmpi eq, %and3A_368, %broadcast_in_dim3A_437 : vector<16xi32>
        %and3A_442 = arith.andi %gt3A_440, %eq3A_441 : vector<16xi1>
        %jit3A_443 = arith.constant 1 : i32
        %jit3A_444 = arith.constant 0 : i32
        %broadcast_in_dim3A_445 = vector.broadcast %jit3A_443 : i32 to vector<16xi32>
        %broadcast_in_dim3A_446 = vector.broadcast %jit3A_444 : i32 to vector<16xi32>
        %select_n3A_447 = arith.select %and3A_442, %broadcast_in_dim3A_445, %broadcast_in_dim3A_446 : vector<16xi1>, vector<16xi32>
        %add3A_448 = arith.addi %add3A_434, %select_n3A_447 : vector<16xi32>
        %slice3A_449 = vector.extract_strided_slice %and3A_368 {offsets = [6], sizes = [1], strides = [1]} : vector<16xi32> to vector<1xi32>
        %squeeze3A_450 = vector.extract %slice3A_449[0] : i32 from vector<1xi32>
        %broadcast_in_dim3A_451 = vector.broadcast %squeeze3A_450 : i32 to vector<16xi32>
        %gt3A_452 = arith.constant 6 : i32
        %gt3A_453 = vector.broadcast %gt3A_452 : i32 to vector<16xi32>
        %gt3A_454 = arith.cmpi sgt, %iota3A, %gt3A_453 : vector<16xi32>
        %eq3A_455 = arith.cmpi eq, %and3A_368, %broadcast_in_dim3A_451 : vector<16xi32>
        %and3A_456 = arith.andi %gt3A_454, %eq3A_455 : vector<16xi1>
        %jit3A_457 = arith.constant 1 : i32
        %jit3A_458 = arith.constant 0 : i32
        %broadcast_in_dim3A_459 = vector.broadcast %jit3A_457 : i32 to vector<16xi32>
        %broadcast_in_dim3A_460 = vector.broadcast %jit3A_458 : i32 to vector<16xi32>
        %select_n3A_461 = arith.select %and3A_456, %broadcast_in_dim3A_459, %broadcast_in_dim3A_460 : vector<16xi1>, vector<16xi32>
        %add3A_462 = arith.addi %add3A_448, %select_n3A_461 : vector<16xi32>
        %slice3A_463 = vector.extract_strided_slice %and3A_368 {offsets = [7], sizes = [1], strides = [1]} : vector<16xi32> to vector<1xi32>
        %squeeze3A_464 = vector.extract %slice3A_463[0] : i32 from vector<1xi32>
        %broadcast_in_dim3A_465 = vector.broadcast %squeeze3A_464 : i32 to vector<16xi32>
        %gt3A_466 = arith.constant 7 : i32
        %gt3A_467 = vector.broadcast %gt3A_466 : i32 to vector<16xi32>
        %gt3A_468 = arith.cmpi sgt, %iota3A, %gt3A_467 : vector<16xi32>
        %eq3A_469 = arith.cmpi eq, %and3A_368, %broadcast_in_dim3A_465 : vector<16xi32>
        %and3A_470 = arith.andi %gt3A_468, %eq3A_469 : vector<16xi1>
        %jit3A_471 = arith.constant 1 : i32
        %jit3A_472 = arith.constant 0 : i32
        %broadcast_in_dim3A_473 = vector.broadcast %jit3A_471 : i32 to vector<16xi32>
        %broadcast_in_dim3A_474 = vector.broadcast %jit3A_472 : i32 to vector<16xi32>
        %select_n3A_475 = arith.select %and3A_470, %broadcast_in_dim3A_473, %broadcast_in_dim3A_474 : vector<16xi1>, vector<16xi32>
        %add3A_476 = arith.addi %add3A_462, %select_n3A_475 : vector<16xi32>
        %slice3A_477 = vector.extract_strided_slice %and3A_368 {offsets = [8], sizes = [1], strides = [1]} : vector<16xi32> to vector<1xi32>
        %squeeze3A_478 = vector.extract %slice3A_477[0] : i32 from vector<1xi32>
        %broadcast_in_dim3A_479 = vector.broadcast %squeeze3A_478 : i32 to vector<16xi32>
        %gt3A_480 = arith.constant 8 : i32
        %gt3A_481 = vector.broadcast %gt3A_480 : i32 to vector<16xi32>
        %gt3A_482 = arith.cmpi sgt, %iota3A, %gt3A_481 : vector<16xi32>
        %eq3A_483 = arith.cmpi eq, %and3A_368, %broadcast_in_dim3A_479 : vector<16xi32>
        %and3A_484 = arith.andi %gt3A_482, %eq3A_483 : vector<16xi1>
        %jit3A_485 = arith.constant 1 : i32
        %jit3A_486 = arith.constant 0 : i32
        %broadcast_in_dim3A_487 = vector.broadcast %jit3A_485 : i32 to vector<16xi32>
        %broadcast_in_dim3A_488 = vector.broadcast %jit3A_486 : i32 to vector<16xi32>
        %select_n3A_489 = arith.select %and3A_484, %broadcast_in_dim3A_487, %broadcast_in_dim3A_488 : vector<16xi1>, vector<16xi32>
        %add3A_490 = arith.addi %add3A_476, %select_n3A_489 : vector<16xi32>
        %slice3A_491 = vector.extract_strided_slice %and3A_368 {offsets = [9], sizes = [1], strides = [1]} : vector<16xi32> to vector<1xi32>
        %squeeze3A_492 = vector.extract %slice3A_491[0] : i32 from vector<1xi32>
        %broadcast_in_dim3A_493 = vector.broadcast %squeeze3A_492 : i32 to vector<16xi32>
        %gt3A_494 = arith.constant 9 : i32
        %gt3A_495 = vector.broadcast %gt3A_494 : i32 to vector<16xi32>
        %gt3A_496 = arith.cmpi sgt, %iota3A, %gt3A_495 : vector<16xi32>
        %eq3A_497 = arith.cmpi eq, %and3A_368, %broadcast_in_dim3A_493 : vector<16xi32>
        %and3A_498 = arith.andi %gt3A_496, %eq3A_497 : vector<16xi1>
        %jit3A_499 = arith.constant 1 : i32
        %jit3A_500 = arith.constant 0 : i32
        %broadcast_in_dim3A_501 = vector.broadcast %jit3A_499 : i32 to vector<16xi32>
        %broadcast_in_dim3A_502 = vector.broadcast %jit3A_500 : i32 to vector<16xi32>
        %select_n3A_503 = arith.select %and3A_498, %broadcast_in_dim3A_501, %broadcast_in_dim3A_502 : vector<16xi1>, vector<16xi32>
        %add3A_504 = arith.addi %add3A_490, %select_n3A_503 : vector<16xi32>
        %slice3A_505 = vector.extract_strided_slice %and3A_368 {offsets = [10], sizes = [1], strides = [1]} : vector<16xi32> to vector<1xi32>
        %squeeze3A_506 = vector.extract %slice3A_505[0] : i32 from vector<1xi32>
        %broadcast_in_dim3A_507 = vector.broadcast %squeeze3A_506 : i32 to vector<16xi32>
        %gt3A_508 = arith.constant 10 : i32
        %gt3A_509 = vector.broadcast %gt3A_508 : i32 to vector<16xi32>
        %gt3A_510 = arith.cmpi sgt, %iota3A, %gt3A_509 : vector<16xi32>
        %eq3A_511 = arith.cmpi eq, %and3A_368, %broadcast_in_dim3A_507 : vector<16xi32>
        %and3A_512 = arith.andi %gt3A_510, %eq3A_511 : vector<16xi1>
        %jit3A_513 = arith.constant 1 : i32
        %jit3A_514 = arith.constant 0 : i32
        %broadcast_in_dim3A_515 = vector.broadcast %jit3A_513 : i32 to vector<16xi32>
        %broadcast_in_dim3A_516 = vector.broadcast %jit3A_514 : i32 to vector<16xi32>
        %select_n3A_517 = arith.select %and3A_512, %broadcast_in_dim3A_515, %broadcast_in_dim3A_516 : vector<16xi1>, vector<16xi32>
        %add3A_518 = arith.addi %add3A_504, %select_n3A_517 : vector<16xi32>
        %slice3A_519 = vector.extract_strided_slice %and3A_368 {offsets = [11], sizes = [1], strides = [1]} : vector<16xi32> to vector<1xi32>
        %squeeze3A_520 = vector.extract %slice3A_519[0] : i32 from vector<1xi32>
        %broadcast_in_dim3A_521 = vector.broadcast %squeeze3A_520 : i32 to vector<16xi32>
        %gt3A_522 = arith.constant 11 : i32
        %gt3A_523 = vector.broadcast %gt3A_522 : i32 to vector<16xi32>
        %gt3A_524 = arith.cmpi sgt, %iota3A, %gt3A_523 : vector<16xi32>
        %eq3A_525 = arith.cmpi eq, %and3A_368, %broadcast_in_dim3A_521 : vector<16xi32>
        %and3A_526 = arith.andi %gt3A_524, %eq3A_525 : vector<16xi1>
        %jit3A_527 = arith.constant 1 : i32
        %jit3A_528 = arith.constant 0 : i32
        %broadcast_in_dim3A_529 = vector.broadcast %jit3A_527 : i32 to vector<16xi32>
        %broadcast_in_dim3A_530 = vector.broadcast %jit3A_528 : i32 to vector<16xi32>
        %select_n3A_531 = arith.select %and3A_526, %broadcast_in_dim3A_529, %broadcast_in_dim3A_530 : vector<16xi1>, vector<16xi32>
        %add3A_532 = arith.addi %add3A_518, %select_n3A_531 : vector<16xi32>
        %slice3A_533 = vector.extract_strided_slice %and3A_368 {offsets = [12], sizes = [1], strides = [1]} : vector<16xi32> to vector<1xi32>
        %squeeze3A_534 = vector.extract %slice3A_533[0] : i32 from vector<1xi32>
        %broadcast_in_dim3A_535 = vector.broadcast %squeeze3A_534 : i32 to vector<16xi32>
        %gt3A_536 = arith.constant 12 : i32
        %gt3A_537 = vector.broadcast %gt3A_536 : i32 to vector<16xi32>
        %gt3A_538 = arith.cmpi sgt, %iota3A, %gt3A_537 : vector<16xi32>
        %eq3A_539 = arith.cmpi eq, %and3A_368, %broadcast_in_dim3A_535 : vector<16xi32>
        %and3A_540 = arith.andi %gt3A_538, %eq3A_539 : vector<16xi1>
        %jit3A_541 = arith.constant 1 : i32
        %jit3A_542 = arith.constant 0 : i32
        %broadcast_in_dim3A_543 = vector.broadcast %jit3A_541 : i32 to vector<16xi32>
        %broadcast_in_dim3A_544 = vector.broadcast %jit3A_542 : i32 to vector<16xi32>
        %select_n3A_545 = arith.select %and3A_540, %broadcast_in_dim3A_543, %broadcast_in_dim3A_544 : vector<16xi1>, vector<16xi32>
        %add3A_546 = arith.addi %add3A_532, %select_n3A_545 : vector<16xi32>
        %slice3A_547 = vector.extract_strided_slice %and3A_368 {offsets = [13], sizes = [1], strides = [1]} : vector<16xi32> to vector<1xi32>
        %squeeze3A_548 = vector.extract %slice3A_547[0] : i32 from vector<1xi32>
        %broadcast_in_dim3A_549 = vector.broadcast %squeeze3A_548 : i32 to vector<16xi32>
        %gt3A_550 = arith.constant 13 : i32
        %gt3A_551 = vector.broadcast %gt3A_550 : i32 to vector<16xi32>
        %gt3A_552 = arith.cmpi sgt, %iota3A, %gt3A_551 : vector<16xi32>
        %eq3A_553 = arith.cmpi eq, %and3A_368, %broadcast_in_dim3A_549 : vector<16xi32>
        %and3A_554 = arith.andi %gt3A_552, %eq3A_553 : vector<16xi1>
        %jit3A_555 = arith.constant 1 : i32
        %jit3A_556 = arith.constant 0 : i32
        %broadcast_in_dim3A_557 = vector.broadcast %jit3A_555 : i32 to vector<16xi32>
        %broadcast_in_dim3A_558 = vector.broadcast %jit3A_556 : i32 to vector<16xi32>
        %select_n3A_559 = arith.select %and3A_554, %broadcast_in_dim3A_557, %broadcast_in_dim3A_558 : vector<16xi1>, vector<16xi32>
        %add3A_560 = arith.addi %add3A_546, %select_n3A_559 : vector<16xi32>
        %slice3A_561 = vector.extract_strided_slice %and3A_368 {offsets = [14], sizes = [1], strides = [1]} : vector<16xi32> to vector<1xi32>
        %squeeze3A_562 = vector.extract %slice3A_561[0] : i32 from vector<1xi32>
        %broadcast_in_dim3A_563 = vector.broadcast %squeeze3A_562 : i32 to vector<16xi32>
        %gt3A_564 = arith.constant 14 : i32
        %gt3A_565 = vector.broadcast %gt3A_564 : i32 to vector<16xi32>
        %gt3A_566 = arith.cmpi sgt, %iota3A, %gt3A_565 : vector<16xi32>
        %eq3A_567 = arith.cmpi eq, %and3A_368, %broadcast_in_dim3A_563 : vector<16xi32>
        %and3A_568 = arith.andi %gt3A_566, %eq3A_567 : vector<16xi1>
        %jit3A_569 = arith.constant 1 : i32
        %jit3A_570 = arith.constant 0 : i32
        %broadcast_in_dim3A_571 = vector.broadcast %jit3A_569 : i32 to vector<16xi32>
        %broadcast_in_dim3A_572 = vector.broadcast %jit3A_570 : i32 to vector<16xi32>
        %select_n3A_573 = arith.select %and3A_568, %broadcast_in_dim3A_571, %broadcast_in_dim3A_572 : vector<16xi1>, vector<16xi32>
        %add3A_574 = arith.addi %add3A_560, %select_n3A_573 : vector<16xi32>
        %gather3A = tpu.vector_load_idx %arg16[%and3A_368] : memref<256xi32, #tpu.memory_space<vmem>>[vector<16xi32>], vector<16xi32>,
        %add3A_575 = arith.addi %gather3A, %add3A_574 : vector<16xi32>
        tpu.vector_store_idx %arg12[%add3A_575], %get3A_361 : memref<5136xi32, #tpu.memory_space<vmem>>[vector<16xi32>], vector<16xi32>,
        tpu.vector_store_idx %arg13[%add3A_575], %get3A_363 : memref<5136xi32, #tpu.memory_space<vmem>>[vector<16xi32>], vector<16xi32>,
        tpu.vector_store_idx %arg16[%and3A_368], %broadcast_in_dim3A_7 {add = true} : memref<256xi32, #tpu.memory_space<vmem>>[vector<16xi32>], vector<16xi32>,
        %while3A_576 = arith.constant 0 : i32
        scf.yield %while3A_576 : i32
      }
      %while3A_289 = arith.constant 1 : i32
      %while3A_290 = scf.for %while3A_357 = %while3A_286 to %while3A_282 step %while3A_289 iter_args(%while3A_358 = %while3A_288) -> (i32)  : i32 {
        %mul3A_359 = arith.constant 16 : i32
        %mul3A_360 = arith.muli %while3A_357, %mul3A_359 : i32
        %get3A = arith.index_cast %mul3A_360 : i32 to index
        %get3A_361 = tpu.vector_load %arg14[%get3A] {strides = array<i32>} : memref<5136xi32, #tpu.memory_space<vmem>>, vector<16xi32>,
        %get3A_362 = arith.index_cast %mul3A_360 : i32 to index
        %get3A_363 = tpu.vector_load %arg15[%get3A_362] {strides = array<i32>} : memref<5136xi32, #tpu.memory_space<vmem>>, vector<16xi32>,
        %shift_right_logical3A = arith.constant 24 : i32
        %shift_right_logical3A_364 = vector.broadcast %shift_right_logical3A : i32 to vector<16xi32>
        %shift_right_logical3A_365 = arith.shrui %get3A_361, %shift_right_logical3A_364 : vector<16xi32>
        %and3A_366 = arith.constant 255 : i32
        %and3A_367 = vector.broadcast %and3A_366 : i32 to vector<16xi32>
        %and3A_368 = arith.andi %shift_right_logical3A_365, %and3A_367 : vector<16xi32>
        %slice3A = vector.extract_strided_slice %and3A_368 {offsets = [0], sizes = [1], strides = [1]} : vector<16xi32> to vector<1xi32>
        %squeeze3A = vector.extract %slice3A[0] : i32 from vector<1xi32>
        %broadcast_in_dim3A_369 = vector.broadcast %squeeze3A : i32 to vector<16xi32>
        %gt3A = arith.constant 0 : i32
        %gt3A_370 = vector.broadcast %gt3A : i32 to vector<16xi32>
        %gt3A_371 = arith.cmpi sgt, %iota3A, %gt3A_370 : vector<16xi32>
        %eq3A = arith.cmpi eq, %and3A_368, %broadcast_in_dim3A_369 : vector<16xi32>
        %and3A_372 = arith.andi %gt3A_371, %eq3A : vector<16xi1>
        %jit3A_373 = arith.constant 1 : i32
        %jit3A_374 = arith.constant 0 : i32
        %broadcast_in_dim3A_375 = vector.broadcast %jit3A_373 : i32 to vector<16xi32>
        %broadcast_in_dim3A_376 = vector.broadcast %jit3A_374 : i32 to vector<16xi32>
        %select_n3A_377 = arith.select %and3A_372, %broadcast_in_dim3A_375, %broadcast_in_dim3A_376 : vector<16xi1>, vector<16xi32>
        %add3A_378 = arith.addi %broadcast_in_dim3A_5, %select_n3A_377 : vector<16xi32>
        %slice3A_379 = vector.extract_strided_slice %and3A_368 {offsets = [1], sizes = [1], strides = [1]} : vector<16xi32> to vector<1xi32>
        %squeeze3A_380 = vector.extract %slice3A_379[0] : i32 from vector<1xi32>
        %broadcast_in_dim3A_381 = vector.broadcast %squeeze3A_380 : i32 to vector<16xi32>
        %gt3A_382 = arith.constant 1 : i32
        %gt3A_383 = vector.broadcast %gt3A_382 : i32 to vector<16xi32>
        %gt3A_384 = arith.cmpi sgt, %iota3A, %gt3A_383 : vector<16xi32>
        %eq3A_385 = arith.cmpi eq, %and3A_368, %broadcast_in_dim3A_381 : vector<16xi32>
        %and3A_386 = arith.andi %gt3A_384, %eq3A_385 : vector<16xi1>
        %jit3A_387 = arith.constant 1 : i32
        %jit3A_388 = arith.constant 0 : i32
        %broadcast_in_dim3A_389 = vector.broadcast %jit3A_387 : i32 to vector<16xi32>
        %broadcast_in_dim3A_390 = vector.broadcast %jit3A_388 : i32 to vector<16xi32>
        %select_n3A_391 = arith.select %and3A_386, %broadcast_in_dim3A_389, %broadcast_in_dim3A_390 : vector<16xi1>, vector<16xi32>
        %add3A_392 = arith.addi %add3A_378, %select_n3A_391 : vector<16xi32>
        %slice3A_393 = vector.extract_strided_slice %and3A_368 {offsets = [2], sizes = [1], strides = [1]} : vector<16xi32> to vector<1xi32>
        %squeeze3A_394 = vector.extract %slice3A_393[0] : i32 from vector<1xi32>
        %broadcast_in_dim3A_395 = vector.broadcast %squeeze3A_394 : i32 to vector<16xi32>
        %gt3A_396 = arith.constant 2 : i32
        %gt3A_397 = vector.broadcast %gt3A_396 : i32 to vector<16xi32>
        %gt3A_398 = arith.cmpi sgt, %iota3A, %gt3A_397 : vector<16xi32>
        %eq3A_399 = arith.cmpi eq, %and3A_368, %broadcast_in_dim3A_395 : vector<16xi32>
        %and3A_400 = arith.andi %gt3A_398, %eq3A_399 : vector<16xi1>
        %jit3A_401 = arith.constant 1 : i32
        %jit3A_402 = arith.constant 0 : i32
        %broadcast_in_dim3A_403 = vector.broadcast %jit3A_401 : i32 to vector<16xi32>
        %broadcast_in_dim3A_404 = vector.broadcast %jit3A_402 : i32 to vector<16xi32>
        %select_n3A_405 = arith.select %and3A_400, %broadcast_in_dim3A_403, %broadcast_in_dim3A_404 : vector<16xi1>, vector<16xi32>
        %add3A_406 = arith.addi %add3A_392, %select_n3A_405 : vector<16xi32>
        %slice3A_407 = vector.extract_strided_slice %and3A_368 {offsets = [3], sizes = [1], strides = [1]} : vector<16xi32> to vector<1xi32>
        %squeeze3A_408 = vector.extract %slice3A_407[0] : i32 from vector<1xi32>
        %broadcast_in_dim3A_409 = vector.broadcast %squeeze3A_408 : i32 to vector<16xi32>
        %gt3A_410 = arith.constant 3 : i32
        %gt3A_411 = vector.broadcast %gt3A_410 : i32 to vector<16xi32>
        %gt3A_412 = arith.cmpi sgt, %iota3A, %gt3A_411 : vector<16xi32>
        %eq3A_413 = arith.cmpi eq, %and3A_368, %broadcast_in_dim3A_409 : vector<16xi32>
        %and3A_414 = arith.andi %gt3A_412, %eq3A_413 : vector<16xi1>
        %jit3A_415 = arith.constant 1 : i32
        %jit3A_416 = arith.constant 0 : i32
        %broadcast_in_dim3A_417 = vector.broadcast %jit3A_415 : i32 to vector<16xi32>
        %broadcast_in_dim3A_418 = vector.broadcast %jit3A_416 : i32 to vector<16xi32>
        %select_n3A_419 = arith.select %and3A_414, %broadcast_in_dim3A_417, %broadcast_in_dim3A_418 : vector<16xi1>, vector<16xi32>
        %add3A_420 = arith.addi %add3A_406, %select_n3A_419 : vector<16xi32>
        %slice3A_421 = vector.extract_strided_slice %and3A_368 {offsets = [4], sizes = [1], strides = [1]} : vector<16xi32> to vector<1xi32>
        %squeeze3A_422 = vector.extract %slice3A_421[0] : i32 from vector<1xi32>
        %broadcast_in_dim3A_423 = vector.broadcast %squeeze3A_422 : i32 to vector<16xi32>
        %gt3A_424 = arith.constant 4 : i32
        %gt3A_425 = vector.broadcast %gt3A_424 : i32 to vector<16xi32>
        %gt3A_426 = arith.cmpi sgt, %iota3A, %gt3A_425 : vector<16xi32>
        %eq3A_427 = arith.cmpi eq, %and3A_368, %broadcast_in_dim3A_423 : vector<16xi32>
        %and3A_428 = arith.andi %gt3A_426, %eq3A_427 : vector<16xi1>
        %jit3A_429 = arith.constant 1 : i32
        %jit3A_430 = arith.constant 0 : i32
        %broadcast_in_dim3A_431 = vector.broadcast %jit3A_429 : i32 to vector<16xi32>
        %broadcast_in_dim3A_432 = vector.broadcast %jit3A_430 : i32 to vector<16xi32>
        %select_n3A_433 = arith.select %and3A_428, %broadcast_in_dim3A_431, %broadcast_in_dim3A_432 : vector<16xi1>, vector<16xi32>
        %add3A_434 = arith.addi %add3A_420, %select_n3A_433 : vector<16xi32>
        %slice3A_435 = vector.extract_strided_slice %and3A_368 {offsets = [5], sizes = [1], strides = [1]} : vector<16xi32> to vector<1xi32>
        %squeeze3A_436 = vector.extract %slice3A_435[0] : i32 from vector<1xi32>
        %broadcast_in_dim3A_437 = vector.broadcast %squeeze3A_436 : i32 to vector<16xi32>
        %gt3A_438 = arith.constant 5 : i32
        %gt3A_439 = vector.broadcast %gt3A_438 : i32 to vector<16xi32>
        %gt3A_440 = arith.cmpi sgt, %iota3A, %gt3A_439 : vector<16xi32>
        %eq3A_441 = arith.cmpi eq, %and3A_368, %broadcast_in_dim3A_437 : vector<16xi32>
        %and3A_442 = arith.andi %gt3A_440, %eq3A_441 : vector<16xi1>
        %jit3A_443 = arith.constant 1 : i32
        %jit3A_444 = arith.constant 0 : i32
        %broadcast_in_dim3A_445 = vector.broadcast %jit3A_443 : i32 to vector<16xi32>
        %broadcast_in_dim3A_446 = vector.broadcast %jit3A_444 : i32 to vector<16xi32>
        %select_n3A_447 = arith.select %and3A_442, %broadcast_in_dim3A_445, %broadcast_in_dim3A_446 : vector<16xi1>, vector<16xi32>
        %add3A_448 = arith.addi %add3A_434, %select_n3A_447 : vector<16xi32>
        %slice3A_449 = vector.extract_strided_slice %and3A_368 {offsets = [6], sizes = [1], strides = [1]} : vector<16xi32> to vector<1xi32>
        %squeeze3A_450 = vector.extract %slice3A_449[0] : i32 from vector<1xi32>
        %broadcast_in_dim3A_451 = vector.broadcast %squeeze3A_450 : i32 to vector<16xi32>
        %gt3A_452 = arith.constant 6 : i32
        %gt3A_453 = vector.broadcast %gt3A_452 : i32 to vector<16xi32>
        %gt3A_454 = arith.cmpi sgt, %iota3A, %gt3A_453 : vector<16xi32>
        %eq3A_455 = arith.cmpi eq, %and3A_368, %broadcast_in_dim3A_451 : vector<16xi32>
        %and3A_456 = arith.andi %gt3A_454, %eq3A_455 : vector<16xi1>
        %jit3A_457 = arith.constant 1 : i32
        %jit3A_458 = arith.constant 0 : i32
        %broadcast_in_dim3A_459 = vector.broadcast %jit3A_457 : i32 to vector<16xi32>
        %broadcast_in_dim3A_460 = vector.broadcast %jit3A_458 : i32 to vector<16xi32>
        %select_n3A_461 = arith.select %and3A_456, %broadcast_in_dim3A_459, %broadcast_in_dim3A_460 : vector<16xi1>, vector<16xi32>
        %add3A_462 = arith.addi %add3A_448, %select_n3A_461 : vector<16xi32>
        %slice3A_463 = vector.extract_strided_slice %and3A_368 {offsets = [7], sizes = [1], strides = [1]} : vector<16xi32> to vector<1xi32>
        %squeeze3A_464 = vector.extract %slice3A_463[0] : i32 from vector<1xi32>
        %broadcast_in_dim3A_465 = vector.broadcast %squeeze3A_464 : i32 to vector<16xi32>
        %gt3A_466 = arith.constant 7 : i32
        %gt3A_467 = vector.broadcast %gt3A_466 : i32 to vector<16xi32>
        %gt3A_468 = arith.cmpi sgt, %iota3A, %gt3A_467 : vector<16xi32>
        %eq3A_469 = arith.cmpi eq, %and3A_368, %broadcast_in_dim3A_465 : vector<16xi32>
        %and3A_470 = arith.andi %gt3A_468, %eq3A_469 : vector<16xi1>
        %jit3A_471 = arith.constant 1 : i32
        %jit3A_472 = arith.constant 0 : i32
        %broadcast_in_dim3A_473 = vector.broadcast %jit3A_471 : i32 to vector<16xi32>
        %broadcast_in_dim3A_474 = vector.broadcast %jit3A_472 : i32 to vector<16xi32>
        %select_n3A_475 = arith.select %and3A_470, %broadcast_in_dim3A_473, %broadcast_in_dim3A_474 : vector<16xi1>, vector<16xi32>
        %add3A_476 = arith.addi %add3A_462, %select_n3A_475 : vector<16xi32>
        %slice3A_477 = vector.extract_strided_slice %and3A_368 {offsets = [8], sizes = [1], strides = [1]} : vector<16xi32> to vector<1xi32>
        %squeeze3A_478 = vector.extract %slice3A_477[0] : i32 from vector<1xi32>
        %broadcast_in_dim3A_479 = vector.broadcast %squeeze3A_478 : i32 to vector<16xi32>
        %gt3A_480 = arith.constant 8 : i32
        %gt3A_481 = vector.broadcast %gt3A_480 : i32 to vector<16xi32>
        %gt3A_482 = arith.cmpi sgt, %iota3A, %gt3A_481 : vector<16xi32>
        %eq3A_483 = arith.cmpi eq, %and3A_368, %broadcast_in_dim3A_479 : vector<16xi32>
        %and3A_484 = arith.andi %gt3A_482, %eq3A_483 : vector<16xi1>
        %jit3A_485 = arith.constant 1 : i32
        %jit3A_486 = arith.constant 0 : i32
        %broadcast_in_dim3A_487 = vector.broadcast %jit3A_485 : i32 to vector<16xi32>
        %broadcast_in_dim3A_488 = vector.broadcast %jit3A_486 : i32 to vector<16xi32>
        %select_n3A_489 = arith.select %and3A_484, %broadcast_in_dim3A_487, %broadcast_in_dim3A_488 : vector<16xi1>, vector<16xi32>
        %add3A_490 = arith.addi %add3A_476, %select_n3A_489 : vector<16xi32>
        %slice3A_491 = vector.extract_strided_slice %and3A_368 {offsets = [9], sizes = [1], strides = [1]} : vector<16xi32> to vector<1xi32>
        %squeeze3A_492 = vector.extract %slice3A_491[0] : i32 from vector<1xi32>
        %broadcast_in_dim3A_493 = vector.broadcast %squeeze3A_492 : i32 to vector<16xi32>
        %gt3A_494 = arith.constant 9 : i32
        %gt3A_495 = vector.broadcast %gt3A_494 : i32 to vector<16xi32>
        %gt3A_496 = arith.cmpi sgt, %iota3A, %gt3A_495 : vector<16xi32>
        %eq3A_497 = arith.cmpi eq, %and3A_368, %broadcast_in_dim3A_493 : vector<16xi32>
        %and3A_498 = arith.andi %gt3A_496, %eq3A_497 : vector<16xi1>
        %jit3A_499 = arith.constant 1 : i32
        %jit3A_500 = arith.constant 0 : i32
        %broadcast_in_dim3A_501 = vector.broadcast %jit3A_499 : i32 to vector<16xi32>
        %broadcast_in_dim3A_502 = vector.broadcast %jit3A_500 : i32 to vector<16xi32>
        %select_n3A_503 = arith.select %and3A_498, %broadcast_in_dim3A_501, %broadcast_in_dim3A_502 : vector<16xi1>, vector<16xi32>
        %add3A_504 = arith.addi %add3A_490, %select_n3A_503 : vector<16xi32>
        %slice3A_505 = vector.extract_strided_slice %and3A_368 {offsets = [10], sizes = [1], strides = [1]} : vector<16xi32> to vector<1xi32>
        %squeeze3A_506 = vector.extract %slice3A_505[0] : i32 from vector<1xi32>
        %broadcast_in_dim3A_507 = vector.broadcast %squeeze3A_506 : i32 to vector<16xi32>
        %gt3A_508 = arith.constant 10 : i32
        %gt3A_509 = vector.broadcast %gt3A_508 : i32 to vector<16xi32>
        %gt3A_510 = arith.cmpi sgt, %iota3A, %gt3A_509 : vector<16xi32>
        %eq3A_511 = arith.cmpi eq, %and3A_368, %broadcast_in_dim3A_507 : vector<16xi32>
        %and3A_512 = arith.andi %gt3A_510, %eq3A_511 : vector<16xi1>
        %jit3A_513 = arith.constant 1 : i32
        %jit3A_514 = arith.constant 0 : i32
        %broadcast_in_dim3A_515 = vector.broadcast %jit3A_513 : i32 to vector<16xi32>
        %broadcast_in_dim3A_516 = vector.broadcast %jit3A_514 : i32 to vector<16xi32>
        %select_n3A_517 = arith.select %and3A_512, %broadcast_in_dim3A_515, %broadcast_in_dim3A_516 : vector<16xi1>, vector<16xi32>
        %add3A_518 = arith.addi %add3A_504, %select_n3A_517 : vector<16xi32>
        %slice3A_519 = vector.extract_strided_slice %and3A_368 {offsets = [11], sizes = [1], strides = [1]} : vector<16xi32> to vector<1xi32>
        %squeeze3A_520 = vector.extract %slice3A_519[0] : i32 from vector<1xi32>
        %broadcast_in_dim3A_521 = vector.broadcast %squeeze3A_520 : i32 to vector<16xi32>
        %gt3A_522 = arith.constant 11 : i32
        %gt3A_523 = vector.broadcast %gt3A_522 : i32 to vector<16xi32>
        %gt3A_524 = arith.cmpi sgt, %iota3A, %gt3A_523 : vector<16xi32>
        %eq3A_525 = arith.cmpi eq, %and3A_368, %broadcast_in_dim3A_521 : vector<16xi32>
        %and3A_526 = arith.andi %gt3A_524, %eq3A_525 : vector<16xi1>
        %jit3A_527 = arith.constant 1 : i32
        %jit3A_528 = arith.constant 0 : i32
        %broadcast_in_dim3A_529 = vector.broadcast %jit3A_527 : i32 to vector<16xi32>
        %broadcast_in_dim3A_530 = vector.broadcast %jit3A_528 : i32 to vector<16xi32>
        %select_n3A_531 = arith.select %and3A_526, %broadcast_in_dim3A_529, %broadcast_in_dim3A_530 : vector<16xi1>, vector<16xi32>
        %add3A_532 = arith.addi %add3A_518, %select_n3A_531 : vector<16xi32>
        %slice3A_533 = vector.extract_strided_slice %and3A_368 {offsets = [12], sizes = [1], strides = [1]} : vector<16xi32> to vector<1xi32>
        %squeeze3A_534 = vector.extract %slice3A_533[0] : i32 from vector<1xi32>
        %broadcast_in_dim3A_535 = vector.broadcast %squeeze3A_534 : i32 to vector<16xi32>
        %gt3A_536 = arith.constant 12 : i32
        %gt3A_537 = vector.broadcast %gt3A_536 : i32 to vector<16xi32>
        %gt3A_538 = arith.cmpi sgt, %iota3A, %gt3A_537 : vector<16xi32>
        %eq3A_539 = arith.cmpi eq, %and3A_368, %broadcast_in_dim3A_535 : vector<16xi32>
        %and3A_540 = arith.andi %gt3A_538, %eq3A_539 : vector<16xi1>
        %jit3A_541 = arith.constant 1 : i32
        %jit3A_542 = arith.constant 0 : i32
        %broadcast_in_dim3A_543 = vector.broadcast %jit3A_541 : i32 to vector<16xi32>
        %broadcast_in_dim3A_544 = vector.broadcast %jit3A_542 : i32 to vector<16xi32>
        %select_n3A_545 = arith.select %and3A_540, %broadcast_in_dim3A_543, %broadcast_in_dim3A_544 : vector<16xi1>, vector<16xi32>
        %add3A_546 = arith.addi %add3A_532, %select_n3A_545 : vector<16xi32>
        %slice3A_547 = vector.extract_strided_slice %and3A_368 {offsets = [13], sizes = [1], strides = [1]} : vector<16xi32> to vector<1xi32>
        %squeeze3A_548 = vector.extract %slice3A_547[0] : i32 from vector<1xi32>
        %broadcast_in_dim3A_549 = vector.broadcast %squeeze3A_548 : i32 to vector<16xi32>
        %gt3A_550 = arith.constant 13 : i32
        %gt3A_551 = vector.broadcast %gt3A_550 : i32 to vector<16xi32>
        %gt3A_552 = arith.cmpi sgt, %iota3A, %gt3A_551 : vector<16xi32>
        %eq3A_553 = arith.cmpi eq, %and3A_368, %broadcast_in_dim3A_549 : vector<16xi32>
        %and3A_554 = arith.andi %gt3A_552, %eq3A_553 : vector<16xi1>
        %jit3A_555 = arith.constant 1 : i32
        %jit3A_556 = arith.constant 0 : i32
        %broadcast_in_dim3A_557 = vector.broadcast %jit3A_555 : i32 to vector<16xi32>
        %broadcast_in_dim3A_558 = vector.broadcast %jit3A_556 : i32 to vector<16xi32>
        %select_n3A_559 = arith.select %and3A_554, %broadcast_in_dim3A_557, %broadcast_in_dim3A_558 : vector<16xi1>, vector<16xi32>
        %add3A_560 = arith.addi %add3A_546, %select_n3A_559 : vector<16xi32>
        %slice3A_561 = vector.extract_strided_slice %and3A_368 {offsets = [14], sizes = [1], strides = [1]} : vector<16xi32> to vector<1xi32>
        %squeeze3A_562 = vector.extract %slice3A_561[0] : i32 from vector<1xi32>
        %broadcast_in_dim3A_563 = vector.broadcast %squeeze3A_562 : i32 to vector<16xi32>
        %gt3A_564 = arith.constant 14 : i32
        %gt3A_565 = vector.broadcast %gt3A_564 : i32 to vector<16xi32>
        %gt3A_566 = arith.cmpi sgt, %iota3A, %gt3A_565 : vector<16xi32>
        %eq3A_567 = arith.cmpi eq, %and3A_368, %broadcast_in_dim3A_563 : vector<16xi32>
        %and3A_568 = arith.andi %gt3A_566, %eq3A_567 : vector<16xi1>
        %jit3A_569 = arith.constant 1 : i32
        %jit3A_570 = arith.constant 0 : i32
        %broadcast_in_dim3A_571 = vector.broadcast %jit3A_569 : i32 to vector<16xi32>
        %broadcast_in_dim3A_572 = vector.broadcast %jit3A_570 : i32 to vector<16xi32>
        %select_n3A_573 = arith.select %and3A_568, %broadcast_in_dim3A_571, %broadcast_in_dim3A_572 : vector<16xi1>, vector<16xi32>
        %add3A_574 = arith.addi %add3A_560, %select_n3A_573 : vector<16xi32>
        %gather3A = tpu.vector_load_idx %arg16[%and3A_368] : memref<256xi32, #tpu.memory_space<vmem>>[vector<16xi32>], vector<16xi32>,
        %add3A_575 = arith.addi %gather3A, %add3A_574 : vector<16xi32>
        tpu.vector_store_idx %arg12[%add3A_575], %get3A_361 : memref<5136xi32, #tpu.memory_space<vmem>>[vector<16xi32>], vector<16xi32>,
        tpu.vector_store_idx %arg13[%add3A_575], %get3A_363 : memref<5136xi32, #tpu.memory_space<vmem>>[vector<16xi32>], vector<16xi32>,
        tpu.vector_store_idx %arg16[%and3A_368], %broadcast_in_dim3A_7 {add = true} : memref<256xi32, #tpu.memory_space<vmem>>[vector<16xi32>], vector<16xi32>,
        %while3A_576 = arith.constant 0 : i32
        scf.yield %while3A_576 : i32
      }
      %while3A_291 = arith.constant 0 : i32
      %while3A_292 = arith.constant 0 : i32
      %while3A_293 = arith.subi %select_n3A, %while3A_291 : i32
      %while3A_294 = arith.addi %while3A_291, %while3A_293 : i32
      %while3A_295 = arith.constant 1 : i32
      %while3A_296 = arith.divsi %while3A_293, %while3A_295 : i32
      %while3A_297 = arith.muli %while3A_296, %while3A_295 : i32
      %while3A_298 = arith.addi %while3A_291, %while3A_297 : i32
      %while3A_299 = arith.constant 1 : i32
      %while3A_300 = scf.for %while3A_357 = %while3A_291 to %while3A_298 step %while3A_299 iter_args(%while3A_358 = %while3A_292) -> (i32)  : i32 {
        %mul3A_359 = arith.constant 16 : i32
        %mul3A_360 = arith.muli %while3A_357, %mul3A_359 : i32
        %swap3A_361 = arith.index_cast %mul3A_360 : i32 to index
        %swap3A_362 = tpu.vector_load %arg22[%swap3A_361] {strides = array<i32>} : memref<5136xf32, #tpu.memory_space<vmem>>, vector<16xf32>,
        tpu.vector_store %arg22[%swap3A_361], %broadcast_in_dim3A_3 {strides = array<i32>} : memref<5136xf32, #tpu.memory_space<vmem>>, vector<16xf32>,
        %while3A_363 = arith.constant 0 : i32
        scf.yield %while3A_363 : i32
      }
      %while3A_301 = arith.constant 1 : i32
      %while3A_302 = scf.for %while3A_357 = %while3A_298 to %while3A_294 step %while3A_301 iter_args(%while3A_358 = %while3A_300) -> (i32)  : i32 {
        %mul3A_359 = arith.constant 16 : i32
        %mul3A_360 = arith.muli %while3A_357, %mul3A_359 : i32
        %swap3A_361 = arith.index_cast %mul3A_360 : i32 to index
        %swap3A_362 = tpu.vector_load %arg22[%swap3A_361] {strides = array<i32>} : memref<5136xf32, #tpu.memory_space<vmem>>, vector<16xf32>,
        tpu.vector_store %arg22[%swap3A_361], %broadcast_in_dim3A_3 {strides = array<i32>} : memref<5136xf32, #tpu.memory_space<vmem>>, vector<16xf32>,
        %while3A_363 = arith.constant 0 : i32
        scf.yield %while3A_363 : i32
      }
      %scan3A_303 = arith.constant 0 : i32
      %scan3A_304 = arith.constant 0 : i32
      %scan3A_305 = arith.constant 320 : i32
      %scan3A_306 = arith.addi %scan3A_304, %scan3A_305 : i32
      %scan3A_307 = arith.constant 1 : i32
      %scan3A_308 = scf.for %scan3A_357 = %scan3A_304 to %scan3A_306 step %scan3A_307 iter_args(%scan3A_358 = %scan3A_303) -> (i32)  : i32 {
        %mul3A_359 = arith.constant 16 : i32
        %mul3A_360 = arith.muli %scan3A_357, %mul3A_359 : i32
        %swap3A_361 = arith.index_cast %mul3A_360 : i32 to index
        %swap3A_362 = tpu.vector_load %arg23[%swap3A_361] {strides = array<i32>} : memref<5120xf32, #tpu.memory_space<vmem>>, vector<16xf32>,
        tpu.vector_store %arg23[%swap3A_361], %broadcast_in_dim3A_3 {strides = array<i32>} : memref<5120xf32, #tpu.memory_space<vmem>>, vector<16xf32>,
        %mul3A_363 = arith.constant 16 : i32
        %mul3A_364 = arith.muli %scan3A_357, %mul3A_363 : i32
        %swap3A_365 = arith.index_cast %mul3A_364 : i32 to index
        %swap3A_366 = tpu.vector_load %arg24[%swap3A_365] {strides = array<i32>} : memref<5120xf32, #tpu.memory_space<vmem>>, vector<16xf32>,
        tpu.vector_store %arg24[%swap3A_365], %broadcast_in_dim3A_3 {strides = array<i32>} : memref<5120xf32, #tpu.memory_space<vmem>>, vector<16xf32>,
        %scan3A_367 = arith.constant 0 : i32
        scf.yield %scan3A_367 : i32
      }
      %scan3A_309 = arith.constant 320 : i32
      %while3A_310 = arith.constant 0 : i32
      %while3A_311 = arith.constant 0 : i32
      %while3A_312 = arith.subi %select_n3A, %while3A_310 : i32
      %while3A_313 = arith.addi %while3A_310, %while3A_312 : i32
      %while3A_314 = arith.constant 1 : i32
      %while3A_315 = arith.divsi %while3A_312, %while3A_314 : i32
      %while3A_316 = arith.muli %while3A_315, %while3A_314 : i32
      %while3A_317 = arith.addi %while3A_310, %while3A_316 : i32
      %while3A_318 = arith.constant 1 : i32
      %while3A_319 = scf.for %while3A_357 = %while3A_310 to %while3A_317 step %while3A_318 iter_args(%while3A_358 = %while3A_311) -> (i32)  : i32 {
        %mul3A_359 = arith.constant 16 : i32
        %mul3A_360 = arith.muli %while3A_357, %mul3A_359 : i32
        %get3A = arith.index_cast %mul3A_360 : i32 to index
        %get3A_361 = tpu.vector_load %arg13[%get3A] {strides = array<i32>} : memref<5136xi32, #tpu.memory_space<vmem>>, vector<16xi32>,
        %gather3A = tpu.vector_load_idx %arg7[%get3A_361] : memref<5120xf32, #tpu.memory_space<vmem>>[vector<16xi32>], vector<16xf32>,
        %max3A = arith.constant 0.000000e+00 : f32
        %max3A_362 = vector.broadcast %max3A : f32 to vector<16xf32>
        %max3A_363 = arith.maximumf %gather3A, %max3A_362 : vector<16xf32>
        %min3A = arith.constant 6.000000e+02 : f32
        %min3A_364 = vector.broadcast %min3A : f32 to vector<16xf32>
        %min3A_365 = arith.minimumf %max3A_363, %min3A_364 : vector<16xf32>
        %gather3A_366 = tpu.vector_load_idx %arg8[%get3A_361] : memref<5120xf32, #tpu.memory_space<vmem>>[vector<16xi32>], vector<16xf32>,
        %max3A_367 = arith.constant 0.000000e+00 : f32
        %max3A_368 = vector.broadcast %max3A_367 : f32 to vector<16xf32>
        %max3A_369 = arith.maximumf %gather3A_366, %max3A_368 : vector<16xf32>
        %min3A_370 = arith.constant 8.000000e+02 : f32
        %min3A_371 = vector.broadcast %min3A_370 : f32 to vector<16xf32>
        %min3A_372 = arith.minimumf %max3A_369, %min3A_371 : vector<16xf32>
        %gather3A_373 = tpu.vector_load_idx %arg9[%get3A_361] : memref<5120xf32, #tpu.memory_space<vmem>>[vector<16xi32>], vector<16xf32>,
        %max3A_374 = arith.constant 0.000000e+00 : f32
        %max3A_375 = vector.broadcast %max3A_374 : f32 to vector<16xf32>
        %max3A_376 = arith.maximumf %gather3A_373, %max3A_375 : vector<16xf32>
        %min3A_377 = arith.constant 6.000000e+02 : f32
        %min3A_378 = vector.broadcast %min3A_377 : f32 to vector<16xf32>
        %min3A_379 = arith.minimumf %max3A_376, %min3A_378 : vector<16xf32>
        %gather3A_380 = tpu.vector_load_idx %arg10[%get3A_361] : memref<5120xf32, #tpu.memory_space<vmem>>[vector<16xi32>], vector<16xf32>,
        %max3A_381 = arith.constant 0.000000e+00 : f32
        %max3A_382 = vector.broadcast %max3A_381 : f32 to vector<16xf32>
        %max3A_383 = arith.maximumf %gather3A_380, %max3A_382 : vector<16xf32>
        %min3A_384 = arith.constant 8.000000e+02 : f32
        %min3A_385 = vector.broadcast %min3A_384 : f32 to vector<16xf32>
        %min3A_386 = arith.minimumf %max3A_383, %min3A_385 : vector<16xf32>
        %swap3A_387 = arith.index_cast %mul3A_360 : i32 to index
        %swap3A_388 = tpu.vector_load %arg17[%swap3A_387] {strides = array<i32>} : memref<5136xf32, #tpu.memory_space<vmem>>, vector<16xf32>,
        tpu.vector_store %arg17[%swap3A_387], %min3A_365 {strides = array<i32>} : memref<5136xf32, #tpu.memory_space<vmem>>, vector<16xf32>,
        %swap3A_389 = arith.index_cast %mul3A_360 : i32 to index
        %swap3A_390 = tpu.vector_load %arg18[%swap3A_389] {strides = array<i32>} : memref<5136xf32, #tpu.memory_space<vmem>>, vector<16xf32>,
        tpu.vector_store %arg18[%swap3A_389], %min3A_372 {strides = array<i32>} : memref<5136xf32, #tpu.memory_space<vmem>>, vector<16xf32>,
        %swap3A_391 = arith.index_cast %mul3A_360 : i32 to index
        %swap3A_392 = tpu.vector_load %arg19[%swap3A_391] {strides = array<i32>} : memref<5136xf32, #tpu.memory_space<vmem>>, vector<16xf32>,
        tpu.vector_store %arg19[%swap3A_391], %min3A_379 {strides = array<i32>} : memref<5136xf32, #tpu.memory_space<vmem>>, vector<16xf32>,
        %swap3A_393 = arith.index_cast %mul3A_360 : i32 to index
        %swap3A_394 = tpu.vector_load %arg20[%swap3A_393] {strides = array<i32>} : memref<5136xf32, #tpu.memory_space<vmem>>, vector<16xf32>,
        tpu.vector_store %arg20[%swap3A_393], %min3A_386 {strides = array<i32>} : memref<5136xf32, #tpu.memory_space<vmem>>, vector<16xf32>,
        %sub3A_395 = arith.subf %min3A_379, %min3A_365 : vector<16xf32>
        %sub3A_396 = arith.subf %min3A_386, %min3A_372 : vector<16xf32>
        %mul3A_397 = arith.mulf %sub3A_395, %sub3A_396 : vector<16xf32>
        %swap3A_398 = arith.index_cast %mul3A_360 : i32 to index
        %swap3A_399 = tpu.vector_load %arg21[%swap3A_398] {strides = array<i32>} : memref<5136xf32, #tpu.memory_space<vmem>>, vector<16xf32>,
        tpu.vector_store %arg21[%swap3A_398], %mul3A_397 {strides = array<i32>} : memref<5136xf32, #tpu.memory_space<vmem>>, vector<16xf32>,
        %while3A_400 = arith.constant 0 : i32
        scf.yield %while3A_400 : i32
      }
      %while3A_320 = arith.constant 1 : i32
      %while3A_321 = scf.for %while3A_357 = %while3A_317 to %while3A_313 step %while3A_320 iter_args(%while3A_358 = %while3A_319) -> (i32)  : i32 {
        %mul3A_359 = arith.constant 16 : i32
        %mul3A_360 = arith.muli %while3A_357, %mul3A_359 : i32
        %get3A = arith.index_cast %mul3A_360 : i32 to index
        %get3A_361 = tpu.vector_load %arg13[%get3A] {strides = array<i32>} : memref<5136xi32, #tpu.memory_space<vmem>>, vector<16xi32>,
        %gather3A = tpu.vector_load_idx %arg7[%get3A_361] : memref<5120xf32, #tpu.memory_space<vmem>>[vector<16xi32>], vector<16xf32>,
        %max3A = arith.constant 0.000000e+00 : f32
        %max3A_362 = vector.broadcast %max3A : f32 to vector<16xf32>
        %max3A_363 = arith.maximumf %gather3A, %max3A_362 : vector<16xf32>
        %min3A = arith.constant 6.000000e+02 : f32
        %min3A_364 = vector.broadcast %min3A : f32 to vector<16xf32>
        %min3A_365 = arith.minimumf %max3A_363, %min3A_364 : vector<16xf32>
        %gather3A_366 = tpu.vector_load_idx %arg8[%get3A_361] : memref<5120xf32, #tpu.memory_space<vmem>>[vector<16xi32>], vector<16xf32>,
        %max3A_367 = arith.constant 0.000000e+00 : f32
        %max3A_368 = vector.broadcast %max3A_367 : f32 to vector<16xf32>
        %max3A_369 = arith.maximumf %gather3A_366, %max3A_368 : vector<16xf32>
        %min3A_370 = arith.constant 8.000000e+02 : f32
        %min3A_371 = vector.broadcast %min3A_370 : f32 to vector<16xf32>
        %min3A_372 = arith.minimumf %max3A_369, %min3A_371 : vector<16xf32>
        %gather3A_373 = tpu.vector_load_idx %arg9[%get3A_361] : memref<5120xf32, #tpu.memory_space<vmem>>[vector<16xi32>], vector<16xf32>,
        %max3A_374 = arith.constant 0.000000e+00 : f32
        %max3A_375 = vector.broadcast %max3A_374 : f32 to vector<16xf32>
        %max3A_376 = arith.maximumf %gather3A_373, %max3A_375 : vector<16xf32>
        %min3A_377 = arith.constant 6.000000e+02 : f32
        %min3A_378 = vector.broadcast %min3A_377 : f32 to vector<16xf32>
        %min3A_379 = arith.minimumf %max3A_376, %min3A_378 : vector<16xf32>
        %gather3A_380 = tpu.vector_load_idx %arg10[%get3A_361] : memref<5120xf32, #tpu.memory_space<vmem>>[vector<16xi32>], vector<16xf32>,
        %max3A_381 = arith.constant 0.000000e+00 : f32
        %max3A_382 = vector.broadcast %max3A_381 : f32 to vector<16xf32>
        %max3A_383 = arith.maximumf %gather3A_380, %max3A_382 : vector<16xf32>
        %min3A_384 = arith.constant 8.000000e+02 : f32
        %min3A_385 = vector.broadcast %min3A_384 : f32 to vector<16xf32>
        %min3A_386 = arith.minimumf %max3A_383, %min3A_385 : vector<16xf32>
        %swap3A_387 = arith.index_cast %mul3A_360 : i32 to index
        %swap3A_388 = tpu.vector_load %arg17[%swap3A_387] {strides = array<i32>} : memref<5136xf32, #tpu.memory_space<vmem>>, vector<16xf32>,
        tpu.vector_store %arg17[%swap3A_387], %min3A_365 {strides = array<i32>} : memref<5136xf32, #tpu.memory_space<vmem>>, vector<16xf32>,
        %swap3A_389 = arith.index_cast %mul3A_360 : i32 to index
        %swap3A_390 = tpu.vector_load %arg18[%swap3A_389] {strides = array<i32>} : memref<5136xf32, #tpu.memory_space<vmem>>, vector<16xf32>,
        tpu.vector_store %arg18[%swap3A_389], %min3A_372 {strides = array<i32>} : memref<5136xf32, #tpu.memory_space<vmem>>, vector<16xf32>,
        %swap3A_391 = arith.index_cast %mul3A_360 : i32 to index
        %swap3A_392 = tpu.vector_load %arg19[%swap3A_391] {strides = array<i32>} : memref<5136xf32, #tpu.memory_space<vmem>>, vector<16xf32>,
        tpu.vector_store %arg19[%swap3A_391], %min3A_379 {strides = array<i32>} : memref<5136xf32, #tpu.memory_space<vmem>>, vector<16xf32>,
        %swap3A_393 = arith.index_cast %mul3A_360 : i32 to index
        %swap3A_394 = tpu.vector_load %arg20[%swap3A_393] {strides = array<i32>} : memref<5136xf32, #tpu.memory_space<vmem>>, vector<16xf32>,
        tpu.vector_store %arg20[%swap3A_393], %min3A_386 {strides = array<i32>} : memref<5136xf32, #tpu.memory_space<vmem>>, vector<16xf32>,
        %sub3A_395 = arith.subf %min3A_379, %min3A_365 : vector<16xf32>
        %sub3A_396 = arith.subf %min3A_386, %min3A_372 : vector<16xf32>
        %mul3A_397 = arith.mulf %sub3A_395, %sub3A_396 : vector<16xf32>
        %swap3A_398 = arith.index_cast %mul3A_360 : i32 to index
        %swap3A_399 = tpu.vector_load %arg21[%swap3A_398] {strides = array<i32>} : memref<5136xf32, #tpu.memory_space<vmem>>, vector<16xf32>,
        tpu.vector_store %arg21[%swap3A_398], %mul3A_397 {strides = array<i32>} : memref<5136xf32, #tpu.memory_space<vmem>>, vector<16xf32>,
        %while3A_400 = arith.constant 0 : i32
        scf.yield %while3A_400 : i32
      }
      %while3A_322 = arith.constant 0 : i32
      %while3A_323 = arith.constant 0 : i32
      %while3A_324 = arith.subi %scan3A_15, %while3A_322 : i32
      %while3A_325 = arith.addi %while3A_322, %while3A_324 : i32
      %while3A_326 = arith.constant 1 : i32
      %while3A_327 = arith.divsi %while3A_324, %while3A_326 : i32
      %while3A_328 = arith.muli %while3A_327, %while3A_326 : i32
      %while3A_329 = arith.addi %while3A_322, %while3A_328 : i32
      %while3A_330 = arith.constant 1 : i32
      %while3A_331 = scf.for %while3A_357 = %while3A_322 to %while3A_329 step %while3A_330 iter_args(%while3A_358 = %while3A_323) -> (i32)  : i32 {
        %get3A = arith.index_cast %while3A_357 : i32 to index
        %get3A_359 = tpu.vector_load %arg22[%get3A] {strides = array<i32>} : memref<5136xf32, #tpu.memory_space<vmem>>, vector<16xf32>,
        %slice3A = vector.extract_strided_slice %get3A_359 {offsets = [0], sizes = [1], strides = [1]} : vector<16xf32> to vector<1xf32>
        %squeeze3A = vector.extract %slice3A[0] : f32 from vector<1xf32>
        %eq3A = arith.constant 0.000000e+00 : f32
        %eq3A_360 = arith.cmpf oeq, %squeeze3A, %eq3A : f32
        %convert_element_type3A_361 = arith.extui %eq3A_360 : i1 to i32
        %cond3A_362 = arith.constant 0 : i32
        %cond3A_363 = arith.cmpi ne, %convert_element_type3A_361, %cond3A_362 : i32
        scf.if %cond3A_363 {
          %get3A_365 = arith.index_cast %while3A_357 : i32 to index
          %get3A_366 = tpu.vector_load %arg17[%get3A_365] {strides = array<i32>} : memref<5136xf32, #tpu.memory_space<vmem>>, vector<16xf32>,
          %slice3A_367 = vector.extract_strided_slice %get3A_366 {offsets = [0], sizes = [1], strides = [1]} : vector<16xf32> to vector<1xf32>
          %squeeze3A_368 = vector.extract %slice3A_367[0] : f32 from vector<1xf32>
          %broadcast_in_dim3A_369 = vector.broadcast %squeeze3A_368 : f32 to vector<16xf32>
          %get3A_370 = arith.index_cast %while3A_357 : i32 to index
          %get3A_371 = tpu.vector_load %arg18[%get3A_370] {strides = array<i32>} : memref<5136xf32, #tpu.memory_space<vmem>>, vector<16xf32>,
          %slice3A_372 = vector.extract_strided_slice %get3A_371 {offsets = [0], sizes = [1], strides = [1]} : vector<16xf32> to vector<1xf32>
          %squeeze3A_373 = vector.extract %slice3A_372[0] : f32 from vector<1xf32>
          %broadcast_in_dim3A_374 = vector.broadcast %squeeze3A_373 : f32 to vector<16xf32>
          %get3A_375 = arith.index_cast %while3A_357 : i32 to index
          %get3A_376 = tpu.vector_load %arg19[%get3A_375] {strides = array<i32>} : memref<5136xf32, #tpu.memory_space<vmem>>, vector<16xf32>,
          %slice3A_377 = vector.extract_strided_slice %get3A_376 {offsets = [0], sizes = [1], strides = [1]} : vector<16xf32> to vector<1xf32>
          %squeeze3A_378 = vector.extract %slice3A_377[0] : f32 from vector<1xf32>
          %broadcast_in_dim3A_379 = vector.broadcast %squeeze3A_378 : f32 to vector<16xf32>
          %get3A_380 = arith.index_cast %while3A_357 : i32 to index
          %get3A_381 = tpu.vector_load %arg20[%get3A_380] {strides = array<i32>} : memref<5136xf32, #tpu.memory_space<vmem>>, vector<16xf32>,
          %slice3A_382 = vector.extract_strided_slice %get3A_381 {offsets = [0], sizes = [1], strides = [1]} : vector<16xf32> to vector<1xf32>
          %squeeze3A_383 = vector.extract %slice3A_382[0] : f32 from vector<1xf32>
          %broadcast_in_dim3A_384 = vector.broadcast %squeeze3A_383 : f32 to vector<16xf32>
          %get3A_385 = arith.index_cast %while3A_357 : i32 to index
          %get3A_386 = tpu.vector_load %arg21[%get3A_385] {strides = array<i32>} : memref<5136xf32, #tpu.memory_space<vmem>>, vector<16xf32>,
          %slice3A_387 = vector.extract_strided_slice %get3A_386 {offsets = [0], sizes = [1], strides = [1]} : vector<16xf32> to vector<1xf32>
          %squeeze3A_388 = vector.extract %slice3A_387[0] : f32 from vector<1xf32>
          %broadcast_in_dim3A_389 = vector.broadcast %squeeze3A_388 : f32 to vector<16xf32>
          %jit3A_390 = arith.constant 16 : i32
          %div3A_391 = arith.divsi %while3A_357, %jit3A_390 : i32
          %sign3A_392 = arith.constant 0 : i32
          %sign3A_393 = arith.cmpi sgt, %while3A_357, %sign3A_392 : i32
          %sign3A_394 = arith.extui %sign3A_393 : i1 to i32
          %sign3A_395 = arith.constant 0 : i32
          %sign3A_396 = arith.cmpi slt, %while3A_357, %sign3A_395 : i32
          %sign3A_397 = arith.extui %sign3A_396 : i1 to i32
          %sign3A_398 = arith.subi %sign3A_394, %sign3A_397 : i32
          %sign3A_399 = arith.constant 0 : i32
          %sign3A_400 = arith.cmpi sgt, %jit3A_390, %sign3A_399 : i32
          %sign3A_401 = arith.extui %sign3A_400 : i1 to i32
          %sign3A_402 = arith.constant 0 : i32
          %sign3A_403 = arith.cmpi slt, %jit3A_390, %sign3A_402 : i32
          %sign3A_404 = arith.extui %sign3A_403 : i1 to i32
          %sign3A_405 = arith.subi %sign3A_401, %sign3A_404 : i32
          %ne3A_406 = arith.cmpi ne, %sign3A_398, %sign3A_405 : i32
          %rem3A_407 = arith.remsi %while3A_357, %jit3A_390 : i32
          %ne3A_408 = arith.constant 0 : i32
          %ne3A_409 = arith.cmpi ne, %rem3A_407, %ne3A_408 : i32
          %and3A_410 = arith.andi %ne3A_406, %ne3A_409 : i1
          %sub3A_411 = arith.constant 1 : i32
          %sub3A_412 = arith.subi %div3A_391, %sub3A_411 : i32
          %select_n3A_413 = arith.select %and3A_410, %sub3A_412, %div3A_391 : i32
          %mul3A_414 = arith.constant 16 : i32
          %mul3A_415 = arith.muli %select_n3A_413, %mul3A_414 : i32
          %get3A_416 = arith.index_cast %mul3A_415 : i32 to index
          %get3A_417 = tpu.vector_load %arg17[%get3A_416] {strides = array<i32>} : memref<5136xf32, #tpu.memory_space<vmem>>, vector<16xf32>,
          %get3A_418 = arith.index_cast %mul3A_415 : i32 to index
          %get3A_419 = tpu.vector_load %arg18[%get3A_418] {strides = array<i32>} : memref<5136xf32, #tpu.memory_space<vmem>>, vector<16xf32>,
          %get3A_420 = arith.index_cast %mul3A_415 : i32 to index
          %get3A_421 = tpu.vector_load %arg19[%get3A_420] {strides = array<i32>} : memref<5136xf32, #tpu.memory_space<vmem>>, vector<16xf32>,
          %get3A_422 = arith.index_cast %mul3A_415 : i32 to index
          %get3A_423 = tpu.vector_load %arg20[%get3A_422] {strides = array<i32>} : memref<5136xf32, #tpu.memory_space<vmem>>, vector<16xf32>,
          %get3A_424 = arith.index_cast %mul3A_415 : i32 to index
          %get3A_425 = tpu.vector_load %arg21[%get3A_424] {strides = array<i32>} : memref<5136xf32, #tpu.memory_space<vmem>>, vector<16xf32>,
          %min3A = arith.minimumf %broadcast_in_dim3A_379, %get3A_421 : vector<16xf32>
          %max3A = arith.maximumf %broadcast_in_dim3A_369, %get3A_417 : vector<16xf32>
          %sub3A_426 = arith.subf %min3A, %max3A : vector<16xf32>
          %max3A_427 = arith.constant 0.000000e+00 : f32
          %max3A_428 = vector.broadcast %max3A_427 : f32 to vector<16xf32>
          %max3A_429 = arith.maximumf %sub3A_426, %max3A_428 : vector<16xf32>
          %min3A_430 = arith.minimumf %broadcast_in_dim3A_384, %get3A_423 : vector<16xf32>
          %max3A_431 = arith.maximumf %broadcast_in_dim3A_374, %get3A_419 : vector<16xf32>
          %sub3A_432 = arith.subf %min3A_430, %max3A_431 : vector<16xf32>
          %max3A_433 = arith.constant 0.000000e+00 : f32
          %max3A_434 = vector.broadcast %max3A_433 : f32 to vector<16xf32>
          %max3A_435 = arith.maximumf %sub3A_432, %max3A_434 : vector<16xf32>
          %mul3A_436 = arith.mulf %max3A_429, %max3A_435 : vector<16xf32>
          %add3A_437 = arith.addf %broadcast_in_dim3A_389, %get3A_425 : vector<16xf32>
          %sub3A_438 = arith.subf %add3A_437, %mul3A_436 : vector<16xf32>
          %add3A_439 = arith.constant 9.99999971E-10 : f32
          %add3A_440 = vector.broadcast %add3A_439 : f32 to vector<16xf32>
          %add3A_441 = arith.addf %sub3A_438, %add3A_440 : vector<16xf32>
          %div3A_442 = arith.divf %mul3A_436, %add3A_441 : vector<16xf32>
          %gt3A = arith.constant 5.000000e-01 : f32
          %gt3A_443 = vector.broadcast %gt3A : f32 to vector<16xf32>
          %gt3A_444 = arith.cmpf ogt, %div3A_442, %gt3A_443 : vector<16xf32>
          %add3A_445 = vector.broadcast %mul3A_415 : i32 to vector<16xi32>
          %add3A_446 = arith.addi %add3A_445, %iota3A : vector<16xi32>
          %gt3A_447 = vector.broadcast %while3A_357 : i32 to vector<16xi32>
          %gt3A_448 = arith.cmpi sgt, %add3A_446, %gt3A_447 : vector<16xi32>
          %and3A_449 = arith.andi %gt3A_444, %gt3A_448 : vector<16xi1>
          %get3A_450 = arith.index_cast %mul3A_415 : i32 to index
          %get3A_451 = tpu.vector_load %arg22[%get3A_450] {strides = array<i32>} : memref<5136xf32, #tpu.memory_space<vmem>>, vector<16xf32>,
          %jit3A_452 = arith.constant 1.000000e+00 : f32
          %broadcast_in_dim3A_453 = vector.broadcast %jit3A_452 : f32 to vector<16xf32>
          %select_n3A_454 = arith.select %and3A_449, %broadcast_in_dim3A_453, %get3A_451 : vector<16xi1>, vector<16xf32>
          %swap3A_455 = arith.index_cast %mul3A_415 : i32 to index
          %swap3A_456 = tpu.vector_load %arg22[%swap3A_455] {strides = array<i32>} : memref<5136xf32, #tpu.memory_space<vmem>>, vector<16xf32>,
          tpu.vector_store %arg22[%swap3A_455], %select_n3A_454 {strides = array<i32>} : memref<5136xf32, #tpu.memory_space<vmem>>, vector<16xf32>,
          %add3A_457 = arith.constant 16 : i32
          %add3A_458 = arith.addi %mul3A_415, %add3A_457 : i32
          %mul3A_459 = arith.constant 16 : i32
          %mul3A_460 = arith.muli %select_n3A, %mul3A_459 : i32
          %parallel_loop3A = arith.constant 16 : i32
          scf.for %parallel_loop3A_461 = %add3A_458 to %mul3A_460 step %parallel_loop3A  : i32 {
            %parallel_loop3A_462 = arith.index_cast %parallel_loop3A_461 : i32 to index
            %parallel_loop3A_463 = tpu.vector_load %arg17[%parallel_loop3A_462] {strides = array<i32>} : memref<5136xf32, #tpu.memory_space<vmem>>, vector<16xf32>,
            %parallel_loop3A_464 = arith.index_cast %parallel_loop3A_461 : i32 to index
            %parallel_loop3A_465 = tpu.vector_load %arg18[%parallel_loop3A_464] {strides = array<i32>} : memref<5136xf32, #tpu.memory_space<vmem>>, vector<16xf32>,
            %parallel_loop3A_466 = arith.index_cast %parallel_loop3A_461 : i32 to index
            %parallel_loop3A_467 = tpu.vector_load %arg19[%parallel_loop3A_466] {strides = array<i32>} : memref<5136xf32, #tpu.memory_space<vmem>>, vector<16xf32>,
            %parallel_loop3A_468 = arith.index_cast %parallel_loop3A_461 : i32 to index
            %parallel_loop3A_469 = tpu.vector_load %arg20[%parallel_loop3A_468] {strides = array<i32>} : memref<5136xf32, #tpu.memory_space<vmem>>, vector<16xf32>,
            %parallel_loop3A_470 = arith.index_cast %parallel_loop3A_461 : i32 to index
            %parallel_loop3A_471 = tpu.vector_load %arg21[%parallel_loop3A_470] {strides = array<i32>} : memref<5136xf32, #tpu.memory_space<vmem>>, vector<16xf32>,
            %parallel_loop3A_472 = arith.minimumf %broadcast_in_dim3A_379, %parallel_loop3A_467 : vector<16xf32>
            %parallel_loop3A_473 = arith.maximumf %broadcast_in_dim3A_369, %parallel_loop3A_463 : vector<16xf32>
            %parallel_loop3A_474 = arith.subf %parallel_loop3A_472, %parallel_loop3A_473 : vector<16xf32>
            %parallel_loop3A_475 = arith.constant 0.000000e+00 : f32
            %parallel_loop3A_476 = vector.broadcast %parallel_loop3A_475 : f32 to vector<16xf32>
            %parallel_loop3A_477 = arith.maximumf %parallel_loop3A_474, %parallel_loop3A_476 : vector<16xf32>
            %parallel_loop3A_478 = arith.minimumf %broadcast_in_dim3A_384, %parallel_loop3A_469 : vector<16xf32>
            %parallel_loop3A_479 = arith.maximumf %broadcast_in_dim3A_374, %parallel_loop3A_465 : vector<16xf32>
            %parallel_loop3A_480 = arith.subf %parallel_loop3A_478, %parallel_loop3A_479 : vector<16xf32>
            %parallel_loop3A_481 = arith.constant 0.000000e+00 : f32
            %parallel_loop3A_482 = vector.broadcast %parallel_loop3A_481 : f32 to vector<16xf32>
            %parallel_loop3A_483 = arith.maximumf %parallel_loop3A_480, %parallel_loop3A_482 : vector<16xf32>
            %parallel_loop3A_484 = arith.mulf %parallel_loop3A_477, %parallel_loop3A_483 : vector<16xf32>
            %parallel_loop3A_485 = arith.addf %broadcast_in_dim3A_389, %parallel_loop3A_471 : vector<16xf32>
            %parallel_loop3A_486 = arith.subf %parallel_loop3A_485, %parallel_loop3A_484 : vector<16xf32>
            %parallel_loop3A_487 = arith.constant 9.99999971E-10 : f32
            %parallel_loop3A_488 = vector.broadcast %parallel_loop3A_487 : f32 to vector<16xf32>
            %parallel_loop3A_489 = arith.addf %parallel_loop3A_486, %parallel_loop3A_488 : vector<16xf32>
            %parallel_loop3A_490 = arith.divf %parallel_loop3A_484, %parallel_loop3A_489 : vector<16xf32>
            %parallel_loop3A_491 = arith.constant 5.000000e-01 : f32
            %parallel_loop3A_492 = vector.broadcast %parallel_loop3A_491 : f32 to vector<16xf32>
            %parallel_loop3A_493 = arith.cmpf ogt, %parallel_loop3A_490, %parallel_loop3A_492 : vector<16xf32>
            %parallel_loop3A_494 = arith.index_cast %parallel_loop3A_461 : i32 to index
            %parallel_loop3A_495 = tpu.vector_load %arg22[%parallel_loop3A_494] {strides = array<i32>} : memref<5136xf32, #tpu.memory_space<vmem>>, vector<16xf32>,
            %parallel_loop3A_496 = arith.constant 1.000000e+00 : f32
            %parallel_loop3A_497 = vector.broadcast %parallel_loop3A_496 : f32 to vector<16xf32>
            %parallel_loop3A_498 = arith.select %parallel_loop3A_493, %parallel_loop3A_497, %parallel_loop3A_495 : vector<16xi1>, vector<16xf32>
            %parallel_loop3A_499 = arith.index_cast %parallel_loop3A_461 : i32 to index
            %parallel_loop3A_500 = tpu.vector_load %arg22[%parallel_loop3A_499] {strides = array<i32>} : memref<5136xf32, #tpu.memory_space<vmem>>, vector<16xf32>,
            tpu.vector_store %arg22[%parallel_loop3A_499], %parallel_loop3A_498 {strides = array<i32>} : memref<5136xf32, #tpu.memory_space<vmem>>, vector<16xf32>,
          } {sc.loop_unroll_factor = 2 : i64, sc.parallel_access}
        } else {
        }
        %while3A_364 = arith.constant 0 : i32
        scf.yield %while3A_364 : i32
      }
      %while3A_332 = arith.constant 1 : i32
      %while3A_333 = scf.for %while3A_357 = %while3A_329 to %while3A_325 step %while3A_332 iter_args(%while3A_358 = %while3A_331) -> (i32)  : i32 {
        %get3A = arith.index_cast %while3A_357 : i32 to index
        %get3A_359 = tpu.vector_load %arg22[%get3A] {strides = array<i32>} : memref<5136xf32, #tpu.memory_space<vmem>>, vector<16xf32>,
        %slice3A = vector.extract_strided_slice %get3A_359 {offsets = [0], sizes = [1], strides = [1]} : vector<16xf32> to vector<1xf32>
        %squeeze3A = vector.extract %slice3A[0] : f32 from vector<1xf32>
        %eq3A = arith.constant 0.000000e+00 : f32
        %eq3A_360 = arith.cmpf oeq, %squeeze3A, %eq3A : f32
        %convert_element_type3A_361 = arith.extui %eq3A_360 : i1 to i32
        %cond3A_362 = arith.constant 0 : i32
        %cond3A_363 = arith.cmpi ne, %convert_element_type3A_361, %cond3A_362 : i32
        scf.if %cond3A_363 {
          %get3A_365 = arith.index_cast %while3A_357 : i32 to index
          %get3A_366 = tpu.vector_load %arg17[%get3A_365] {strides = array<i32>} : memref<5136xf32, #tpu.memory_space<vmem>>, vector<16xf32>,
          %slice3A_367 = vector.extract_strided_slice %get3A_366 {offsets = [0], sizes = [1], strides = [1]} : vector<16xf32> to vector<1xf32>
          %squeeze3A_368 = vector.extract %slice3A_367[0] : f32 from vector<1xf32>
          %broadcast_in_dim3A_369 = vector.broadcast %squeeze3A_368 : f32 to vector<16xf32>
          %get3A_370 = arith.index_cast %while3A_357 : i32 to index
          %get3A_371 = tpu.vector_load %arg18[%get3A_370] {strides = array<i32>} : memref<5136xf32, #tpu.memory_space<vmem>>, vector<16xf32>,
          %slice3A_372 = vector.extract_strided_slice %get3A_371 {offsets = [0], sizes = [1], strides = [1]} : vector<16xf32> to vector<1xf32>
          %squeeze3A_373 = vector.extract %slice3A_372[0] : f32 from vector<1xf32>
          %broadcast_in_dim3A_374 = vector.broadcast %squeeze3A_373 : f32 to vector<16xf32>
          %get3A_375 = arith.index_cast %while3A_357 : i32 to index
          %get3A_376 = tpu.vector_load %arg19[%get3A_375] {strides = array<i32>} : memref<5136xf32, #tpu.memory_space<vmem>>, vector<16xf32>,
          %slice3A_377 = vector.extract_strided_slice %get3A_376 {offsets = [0], sizes = [1], strides = [1]} : vector<16xf32> to vector<1xf32>
          %squeeze3A_378 = vector.extract %slice3A_377[0] : f32 from vector<1xf32>
          %broadcast_in_dim3A_379 = vector.broadcast %squeeze3A_378 : f32 to vector<16xf32>
          %get3A_380 = arith.index_cast %while3A_357 : i32 to index
          %get3A_381 = tpu.vector_load %arg20[%get3A_380] {strides = array<i32>} : memref<5136xf32, #tpu.memory_space<vmem>>, vector<16xf32>,
          %slice3A_382 = vector.extract_strided_slice %get3A_381 {offsets = [0], sizes = [1], strides = [1]} : vector<16xf32> to vector<1xf32>
          %squeeze3A_383 = vector.extract %slice3A_382[0] : f32 from vector<1xf32>
          %broadcast_in_dim3A_384 = vector.broadcast %squeeze3A_383 : f32 to vector<16xf32>
          %get3A_385 = arith.index_cast %while3A_357 : i32 to index
          %get3A_386 = tpu.vector_load %arg21[%get3A_385] {strides = array<i32>} : memref<5136xf32, #tpu.memory_space<vmem>>, vector<16xf32>,
          %slice3A_387 = vector.extract_strided_slice %get3A_386 {offsets = [0], sizes = [1], strides = [1]} : vector<16xf32> to vector<1xf32>
          %squeeze3A_388 = vector.extract %slice3A_387[0] : f32 from vector<1xf32>
          %broadcast_in_dim3A_389 = vector.broadcast %squeeze3A_388 : f32 to vector<16xf32>
          %jit3A_390 = arith.constant 16 : i32
          %div3A_391 = arith.divsi %while3A_357, %jit3A_390 : i32
          %sign3A_392 = arith.constant 0 : i32
          %sign3A_393 = arith.cmpi sgt, %while3A_357, %sign3A_392 : i32
          %sign3A_394 = arith.extui %sign3A_393 : i1 to i32
          %sign3A_395 = arith.constant 0 : i32
          %sign3A_396 = arith.cmpi slt, %while3A_357, %sign3A_395 : i32
          %sign3A_397 = arith.extui %sign3A_396 : i1 to i32
          %sign3A_398 = arith.subi %sign3A_394, %sign3A_397 : i32
          %sign3A_399 = arith.constant 0 : i32
          %sign3A_400 = arith.cmpi sgt, %jit3A_390, %sign3A_399 : i32
          %sign3A_401 = arith.extui %sign3A_400 : i1 to i32
          %sign3A_402 = arith.constant 0 : i32
          %sign3A_403 = arith.cmpi slt, %jit3A_390, %sign3A_402 : i32
          %sign3A_404 = arith.extui %sign3A_403 : i1 to i32
          %sign3A_405 = arith.subi %sign3A_401, %sign3A_404 : i32
          %ne3A_406 = arith.cmpi ne, %sign3A_398, %sign3A_405 : i32
          %rem3A_407 = arith.remsi %while3A_357, %jit3A_390 : i32
          %ne3A_408 = arith.constant 0 : i32
          %ne3A_409 = arith.cmpi ne, %rem3A_407, %ne3A_408 : i32
          %and3A_410 = arith.andi %ne3A_406, %ne3A_409 : i1
          %sub3A_411 = arith.constant 1 : i32
          %sub3A_412 = arith.subi %div3A_391, %sub3A_411 : i32
          %select_n3A_413 = arith.select %and3A_410, %sub3A_412, %div3A_391 : i32
          %mul3A_414 = arith.constant 16 : i32
          %mul3A_415 = arith.muli %select_n3A_413, %mul3A_414 : i32
          %get3A_416 = arith.index_cast %mul3A_415 : i32 to index
          %get3A_417 = tpu.vector_load %arg17[%get3A_416] {strides = array<i32>} : memref<5136xf32, #tpu.memory_space<vmem>>, vector<16xf32>,
          %get3A_418 = arith.index_cast %mul3A_415 : i32 to index
          %get3A_419 = tpu.vector_load %arg18[%get3A_418] {strides = array<i32>} : memref<5136xf32, #tpu.memory_space<vmem>>, vector<16xf32>,
          %get3A_420 = arith.index_cast %mul3A_415 : i32 to index
          %get3A_421 = tpu.vector_load %arg19[%get3A_420] {strides = array<i32>} : memref<5136xf32, #tpu.memory_space<vmem>>, vector<16xf32>,
          %get3A_422 = arith.index_cast %mul3A_415 : i32 to index
          %get3A_423 = tpu.vector_load %arg20[%get3A_422] {strides = array<i32>} : memref<5136xf32, #tpu.memory_space<vmem>>, vector<16xf32>,
          %get3A_424 = arith.index_cast %mul3A_415 : i32 to index
          %get3A_425 = tpu.vector_load %arg21[%get3A_424] {strides = array<i32>} : memref<5136xf32, #tpu.memory_space<vmem>>, vector<16xf32>,
          %min3A = arith.minimumf %broadcast_in_dim3A_379, %get3A_421 : vector<16xf32>
          %max3A = arith.maximumf %broadcast_in_dim3A_369, %get3A_417 : vector<16xf32>
          %sub3A_426 = arith.subf %min3A, %max3A : vector<16xf32>
          %max3A_427 = arith.constant 0.000000e+00 : f32
          %max3A_428 = vector.broadcast %max3A_427 : f32 to vector<16xf32>
          %max3A_429 = arith.maximumf %sub3A_426, %max3A_428 : vector<16xf32>
          %min3A_430 = arith.minimumf %broadcast_in_dim3A_384, %get3A_423 : vector<16xf32>
          %max3A_431 = arith.maximumf %broadcast_in_dim3A_374, %get3A_419 : vector<16xf32>
          %sub3A_432 = arith.subf %min3A_430, %max3A_431 : vector<16xf32>
          %max3A_433 = arith.constant 0.000000e+00 : f32
          %max3A_434 = vector.broadcast %max3A_433 : f32 to vector<16xf32>
          %max3A_435 = arith.maximumf %sub3A_432, %max3A_434 : vector<16xf32>
          %mul3A_436 = arith.mulf %max3A_429, %max3A_435 : vector<16xf32>
          %add3A_437 = arith.addf %broadcast_in_dim3A_389, %get3A_425 : vector<16xf32>
          %sub3A_438 = arith.subf %add3A_437, %mul3A_436 : vector<16xf32>
          %add3A_439 = arith.constant 9.99999971E-10 : f32
          %add3A_440 = vector.broadcast %add3A_439 : f32 to vector<16xf32>
          %add3A_441 = arith.addf %sub3A_438, %add3A_440 : vector<16xf32>
          %div3A_442 = arith.divf %mul3A_436, %add3A_441 : vector<16xf32>
          %gt3A = arith.constant 5.000000e-01 : f32
          %gt3A_443 = vector.broadcast %gt3A : f32 to vector<16xf32>
          %gt3A_444 = arith.cmpf ogt, %div3A_442, %gt3A_443 : vector<16xf32>
          %add3A_445 = vector.broadcast %mul3A_415 : i32 to vector<16xi32>
          %add3A_446 = arith.addi %add3A_445, %iota3A : vector<16xi32>
          %gt3A_447 = vector.broadcast %while3A_357 : i32 to vector<16xi32>
          %gt3A_448 = arith.cmpi sgt, %add3A_446, %gt3A_447 : vector<16xi32>
          %and3A_449 = arith.andi %gt3A_444, %gt3A_448 : vector<16xi1>
          %get3A_450 = arith.index_cast %mul3A_415 : i32 to index
          %get3A_451 = tpu.vector_load %arg22[%get3A_450] {strides = array<i32>} : memref<5136xf32, #tpu.memory_space<vmem>>, vector<16xf32>,
          %jit3A_452 = arith.constant 1.000000e+00 : f32
          %broadcast_in_dim3A_453 = vector.broadcast %jit3A_452 : f32 to vector<16xf32>
          %select_n3A_454 = arith.select %and3A_449, %broadcast_in_dim3A_453, %get3A_451 : vector<16xi1>, vector<16xf32>
          %swap3A_455 = arith.index_cast %mul3A_415 : i32 to index
          %swap3A_456 = tpu.vector_load %arg22[%swap3A_455] {strides = array<i32>} : memref<5136xf32, #tpu.memory_space<vmem>>, vector<16xf32>,
          tpu.vector_store %arg22[%swap3A_455], %select_n3A_454 {strides = array<i32>} : memref<5136xf32, #tpu.memory_space<vmem>>, vector<16xf32>,
          %add3A_457 = arith.constant 16 : i32
          %add3A_458 = arith.addi %mul3A_415, %add3A_457 : i32
          %mul3A_459 = arith.constant 16 : i32
          %mul3A_460 = arith.muli %select_n3A, %mul3A_459 : i32
          %parallel_loop3A = arith.constant 16 : i32
          scf.for %parallel_loop3A_461 = %add3A_458 to %mul3A_460 step %parallel_loop3A  : i32 {
            %parallel_loop3A_462 = arith.index_cast %parallel_loop3A_461 : i32 to index
            %parallel_loop3A_463 = tpu.vector_load %arg17[%parallel_loop3A_462] {strides = array<i32>} : memref<5136xf32, #tpu.memory_space<vmem>>, vector<16xf32>,
            %parallel_loop3A_464 = arith.index_cast %parallel_loop3A_461 : i32 to index
            %parallel_loop3A_465 = tpu.vector_load %arg18[%parallel_loop3A_464] {strides = array<i32>} : memref<5136xf32, #tpu.memory_space<vmem>>, vector<16xf32>,
            %parallel_loop3A_466 = arith.index_cast %parallel_loop3A_461 : i32 to index
            %parallel_loop3A_467 = tpu.vector_load %arg19[%parallel_loop3A_466] {strides = array<i32>} : memref<5136xf32, #tpu.memory_space<vmem>>, vector<16xf32>,
            %parallel_loop3A_468 = arith.index_cast %parallel_loop3A_461 : i32 to index
            %parallel_loop3A_469 = tpu.vector_load %arg20[%parallel_loop3A_468] {strides = array<i32>} : memref<5136xf32, #tpu.memory_space<vmem>>, vector<16xf32>,
            %parallel_loop3A_470 = arith.index_cast %parallel_loop3A_461 : i32 to index
            %parallel_loop3A_471 = tpu.vector_load %arg21[%parallel_loop3A_470] {strides = array<i32>} : memref<5136xf32, #tpu.memory_space<vmem>>, vector<16xf32>,
            %parallel_loop3A_472 = arith.minimumf %broadcast_in_dim3A_379, %parallel_loop3A_467 : vector<16xf32>
            %parallel_loop3A_473 = arith.maximumf %broadcast_in_dim3A_369, %parallel_loop3A_463 : vector<16xf32>
            %parallel_loop3A_474 = arith.subf %parallel_loop3A_472, %parallel_loop3A_473 : vector<16xf32>
            %parallel_loop3A_475 = arith.constant 0.000000e+00 : f32
            %parallel_loop3A_476 = vector.broadcast %parallel_loop3A_475 : f32 to vector<16xf32>
            %parallel_loop3A_477 = arith.maximumf %parallel_loop3A_474, %parallel_loop3A_476 : vector<16xf32>
            %parallel_loop3A_478 = arith.minimumf %broadcast_in_dim3A_384, %parallel_loop3A_469 : vector<16xf32>
            %parallel_loop3A_479 = arith.maximumf %broadcast_in_dim3A_374, %parallel_loop3A_465 : vector<16xf32>
            %parallel_loop3A_480 = arith.subf %parallel_loop3A_478, %parallel_loop3A_479 : vector<16xf32>
            %parallel_loop3A_481 = arith.constant 0.000000e+00 : f32
            %parallel_loop3A_482 = vector.broadcast %parallel_loop3A_481 : f32 to vector<16xf32>
            %parallel_loop3A_483 = arith.maximumf %parallel_loop3A_480, %parallel_loop3A_482 : vector<16xf32>
            %parallel_loop3A_484 = arith.mulf %parallel_loop3A_477, %parallel_loop3A_483 : vector<16xf32>
            %parallel_loop3A_485 = arith.addf %broadcast_in_dim3A_389, %parallel_loop3A_471 : vector<16xf32>
            %parallel_loop3A_486 = arith.subf %parallel_loop3A_485, %parallel_loop3A_484 : vector<16xf32>
            %parallel_loop3A_487 = arith.constant 9.99999971E-10 : f32
            %parallel_loop3A_488 = vector.broadcast %parallel_loop3A_487 : f32 to vector<16xf32>
            %parallel_loop3A_489 = arith.addf %parallel_loop3A_486, %parallel_loop3A_488 : vector<16xf32>
            %parallel_loop3A_490 = arith.divf %parallel_loop3A_484, %parallel_loop3A_489 : vector<16xf32>
            %parallel_loop3A_491 = arith.constant 5.000000e-01 : f32
            %parallel_loop3A_492 = vector.broadcast %parallel_loop3A_491 : f32 to vector<16xf32>
            %parallel_loop3A_493 = arith.cmpf ogt, %parallel_loop3A_490, %parallel_loop3A_492 : vector<16xf32>
            %parallel_loop3A_494 = arith.index_cast %parallel_loop3A_461 : i32 to index
            %parallel_loop3A_495 = tpu.vector_load %arg22[%parallel_loop3A_494] {strides = array<i32>} : memref<5136xf32, #tpu.memory_space<vmem>>, vector<16xf32>,
            %parallel_loop3A_496 = arith.constant 1.000000e+00 : f32
            %parallel_loop3A_497 = vector.broadcast %parallel_loop3A_496 : f32 to vector<16xf32>
            %parallel_loop3A_498 = arith.select %parallel_loop3A_493, %parallel_loop3A_497, %parallel_loop3A_495 : vector<16xi1>, vector<16xf32>
            %parallel_loop3A_499 = arith.index_cast %parallel_loop3A_461 : i32 to index
            %parallel_loop3A_500 = tpu.vector_load %arg22[%parallel_loop3A_499] {strides = array<i32>} : memref<5136xf32, #tpu.memory_space<vmem>>, vector<16xf32>,
            tpu.vector_store %arg22[%parallel_loop3A_499], %parallel_loop3A_498 {strides = array<i32>} : memref<5136xf32, #tpu.memory_space<vmem>>, vector<16xf32>,
          } {sc.loop_unroll_factor = 2 : i64, sc.parallel_access}
        } else {
        }
        %while3A_364 = arith.constant 0 : i32
        scf.yield %while3A_364 : i32
      }
      %while3A_334 = arith.constant 0 : i32
      %while3A_335 = arith.constant 0 : i32
      %while3A_336 = arith.subi %select_n3A, %while3A_334 : i32
      %while3A_337 = arith.addi %while3A_334, %while3A_336 : i32
      %while3A_338 = arith.constant 1 : i32
      %while3A_339 = arith.divsi %while3A_336, %while3A_338 : i32
      %while3A_340 = arith.muli %while3A_339, %while3A_338 : i32
      %while3A_341 = arith.addi %while3A_334, %while3A_340 : i32
      %while3A_342 = arith.constant 1 : i32
      %while3A_343 = scf.for %while3A_357 = %while3A_334 to %while3A_341 step %while3A_342 iter_args(%while3A_358 = %while3A_335) -> (i32)  : i32 {
        %mul3A_359 = arith.constant 16 : i32
        %mul3A_360 = arith.muli %while3A_357, %mul3A_359 : i32
        %get3A = arith.index_cast %mul3A_360 : i32 to index
        %get3A_361 = tpu.vector_load %arg13[%get3A] {strides = array<i32>} : memref<5136xi32, #tpu.memory_space<vmem>>, vector<16xi32>,
        %get3A_362 = arith.index_cast %mul3A_360 : i32 to index
        %get3A_363 = tpu.vector_load %arg22[%get3A_362] {strides = array<i32>} : memref<5136xf32, #tpu.memory_space<vmem>>, vector<16xf32>,
        %sub3A_364 = arith.constant 1.000000e+00 : f32
        %sub3A_365 = vector.broadcast %sub3A_364 : f32 to vector<16xf32>
        %sub3A_366 = arith.subf %sub3A_365, %get3A_363 : vector<16xf32>
        %get3A_367 = arith.index_cast %mul3A_360 : i32 to index
        %get3A_368 = tpu.vector_load %arg12[%get3A_367] {strides = array<i32>} : memref<5136xi32, #tpu.memory_space<vmem>>, vector<16xi32>,
        %not3A = arith.constant dense<-1> : vector<16xi32>
        %not3A_369 = arith.xori %get3A_368, %not3A : vector<16xi32>
        %bitcast3A = vector.bitcast %not3A_369 : vector<16xi32> to vector<16xf32>
        %mul3A_370 = arith.mulf %bitcast3A, %sub3A_366 : vector<16xf32>
        %add3A_371 = vector.broadcast %mul3A_360 : i32 to vector<16xi32>
        %add3A_372 = arith.addi %add3A_371, %iota3A : vector<16xi32>
        %lt3A_373 = vector.broadcast %scan3A_15 : i32 to vector<16xi32>
        %lt3A_374 = arith.cmpi slt, %add3A_372, %lt3A_373 : vector<16xi32>
        tpu.vector_store_idx %arg24[%get3A_361], %sub3A_366 masked %lt3A_374 : memref<5120xf32, #tpu.memory_space<vmem>>[vector<16xi32>], vector<16xf32>, vector<16xi1>
        tpu.vector_store_idx %arg23[%get3A_361], %mul3A_370 masked %lt3A_374 : memref<5120xf32, #tpu.memory_space<vmem>>[vector<16xi32>], vector<16xf32>, vector<16xi1>
        %while3A_375 = arith.constant 0 : i32
        scf.yield %while3A_375 : i32
      }
      %while3A_344 = arith.constant 1 : i32
      %while3A_345 = scf.for %while3A_357 = %while3A_341 to %while3A_337 step %while3A_344 iter_args(%while3A_358 = %while3A_343) -> (i32)  : i32 {
        %mul3A_359 = arith.constant 16 : i32
        %mul3A_360 = arith.muli %while3A_357, %mul3A_359 : i32
        %get3A = arith.index_cast %mul3A_360 : i32 to index
        %get3A_361 = tpu.vector_load %arg13[%get3A] {strides = array<i32>} : memref<5136xi32, #tpu.memory_space<vmem>>, vector<16xi32>,
        %get3A_362 = arith.index_cast %mul3A_360 : i32 to index
        %get3A_363 = tpu.vector_load %arg22[%get3A_362] {strides = array<i32>} : memref<5136xf32, #tpu.memory_space<vmem>>, vector<16xf32>,
        %sub3A_364 = arith.constant 1.000000e+00 : f32
        %sub3A_365 = vector.broadcast %sub3A_364 : f32 to vector<16xf32>
        %sub3A_366 = arith.subf %sub3A_365, %get3A_363 : vector<16xf32>
        %get3A_367 = arith.index_cast %mul3A_360 : i32 to index
        %get3A_368 = tpu.vector_load %arg12[%get3A_367] {strides = array<i32>} : memref<5136xi32, #tpu.memory_space<vmem>>, vector<16xi32>,
        %not3A = arith.constant dense<-1> : vector<16xi32>
        %not3A_369 = arith.xori %get3A_368, %not3A : vector<16xi32>
        %bitcast3A = vector.bitcast %not3A_369 : vector<16xi32> to vector<16xf32>
        %mul3A_370 = arith.mulf %bitcast3A, %sub3A_366 : vector<16xf32>
        %add3A_371 = vector.broadcast %mul3A_360 : i32 to vector<16xi32>
        %add3A_372 = arith.addi %add3A_371, %iota3A : vector<16xi32>
        %lt3A_373 = vector.broadcast %scan3A_15 : i32 to vector<16xi32>
        %lt3A_374 = arith.cmpi slt, %add3A_372, %lt3A_373 : vector<16xi32>
        tpu.vector_store_idx %arg24[%get3A_361], %sub3A_366 masked %lt3A_374 : memref<5120xf32, #tpu.memory_space<vmem>>[vector<16xi32>], vector<16xf32>, vector<16xi1>
        tpu.vector_store_idx %arg23[%get3A_361], %mul3A_370 masked %lt3A_374 : memref<5120xf32, #tpu.memory_space<vmem>>[vector<16xi32>], vector<16xf32>, vector<16xi1>
        %while3A_375 = arith.constant 0 : i32
        scf.yield %while3A_375 : i32
      }
      %scan3A_346 = arith.constant 0 : i32
      %scan3A_347 = arith.constant 0 : i32
      %scan3A_348 = arith.constant 320 : i32
      %scan3A_349 = arith.addi %scan3A_347, %scan3A_348 : i32
      %scan3A_350 = arith.constant 1 : i32
      %scan3A_351 = scf.for %scan3A_357 = %scan3A_347 to %scan3A_349 step %scan3A_350 iter_args(%scan3A_358 = %scan3A_346) -> (i32)  : i32 {
        %mul3A_359 = arith.constant 16 : i32
        %mul3A_360 = arith.muli %scan3A_357, %mul3A_359 : i32
        %get3A = arith.index_cast %mul3A_360 : i32 to index
        %get3A_361 = tpu.vector_load %arg24[%get3A] {strides = array<i32>} : memref<5120xf32, #tpu.memory_space<vmem>>, vector<16xf32>,
        %get3A_362 = arith.index_cast %mul3A_360 : i32 to index
        %get3A_363 = tpu.vector_load %arg7[%get3A_362] {strides = array<i32>} : memref<5120xf32, #tpu.memory_space<vmem>>, vector<16xf32>,
        %max3A = arith.constant 0.000000e+00 : f32
        %max3A_364 = vector.broadcast %max3A : f32 to vector<16xf32>
        %max3A_365 = arith.maximumf %get3A_363, %max3A_364 : vector<16xf32>
        %min3A = arith.constant 6.000000e+02 : f32
        %min3A_366 = vector.broadcast %min3A : f32 to vector<16xf32>
        %min3A_367 = arith.minimumf %max3A_365, %min3A_366 : vector<16xf32>
        %mul3A_368 = arith.mulf %min3A_367, %get3A_361 : vector<16xf32>
        %get3A_369 = arith.index_cast %mul3A_360 : i32 to index
        %get3A_370 = tpu.vector_load %arg8[%get3A_369] {strides = array<i32>} : memref<5120xf32, #tpu.memory_space<vmem>>, vector<16xf32>,
        %max3A_371 = arith.constant 0.000000e+00 : f32
        %max3A_372 = vector.broadcast %max3A_371 : f32 to vector<16xf32>
        %max3A_373 = arith.maximumf %get3A_370, %max3A_372 : vector<16xf32>
        %min3A_374 = arith.constant 8.000000e+02 : f32
        %min3A_375 = vector.broadcast %min3A_374 : f32 to vector<16xf32>
        %min3A_376 = arith.minimumf %max3A_373, %min3A_375 : vector<16xf32>
        %mul3A_377 = arith.mulf %min3A_376, %get3A_361 : vector<16xf32>
        %get3A_378 = arith.index_cast %mul3A_360 : i32 to index
        %get3A_379 = tpu.vector_load %arg9[%get3A_378] {strides = array<i32>} : memref<5120xf32, #tpu.memory_space<vmem>>, vector<16xf32>,
        %max3A_380 = arith.constant 0.000000e+00 : f32
        %max3A_381 = vector.broadcast %max3A_380 : f32 to vector<16xf32>
        %max3A_382 = arith.maximumf %get3A_379, %max3A_381 : vector<16xf32>
        %min3A_383 = arith.constant 6.000000e+02 : f32
        %min3A_384 = vector.broadcast %min3A_383 : f32 to vector<16xf32>
        %min3A_385 = arith.minimumf %max3A_382, %min3A_384 : vector<16xf32>
        %mul3A_386 = arith.mulf %min3A_385, %get3A_361 : vector<16xf32>
        %get3A_387 = arith.index_cast %mul3A_360 : i32 to index
        %get3A_388 = tpu.vector_load %arg10[%get3A_387] {strides = array<i32>} : memref<5120xf32, #tpu.memory_space<vmem>>, vector<16xf32>,
        %max3A_389 = arith.constant 0.000000e+00 : f32
        %max3A_390 = vector.broadcast %max3A_389 : f32 to vector<16xf32>
        %max3A_391 = arith.maximumf %get3A_388, %max3A_390 : vector<16xf32>
        %min3A_392 = arith.constant 8.000000e+02 : f32
        %min3A_393 = vector.broadcast %min3A_392 : f32 to vector<16xf32>
        %min3A_394 = arith.minimumf %max3A_391, %min3A_393 : vector<16xf32>
        %mul3A_395 = arith.mulf %min3A_394, %get3A_361 : vector<16xf32>
        %swap3A_396 = arith.index_cast %mul3A_360 : i32 to index
        %swap3A_397 = tpu.vector_load %arg7[%swap3A_396] {strides = array<i32>} : memref<5120xf32, #tpu.memory_space<vmem>>, vector<16xf32>,
        tpu.vector_store %arg7[%swap3A_396], %mul3A_368 {strides = array<i32>} : memref<5120xf32, #tpu.memory_space<vmem>>, vector<16xf32>,
        %swap3A_398 = arith.index_cast %mul3A_360 : i32 to index
        %swap3A_399 = tpu.vector_load %arg8[%swap3A_398] {strides = array<i32>} : memref<5120xf32, #tpu.memory_space<vmem>>, vector<16xf32>,
        tpu.vector_store %arg8[%swap3A_398], %mul3A_377 {strides = array<i32>} : memref<5120xf32, #tpu.memory_space<vmem>>, vector<16xf32>,
        %swap3A_400 = arith.index_cast %mul3A_360 : i32 to index
        %swap3A_401 = tpu.vector_load %arg9[%swap3A_400] {strides = array<i32>} : memref<5120xf32, #tpu.memory_space<vmem>>, vector<16xf32>,
        tpu.vector_store %arg9[%swap3A_400], %mul3A_386 {strides = array<i32>} : memref<5120xf32, #tpu.memory_space<vmem>>, vector<16xf32>,
        %swap3A_402 = arith.index_cast %mul3A_360 : i32 to index
        %swap3A_403 = tpu.vector_load %arg10[%swap3A_402] {strides = array<i32>} : memref<5120xf32, #tpu.memory_space<vmem>>, vector<16xf32>,
        tpu.vector_store %arg10[%swap3A_402], %mul3A_395 {strides = array<i32>} : memref<5120xf32, #tpu.memory_space<vmem>>, vector<16xf32>,
        %scan3A_404 = arith.constant 0 : i32
        scf.yield %scan3A_404 : i32
      }
      %scan3A_352 = arith.constant 320 : i32
      %run_scoped3A_353 = arith.constant 0 : i32
      "tpu.region"() ({
        %run_scoped3A_357 = tpu.sem_alloc : memref<!tpu.dma_semaphore, #tpu.memory_space<semaphore_mem>>
        %dma_start3A = arith.constant 0 : i32
        %dma_start3A_358 = tpu.memref_slice %arg4[%add3A, %run_scoped3A_353, %dma_start3A] : memref<20x4x5120xf32, #tpu.memory_space<hbm>> -> memref<1x1x5120xf32, #tpu.memory_space<hbm>>
        %dma_start3A_359 = tpu.memref_squeeze %dma_start3A_358 : memref<1x1x5120xf32, #tpu.memory_space<hbm>> -> memref<5120xf32, #tpu.memory_space<hbm>>
        %dma_start3A_360 = arith.constant 0 : i32
        %dma_start3A_361 = tpu.memref_slice %arg4[%add3A, %run_scoped3A_353, %dma_start3A_360] : memref<20x4x5120xf32, #tpu.memory_space<hbm>> -> memref<1x1x5120xf32, #tpu.memory_space<hbm>>
        %dma_start3A_362 = tpu.memref_squeeze %dma_start3A_361 : memref<1x1x5120xf32, #tpu.memory_space<hbm>> -> memref<5120xf32, #tpu.memory_space<hbm>>
        tpu.enqueue_dma source(%arg7 : memref<5120xf32, #tpu.memory_space<vmem>>) target(%dma_start3A_362 : memref<5120xf32, #tpu.memory_space<hbm>>) target_semaphore(%run_scoped3A_357 : memref<!tpu.dma_semaphore, #tpu.memory_space<semaphore_mem>>)
        %dma_wait3A = arith.constant 0 : i32
        %dma_wait3A_363 = tpu.memref_slice %arg4[%add3A, %run_scoped3A_353, %dma_wait3A] : memref<20x4x5120xf32, #tpu.memory_space<hbm>> -> memref<1x1x5120xf32, #tpu.memory_space<hbm>>
        %dma_wait3A_364 = tpu.memref_squeeze %dma_wait3A_363 : memref<1x1x5120xf32, #tpu.memory_space<hbm>> -> memref<5120xf32, #tpu.memory_space<hbm>>
        %dma_wait3A_365 = arith.constant 0 : i32
        %dma_wait3A_366 = tpu.memref_slice %arg4[%add3A, %run_scoped3A_353, %dma_wait3A_365] : memref<20x4x5120xf32, #tpu.memory_space<hbm>> -> memref<1x1x5120xf32, #tpu.memory_space<hbm>>
        %dma_wait3A_367 = tpu.memref_squeeze %dma_wait3A_366 : memref<1x1x5120xf32, #tpu.memory_space<hbm>> -> memref<5120xf32, #tpu.memory_space<hbm>>
        tpu.wait_dma2 semaphore(%run_scoped3A_357 : memref<!tpu.dma_semaphore, #tpu.memory_space<semaphore_mem>>) src(%arg7 : memref<5120xf32, #tpu.memory_space<vmem>>) dst(%dma_wait3A_367 : memref<5120xf32, #tpu.memory_space<hbm>>)
        tpu.yield
      }) : () -> ()
      %run_scoped3A_354 = arith.constant 1 : i32
      "tpu.region"() ({
        %run_scoped3A_357 = tpu.sem_alloc : memref<!tpu.dma_semaphore, #tpu.memory_space<semaphore_mem>>
        %dma_start3A = arith.constant 0 : i32
        %dma_start3A_358 = tpu.memref_slice %arg4[%add3A, %run_scoped3A_354, %dma_start3A] : memref<20x4x5120xf32, #tpu.memory_space<hbm>> -> memref<1x1x5120xf32, #tpu.memory_space<hbm>>
        %dma_start3A_359 = tpu.memref_squeeze %dma_start3A_358 : memref<1x1x5120xf32, #tpu.memory_space<hbm>> -> memref<5120xf32, #tpu.memory_space<hbm>>
        %dma_start3A_360 = arith.constant 0 : i32
        %dma_start3A_361 = tpu.memref_slice %arg4[%add3A, %run_scoped3A_354, %dma_start3A_360] : memref<20x4x5120xf32, #tpu.memory_space<hbm>> -> memref<1x1x5120xf32, #tpu.memory_space<hbm>>
        %dma_start3A_362 = tpu.memref_squeeze %dma_start3A_361 : memref<1x1x5120xf32, #tpu.memory_space<hbm>> -> memref<5120xf32, #tpu.memory_space<hbm>>
        tpu.enqueue_dma source(%arg8 : memref<5120xf32, #tpu.memory_space<vmem>>) target(%dma_start3A_362 : memref<5120xf32, #tpu.memory_space<hbm>>) target_semaphore(%run_scoped3A_357 : memref<!tpu.dma_semaphore, #tpu.memory_space<semaphore_mem>>)
        %dma_wait3A = arith.constant 0 : i32
        %dma_wait3A_363 = tpu.memref_slice %arg4[%add3A, %run_scoped3A_354, %dma_wait3A] : memref<20x4x5120xf32, #tpu.memory_space<hbm>> -> memref<1x1x5120xf32, #tpu.memory_space<hbm>>
        %dma_wait3A_364 = tpu.memref_squeeze %dma_wait3A_363 : memref<1x1x5120xf32, #tpu.memory_space<hbm>> -> memref<5120xf32, #tpu.memory_space<hbm>>
        %dma_wait3A_365 = arith.constant 0 : i32
        %dma_wait3A_366 = tpu.memref_slice %arg4[%add3A, %run_scoped3A_354, %dma_wait3A_365] : memref<20x4x5120xf32, #tpu.memory_space<hbm>> -> memref<1x1x5120xf32, #tpu.memory_space<hbm>>
        %dma_wait3A_367 = tpu.memref_squeeze %dma_wait3A_366 : memref<1x1x5120xf32, #tpu.memory_space<hbm>> -> memref<5120xf32, #tpu.memory_space<hbm>>
        tpu.wait_dma2 semaphore(%run_scoped3A_357 : memref<!tpu.dma_semaphore, #tpu.memory_space<semaphore_mem>>) src(%arg8 : memref<5120xf32, #tpu.memory_space<vmem>>) dst(%dma_wait3A_367 : memref<5120xf32, #tpu.memory_space<hbm>>)
        tpu.yield
      }) : () -> ()
      %run_scoped3A_355 = arith.constant 2 : i32
      "tpu.region"() ({
        %run_scoped3A_357 = tpu.sem_alloc : memref<!tpu.dma_semaphore, #tpu.memory_space<semaphore_mem>>
        %dma_start3A = arith.constant 0 : i32
        %dma_start3A_358 = tpu.memref_slice %arg4[%add3A, %run_scoped3A_355, %dma_start3A] : memref<20x4x5120xf32, #tpu.memory_space<hbm>> -> memref<1x1x5120xf32, #tpu.memory_space<hbm>>
        %dma_start3A_359 = tpu.memref_squeeze %dma_start3A_358 : memref<1x1x5120xf32, #tpu.memory_space<hbm>> -> memref<5120xf32, #tpu.memory_space<hbm>>
        %dma_start3A_360 = arith.constant 0 : i32
        %dma_start3A_361 = tpu.memref_slice %arg4[%add3A, %run_scoped3A_355, %dma_start3A_360] : memref<20x4x5120xf32, #tpu.memory_space<hbm>> -> memref<1x1x5120xf32, #tpu.memory_space<hbm>>
        %dma_start3A_362 = tpu.memref_squeeze %dma_start3A_361 : memref<1x1x5120xf32, #tpu.memory_space<hbm>> -> memref<5120xf32, #tpu.memory_space<hbm>>
        tpu.enqueue_dma source(%arg9 : memref<5120xf32, #tpu.memory_space<vmem>>) target(%dma_start3A_362 : memref<5120xf32, #tpu.memory_space<hbm>>) target_semaphore(%run_scoped3A_357 : memref<!tpu.dma_semaphore, #tpu.memory_space<semaphore_mem>>)
        %dma_wait3A = arith.constant 0 : i32
        %dma_wait3A_363 = tpu.memref_slice %arg4[%add3A, %run_scoped3A_355, %dma_wait3A] : memref<20x4x5120xf32, #tpu.memory_space<hbm>> -> memref<1x1x5120xf32, #tpu.memory_space<hbm>>
        %dma_wait3A_364 = tpu.memref_squeeze %dma_wait3A_363 : memref<1x1x5120xf32, #tpu.memory_space<hbm>> -> memref<5120xf32, #tpu.memory_space<hbm>>
        %dma_wait3A_365 = arith.constant 0 : i32
        %dma_wait3A_366 = tpu.memref_slice %arg4[%add3A, %run_scoped3A_355, %dma_wait3A_365] : memref<20x4x5120xf32, #tpu.memory_space<hbm>> -> memref<1x1x5120xf32, #tpu.memory_space<hbm>>
        %dma_wait3A_367 = tpu.memref_squeeze %dma_wait3A_366 : memref<1x1x5120xf32, #tpu.memory_space<hbm>> -> memref<5120xf32, #tpu.memory_space<hbm>>
        tpu.wait_dma2 semaphore(%run_scoped3A_357 : memref<!tpu.dma_semaphore, #tpu.memory_space<semaphore_mem>>) src(%arg9 : memref<5120xf32, #tpu.memory_space<vmem>>) dst(%dma_wait3A_367 : memref<5120xf32, #tpu.memory_space<hbm>>)
        tpu.yield
      }) : () -> ()
      %run_scoped3A_356 = arith.constant 3 : i32
      "tpu.region"() ({
        %run_scoped3A_357 = tpu.sem_alloc : memref<!tpu.dma_semaphore, #tpu.memory_space<semaphore_mem>>
        %dma_start3A = arith.constant 0 : i32
        %dma_start3A_358 = tpu.memref_slice %arg4[%add3A, %run_scoped3A_356, %dma_start3A] : memref<20x4x5120xf32, #tpu.memory_space<hbm>> -> memref<1x1x5120xf32, #tpu.memory_space<hbm>>
        %dma_start3A_359 = tpu.memref_squeeze %dma_start3A_358 : memref<1x1x5120xf32, #tpu.memory_space<hbm>> -> memref<5120xf32, #tpu.memory_space<hbm>>
        %dma_start3A_360 = arith.constant 0 : i32
        %dma_start3A_361 = tpu.memref_slice %arg4[%add3A, %run_scoped3A_356, %dma_start3A_360] : memref<20x4x5120xf32, #tpu.memory_space<hbm>> -> memref<1x1x5120xf32, #tpu.memory_space<hbm>>
        %dma_start3A_362 = tpu.memref_squeeze %dma_start3A_361 : memref<1x1x5120xf32, #tpu.memory_space<hbm>> -> memref<5120xf32, #tpu.memory_space<hbm>>
        tpu.enqueue_dma source(%arg10 : memref<5120xf32, #tpu.memory_space<vmem>>) target(%dma_start3A_362 : memref<5120xf32, #tpu.memory_space<hbm>>) target_semaphore(%run_scoped3A_357 : memref<!tpu.dma_semaphore, #tpu.memory_space<semaphore_mem>>)
        %dma_wait3A = arith.constant 0 : i32
        %dma_wait3A_363 = tpu.memref_slice %arg4[%add3A, %run_scoped3A_356, %dma_wait3A] : memref<20x4x5120xf32, #tpu.memory_space<hbm>> -> memref<1x1x5120xf32, #tpu.memory_space<hbm>>
        %dma_wait3A_364 = tpu.memref_squeeze %dma_wait3A_363 : memref<1x1x5120xf32, #tpu.memory_space<hbm>> -> memref<5120xf32, #tpu.memory_space<hbm>>
        %dma_wait3A_365 = arith.constant 0 : i32
        %dma_wait3A_366 = tpu.memref_slice %arg4[%add3A, %run_scoped3A_356, %dma_wait3A_365] : memref<20x4x5120xf32, #tpu.memory_space<hbm>> -> memref<1x1x5120xf32, #tpu.memory_space<hbm>>
        %dma_wait3A_367 = tpu.memref_squeeze %dma_wait3A_366 : memref<1x1x5120xf32, #tpu.memory_space<hbm>> -> memref<5120xf32, #tpu.memory_space<hbm>>
        tpu.wait_dma2 semaphore(%run_scoped3A_357 : memref<!tpu.dma_semaphore, #tpu.memory_space<semaphore_mem>>) src(%arg10 : memref<5120xf32, #tpu.memory_space<vmem>>) dst(%dma_wait3A_367 : memref<5120xf32, #tpu.memory_space<hbm>>)
        tpu.yield
      }) : () -> ()
      "tpu.region"() ({
        %run_scoped3A_357 = tpu.sem_alloc : memref<!tpu.dma_semaphore, #tpu.memory_space<semaphore_mem>>
        %dma_start3A = arith.constant 0 : i32
        %dma_start3A_358 = tpu.memref_slice %arg5[%add3A, %dma_start3A] : memref<20x5120xf32, #tpu.memory_space<hbm>> -> memref<1x5120xf32, #tpu.memory_space<hbm>>
        %dma_start3A_359 = tpu.memref_squeeze %dma_start3A_358 : memref<1x5120xf32, #tpu.memory_space<hbm>> -> memref<5120xf32, #tpu.memory_space<hbm>>
        %dma_start3A_360 = arith.constant 0 : i32
        %dma_start3A_361 = tpu.memref_slice %arg5[%add3A, %dma_start3A_360] : memref<20x5120xf32, #tpu.memory_space<hbm>> -> memref<1x5120xf32, #tpu.memory_space<hbm>>
        %dma_start3A_362 = tpu.memref_squeeze %dma_start3A_361 : memref<1x5120xf32, #tpu.memory_space<hbm>> -> memref<5120xf32, #tpu.memory_space<hbm>>
        tpu.enqueue_dma source(%arg23 : memref<5120xf32, #tpu.memory_space<vmem>>) target(%dma_start3A_362 : memref<5120xf32, #tpu.memory_space<hbm>>) target_semaphore(%run_scoped3A_357 : memref<!tpu.dma_semaphore, #tpu.memory_space<semaphore_mem>>)
        %dma_wait3A = arith.constant 0 : i32
        %dma_wait3A_363 = tpu.memref_slice %arg5[%add3A, %dma_wait3A] : memref<20x5120xf32, #tpu.memory_space<hbm>> -> memref<1x5120xf32, #tpu.memory_space<hbm>>
        %dma_wait3A_364 = tpu.memref_squeeze %dma_wait3A_363 : memref<1x5120xf32, #tpu.memory_space<hbm>> -> memref<5120xf32, #tpu.memory_space<hbm>>
        %dma_wait3A_365 = arith.constant 0 : i32
        %dma_wait3A_366 = tpu.memref_slice %arg5[%add3A, %dma_wait3A_365] : memref<20x5120xf32, #tpu.memory_space<hbm>> -> memref<1x5120xf32, #tpu.memory_space<hbm>>
        %dma_wait3A_367 = tpu.memref_squeeze %dma_wait3A_366 : memref<1x5120xf32, #tpu.memory_space<hbm>> -> memref<5120xf32, #tpu.memory_space<hbm>>
        tpu.wait_dma2 semaphore(%run_scoped3A_357 : memref<!tpu.dma_semaphore, #tpu.memory_space<semaphore_mem>>) src(%arg23 : memref<5120xf32, #tpu.memory_space<vmem>>) dst(%dma_wait3A_367 : memref<5120xf32, #tpu.memory_space<hbm>>)
        tpu.yield
      }) : () -> ()
      "tpu.region"() ({
        %run_scoped3A_357 = tpu.sem_alloc : memref<!tpu.dma_semaphore, #tpu.memory_space<semaphore_mem>>
        %dma_start3A = arith.constant 0 : i32
        %dma_start3A_358 = tpu.memref_slice %arg6[%add3A, %dma_start3A] : memref<20x5120xf32, #tpu.memory_space<hbm>> -> memref<1x5120xf32, #tpu.memory_space<hbm>>
        %dma_start3A_359 = tpu.memref_squeeze %dma_start3A_358 : memref<1x5120xf32, #tpu.memory_space<hbm>> -> memref<5120xf32, #tpu.memory_space<hbm>>
        %dma_start3A_360 = arith.constant 0 : i32
        %dma_start3A_361 = tpu.memref_slice %arg6[%add3A, %dma_start3A_360] : memref<20x5120xf32, #tpu.memory_space<hbm>> -> memref<1x5120xf32, #tpu.memory_space<hbm>>
        %dma_start3A_362 = tpu.memref_squeeze %dma_start3A_361 : memref<1x5120xf32, #tpu.memory_space<hbm>> -> memref<5120xf32, #tpu.memory_space<hbm>>
        tpu.enqueue_dma source(%arg24 : memref<5120xf32, #tpu.memory_space<vmem>>) target(%dma_start3A_362 : memref<5120xf32, #tpu.memory_space<hbm>>) target_semaphore(%run_scoped3A_357 : memref<!tpu.dma_semaphore, #tpu.memory_space<semaphore_mem>>)
        %dma_wait3A = arith.constant 0 : i32
        %dma_wait3A_363 = tpu.memref_slice %arg6[%add3A, %dma_wait3A] : memref<20x5120xf32, #tpu.memory_space<hbm>> -> memref<1x5120xf32, #tpu.memory_space<hbm>>
        %dma_wait3A_364 = tpu.memref_squeeze %dma_wait3A_363 : memref<1x5120xf32, #tpu.memory_space<hbm>> -> memref<5120xf32, #tpu.memory_space<hbm>>
        %dma_wait3A_365 = arith.constant 0 : i32
        %dma_wait3A_366 = tpu.memref_slice %arg6[%add3A, %dma_wait3A_365] : memref<20x5120xf32, #tpu.memory_space<hbm>> -> memref<1x5120xf32, #tpu.memory_space<hbm>>
        %dma_wait3A_367 = tpu.memref_squeeze %dma_wait3A_366 : memref<1x5120xf32, #tpu.memory_space<hbm>> -> memref<5120xf32, #tpu.memory_space<hbm>>
        tpu.wait_dma2 semaphore(%run_scoped3A_357 : memref<!tpu.dma_semaphore, #tpu.memory_space<semaphore_mem>>) src(%arg24 : memref<5120xf32, #tpu.memory_space<vmem>>) dst(%dma_wait3A_367 : memref<5120xf32, #tpu.memory_space<hbm>>)
        tpu.yield
      }) : () -> ()
    } else {
    }
    return
  }
}

</mosaic_0001>

<sc_bundles>
// kernel: kernel.3.cloned.1.call-start
scs
__scs_entry_jumppad:
0x0: {  	(pc) =	sbr.rel $0x88, $3  }
0x1: {  	(tag) =	ssettag $0x0;
	lr =	simm.s32 $0x1  }
0x2: {  	[smem:$0x3F9F] =	sst lr;
	_ =	strace $0xD0000000  }
0x3: {  	_ = 	snop  }
0x4: {  	_ = 	snop  }
0x5: {  	_ = 	snop  }
0x6: {  	_ = 	snop  }
0x7: {  	_ = 	snop  }
__scs_overlays_trampoline_lowered:
0x8: {  	[smem:$0x3FAE] =	sst s0  }
0x9: {  	[smem:$0x3FAF] =	sst s1  }
0xa: {  	[smem:$0x3FB0] =	sst s2  }
0xb: {  	[smem:$0x3FB1] =	sst s3  }
0xc: {  	[smem:$0x3FB2] =	sst s4  }
0xd: {  	[smem:$0x3FB3] =	sst s5  }
0xe: {  	[smem:$0x3FB4] =	sst s6  }
0xf: {  	[smem:$0x3FB5] =	sst s7  }
0x10: {  	[smem:$0x3FB6] =	sst s8  }
0x11: {  	[smem:$0x3FB7] =	sst s9;
	s0 =	simm.s32 @!p0 $0x0  }
0x12: {  	s1 =	sld [smem:$0x3F9D];
	s0 =	simm.s32 @p0 $0x1  }
0x13: {  	[smem:$0x3FB8] =	sst s0;
	s0 =	simm.s32 @!p1 $0x0  }
0x14: {  	s2 =	sld [smem:$0x3F9C];
	s0 =	simm.s32 @p1 $0x1  }
0x15: {  	[smem:$0x3FB9] =	sst s0;
	s0 =	simm.s32 @!p2 $0x0  }
0x16: {  	s3 =	sld [smem:$0x3FDB];
	s0 =	simm.s32 @p2 $0x1  }
0x17: {  	s4 =	simm.s32 $0x1BF5;
	[smem:$0x3FBB] =	sst s0  }
0x18: {  	s0 =	sld [smem:$0x3F9E];
	_ =	swait.ge [sflag:s4], $0x0  }
0x19: {  	s7 =	sld [smem:$0x3F9F]  }
0x1a: {  	s8 =	sadd.s32 $0xFFFFE003, lr  }
0x1b: {  	s9 =	sadd.s32 $0xFFFFFEF7, lr;
	s5 =	simm.s32 $0xFFFFFFFF;
	p2 =	slt.u32 s8, $0xFFFFF086  }
0x1c: {  	p1 =	slt.u32 s9, $0xF7A;
	s5 =	simm.s32 @!p2 $0x0  }
0x1d: {  	s5 =	simm.s32 @p1 $0x1;
	p0 =	seq.s32 s7, s2  }
0x1e: {  	s7 =	smul.u32 @!p0 $0xF7A, s2;
	p2 =	seq.s32 @!p0 s5, $0x0  }
0x1f: {  	s9 =	smul.u32 $0xF7A, s1;
	s8 =	simm.s32 @!p0 $0x1BF5;
	p2 =	por !p2, p0  }
0x20: {  	[sflag:s8] =	ssyncset.s32 @!p0 $0xFFFFF086;
	s6 =	sadd.s32 @!p0 s3, s7;
	s7 =	simm.s32 @!p0 $0x108  }
0x21: {  	s3 =	sadd.s32 s3, s9;
	s6 =	sadd.s32 @!p0 $0x88, s6;
	s7 =	simm.s32 @p2 $0x1082  }
0x22: {  	[simem:s7], [sflag:s8] =	dma.local @!p0 [hbm:s6], $0xF7A  }
0x23: {  	s9 =	sor.u32 $0xD0000000, s2;
	s6 =	simm.s32 $0x108;
	_ =	swait.ge @!p0 [sflag:s8], $0x0  }
0x24: {  	s3 =	sadd.s32 $0x88, s3;
	s6 =	simm.s32 @!p1 $0x1082;
	[sflag:s4] =	ssyncset.s32 $0xFFFFF086  }
0x25: {  	[simem:s6], [sflag:s4] =	dma.local [hbm:s3], $0xF7A  }
0x26: {  	[smem:$0x3F9F] =	sst s1;
	(tag) =	ssettag s2;
	_ =	strace s9  }
0x27: {  	s1 =	sld [smem:$0x3FAF]  }
0x28: {  	s2 =	sld [smem:$0x3FB0]  }
0x29: {  	s4 =	sld [smem:$0x3FB2]  }
0x2a: {  	p0 =	seq.s32 s5, $0x0;
	s5 =	sld [smem:$0x3FB3]  }
0x2b: {  	s6 =	sld [smem:$0x3FB4]  }
0x2c: {  	s7 =	sld [smem:$0x3FB5]  }
0x2d: {  	s3 =	simm.s32 $0x108;
	s8 =	sld [smem:$0x3FB6]  }
0x2e: {  	s3 =	simm.s32 @!p0 $0x1082;
	s9 =	sld [smem:$0x3FB7]  }
0x2f: {  	lr =	sadd.s32 s0, s3;
	s0 =	sld [smem:$0x3FAE]  }
0x30: {  	s3 =	sld [smem:$0x3FB1]  }
0x31: {  	[smem:$0x3FBA] =	sst s10  }
0x32: {  	s10 =	sld [smem:$0x3FB8];
	_ =	sdelay $0x3  }
0x33: {  	p0 =	seq.s32 s10, $0x1;
	s10 =	sld [smem:$0x3FBA];
	_ =	sdelay $0x3  }
0x34: {  	[smem:$0x3FBA] =	sst s10  }
0x35: {  	s10 =	sld [smem:$0x3FB9];
	_ =	sdelay $0x3  }
0x36: {  	p1 =	seq.s32 s10, $0x1;
	s10 =	sld [smem:$0x3FBA];
	_ =	sdelay $0x3  }
0x37: {  	[smem:$0x3FBA] =	sst s10  }
0x38: {  	s10 =	sld [smem:$0x3FBB]  }
0x39: {  	_ = 	snop;
	(pc) =	sbr.ind lr, $3  }
0x3a: {  	_ = 	snop  }
0x3b: {  	_ = 	snop  }
0x3c: {  	p2 =	seq.s32 s10, $0x1;
	s10 =	sld [smem:$0x3FBA]  }
0x3d: {  	_ =	shalt  }
0x3e: {  	_ =	shalt  }
0x3f: {  	_ =	shalt  }
0x40: {  	_ =	shalt  }
0x41: {  	_ =	shalt  }
0x42: {  	_ =	shalt  }
0x43: {  	_ =	shalt  }
0x44: {  	_ =	shalt  }
0x45: {  	_ =	shalt  }
0x46: {  	_ =	shalt  }
0x47: {  	_ =	shalt  }
0x48: {  	_ =	shalt  }
0x49: {  	_ =	shalt  }
0x4a: {  	_ =	shalt  }
0x4b: {  	_ =	shalt  }
0x4c: {  	_ =	shalt  }
0x4d: {  	_ =	shalt  }
0x4e: {  	_ =	shalt  }
0x4f: {  	_ =	shalt  }
0x50: {  	_ =	shalt  }
0x51: {  	_ =	shalt  }
0x52: {  	_ =	shalt  }
0x53: {  	_ =	shalt  }
0x54: {  	_ =	shalt  }
0x55: {  	_ =	shalt  }
0x56: {  	_ =	shalt  }
0x57: {  	_ =	shalt  }
0x58: {  	_ =	shalt  }
0x59: {  	_ =	shalt  }
0x5a: {  	_ =	shalt  }
0x5b: {  	_ =	shalt  }
0x5c: {  	_ =	shalt  }
0x5d: {  	_ =	shalt  }
0x5e: {  	_ =	shalt  }
0x5f: {  	_ =	shalt  }
0x60: {  	_ =	shalt  }
0x61: {  	_ =	shalt  }
0x62: {  	_ =	shalt  }
0x63: {  	_ =	shalt  }
0x64: {  	_ =	shalt  }
0x65: {  	_ =	shalt  }
0x66: {  	_ =	shalt  }
0x67: {  	_ =	shalt  }
0x68: {  	_ =	shalt  }
0x69: {  	_ =	shalt  }
0x6a: {  	_ =	shalt  }
0x6b: {  	_ =	shalt  }
0x6c: {  	_ =	shalt  }
0x6d: {  	_ =	shalt  }
0x6e: {  	_ =	shalt  }
0x6f: {  	_ =	shalt  }
0x70: {  	_ =	shalt  }
0x71: {  	_ =	shalt  }
0x72: {  	_ =	shalt  }
0x73: {  	_ =	shalt  }
0x74: {  	_ =	shalt  }
0x75: {  	_ =	shalt  }
0x76: {  	_ =	shalt  }
0x77: {  	_ =	shalt  }
0x78: {  	_ =	shalt  }
0x79: {  	_ =	shalt  }
0x7a: {  	_ =	shalt  }
0x7b: {  	_ =	shalt  }
0x7c: {  	_ =	shalt  }
0x7d: {  	_ =	shalt  }
0x7e: {  	_ =	shalt  }
0x7f: {  	_ =	shalt  }
0x80: {  	_ =	shalt  }
0x81: {  	_ =	shalt  }
0x82: {  	_ =	shalt  }
0x83: {  	_ =	shalt  }
0x84: {  	_ =	shalt  }
0x85: {  	_ =	shalt  }
0x86: {  	_ =	shalt  }
0x87: {  	_ =	shalt  }
.Lfunc_end0:
.L_simem_size_0:
called_computation_lowered:
.L_overlay_start_0:
0x88: {  	s2 =	sld [smem:$0x3FD9]  }
0x89: {  	s3 =	sld [smem:$0x3FFE];
	_ =	sdelay $0x1  }
0x8a: {  	s1 =	srdreg.scid  }
0x8b: {  	s0 =	sand.u32 $0x1, s1  }
0x8c: {  	s14 =	sshll.u32 s0, $0xA;
	s2 =	sadd.s32 s3, s2  }
0x8d: {  	s2 =	sadd.s32 s2, s14  }
0x8e: {  	[smem:$0x3FC6] =	sst s2  }
0x8f: {  	_ = 	snop  }
0x90: {  	s2 =	sld [smem:$0x3FD0];
	_ =	sdelay $0x2  }
0x91: {  	s15 =	simm.s32 $0xA;
	s4 =	simm.s32 $0x10  }
0x92: {  	[smem:s4], [sflag:s15] =	dma.local [hbm:s2], $0x1  }
0x93: {  	_ =	swait.eq [sflag:s15], $0x1  }
0x94: {  	s16 =	sld [smem:$0x10];
	[sflag:s15] =	ssyncset.done $0x0  }
0x95: {  	s17 =	sld [smem:$0x11];
	[sflag:s15] =	ssyncadd.s32 $0xFFFFFFFF  }
0x96: {  	s18 =	sld [smem:$0x12];
	(tm) =	ssettm $0x1  }
0x97: {  	s5 =	sld [smem:$0x3FFB];
	_ =	sdelay $0x3  }
0x98: {  	_ =	strace s5  }
0x99: {  	s5 =	sld [smem:$0x3FFC];
	_ =	sdelay $0x3  }
0x9a: {  	_ =	strace s5  }
0x9b: {  	s5 =	sld [smem:$0x3FFD];
	_ =	sdelay $0x3  }
0x9c: {  	_ =	strace s5  }
0x9d: {  	_ =	strace $0x8FFFFFFF  }
0x9e: {  	s19 =	sld [smem:$0x3FDB];
	_ =	sdelay $0x1  }
0x9f: {  	s6 =	simm.s32 $_scs_section_size  }
0xa0: {  	s7 =	simm.s32 $_size__tile_overlayer_lowered;
	s8 =	simm.s32 $_tile_overlayer_lowered  }
0xa1: {  	s22 =	simm.s32 $0x1BFF;
	s21 =	sshll.u32 s8, $0x1;
	s5 =	sadd.s32 s6, s19  }
0xa2: {  	s9 =	simm.s32 $0x0;
	s20 =	sshll.u32 s7, $0x1;
	s7 =	sadd.s32 s21, s5  }
0xa3: {  	[timem:s9], [sflag:s22] =	dma.local [hbm:s7], s20  }
0xa4: {  	_ =	swait.ge [sflag:s22], s20  }
0xa5: {  	s6 =	ssub.s32 $0x0, s20;
	[sflag:s22] =	ssyncset.done $0x0  }
0xa6: {  	[sflag:s22] =	ssyncadd.s32 s6;
	_ =	sdelay $0x1  }
0xa7: {  	s23 =	simm.s32 $0x1B8B  }
0xa8: {  	_ =	swait.ge [sflag:s23], $0x1  }
0xa9: {  	[sflag:s23] =	ssyncset.done $0x0  }
0xaa: {  	s25 =	simm.s32 $0x1B8E;
	s24 =	sld [smem:$0x3FFE];
	[sflag:s23] =	ssyncadd.s32 $0xFFFFFFFF  }
0xab: {  	s26 =	simm.s32 $execute0_lowered;
	[smem:$0x3FD2] =	sst s25  }
0xac: {  	s7 =	sshll.u32 s26, $0x1;
	_ =	strace $0x80000046;
	[dreg:$0x1] =	wrdreg $0xFFFFFFFF  }
0xad: {  	s28 =	simm.s32 $_size_execute0_lowered;
	s5 =	sadd.s32 s5, s7;
	[dreg:$0x0] =	wrdreg $0x0  }
0xae: {  	s7 =	sshll.u32 s28, $0x1;
	[dreg:$0x2] =	wrdreg s5  }
0xaf: {  	[dreg:$0x3] =	wrdreg s7  }
0xb0: {  	[dreg:$0x4] =	wrdreg $0xC0  }
0xb1: {  	_ =	task [dreg:s9], $0x5FFFF  }
0xb2: {  	[dreg:$0x1] =	wrdreg $0xFFFFFFFF  }
0xb3: {  	[dreg:$0x0] =	wrdreg $0x60  }
0xb4: {  	[dreg:$0x2] =	wrdreg s16  }
0xb5: {  	[dreg:$0x3] =	wrdreg s18  }
0xb6: {  	[dreg:$0x4] =	wrdreg s24  }
0xb7: {  	[dreg:$0x5] =	wrdreg s17  }
0xb8: {  	[dreg:$0x6] =	wrdreg $0x9  }
0xb9: {  	_ =	task.clear_ibuf [dreg:s9], $0x7FFFF;
	_ =	strace $0x90000046  }
0xba: {  	s29 =	simm.s32 $0x9;
	_ =	strace $0x80000048  }
0xbb: {  	_ =	swait.ge [sflag:s29], $0x1  }
0xbc: {  	[sflag:s29] =	ssyncadd.s32 $0xFFFFFFFF  }
0xbd: {  	_ =	strace $0x90000048  }
0xbe: {  	_ =	sfence  }
0xbf: {  	s30 =	sld [smem:$0x0];
	_ =	sdelay $0x2  }
0xc0: {  	s31 =	sshll.u32 s1, $0xD;
	s1 =	sshrl.u32 s1, $0x2  }
0xc1: {  	s3 =	sand.u32 $0x4000, s31;
	s1 =	sadd.s32 s1, s30  }
0xc2: {  	s0 =	sor.u32 s3, s0;
	s1 =	sshll.u32 s1, $0x11  }
0xc3: {  	s0 =	sor.u32 s1, s0  }
0xc4: {  	s0 =	sadd.s32 $0x8F2B, s0  }
0xc5: {  	[sflag:s0] =	ssyncadd.remote.s32 $0x1  }
0xc6: {  	_ =	sfence.sel $0xFFFF  }
0xc7: {  	[dreg:$0x0] =	wrdreg $0xFFFFFFFF;
	(pc) =	sbr.abs _section_cstart, $3  }
0xc8: {  	[dreg:$0x1] =	wrdreg $0xFFFFFFFF  }
0xc9: {  	_ =	task.clear_ibuf [dreg:s9], $0x2FFFF;
	_ =	strace $0x9FFFFFFF  }
0xca: {  	(tm) =	ssettm $0x7FFFFFFF  }
0xcb: {  	_ =	shalt  }
tec
execute0_lowered:
.L_overlay_start_1:
0x0: {  	(tag) =	ssettag $0x1  }
0x1: {  	s5 =	stileid.u32  }
0x2: {  	p0 =	sgt.u32 s5, $0x9  }
.Ltmp0:
0x3: {  	s0 =	rddreg [dreg:$0x0];
	(pc) =	sbr.rel @p0 .LBB2_64-.Ltmp0, $4  }
0x4: {  	s3 =	rddreg [dreg:$0x1]  }
0x5: {  	s4 =	rddreg [dreg:$0x2];
	s2 =	simm.s32 $0x0  }
0x6: {  	[smem:$0x7FF] =	sst s2  }
0x7: {  	s1 =	rddreg [dreg:$0x3];
	_ =	strace $0x80000047  }
0x8: {  	s5 =	srdreg.scid;
	s7 =	stileid.u32  }
0x9: {  	s16 =	sadd.s32 $0xC00, s4;
	s28 =	simm.s32 $0x14600;
	s29 =	simm.s32 $0x13200  }
0xa: {  	s5 =	sand.u32 $0x1, s5;
	s6 =	sshll.u32 s7, $0x1;
	s7 =	sshrl.u32 s7, $0x2  }
0xb: {  	s6 =	sor.u32 s5, s6;
	s7 =	smul.u32 $0xA000, s7;
	s21 =	ssub.s32 $0x2, s5  }
0xc: {  	s8 =	sshll.u32 s6, $0x7;
	s6 =	smul.u32 $0xA00, s6;
	s24 =	sshrl.u32 s21, $0x1  }
0xd: {  	s5 =	simm.s32 $0x1;
	s8 =	sand.u32 $0x380, s8;
	s25 =	ssub.s32 s21, s24  }
0xe: {  	s24 =	simm.s32 $0xA180;
	s7 =	sor.u32 s7, s8;
	s20 =	sadd.s32 s16, s6  }
0xf: {  	s9 =	sor.u32 $0x10, s6;
	s30 =	sadd.s32 s0, s6;
	[dreg:$0x9] =	wrdreg s20  }
0x10: {  	s10 =	sor.u32 $0x20, s6;
	s31 =	smax.u32 s25, $0x1;
	[dreg:$0xf] =	wrdreg s30  }
0x11: {  	s11 =	sor.u32 $0x30, s6;
	s12 =	sadd.s32 s0, s9;
	[dreg:$0x10] =	wrdreg s31  }
0x12: {  	s6 =	simm.s32 $0x400;
	s18 =	sadd.s32 s0, s10;
	[dreg:$0x5] =	wrdreg s12  }
0x13: {  	s25 =	simm.s32 $0x6400;
	s19 =	sadd.s32 s0, s11;
	[dreg:$0x6] =	wrdreg s18  }
0x14: {  	s7 =	sshrl.u32 s7, $0x3;
	s22 =	sadd.s32 s16, s9;
	[dreg:$0x7] =	wrdreg s19  }
0x15: {  	s23 =	sadd.s32 s16, s10;
	s8 =	sadd.s32 s16, s11;
	[dreg:$0xa] =	wrdreg s22  }
0x16: {  	s20 =	simm.s32 $0x3C00;
	s17 =	sadd.s32 s7, s4;
	[dreg:$0xb] =	wrdreg s23  }
0x17: {  	s3 =	sadd.s32 s3, s7;
	[dreg:$0xc] =	wrdreg s8;
	s1 =	sadd.s32 s1, s7  }
0x18: {  	s4 =	simm.s32 $0x80;
	s18 =	simm.s32 $0x1400;
	s19 =	simm.s32 $0x2800  }
0x19: {  	v0 =	vlaneseq.u32;
	v1 =	vimm.s32 $0x0;
	v2 =	vimm.s32 $0xFFFFFFFF;
	s22 =	simm.s32 $0xB600;
	s23 =	simm.s32 $0x8D00;
	[dreg:$0x8] =	wrdreg s3  }
0x1a: {  	v3 =	vimm.s32 $0x1;
	vm2 =	vcmask $0x300;
	vm3 =	vcmask $0x704;
	[dreg:$0xd] =	wrdreg s1;
	s26 =	sadd.s32 $0xD400, s17;
	s3 =	simm.s32 $0x200  }
0x1b: {  	vm4 =	vcmask $0xB08;
	vm5 =	vcmask $0x1714;
	v4 =	vimm.f32 $0.0e+00;
	s1 =	simm.s32 $0x0;
	[dreg:$0xe] =	wrdreg s26;
	s26 =	simm.s32 $0x7880  }
.LBB2_2:
0x1c: {  	[dreg:$0x11] =	wrdreg s1  }
0x1d: {  	s0 =	simm.s32 $0x0;
	s15 =	rddreg [dreg:$0xf]  }
0x1e: {  	[tilespmem:s0], [sflag:$0x1] =	stream.strided.gather [hbm4b:s15+s4], $0x1400, s3, s4, $0x38;
	[tilespmem:$0x15A00] =	vst v63  }
0x1f: {  	_ =	swait.ge [sflag:s5], $0x1400  }
0x20: {  	[sflag:s5] =	ssyncset.done $0x0  }
0x21: {  	s16 =	rddreg [dreg:$0x5];
	[sflag:s5] =	ssyncadd.s32 $0xFFFFEC00  }
0x22: {  	[tilespmem:s18], [sflag:$0x1] =	stream.strided.gather [hbm4b:s16+s4], $0x1400, s3, s4, $0x38;
	[tilespmem:$0x15A00] =	vst v63  }
0x23: {  	_ =	swait.ge [sflag:s5], $0x1400  }
0x24: {  	[sflag:s5] =	ssyncset.done $0x0  }
0x25: {  	s17 =	rddreg [dreg:$0x6];
	[sflag:s5] =	ssyncadd.s32 $0xFFFFEC00  }
0x26: {  	[tilespmem:s19], [sflag:$0x1] =	stream.strided.gather [hbm4b:s17+s4], $0x1400, s3, s4, $0x38;
	[tilespmem:$0x15A00] =	vst v63  }
0x27: {  	_ =	swait.ge [sflag:s5], $0x1400  }
0x28: {  	[sflag:s5] =	ssyncset.done $0x0  }
0x29: {  	s21 =	rddreg [dreg:$0x7];
	[sflag:s5] =	ssyncadd.s32 $0xFFFFEC00  }
0x2a: {  	[tilespmem:s20], [sflag:$0x1] =	stream.strided.gather [hbm4b:s21+s4], $0x1400, s3, s4, $0x38;
	[tilespmem:$0x15A00] =	vst v63  }
0x2b: {  	_ =	swait.ge [sflag:s5], $0x1400  }
0x2c: {  	[sflag:s5] =	ssyncset.done $0x0  }
0x2d: {  	s30 =	simm.s32 $0x5000;
	s31 =	rddreg [dreg:$0x8];
	[sflag:s5] =	ssyncadd.s32 $0xFFFFEC00  }
0x2e: {  	[tilespmem:s30], [sflag:$0x1] =	stream.strided.gather [hbm4b:s31+s4], $0x1400, s6, s4, $0x38;
	[tilespmem:$0x15A00] =	vst v63  }
0x2f: {  	_ =	swait.ge [sflag:s5], $0x1400  }
0x30: {  	[sflag:s5] =	ssyncset.done $0x0  }
0x31: {  	[sflag:s5] =	ssyncadd.s32 $0xFFFFEC00  }
0x32: {  	v5 =	vld [tilespmem:s30+$0x0];
	_ =	sdelay $0x4  }
0x33: {  	vm15 =	vgt.f32 v5, $5.000000070e-02  }
0x34: {  	v6 =	vsel vm15, $0x1, v1  }
0x35: {  	(v2sf) =	vpush v6, $0x1  }
0x36: {  	(v2sf) =	vpush v6, $0x0  }
0x37: {  	(v2sf) =	vpush v6, $0x2  }
0x38: {  	(v2sf) =	vpush v6, $0x3  }
0x39: {  	(v2sf) =	vpush v6, $0x4  }
0x3a: {  	(v2sf) =	vpush v6, $0x5  }
0x3b: {  	(v2sf) =	vpush v6, $0x6  }
0x3c: {  	(v2sf) =	vpush v6, $0x7  }
0x3d: {  	(v2sf) =	vpush v6, $0x8  }
0x3e: {  	(v2sf) =	vpush v6, $0x9  }
0x3f: {  	(v2sf) =	vpush v6, $0xA  }
0x40: {  	v5 =	vxor.u32 $0xFFFFFFFF, v5;
	(v2sf) =	vpush v6, $0xB  }
0x41: {  	[tilespmem:s0+$0x6400] =	vst.msk vm15, v5;
	v5 =	vor.u32 s0, v0;
	(v2sf) =	vpush v6, $0xC  }
0x42: {  	[tilespmem:s0+$0x7880] =	vst.msk vm15, v5;
	s0 =	simm.s32 $0x5010;
	(v2sf) =	vpush v6, $0xD  }
0x43: {  	v7 =	vld [tilespmem:s0+$0x0];
	(v2sf) =	vpush v6, $0xE  }
0x44: {  	s6 =	spop (v2sf);
	(v2sf) =	vpush v6, $0xF  }
0x45: {  	s1 =	sadd.s32 $0x0, s6;
	s7 =	spop (v2sf)  }
0x46: {  	s1 =	sadd.s32 s7, s1;
	s8 =	spop (v2sf)  }
0x47: {  	s1 =	sadd.s32 s8, s1;
	s9 =	spop (v2sf)  }
0x48: {  	vm15 =	vgt.f32 v7, $5.000000070e-02;
	s1 =	sadd.s32 s9, s1;
	s10 =	spop (v2sf)  }
0x49: {  	v5 =	vsel vm15, $0x1, v1;
	s1 =	sadd.s32 s10, s1;
	s11 =	spop (v2sf)  }
0x4a: {  	(v2sf) =	vpush v5, $0x1;
	s1 =	sadd.s32 s11, s1;
	s12 =	spop (v2sf)  }
0x4b: {  	(v2sf) =	vpush v5, $0x0;
	s1 =	sadd.s32 s12, s1;
	s13 =	spop (v2sf)  }
0x4c: {  	(v2sf) =	vpush v5, $0x2;
	s1 =	sadd.s32 s13, s1;
	s14 =	spop (v2sf)  }
0x4d: {  	(v2sf) =	vpush v5, $0x3;
	s1 =	sadd.s32 s14, s1;
	s15 =	spop (v2sf)  }
0x4e: {  	(v2sf) =	vpush v5, $0x4;
	s1 =	sadd.s32 s15, s1;
	s16 =	spop (v2sf)  }
0x4f: {  	(v2sf) =	vpush v5, $0x5;
	s1 =	sadd.s32 s16, s1;
	s17 =	spop (v2sf)  }
0x50: {  	(v2sf) =	vpush v5, $0x6;
	s1 =	sadd.s32 s17, s1;
	s21 =	spop (v2sf)  }
0x51: {  	(v2sf) =	vpush v5, $0x7;
	s3 =	sadd.s32 s21, s1;
	s30 =	spop (v2sf)  }
0x52: {  	(v2sf) =	vpush v5, $0x8;
	s1 =	simm.s32 $0x10;
	s4 =	sadd.s32 s30, s3;
	s31 =	spop (v2sf)  }
0x53: {  	v6 =	vxor.u32 $0xFFFFFFFF, v7;
	(v2sf) =	vpush v5, $0x9;
	s3 =	simm.s32 $0x20;
	s4 =	sadd.s32 s31, s4;
	s5 =	spop (v2sf)  }
.LBB2_3:
0x54: {  	p0 =	sne.s32 s3, $0x13F0  }
0x55: {  	(v2sf) =	vpush v5, $0xA;
	s4 =	sadd.s32 s5, s4;
	s5 =	smov.u32 s3;
	s3 =	sadd.s32 $0x10, s3  }
0x56: {  	[tilespmem:s4+$0x6400] =	vst.msk vm15, v6;
	v6 =	vor.u32 s1, v0;
	(v2sf) =	vpush v5, $0xB;
	s1 =	smov.u32 s5  }
0x57: {  	[tilespmem:s4+$0x7880] =	vst.msk vm15, v6;
	(v2sf) =	vpush v5, $0xC  }
0x58: {  	s0 =	sadd.s32 $0x10, s0;
	(v2sf) =	vpush v5, $0xD  }
0x59: {  	v6 =	vld [tilespmem:s0+$0x0];
	(v2sf) =	vpush v5, $0xE  }
0x5a: {  	s5 =	spop (v2sf);
	(v2sf) =	vpush v5, $0xF  }
0x5b: {  	s4 =	sadd.s32 s4, s5;
	s5 =	spop (v2sf)  }
0x5c: {  	s4 =	sadd.s32 s5, s4;
	s5 =	spop (v2sf)  }
0x5d: {  	s4 =	sadd.s32 s5, s4;
	s5 =	spop (v2sf)  }
0x5e: {  	vm15 =	vgt.f32 v6, $5.000000070e-02;
	v6 =	vxor.u32 $0xFFFFFFFF, v6;
	s4 =	sadd.s32 s5, s4;
	s5 =	spop (v2sf)  }
0x5f: {  	v5 =	vsel vm15, $0x1, v1;
	s4 =	sadd.s32 s5, s4;
	s5 =	spop (v2sf)  }
0x60: {  	(v2sf) =	vpush v5, $0x1;
	s4 =	sadd.s32 s5, s4;
	s5 =	spop (v2sf)  }
0x61: {  	(v2sf) =	vpush v5, $0x0;
	s4 =	sadd.s32 s5, s4;
	s5 =	spop (v2sf)  }
0x62: {  	(v2sf) =	vpush v5, $0x2;
	s4 =	sadd.s32 s5, s4;
	s5 =	spop (v2sf)  }
0x63: {  	(v2sf) =	vpush v5, $0x3;
	s4 =	sadd.s32 s5, s4;
	s5 =	spop (v2sf)  }
0x64: {  	(v2sf) =	vpush v5, $0x4;
	s4 =	sadd.s32 s5, s4;
	s5 =	spop (v2sf)  }
.Ltmp1:
0x65: {  	(v2sf) =	vpush v5, $0x5;
	s4 =	sadd.s32 s5, s4;
	s5 =	spop (v2sf);
	(pc) =	sbr.rel @p0 .LBB2_3-.Ltmp1, $4  }
0x66: {  	(v2sf) =	vpush v5, $0x6;
	s4 =	sadd.s32 s5, s4;
	s5 =	spop (v2sf)  }
0x67: {  	(v2sf) =	vpush v5, $0x7;
	s4 =	sadd.s32 s5, s4;
	s5 =	spop (v2sf)  }
0x68: {  	(v2sf) =	vpush v5, $0x8;
	s4 =	sadd.s32 s5, s4;
	s5 =	spop (v2sf)  }
0x69: {  	(v2sf) =	vpush v5, $0x9;
	s4 =	sadd.s32 s5, s4;
	s5 =	spop (v2sf)  }
0x6a: {  	(v2sf) =	vpush v5, $0xA  }
0x6b: {  	(v2sf) =	vpush v5, $0xB  }
0x6c: {  	(v2sf) =	vpush v5, $0xC  }
0x6d: {  	(v2sf) =	vpush v5, $0xD  }
0x6e: {  	(v2sf) =	vpush v5, $0xE  }
0x6f: {  	s0 =	sadd.s32 s5, s4;
	s3 =	spop (v2sf);
	(v2sf) =	vpush v5, $0xF  }
0x70: {  	s3 =	sadd.s32 s0, s3;
	s16 =	spop (v2sf)  }
0x71: {  	s3 =	sadd.s32 s16, s3;
	s17 =	spop (v2sf)  }
0x72: {  	s3 =	sadd.s32 s17, s3;
	s21 =	spop (v2sf)  }
0x73: {  	s3 =	sadd.s32 s21, s3;
	s30 =	spop (v2sf)  }
0x74: {  	s3 =	sadd.s32 s30, s3;
	s5 =	spop (v2sf)  }
0x75: {  	s3 =	sadd.s32 s5, s3;
	s6 =	spop (v2sf)  }
0x76: {  	s3 =	sadd.s32 s6, s3;
	s7 =	spop (v2sf)  }
0x77: {  	s3 =	sadd.s32 s7, s3;
	s8 =	spop (v2sf)  }
0x78: {  	s3 =	sadd.s32 s8, s3;
	s9 =	spop (v2sf)  }
0x79: {  	s3 =	sadd.s32 s9, s3;
	s10 =	spop (v2sf)  }
0x7a: {  	s3 =	sadd.s32 s10, s3;
	s11 =	spop (v2sf)  }
0x7b: {  	s3 =	sadd.s32 s11, s3;
	s12 =	spop (v2sf)  }
0x7c: {  	s3 =	sadd.s32 s12, s3;
	s13 =	spop (v2sf)  }
0x7d: {  	s3 =	sadd.s32 s13, s3;
	s14 =	spop (v2sf)  }
0x7e: {  	[tilespmem:s0+$0x6400] =	vst.msk vm15, v6;
	v5 =	vor.u32 s1, v0;
	s15 =	sadd.s32 s14, s3;
	s16 =	spop (v2sf)  }
0x7f: {  	[tilespmem:s0+$0x7880] =	vst.msk vm15, v5;
	s31 =	sadd.s32 s16, s15  }
0x80: {  	[tilespmem:s31+$0x6400] =	vst v2  }
0x81: {  	[tilespmem:s31+$0x7880] =	vst v1  }
0x82: {  	[tilespmem:$0xB600] =	vst v1  }
0x83: {  	[tilespmem:$0xB610] =	vst v1  }
0x84: {  	[tilespmem:$0xB620] =	vst v1  }
0x85: {  	s17 =	sadd.s32 $0xF, s31;
	[tilespmem:$0xB630] =	vst v1  }
0x86: {  	[tilespmem:$0xB640] =	vst v1;
	s21 =	sand.u32 $0xF, s17  }
0x87: {  	[tilespmem:$0xB650] =	vst v1;
	s30 =	sshra.s32 s17, $0x1F;
	p1 =	slt.s32 s17, $0x1;
	p0 =	sne.s32 s21, $0x0  }
0x88: {  	[tilespmem:$0xB660] =	vst v1;
	s1 =	sshrl.u32 s30, $0x1C;
	p0 =	por !p1, !p0  }
0x89: {  	[tilespmem:$0xB670] =	vst v1;
	s0 =	sadd.s32 s1, s17;
	s1 =	simm.s32 $0x1;
	p0 =	por !p0, !p0  }
0x8a: {  	[tilespmem:$0xB680] =	vst v1;
	s0 =	sshra.s32 s0, $0x4;
	s1 =	simm.s32 @!p0 $0x0  }
0x8b: {  	[tilespmem:$0xB690] =	vst v1;
	s0 =	ssub.s32 s0, s1  }
0x8c: {  	[tilespmem:$0xB6A0] =	vst v1;
	p0 =	sgt.s32 s0, $0x0  }
.Ltmp2:
0x8d: {  	[tilespmem:$0xB6B0] =	vst v1;
	(pc) =	sbr.rel @!p0 .LBB2_5-.Ltmp2, $4  }
0x8e: {  	[tilespmem:$0xB6C0] =	vst v1  }
0x8f: {  	[tilespmem:$0xB6D0] =	vst v1  }
0x90: {  	[tilespmem:$0xB6E0] =	vst v1  }
0x91: {  	vm0 =	vcmask $0xF0C;
	vm1 =	vcmask $0x1310;
	vm15 =	vcmask $0x3F04;
	[tilespmem:$0xB6F0] =	vst v1;
	s1 =	simm.s32 $0x6400;
	[dreg:$0x13] =	wrdreg s0  }
0x92: {  	s0 =	rddreg [dreg:$0x13]  }
0x93: {  	p1 =	seq.s32 s0, $0x1  }
.Ltmp3:
0x94: {  	_ = 	snop;
	(pc) =	sbr.rel @p1 .LBB2_47-.Ltmp3, $2  }
0x95: {  	_ =	sdelay $0x2  }
0x96: {  	v5 =	vld [tilespmem:s1+$0x0];
	s3 =	sadd.s32 $0xFFFFFFFF, s0  }
.LBB2_46:
0x97: {  	p1 =	seq.s32 s3, $0x1;
	_ =	sdelay $0x3  }
0x98: {  	v5 =	vand.u32 $0xFF, v5;
	_ =	sdelay $0x1  }
.Ltmp4:
0x99: {  	(pc) =	sbr.rel @!p1 .LBB2_46-.Ltmp4, $3  }
0x9a: {  	_ =	sdelay $0x1  }
0x9b: {  	s1 =	sadd.s32 $0x10, s1;
	[tilespmem:v5+s22+$0x0] =	vst.idx.add.s32.msk $0xffff, v3  }
0x9c: {  	s3 =	sadd.s32 $0xFFFFFFFF, s3;
	v5 =	vld [tilespmem:s1+$0x0]  }
.LBB2_47:
0x9d: {  	_ =	sdelay $0x3  }
0x9e: {  	v5 =	vand.u32 $0xFF, v5;
	_ =	sdelay $0x4  }
0x9f: {  	[tilespmem:v5+s22+$0x0] =	vst.idx.add.s32.msk $0xffff, v3  }
.LBB2_5:
0xa0: {  	vm7 =	vcmask $0x1B18;
	vm8 =	vcmask $0x1F1C;
	vm9 =	vcmask $0x2320  }
0xa1: {  	s5 =	simm.s32 $0x0;
	vm10 =	vcmask $0x2724;
	vm11 =	vcmask $0x2B28;
	vm12 =	vcmask $0x2F2C  }
0xa2: {  	s1 =	simm.s32 $0x0;
	s4 =	simm.s32 $0x40;
	s3 =	simm.s32 $0x0;
	vm13 =	vcmask $0x3330;
	vm14 =	vcmask $0x3734;
	vm6 =	vcmask $0x3B38  }
.LBB2_6:
0xa3: {  	p1 =	seq.s32 s4, $0x3C0;
	v5 =	vld [tilespmem:s1+$0xB600];
	_ =	sdelay $0x4  }
0xa4: {  	(v2sf) =	vpush v5, $0x0  }
0xa5: {  	(v2sf) =	vpush v5, $0x1  }
0xa6: {  	(v2sf) =	vpush v5, $0x2  }
0xa7: {  	(v2sf) =	vpush v5, $0x3  }
0xa8: {  	(v2sf) =	vpush v5, $0x4  }
0xa9: {  	(v2sf) =	vpush v5, $0x5  }
0xaa: {  	(v2sf) =	vpush v5, $0x6  }
0xab: {  	(v2sf) =	vpush v5, $0x7  }
0xac: {  	(v2sf) =	vpush v5, $0x8  }
0xad: {  	(v2sf) =	vpush v5, $0x9  }
0xae: {  	(v2sf) =	vpush v5, $0xA  }
0xaf: {  	(v2sf) =	vpush v5, $0xB  }
0xb0: {  	(v2sf) =	vpush v5, $0xC  }
0xb1: {  	(v2sf) =	vpush v5, $0xD  }
0xb2: {  	(v2sf) =	vpush v5, $0xE  }
0xb3: {  	s6 =	spop (v2sf);
	(v2sf) =	vpush v5, $0xF  }
0xb4: {  	s6 =	sadd.s32 s5, s6;
	s5 =	spop (v2sf)  }
0xb5: {  	s7 =	sadd.s32 s5, s6;
	s5 =	spop (v2sf)  }
0xb6: {  	s8 =	sadd.s32 s5, s7;
	s5 =	spop (v2sf)  }
0xb7: {  	s9 =	sadd.s32 s5, s8;
	s5 =	spop (v2sf)  }
0xb8: {  	s10 =	sadd.s32 s5, s9;
	s5 =	spop (v2sf)  }
0xb9: {  	s11 =	sadd.s32 s5, s10;
	s5 =	spop (v2sf)  }
0xba: {  	s12 =	sadd.s32 s5, s11;
	s5 =	spop (v2sf)  }
0xbb: {  	s13 =	sadd.s32 s5, s12;
	s5 =	spop (v2sf)  }
0xbc: {  	s14 =	sadd.s32 s5, s13;
	s5 =	spop (v2sf)  }
0xbd: {  	s15 =	sadd.s32 s5, s14;
	s5 =	spop (v2sf)  }
0xbe: {  	s16 =	sadd.s32 s5, s15;
	s5 =	spop (v2sf)  }
0xbf: {  	s21 =	sadd.s32 s5, s16;
	s5 =	spop (v2sf)  }
0xc0: {  	s30 =	sadd.s32 s5, s21;
	s5 =	spop (v2sf)  }
0xc1: {  	s17 =	sadd.s32 s5, s30;
	s5 =	spop (v2sf)  }
0xc2: {  	s5 =	sadd.s32 s5, s17;
	s0 =	spop (v2sf)  }
0xc3: {  	v5 =	vmov s5;
	s5 =	sadd.s32 s0, s5  }
0xc4: {  	v5 =	vsel vm2, s3, v5;
	s3 =	smov.u32 s5  }
0xc5: {  	v5 =	vsel vm3, s6, v5  }
0xc6: {  	v5 =	vsel vm4, s7, v5  }
0xc7: {  	v5 =	vsel vm0, s8, v5  }
0xc8: {  	v5 =	vsel vm1, s9, v5  }
0xc9: {  	v5 =	vsel vm5, s10, v5  }
0xca: {  	v5 =	vsel vm7, s11, v5  }
0xcb: {  	v5 =	vsel vm8, s12, v5  }
0xcc: {  	v5 =	vsel vm9, s13, v5  }
0xcd: {  	v5 =	vsel vm10, s14, v5  }
0xce: {  	v5 =	vsel vm11, s15, v5  }
.Ltmp5:
0xcf: {  	v5 =	vsel vm12, s16, v5;
	(pc) =	sbr.rel @!p1 .LBB2_6-.Ltmp5, $4  }
0xd0: {  	v5 =	vsel vm13, s21, v5  }
0xd1: {  	v5 =	vsel vm14, s30, v5  }
0xd2: {  	v5 =	vsel vm6, s17, v5  }
0xd3: {  	[tilespmem:s1+$0xB600] =	vst v5;
	s1 =	sshra.s32 s4, $0x2;
	s4 =	sadd.s32 $0x40, s4  }
0xd4: {  	v5 =	vld [tilespmem:s1+$0xB600];
	_ =	sdelay $0x4  }
0xd5: {  	(v2sf) =	vpush v5, $0x0  }
0xd6: {  	(v2sf) =	vpush v5, $0x1  }
0xd7: {  	(v2sf) =	vpush v5, $0x2  }
0xd8: {  	(v2sf) =	vpush v5, $0x3  }
0xd9: {  	(v2sf) =	vpush v5, $0x4  }
0xda: {  	(v2sf) =	vpush v5, $0x5  }
0xdb: {  	(v2sf) =	vpush v5, $0x6  }
0xdc: {  	(v2sf) =	vpush v5, $0x7  }
0xdd: {  	(v2sf) =	vpush v5, $0x8  }
0xde: {  	(v2sf) =	vpush v5, $0x9  }
0xdf: {  	(v2sf) =	vpush v5, $0xA  }
0xe0: {  	(v2sf) =	vpush v5, $0xB  }
0xe1: {  	(v2sf) =	vpush v5, $0xC  }
0xe2: {  	(v2sf) =	vpush v5, $0xD  }
0xe3: {  	(v2sf) =	vpush v5, $0xE  }
0xe4: {  	s0 =	spop (v2sf)  }
0xe5: {  	s0 =	sadd.s32 s5, s0;
	s4 =	spop (v2sf)  }
0xe6: {  	s4 =	sadd.s32 s4, s0;
	s21 =	spop (v2sf)  }
0xe7: {  	s5 =	sadd.s32 s21, s4;
	s6 =	spop (v2sf)  }
0xe8: {  	s6 =	sadd.s32 s6, s5;
	s7 =	spop (v2sf)  }
0xe9: {  	s7 =	sadd.s32 s7, s6;
	s8 =	spop (v2sf)  }
0xea: {  	s8 =	sadd.s32 s8, s7;
	s9 =	spop (v2sf)  }
0xeb: {  	s9 =	sadd.s32 s9, s8;
	s10 =	spop (v2sf)  }
0xec: {  	s10 =	sadd.s32 s10, s9;
	s11 =	spop (v2sf)  }
0xed: {  	s11 =	sadd.s32 s11, s10;
	s12 =	spop (v2sf)  }
0xee: {  	s12 =	sadd.s32 s12, s11;
	s13 =	spop (v2sf)  }
0xef: {  	s13 =	sadd.s32 s13, s12;
	s14 =	spop (v2sf)  }
0xf0: {  	s14 =	sadd.s32 s14, s13;
	s15 =	spop (v2sf)  }
0xf1: {  	s15 =	sadd.s32 s15, s14;
	s16 =	spop (v2sf)  }
0xf2: {  	s16 =	sadd.s32 s16, s15;
	s17 =	spop (v2sf)  }
0xf3: {  	s17 =	sadd.s32 s17, s16  }
0xf4: {  	v6 =	vmov s17  }
0xf5: {  	(v2sf) =	vpush v5, $0xF;
	v5 =	vsel vm2, s3, v6  }
0xf6: {  	v5 =	vsel vm3, s0, v5  }
0xf7: {  	v5 =	vsel vm4, s4, v5  }
0xf8: {  	v5 =	vsel vm0, s5, v5  }
0xf9: {  	v5 =	vsel vm1, s6, v5  }
0xfa: {  	v5 =	vsel vm5, s7, v5  }
0xfb: {  	v5 =	vsel vm7, s8, v5  }
0xfc: {  	v5 =	vsel vm8, s9, v5  }
0xfd: {  	v5 =	vsel vm9, s10, v5  }
0xfe: {  	v5 =	vsel vm10, s11, v5  }
0xff: {  	v5 =	vsel vm11, s12, v5  }
.Ltmp6:
0x100: {  	v5 =	vsel vm12, s13, v5;
	(pc) =	sbr.rel @!p0 .LBB2_11-.Ltmp6, $4  }
0x101: {  	vm7 =	vcmask $0x3F0C;
	vm8 =	vcmask $0x3F10;
	v5 =	vsel vm13, s14, v5  }
0x102: {  	vm9 =	vcmask $0x3F14;
	vm10 =	vcmask $0x3F18;
	v5 =	vsel vm14, s15, v5  }
0x103: {  	vm11 =	vcmask $0x3F1C;
	vm12 =	vcmask $0x3F20;
	v5 =	vsel vm6, s16, v5  }
0x104: {  	s30 =	spop (v2sf);
	vm13 =	vcmask $0x3F24;
	vm14 =	vcmask $0x3F28;
	vm6 =	vcmask $0x3F08;
	[tilespmem:s1+$0xB600] =	vst v5  }
0x105: {  	s0 =	rddreg [dreg:$0x13]  }
0x106: {  	p1 =	sne.s32 s0, $0x1  }
.Ltmp7:
0x107: {  	_ = 	snop;
	(pc) =	sbr.rel @!p1 .LBB2_10-.Ltmp7, $3  }
0x108: {  	_ =	sdelay $0x1  }
0x109: {  	s3 =	simm.s32 $0x6400;
	vm5 =	vcmask $0x3F2C  }
0x10a: {  	s1 =	simm.s32 $0x7880;
	s5 =	simm.s32 $0x7880;
	vm3 =	vcmask $0x3F30;
	vm2 =	vcmask $0x3F34;
	vm4 =	vcmask $0x3F38;
	s4 =	sadd.s32 $0xFFFFFFFF, s0;
	v5 =	vld [tilespmem:s3+$0x0]  }
.LBB2_9:
0x10b: {  	_ =	sdelay $0x2  }
0x10c: {  	p1 =	sne.s32 s4, $0x1;
	s3 =	sadd.s32 $0x10, s3;
	s5 =	sadd.s32 $0x10, s5  }
0x10d: {  	s4 =	sadd.s32 $0xFFFFFFFF, s4;
	v6 =	vand.u32 $0xFF, v5  }
0x10e: {  	v7 =	vbroadcast v6, $0x0;
	v8 =	vbroadcast v6, $0x2  }
0x10f: {  	v9 =	vbroadcast v6, $0x1;
	v10 =	vbroadcast v6, $0xB  }
0x110: {  	vm0 =	vcmask $0x3F04;
	v11 =	vbroadcast v6, $0xC;
	v12 =	vbroadcast v6, $0x3  }
0x111: {  	v13 =	vbroadcast v6, $0x4;
	v18 =	vbroadcast v6, $0x9;
	vm15 =	veq.s32 v6, v7  }
0x112: {  	v7 =	vbroadcast v6, $0x6;
	vm1 =	veq.s32 v6, v10;
	v10 =	vbroadcast v6, $0xD  }
0x113: {  	vm2 =	veq.s32 v6, v9;
	v9 =	vbroadcast v6, $0x7;
	vm0 =	vmand vm15, vm0  }
0x114: {  	vm4 =	veq.s32 v6, v12;
	vm15 =	veq.s32 v6, v11;
	vm1 =	vmand vm1, vm3;
	v11 =	vld.idx.msk [tilespmem:v6+s22+$0x0], $0xffff  }
0x115: {  	v12 =	vbroadcast v6, $0x5;
	vm3 =	veq.s32 v6, v8;
	v8 =	vsel vm1, $0x1, v1  }
0x116: {  	vm1 =	vmand vm2, vm6;
	vm2 =	veq.s32 v6, v13;
	v13 =	vsel vm0, $0x1, v1  }
0x117: {  	vm0 =	vmand vm4, vm8;
	vm4 =	vcmask $0x3F38;
	vm2 =	vmand vm2, vm9  }
0x118: {  	v14 =	vsel vm0, $0x1, v1;
	vm0 =	veq.s32 v6, v12;
	v15 =	vsel vm2, $0x1, v1  }
0x119: {  	vm2 =	vmand vm3, vm7;
	vm0 =	vmand vm0, vm10;
	vm3 =	veq.s32 v6, v7  }
0x11a: {  	v7 =	vsel vm1, $0x1, v1;
	v12 =	vsel vm0, $0x1, v1;
	vm0 =	vmand vm3, vm11  }
0x11b: {  	vm3 =	vcmask $0x3F30;
	v16 =	vsel vm2, $0x1, v1;
	vm2 =	veq.s32 v6, v18  }
0x11c: {  	v17 =	vsel vm0, $0x1, v1;
	v7 =	vadd.s32 v7, v11;
	v11 =	vbroadcast v6, $0x8  }
0x11d: {  	vm0 =	veq.s32 v6, v9;
	v9 =	vbroadcast v6, $0xA;
	v7 =	vadd.s32 v13, v7  }
0x11e: {  	vm0 =	vmand vm0, vm12;
	v7 =	vadd.s32 v16, v7;
	vm1 =	veq.s32 v6, v11  }
0x11f: {  	v11 =	vsel vm0, $0x1, v1;
	vm0 =	vmand vm2, vm14;
	v7 =	vadd.s32 v14, v7  }
0x120: {  	vm2 =	vcmask $0x3F34;
	vm1 =	vmand vm1, vm13;
	v7 =	vadd.s32 v15, v7  }
0x121: {  	v7 =	vadd.s32 v12, v7;
	v12 =	vsel vm1, $0x1, v1;
	vm1 =	veq.s32 v6, v9  }
0x122: {  	v9 =	vsel vm0, $0x1, v1;
	v7 =	vadd.s32 v17, v7;
	vm0 =	vmand vm1, vm5  }
0x123: {  	vm1 =	veq.s32 v6, v10;
	v10 =	vbroadcast v6, $0xE;
	v7 =	vadd.s32 v11, v7  }
0x124: {  	v11 =	vsel vm0, $0x1, v1;
	vm0 =	vmand vm15, vm2;
	v7 =	vadd.s32 v12, v7  }
0x125: {  	vm1 =	vmand vm1, vm4;
	v7 =	vadd.s32 v9, v7  }
0x126: {  	v9 =	vsel vm0, $0x1, v1;
	vm0 =	veq.s32 v6, v10;
	v7 =	vadd.s32 v11, v7  }
0x127: {  	v7 =	vadd.s32 v8, v7;
	v8 =	vsel vm1, $0x1, v1;
	vm1 =	vcmask $0x3F3C  }
0x128: {  	vm0 =	vmand vm0, vm1;
	v7 =	vadd.s32 v9, v7  }
0x129: {  	v9 =	vsel vm0, $0x1, v1;
	v7 =	vadd.s32 v8, v7  }
0x12a: {  	v7 =	vadd.s32 v9, v7  }
0x12b: {  	v8 =	vld [tilespmem:s1+$0x0];
	s1 =	smov.u32 s5;
	_ =	sdelay $0x2  }
.Ltmp8:
0x12c: {  	(pc) =	sbr.rel @p1 .LBB2_9-.Ltmp8, $4  }
0x12d: {  	[tilespmem:v7+s23+$0x0] =	vst.idx.msk $0xffff, v5  }
0x12e: {  	[tilespmem:v7+s24+$0x0] =	vst.idx.msk $0xffff, v8  }
0x12f: {  	[tilespmem:v6+s22+$0x0] =	vst.idx.add.s32.msk $0xffff, v3  }
0x130: {  	v5 =	vld [tilespmem:s3+$0x0]  }
.LBB2_10:
0x131: {  	_ =	sdelay $0x3  }
0x132: {  	v6 =	vand.u32 $0xFF, v5  }
0x133: {  	v7 =	vbroadcast v6, $0x0;
	v8 =	vbroadcast v6, $0x2  }
0x134: {  	v9 =	vbroadcast v6, $0xB;
	v10 =	vbroadcast v6, $0x1  }
0x135: {  	v11 =	vbroadcast v6, $0xC;
	v47 =	vbroadcast v6, $0x3  }
0x136: {  	vm15 =	vcmask $0x3F04;
	v12 =	vbroadcast v6, $0x4;
	v49 =	vbroadcast v6, $0x5  }
0x137: {  	v51 =	vbroadcast v6, $0xD;
	v53 =	vbroadcast v6, $0x8;
	vm1 =	veq.s32 v6, v9  }
0x138: {  	v54 =	vbroadcast v6, $0x9;
	vm0 =	veq.s32 v6, v7;
	vm1 =	vmand vm1, vm3  }
0x139: {  	vm0 =	vmand vm0, vm15;
	v13 =	vsel vm1, $0x1, v1;
	vm1 =	veq.s32 v6, v47  }
0x13a: {  	v48 =	vsel vm0, $0x1, v1;
	vm0 =	veq.s32 v6, v12;
	vm1 =	vmand vm1, vm8  }
0x13b: {  	v59 =	vbroadcast v6, $0xE;
	v14 =	vld.idx.msk [tilespmem:v6+s22+$0x0], $0xffff;
	vm0 =	vmand vm0, vm9;
	v15 =	vsel vm1, $0x1, v1  }
0x13c: {  	vm1 =	veq.s32 v6, v10;
	v50 =	vsel vm0, $0x1, v1;
	vm0 =	veq.s32 v6, v49  }
0x13d: {  	v7 =	vbroadcast v6, $0x6;
	vm1 =	vmand vm1, vm6;
	vm0 =	vmand vm0, vm10  }
0x13e: {  	v16 =	vsel vm1, $0x1, v1;
	vm1 =	veq.s32 v6, v8;
	v52 =	vsel vm0, $0x1, v1  }
0x13f: {  	vm0 =	veq.s32 v6, v7;
	v7 =	vbroadcast v6, $0x7;
	vm1 =	vmand vm1, vm7  }
0x140: {  	vm0 =	vmand vm0, vm11;
	v14 =	vadd.s32 v16, v14;
	v17 =	vsel vm1, $0x1, v1  }
0x141: {  	v18 =	vsel vm0, $0x1, v1;
	v9 =	vadd.s32 v48, v14;
	vm0 =	veq.s32 v6, v7  }
0x142: {  	v7 =	vbroadcast v6, $0xA;
	vm1 =	veq.s32 v6, v53;
	v9 =	vadd.s32 v17, v9  }
0x143: {  	vm0 =	vmand vm0, vm12;
	vm1 =	vmand vm1, vm13;
	v9 =	vadd.s32 v15, v9  }
0x144: {  	v55 =	vsel vm0, $0x1, v1;
	vm0 =	veq.s32 v6, v54;
	v9 =	vadd.s32 v50, v9  }
0x145: {  	v56 =	vsel vm1, $0x1, v1;
	vm0 =	vmand vm0, vm14;
	v8 =	vadd.s32 v52, v9  }
0x146: {  	vm1 =	veq.s32 v6, v7;
	v57 =	vsel vm0, $0x1, v1;
	v7 =	vadd.s32 v18, v8  }
0x147: {  	vm0 =	vmand vm1, vm5;
	vm1 =	veq.s32 v6, v11;
	v7 =	vadd.s32 v55, v7  }
0x148: {  	v58 =	vsel vm0, $0x1, v1;
	vm0 =	veq.s32 v6, v51;
	v7 =	vadd.s32 v56, v7  }
0x149: {  	vm1 =	vmand vm1, vm2;
	vm0 =	vmand vm0, vm4;
	v7 =	vadd.s32 v57, v7  }
0x14a: {  	v60 =	vsel vm1, $0x1, v1;
	vm1 =	veq.s32 v6, v59;
	v7 =	vadd.s32 v58, v7  }
0x14b: {  	v61 =	vsel vm0, $0x1, v1;
	vm0 =	vcmask $0x3F3C;
	v7 =	vadd.s32 v13, v7  }
0x14c: {  	vm0 =	vmand vm1, vm0;
	v7 =	vadd.s32 v60, v7  }
0x14d: {  	v62 =	vsel vm0, $0x1, v1;
	v7 =	vadd.s32 v61, v7  }
0x14e: {  	v7 =	vadd.s32 v62, v7  }
0x14f: {  	v63 =	vld [tilespmem:s1+$0x0];
	_ =	sdelay $0x3  }
0x150: {  	[tilespmem:v7+s23+$0x0] =	vst.idx.msk $0xffff, v5  }
0x151: {  	vm3 =	vcmask $0x704;
	vm5 =	vcmask $0x1714;
	vm2 =	vcmask $0x300;
	[tilespmem:v7+s24+$0x0] =	vst.idx.msk $0xffff, v63  }
0x152: {  	vm4 =	vcmask $0xB08;
	vm1 =	vcmask $0x1310;
	vm0 =	vcmask $0xF0C;
	[tilespmem:v6+s22+$0x0] =	vst.idx.add.s32.msk $0xffff, v3  }
.LBB2_11:
0x153: {  	[tilespmem:$0xB600] =	vst v1  }
0x154: {  	[tilespmem:$0xB610] =	vst v1  }
0x155: {  	[tilespmem:$0xB620] =	vst v1  }
0x156: {  	[tilespmem:$0xB630] =	vst v1  }
0x157: {  	[tilespmem:$0xB640] =	vst v1  }
0x158: {  	[tilespmem:$0xB650] =	vst v1  }
0x159: {  	[tilespmem:$0xB660] =	vst v1  }
0x15a: {  	[tilespmem:$0xB670] =	vst v1  }
0x15b: {  	[tilespmem:$0xB680] =	vst v1  }
0x15c: {  	[tilespmem:$0xB690] =	vst v1  }
0x15d: {  	[tilespmem:$0xB6A0] =	vst v1  }
.Ltmp9:
0x15e: {  	[tilespmem:$0xB6B0] =	vst v1;
	(pc) =	sbr.rel @!p0 .LBB2_12-.Ltmp9, $4  }
0x15f: {  	[tilespmem:$0xB6C0] =	vst v1  }
0x160: {  	[tilespmem:$0xB6D0] =	vst v1  }
0x161: {  	[tilespmem:$0xB6E0] =	vst v1  }
0x162: {  	[tilespmem:$0xB6F0] =	vst v1;
	s1 =	simm.s32 $0x8D00  }
0x163: {  	s0 =	rddreg [dreg:$0x13]  }
0x164: {  	p1 =	seq.s32 s0, $0x1  }
.Ltmp10:
0x165: {  	_ = 	snop;
	(pc) =	sbr.rel @p1 .LBB2_50-.Ltmp10, $2  }
0x166: {  	_ =	sdelay $0x2  }
0x167: {  	v5 =	vld [tilespmem:s1+$0x0];
	s3 =	sadd.s32 $0xFFFFFFFF, s0  }
.LBB2_49:
0x168: {  	p1 =	seq.s32 s3, $0x1;
	_ =	sdelay $0x3  }
0x169: {  	v5 =	vshrl.u32 v5, $0x8  }
0x16a: {  	v5 =	vand.u32 $0xFF, v5;
	_ =	sdelay $0x1  }
.Ltmp11:
0x16b: {  	(pc) =	sbr.rel @!p1 .LBB2_49-.Ltmp11, $3  }
0x16c: {  	_ =	sdelay $0x1  }
0x16d: {  	s1 =	sadd.s32 $0x10, s1;
	[tilespmem:v5+s22+$0x0] =	vst.idx.add.s32.msk $0xffff, v3  }
0x16e: {  	s3 =	sadd.s32 $0xFFFFFFFF, s3;
	v5 =	vld [tilespmem:s1+$0x0]  }
.LBB2_50:
0x16f: {  	_ =	sdelay $0x3  }
0x170: {  	v5 =	vshrl.u32 v5, $0x8  }
0x171: {  	v5 =	vand.u32 $0xFF, v5;
	_ =	sdelay $0x4  }
0x172: {  	[tilespmem:v5+s22+$0x0] =	vst.idx.add.s32.msk $0xffff, v3  }
.LBB2_12:
0x173: {  	vm7 =	vcmask $0x1B18;
	vm8 =	vcmask $0x1F1C;
	vm9 =	vcmask $0x2320  }
0x174: {  	s5 =	simm.s32 $0x0;
	vm10 =	vcmask $0x2724;
	vm11 =	vcmask $0x2B28;
	vm12 =	vcmask $0x2F2C  }
0x175: {  	s1 =	simm.s32 $0x0;
	s4 =	simm.s32 $0x40;
	s3 =	simm.s32 $0x0;
	vm13 =	vcmask $0x3330;
	vm14 =	vcmask $0x3734;
	vm6 =	vcmask $0x3B38  }
.LBB2_13:
0x176: {  	p1 =	seq.s32 s4, $0x3C0;
	v5 =	vld [tilespmem:s1+$0xB600];
	_ =	sdelay $0x4  }
0x177: {  	(v2sf) =	vpush v5, $0x0  }
0x178: {  	(v2sf) =	vpush v5, $0x1  }
0x179: {  	(v2sf) =	vpush v5, $0x2  }
0x17a: {  	(v2sf) =	vpush v5, $0x3  }
0x17b: {  	(v2sf) =	vpush v5, $0x4  }
0x17c: {  	(v2sf) =	vpush v5, $0x5  }
0x17d: {  	(v2sf) =	vpush v5, $0x6  }
0x17e: {  	(v2sf) =	vpush v5, $0x7  }
0x17f: {  	(v2sf) =	vpush v5, $0x8  }
0x180: {  	(v2sf) =	vpush v5, $0x9  }
0x181: {  	(v2sf) =	vpush v5, $0xA  }
0x182: {  	(v2sf) =	vpush v5, $0xB  }
0x183: {  	(v2sf) =	vpush v5, $0xC  }
0x184: {  	(v2sf) =	vpush v5, $0xD  }
0x185: {  	(v2sf) =	vpush v5, $0xE  }
0x186: {  	s0 =	spop (v2sf);
	(v2sf) =	vpush v5, $0xF  }
0x187: {  	s0 =	sadd.s32 s5, s0;
	s5 =	spop (v2sf)  }
0x188: {  	s6 =	sadd.s32 s5, s0;
	s5 =	spop (v2sf)  }
0x189: {  	s7 =	sadd.s32 s5, s6;
	s5 =	spop (v2sf)  }
0x18a: {  	s8 =	sadd.s32 s5, s7;
	s5 =	spop (v2sf)  }
0x18b: {  	s9 =	sadd.s32 s5, s8;
	s5 =	spop (v2sf)  }
0x18c: {  	s10 =	sadd.s32 s5, s9;
	s5 =	spop (v2sf)  }
0x18d: {  	s11 =	sadd.s32 s5, s10;
	s5 =	spop (v2sf)  }
0x18e: {  	s12 =	sadd.s32 s5, s11;
	s5 =	spop (v2sf)  }
0x18f: {  	s13 =	sadd.s32 s5, s12;
	s5 =	spop (v2sf)  }
0x190: {  	s14 =	sadd.s32 s5, s13;
	s5 =	spop (v2sf)  }
0x191: {  	s15 =	sadd.s32 s5, s14;
	s5 =	spop (v2sf)  }
0x192: {  	s16 =	sadd.s32 s5, s15;
	s5 =	spop (v2sf)  }
0x193: {  	s17 =	sadd.s32 s5, s16;
	s5 =	spop (v2sf)  }
0x194: {  	s21 =	sadd.s32 s5, s17;
	s5 =	spop (v2sf)  }
0x195: {  	s5 =	sadd.s32 s5, s21;
	s30 =	spop (v2sf)  }
0x196: {  	v5 =	vmov s5;
	s5 =	sadd.s32 s30, s5  }
0x197: {  	v5 =	vsel vm2, s3, v5;
	s3 =	smov.u32 s5  }
0x198: {  	v5 =	vsel vm3, s0, v5  }
0x199: {  	v5 =	vsel vm4, s6, v5  }
0x19a: {  	v5 =	vsel vm0, s7, v5  }
0x19b: {  	v5 =	vsel vm1, s8, v5  }
0x19c: {  	v5 =	vsel vm5, s9, v5  }
0x19d: {  	v5 =	vsel vm7, s10, v5  }
0x19e: {  	v5 =	vsel vm8, s11, v5  }
0x19f: {  	v5 =	vsel vm9, s12, v5  }
0x1a0: {  	v5 =	vsel vm10, s13, v5  }
0x1a1: {  	v5 =	vsel vm11, s14, v5  }
.Ltmp12:
0x1a2: {  	v5 =	vsel vm12, s15, v5;
	(pc) =	sbr.rel @!p1 .LBB2_13-.Ltmp12, $4  }
0x1a3: {  	v5 =	vsel vm13, s16, v5  }
0x1a4: {  	v5 =	vsel vm14, s17, v5  }
0x1a5: {  	v5 =	vsel vm6, s21, v5  }
0x1a6: {  	[tilespmem:s1+$0xB600] =	vst v5;
	s1 =	sshra.s32 s4, $0x2;
	s4 =	sadd.s32 $0x40, s4  }
0x1a7: {  	v5 =	vld [tilespmem:s1+$0xB600];
	_ =	sdelay $0x4  }
0x1a8: {  	(v2sf) =	vpush v5, $0x0  }
0x1a9: {  	(v2sf) =	vpush v5, $0x1  }
0x1aa: {  	(v2sf) =	vpush v5, $0x2  }
0x1ab: {  	(v2sf) =	vpush v5, $0x3  }
0x1ac: {  	(v2sf) =	vpush v5, $0x4  }
0x1ad: {  	(v2sf) =	vpush v5, $0x5  }
0x1ae: {  	(v2sf) =	vpush v5, $0x6  }
0x1af: {  	(v2sf) =	vpush v5, $0x7  }
0x1b0: {  	(v2sf) =	vpush v5, $0x8  }
0x1b1: {  	(v2sf) =	vpush v5, $0x9  }
0x1b2: {  	(v2sf) =	vpush v5, $0xA  }
0x1b3: {  	(v2sf) =	vpush v5, $0xB  }
0x1b4: {  	(v2sf) =	vpush v5, $0xC  }
0x1b5: {  	(v2sf) =	vpush v5, $0xD  }
0x1b6: {  	(v2sf) =	vpush v5, $0xE  }
0x1b7: {  	s0 =	spop (v2sf)  }
0x1b8: {  	s0 =	sadd.s32 s5, s0;
	s4 =	spop (v2sf)  }
0x1b9: {  	s4 =	sadd.s32 s4, s0;
	s21 =	spop (v2sf)  }
0x1ba: {  	s5 =	sadd.s32 s21, s4;
	s6 =	spop (v2sf)  }
0x1bb: {  	s6 =	sadd.s32 s6, s5;
	s7 =	spop (v2sf)  }
0x1bc: {  	s7 =	sadd.s32 s7, s6;
	s8 =	spop (v2sf)  }
0x1bd: {  	s8 =	sadd.s32 s8, s7;
	s9 =	spop (v2sf)  }
0x1be: {  	s9 =	sadd.s32 s9, s8;
	s10 =	spop (v2sf)  }
0x1bf: {  	s10 =	sadd.s32 s10, s9;
	s11 =	spop (v2sf)  }
0x1c0: {  	s11 =	sadd.s32 s11, s10;
	s12 =	spop (v2sf)  }
0x1c1: {  	s12 =	sadd.s32 s12, s11;
	s13 =	spop (v2sf)  }
0x1c2: {  	s13 =	sadd.s32 s13, s12;
	s14 =	spop (v2sf)  }
0x1c3: {  	s14 =	sadd.s32 s14, s13;
	s15 =	spop (v2sf)  }
0x1c4: {  	s15 =	sadd.s32 s15, s14;
	s16 =	spop (v2sf)  }
0x1c5: {  	s16 =	sadd.s32 s16, s15;
	s17 =	spop (v2sf)  }
0x1c6: {  	s17 =	sadd.s32 s17, s16  }
0x1c7: {  	v6 =	vmov s17  }
0x1c8: {  	(v2sf) =	vpush v5, $0xF;
	v5 =	vsel vm2, s3, v6  }
0x1c9: {  	v5 =	vsel vm3, s0, v5  }
0x1ca: {  	v5 =	vsel vm4, s4, v5  }
0x1cb: {  	v5 =	vsel vm0, s5, v5  }
0x1cc: {  	v5 =	vsel vm1, s6, v5  }
0x1cd: {  	v5 =	vsel vm5, s7, v5  }
0x1ce: {  	v5 =	vsel vm7, s8, v5  }
0x1cf: {  	v5 =	vsel vm8, s9, v5  }
0x1d0: {  	v5 =	vsel vm9, s10, v5  }
0x1d1: {  	v5 =	vsel vm10, s11, v5  }
0x1d2: {  	v5 =	vsel vm11, s12, v5  }
.Ltmp13:
0x1d3: {  	vm5 =	vcmask $0x3F1C;
	v5 =	vsel vm12, s13, v5;
	(pc) =	sbr.rel @!p0 .LBB2_18-.Ltmp13, $4  }
0x1d4: {  	vm7 =	vcmask $0x3F0C;
	vm8 =	vcmask $0x3F10;
	v5 =	vsel vm13, s14, v5  }
0x1d5: {  	vm9 =	vcmask $0x3F14;
	vm10 =	vcmask $0x3F18;
	v5 =	vsel vm14, s15, v5  }
0x1d6: {  	vm11 =	vcmask $0x3F20;
	vm12 =	vcmask $0x3F24;
	v5 =	vsel vm6, s16, v5  }
0x1d7: {  	s30 =	spop (v2sf);
	vm13 =	vcmask $0x3F28;
	vm14 =	vcmask $0x3F2C;
	vm6 =	vcmask $0x3F08;
	[tilespmem:s1+$0xB600] =	vst v5  }
0x1d8: {  	s0 =	rddreg [dreg:$0x13]  }
0x1d9: {  	p1 =	sne.s32 s0, $0x1  }
.Ltmp14:
0x1da: {  	_ = 	snop;
	(pc) =	sbr.rel @!p1 .LBB2_17-.Ltmp14, $3  }
0x1db: {  	_ =	sdelay $0x1  }
0x1dc: {  	s3 =	simm.s32 $0x8D00  }
0x1dd: {  	s1 =	simm.s32 $0xA180;
	s5 =	simm.s32 $0xA180;
	vm3 =	vcmask $0x3F30;
	vm2 =	vcmask $0x3F34;
	vm4 =	vcmask $0x3F38;
	s4 =	sadd.s32 $0xFFFFFFFF, s0;
	v5 =	vld [tilespmem:s3+$0x0]  }
.LBB2_16:
0x1de: {  	_ =	sdelay $0x3  }
0x1df: {  	v6 =	vshrl.u32 v5, $0x8  }
0x1e0: {  	p1 =	sne.s32 s4, $0x1;
	s3 =	sadd.s32 $0x10, s3;
	s5 =	sadd.s32 $0x10, s5;
	v6 =	vand.u32 $0xFF, v6  }
0x1e1: {  	s4 =	sadd.s32 $0xFFFFFFFF, s4;
	v7 =	vbroadcast v6, $0x0  }
0x1e2: {  	v8 =	vbroadcast v6, $0x2;
	v9 =	vbroadcast v6, $0x1  }
0x1e3: {  	v10 =	vbroadcast v6, $0xB;
	v11 =	vbroadcast v6, $0xC  }
0x1e4: {  	v12 =	vbroadcast v6, $0x3;
	v13 =	vbroadcast v6, $0x4  }
0x1e5: {  	v18 =	vbroadcast v6, $0x9;
	vm0 =	veq.s32 v6, v7;
	v7 =	vbroadcast v6, $0x6  }
0x1e6: {  	vm1 =	veq.s32 v6, v10;
	v10 =	vbroadcast v6, $0xD;
	vm2 =	veq.s32 v6, v9  }
0x1e7: {  	v9 =	vbroadcast v6, $0x7;
	vm4 =	veq.s32 v6, v12;
	vm0 =	vmand vm0, vm15  }
0x1e8: {  	v12 =	vbroadcast v6, $0x5;
	vm15 =	veq.s32 v6, v11;
	vm1 =	vmand vm1, vm3;
	v11 =	vld.idx.msk [tilespmem:v6+s22+$0x0], $0xffff  }
0x1e9: {  	vm3 =	veq.s32 v6, v8;
	v8 =	vsel vm1, $0x1, v1;
	vm1 =	vmand vm2, vm6  }
0x1ea: {  	vm2 =	veq.s32 v6, v13;
	v13 =	vsel vm0, $0x1, v1;
	vm0 =	vmand vm4, vm8  }
0x1eb: {  	vm4 =	vcmask $0x3F38;
	vm2 =	vmand vm2, vm9;
	v14 =	vsel vm0, $0x1, v1  }
0x1ec: {  	vm0 =	veq.s32 v6, v12;
	v15 =	vsel vm2, $0x1, v1;
	vm2 =	vmand vm3, vm7  }
0x1ed: {  	vm0 =	vmand vm0, vm10;
	vm3 =	veq.s32 v6, v7;
	v7 =	vsel vm1, $0x1, v1  }
0x1ee: {  	v12 =	vsel vm0, $0x1, v1;
	vm0 =	vmand vm3, vm5;
	vm3 =	vcmask $0x3F30  }
0x1ef: {  	v16 =	vsel vm2, $0x1, v1;
	vm2 =	veq.s32 v6, v18;
	v7 =	vadd.s32 v7, v11  }
0x1f0: {  	v17 =	vsel vm0, $0x1, v1;
	v11 =	vbroadcast v6, $0x8;
	v7 =	vadd.s32 v13, v7  }
0x1f1: {  	vm0 =	veq.s32 v6, v9;
	v9 =	vbroadcast v6, $0xA;
	v7 =	vadd.s32 v16, v7  }
0x1f2: {  	vm0 =	vmand vm0, vm11;
	vm1 =	veq.s32 v6, v11;
	v7 =	vadd.s32 v14, v7  }
0x1f3: {  	v11 =	vsel vm0, $0x1, v1;
	vm0 =	vmand vm2, vm13;
	v7 =	vadd.s32 v15, v7  }
0x1f4: {  	vm2 =	vcmask $0x3F34;
	vm1 =	vmand vm1, vm12;
	v7 =	vadd.s32 v12, v7  }
0x1f5: {  	v12 =	vsel vm1, $0x1, v1;
	vm1 =	veq.s32 v6, v9;
	v9 =	vsel vm0, $0x1, v1  }
0x1f6: {  	v7 =	vadd.s32 v17, v7;
	vm0 =	vmand vm1, vm14;
	vm1 =	veq.s32 v6, v10  }
0x1f7: {  	v10 =	vbroadcast v6, $0xE;
	v7 =	vadd.s32 v11, v7;
	v11 =	vsel vm0, $0x1, v1  }
0x1f8: {  	vm0 =	vmand vm15, vm2;
	vm15 =	vcmask $0x3F04;
	v7 =	vadd.s32 v12, v7  }
0x1f9: {  	vm1 =	vmand vm1, vm4;
	v7 =	vadd.s32 v9, v7  }
0x1fa: {  	v9 =	vsel vm0, $0x1, v1;
	vm0 =	veq.s32 v6, v10;
	v7 =	vadd.s32 v11, v7  }
0x1fb: {  	v7 =	vadd.s32 v8, v7;
	v8 =	vsel vm1, $0x1, v1;
	vm1 =	vcmask $0x3F3C  }
0x1fc: {  	vm0 =	vmand vm0, vm1;
	v7 =	vadd.s32 v9, v7  }
0x1fd: {  	v9 =	vsel vm0, $0x1, v1;
	v7 =	vadd.s32 v8, v7  }
0x1fe: {  	v7 =	vadd.s32 v9, v7  }
0x1ff: {  	v8 =	vld [tilespmem:s1+$0x0];
	s1 =	smov.u32 s5;
	_ =	sdelay $0x2  }
.Ltmp15:
0x200: {  	(pc) =	sbr.rel @p1 .LBB2_16-.Ltmp15, $4  }
0x201: {  	[tilespmem:v7+s25+$0x0] =	vst.idx.msk $0xffff, v5  }
0x202: {  	[tilespmem:v7+s26+$0x0] =	vst.idx.msk $0xffff, v8  }
0x203: {  	[tilespmem:v6+s22+$0x0] =	vst.idx.add.s32.msk $0xffff, v3  }
0x204: {  	v5 =	vld [tilespmem:s3+$0x0]  }
.LBB2_17:
0x205: {  	_ =	sdelay $0x3  }
0x206: {  	v6 =	vshrl.u32 v5, $0x8  }
0x207: {  	v6 =	vand.u32 $0xFF, v6  }
0x208: {  	v7 =	vbroadcast v6, $0x0;
	v8 =	vbroadcast v6, $0x2  }
0x209: {  	v9 =	vbroadcast v6, $0xB;
	v10 =	vbroadcast v6, $0x1  }
0x20a: {  	v11 =	vbroadcast v6, $0xC;
	v47 =	vbroadcast v6, $0x3  }
0x20b: {  	v12 =	vbroadcast v6, $0x4;
	v49 =	vbroadcast v6, $0x5  }
0x20c: {  	v51 =	vbroadcast v6, $0xD;
	v53 =	vbroadcast v6, $0x8;
	vm1 =	veq.s32 v6, v9  }
0x20d: {  	v54 =	vbroadcast v6, $0x9;
	vm0 =	veq.s32 v6, v7;
	vm1 =	vmand vm1, vm3  }
0x20e: {  	vm0 =	vmand vm0, vm15;
	v13 =	vsel vm1, $0x1, v1;
	vm1 =	veq.s32 v6, v47  }
0x20f: {  	v48 =	vsel vm0, $0x1, v1;
	vm0 =	veq.s32 v6, v12;
	vm1 =	vmand vm1, vm8  }
0x210: {  	v59 =	vbroadcast v6, $0xE;
	v14 =	vld.idx.msk [tilespmem:v6+s22+$0x0], $0xffff;
	vm0 =	vmand vm0, vm9;
	v15 =	vsel vm1, $0x1, v1  }
0x211: {  	vm1 =	veq.s32 v6, v10;
	v50 =	vsel vm0, $0x1, v1;
	vm0 =	veq.s32 v6, v49  }
0x212: {  	v7 =	vbroadcast v6, $0x6;
	vm1 =	vmand vm1, vm6;
	vm0 =	vmand vm0, vm10  }
0x213: {  	v16 =	vsel vm1, $0x1, v1;
	vm1 =	veq.s32 v6, v8;
	v52 =	vsel vm0, $0x1, v1  }
0x214: {  	vm0 =	veq.s32 v6, v7;
	v7 =	vbroadcast v6, $0x7;
	vm1 =	vmand vm1, vm7  }
0x215: {  	vm0 =	vmand vm0, vm5;
	v14 =	vadd.s32 v16, v14;
	v17 =	vsel vm1, $0x1, v1  }
0x216: {  	v18 =	vsel vm0, $0x1, v1;
	v9 =	vadd.s32 v48, v14;
	vm0 =	veq.s32 v6, v7  }
0x217: {  	v7 =	vbroadcast v6, $0xA;
	vm1 =	veq.s32 v6, v53;
	v9 =	vadd.s32 v17, v9  }
0x218: {  	vm0 =	vmand vm0, vm11;
	vm1 =	vmand vm1, vm12;
	v9 =	vadd.s32 v15, v9  }
0x219: {  	v55 =	vsel vm0, $0x1, v1;
	vm0 =	veq.s32 v6, v54;
	v9 =	vadd.s32 v50, v9  }
0x21a: {  	v56 =	vsel vm1, $0x1, v1;
	vm0 =	vmand vm0, vm13;
	v8 =	vadd.s32 v52, v9  }
0x21b: {  	vm1 =	veq.s32 v6, v7;
	v57 =	vsel vm0, $0x1, v1;
	v7 =	vadd.s32 v18, v8  }
0x21c: {  	vm0 =	vmand vm1, vm14;
	vm1 =	veq.s32 v6, v11;
	v7 =	vadd.s32 v55, v7  }
0x21d: {  	v58 =	vsel vm0, $0x1, v1;
	vm0 =	veq.s32 v6, v51;
	v7 =	vadd.s32 v56, v7  }
0x21e: {  	vm1 =	vmand vm1, vm2;
	vm0 =	vmand vm0, vm4;
	v7 =	vadd.s32 v57, v7  }
0x21f: {  	v60 =	vsel vm1, $0x1, v1;
	vm1 =	veq.s32 v6, v59;
	v7 =	vadd.s32 v58, v7  }
0x220: {  	v61 =	vsel vm0, $0x1, v1;
	vm0 =	vcmask $0x3F3C;
	v7 =	vadd.s32 v13, v7  }
0x221: {  	vm0 =	vmand vm1, vm0;
	v7 =	vadd.s32 v60, v7  }
0x222: {  	v62 =	vsel vm0, $0x1, v1;
	v7 =	vadd.s32 v61, v7  }
0x223: {  	v7 =	vadd.s32 v62, v7  }
0x224: {  	v63 =	vld [tilespmem:s1+$0x0];
	_ =	sdelay $0x3  }
0x225: {  	[tilespmem:v7+s25+$0x0] =	vst.idx.msk $0xffff, v5  }
0x226: {  	vm3 =	vcmask $0x704;
	vm2 =	vcmask $0x300;
	[tilespmem:v7+s26+$0x0] =	vst.idx.msk $0xffff, v63  }
0x227: {  	vm4 =	vcmask $0xB08;
	vm1 =	vcmask $0x1310;
	vm0 =	vcmask $0xF0C;
	[tilespmem:v6+s22+$0x0] =	vst.idx.add.s32.msk $0xffff, v3  }
.LBB2_18:
0x228: {  	[tilespmem:$0xB600] =	vst v1  }
0x229: {  	[tilespmem:$0xB610] =	vst v1  }
0x22a: {  	[tilespmem:$0xB620] =	vst v1  }
0x22b: {  	[tilespmem:$0xB630] =	vst v1  }
0x22c: {  	[tilespmem:$0xB640] =	vst v1  }
0x22d: {  	[tilespmem:$0xB650] =	vst v1  }
0x22e: {  	[tilespmem:$0xB660] =	vst v1  }
0x22f: {  	[tilespmem:$0xB670] =	vst v1  }
0x230: {  	[tilespmem:$0xB680] =	vst v1  }
0x231: {  	[tilespmem:$0xB690] =	vst v1  }
0x232: {  	[tilespmem:$0xB6A0] =	vst v1  }
.Ltmp16:
0x233: {  	[tilespmem:$0xB6B0] =	vst v1;
	(pc) =	sbr.rel @!p0 .LBB2_19-.Ltmp16, $4  }
0x234: {  	[tilespmem:$0xB6C0] =	vst v1  }
0x235: {  	[tilespmem:$0xB6D0] =	vst v1  }
0x236: {  	[tilespmem:$0xB6E0] =	vst v1  }
0x237: {  	[tilespmem:$0xB6F0] =	vst v1;
	s1 =	simm.s32 $0x6400;
	vm5 =	vcmask $0x1714  }
0x238: {  	s0 =	rddreg [dreg:$0x13]  }
0x239: {  	p1 =	seq.s32 s0, $0x1  }
.Ltmp17:
0x23a: {  	_ = 	snop;
	(pc) =	sbr.rel @p1 .LBB2_53-.Ltmp17, $2  }
0x23b: {  	_ =	sdelay $0x2  }
0x23c: {  	v5 =	vld [tilespmem:s1+$0x0];
	s3 =	sadd.s32 $0xFFFFFFFF, s0  }
.LBB2_52:
0x23d: {  	p1 =	seq.s32 s3, $0x1;
	_ =	sdelay $0x3  }
0x23e: {  	v5 =	vshrl.u32 v5, $0x10  }
0x23f: {  	v5 =	vand.u32 $0xFF, v5;
	_ =	sdelay $0x1  }
.Ltmp18:
0x240: {  	(pc) =	sbr.rel @!p1 .LBB2_52-.Ltmp18, $3  }
0x241: {  	_ =	sdelay $0x1  }
0x242: {  	s1 =	sadd.s32 $0x10, s1;
	[tilespmem:v5+s22+$0x0] =	vst.idx.add.s32.msk $0xffff, v3  }
0x243: {  	s3 =	sadd.s32 $0xFFFFFFFF, s3;
	v5 =	vld [tilespmem:s1+$0x0]  }
.LBB2_53:
0x244: {  	_ =	sdelay $0x3  }
0x245: {  	v5 =	vshrl.u32 v5, $0x10  }
0x246: {  	v5 =	vand.u32 $0xFF, v5;
	_ =	sdelay $0x4  }
0x247: {  	[tilespmem:v5+s22+$0x0] =	vst.idx.add.s32.msk $0xffff, v3  }
.LBB2_19:
0x248: {  	vm7 =	vcmask $0x1B18;
	vm8 =	vcmask $0x1F1C;
	vm9 =	vcmask $0x2320  }
0x249: {  	s5 =	simm.s32 $0x0;
	vm10 =	vcmask $0x2724;
	vm11 =	vcmask $0x2B28;
	vm12 =	vcmask $0x2F2C  }
0x24a: {  	s1 =	simm.s32 $0x0;
	s4 =	simm.s32 $0x40;
	s3 =	simm.s32 $0x0;
	vm13 =	vcmask $0x3330;
	vm14 =	vcmask $0x3734;
	vm6 =	vcmask $0x3B38  }
.LBB2_20:
0x24b: {  	p1 =	seq.s32 s4, $0x3C0;
	v5 =	vld [tilespmem:s1+$0xB600];
	_ =	sdelay $0x4  }
0x24c: {  	(v2sf) =	vpush v5, $0x0  }
0x24d: {  	(v2sf) =	vpush v5, $0x1  }
0x24e: {  	(v2sf) =	vpush v5, $0x2  }
0x24f: {  	(v2sf) =	vpush v5, $0x3  }
0x250: {  	(v2sf) =	vpush v5, $0x4  }
0x251: {  	(v2sf) =	vpush v5, $0x5  }
0x252: {  	(v2sf) =	vpush v5, $0x6  }
0x253: {  	(v2sf) =	vpush v5, $0x7  }
0x254: {  	(v2sf) =	vpush v5, $0x8  }
0x255: {  	(v2sf) =	vpush v5, $0x9  }
0x256: {  	(v2sf) =	vpush v5, $0xA  }
0x257: {  	(v2sf) =	vpush v5, $0xB  }
0x258: {  	(v2sf) =	vpush v5, $0xC  }
0x259: {  	(v2sf) =	vpush v5, $0xD  }
0x25a: {  	(v2sf) =	vpush v5, $0xE  }
0x25b: {  	s0 =	spop (v2sf);
	(v2sf) =	vpush v5, $0xF  }
0x25c: {  	s0 =	sadd.s32 s5, s0;
	s5 =	spop (v2sf)  }
0x25d: {  	s6 =	sadd.s32 s5, s0;
	s5 =	spop (v2sf)  }
0x25e: {  	s7 =	sadd.s32 s5, s6;
	s5 =	spop (v2sf)  }
0x25f: {  	s8 =	sadd.s32 s5, s7;
	s5 =	spop (v2sf)  }
0x260: {  	s9 =	sadd.s32 s5, s8;
	s5 =	spop (v2sf)  }
0x261: {  	s10 =	sadd.s32 s5, s9;
	s5 =	spop (v2sf)  }
0x262: {  	s11 =	sadd.s32 s5, s10;
	s5 =	spop (v2sf)  }
0x263: {  	s12 =	sadd.s32 s5, s11;
	s5 =	spop (v2sf)  }
0x264: {  	s13 =	sadd.s32 s5, s12;
	s5 =	spop (v2sf)  }
0x265: {  	s14 =	sadd.s32 s5, s13;
	s5 =	spop (v2sf)  }
0x266: {  	s15 =	sadd.s32 s5, s14;
	s5 =	spop (v2sf)  }
0x267: {  	s16 =	sadd.s32 s5, s15;
	s5 =	spop (v2sf)  }
0x268: {  	s17 =	sadd.s32 s5, s16;
	s5 =	spop (v2sf)  }
0x269: {  	s21 =	sadd.s32 s5, s17;
	s5 =	spop (v2sf)  }
0x26a: {  	s5 =	sadd.s32 s5, s21;
	s30 =	spop (v2sf)  }
0x26b: {  	v5 =	vmov s5;
	s5 =	sadd.s32 s30, s5  }
0x26c: {  	v5 =	vsel vm2, s3, v5;
	s3 =	smov.u32 s5  }
0x26d: {  	v5 =	vsel vm3, s0, v5  }
0x26e: {  	v5 =	vsel vm4, s6, v5  }
0x26f: {  	v5 =	vsel vm0, s7, v5  }
0x270: {  	v5 =	vsel vm1, s8, v5  }
0x271: {  	v5 =	vsel vm5, s9, v5  }
0x272: {  	v5 =	vsel vm7, s10, v5  }
0x273: {  	v5 =	vsel vm8, s11, v5  }
0x274: {  	v5 =	vsel vm9, s12, v5  }
0x275: {  	v5 =	vsel vm10, s13, v5  }
0x276: {  	v5 =	vsel vm11, s14, v5  }
.Ltmp19:
0x277: {  	v5 =	vsel vm12, s15, v5;
	(pc) =	sbr.rel @!p1 .LBB2_20-.Ltmp19, $4  }
0x278: {  	v5 =	vsel vm13, s16, v5  }
0x279: {  	v5 =	vsel vm14, s17, v5  }
0x27a: {  	v5 =	vsel vm6, s21, v5  }
0x27b: {  	[tilespmem:s1+$0xB600] =	vst v5;
	s1 =	sshra.s32 s4, $0x2;
	s4 =	sadd.s32 $0x40, s4  }
0x27c: {  	v5 =	vld [tilespmem:s1+$0xB600];
	_ =	sdelay $0x4  }
0x27d: {  	(v2sf) =	vpush v5, $0x0  }
0x27e: {  	(v2sf) =	vpush v5, $0x1  }
0x27f: {  	(v2sf) =	vpush v5, $0x2  }
0x280: {  	(v2sf) =	vpush v5, $0x3  }
0x281: {  	(v2sf) =	vpush v5, $0x4  }
0x282: {  	(v2sf) =	vpush v5, $0x5  }
0x283: {  	(v2sf) =	vpush v5, $0x6  }
0x284: {  	(v2sf) =	vpush v5, $0x7  }
0x285: {  	(v2sf) =	vpush v5, $0x8  }
0x286: {  	(v2sf) =	vpush v5, $0x9  }
0x287: {  	(v2sf) =	vpush v5, $0xA  }
0x288: {  	(v2sf) =	vpush v5, $0xB  }
0x289: {  	(v2sf) =	vpush v5, $0xC  }
0x28a: {  	(v2sf) =	vpush v5, $0xD  }
0x28b: {  	(v2sf) =	vpush v5, $0xE  }
0x28c: {  	s0 =	spop (v2sf)  }
0x28d: {  	s0 =	sadd.s32 s5, s0;
	s4 =	spop (v2sf)  }
0x28e: {  	s4 =	sadd.s32 s4, s0;
	s21 =	spop (v2sf)  }
0x28f: {  	s5 =	sadd.s32 s21, s4;
	s6 =	spop (v2sf)  }
0x290: {  	s6 =	sadd.s32 s6, s5;
	s7 =	spop (v2sf)  }
0x291: {  	s7 =	sadd.s32 s7, s6;
	s8 =	spop (v2sf)  }
0x292: {  	s8 =	sadd.s32 s8, s7;
	s9 =	spop (v2sf)  }
0x293: {  	s9 =	sadd.s32 s9, s8;
	s10 =	spop (v2sf)  }
0x294: {  	s10 =	sadd.s32 s10, s9;
	s11 =	spop (v2sf)  }
0x295: {  	s11 =	sadd.s32 s11, s10;
	s12 =	spop (v2sf)  }
0x296: {  	s12 =	sadd.s32 s12, s11;
	s13 =	spop (v2sf)  }
0x297: {  	s13 =	sadd.s32 s13, s12;
	s14 =	spop (v2sf)  }
0x298: {  	s14 =	sadd.s32 s14, s13;
	s15 =	spop (v2sf)  }
0x299: {  	s15 =	sadd.s32 s15, s14;
	s16 =	spop (v2sf)  }
0x29a: {  	s16 =	sadd.s32 s16, s15;
	s17 =	spop (v2sf)  }
0x29b: {  	s17 =	sadd.s32 s17, s16  }
0x29c: {  	v6 =	vmov s17  }
0x29d: {  	(v2sf) =	vpush v5, $0xF;
	v5 =	vsel vm2, s3, v6  }
0x29e: {  	v5 =	vsel vm3, s0, v5  }
0x29f: {  	v5 =	vsel vm4, s4, v5  }
0x2a0: {  	v5 =	vsel vm0, s5, v5  }
0x2a1: {  	v5 =	vsel vm1, s6, v5  }
0x2a2: {  	v5 =	vsel vm5, s7, v5  }
0x2a3: {  	v5 =	vsel vm7, s8, v5  }
0x2a4: {  	v5 =	vsel vm8, s9, v5  }
0x2a5: {  	v5 =	vsel vm9, s10, v5  }
0x2a6: {  	v5 =	vsel vm10, s11, v5  }
0x2a7: {  	v5 =	vsel vm11, s12, v5  }
.Ltmp20:
0x2a8: {  	v5 =	vsel vm12, s13, v5;
	(pc) =	sbr.rel @!p0 .LBB2_25-.Ltmp20, $4  }
0x2a9: {  	v5 =	vsel vm13, s14, v5  }
0x2aa: {  	v5 =	vsel vm14, s15, v5  }
0x2ab: {  	vm7 =	vmmov vm14;
	vm8 =	vcmask $0x3330;
	v5 =	vsel vm6, s16, v5  }
0x2ac: {  	s30 =	spop (v2sf);
	vm9 =	vmmov vm12;
	vm10 =	vcmask $0x3B38;
	vm6 =	vcmask $0x3F08;
	[tilespmem:s1+$0xB600] =	vst v5  }
0x2ad: {  	s0 =	rddreg [dreg:$0x13]  }
0x2ae: {  	p1 =	sne.s32 s0, $0x1  }
.Ltmp21:
0x2af: {  	_ = 	snop;
	(pc) =	sbr.rel @!p1 .LBB2_24-.Ltmp21, $4  }
0x2b0: {  	vm13 =	vcmask $0x3F0C;
	vm11 =	vcmask $0x3F10;
	vm9 =	vcmask $0x3F14  }
0x2b1: {  	vm7 =	vcmask $0x3F18;
	vm5 =	vcmask $0x3F20;
	vm14 =	vcmask $0x3F24  }
0x2b2: {  	s3 =	simm.s32 $0x6400;
	vm12 =	vcmask $0x3F28;
	vm10 =	vcmask $0x3F2C;
	vm3 =	vcmask $0x3F30  }
0x2b3: {  	s1 =	simm.s32 $0x7880;
	s5 =	simm.s32 $0x7880;
	vm2 =	vcmask $0x3F34;
	vm4 =	vcmask $0x3F38;
	vm8 =	vcmask $0x3F3C;
	s4 =	sadd.s32 $0xFFFFFFFF, s0;
	v5 =	vld [tilespmem:s3+$0x0]  }
.LBB2_23:
0x2b4: {  	_ =	sdelay $0x3  }
0x2b5: {  	v6 =	vshrl.u32 v5, $0x10  }
0x2b6: {  	p1 =	sne.s32 s4, $0x1;
	s3 =	sadd.s32 $0x10, s3;
	s5 =	sadd.s32 $0x10, s5;
	v6 =	vand.u32 $0xFF, v6  }
0x2b7: {  	s4 =	sadd.s32 $0xFFFFFFFF, s4;
	v7 =	vbroadcast v6, $0x0  }
0x2b8: {  	v8 =	vbroadcast v6, $0x2;
	v9 =	vbroadcast v6, $0x1  }
0x2b9: {  	v10 =	vbroadcast v6, $0xB;
	v11 =	vbroadcast v6, $0xC  }
0x2ba: {  	v12 =	vbroadcast v6, $0x3;
	v13 =	vbroadcast v6, $0x4  }
0x2bb: {  	v18 =	vbroadcast v6, $0x9;
	vm0 =	veq.s32 v6, v7;
	v7 =	vbroadcast v6, $0x6  }
0x2bc: {  	vm1 =	veq.s32 v6, v10;
	v10 =	vbroadcast v6, $0xD;
	vm2 =	veq.s32 v6, v9  }
0x2bd: {  	v9 =	vbroadcast v6, $0x7;
	vm4 =	veq.s32 v6, v12;
	vm0 =	vmand vm0, vm15  }
0x2be: {  	v12 =	vbroadcast v6, $0x5;
	vm15 =	veq.s32 v6, v11;
	vm1 =	vmand vm1, vm3;
	v11 =	vld.idx.msk [tilespmem:v6+s22+$0x0], $0xffff  }
0x2bf: {  	vm3 =	veq.s32 v6, v8;
	v8 =	vsel vm1, $0x1, v1;
	vm1 =	vmand vm2, vm6  }
0x2c0: {  	vm2 =	veq.s32 v6, v13;
	v13 =	vsel vm0, $0x1, v1;
	vm0 =	vmand vm4, vm11  }
0x2c1: {  	vm4 =	vcmask $0x3F38;
	vm2 =	vmand vm2, vm9;
	v14 =	vsel vm0, $0x1, v1  }
0x2c2: {  	vm0 =	veq.s32 v6, v12;
	v15 =	vsel vm2, $0x1, v1;
	vm2 =	vmand vm3, vm13  }
0x2c3: {  	vm0 =	vmand vm0, vm7;
	vm3 =	veq.s32 v6, v7;
	v7 =	vsel vm1, $0x1, v1  }
0x2c4: {  	v12 =	vsel vm0, $0x1, v1;
	vm0 =	vcmask $0x3F1C;
	v16 =	vsel vm2, $0x1, v1  }
0x2c5: {  	vm2 =	veq.s32 v6, v18;
	vm0 =	vmand vm3, vm0;
	vm3 =	vcmask $0x3F30  }
0x2c6: {  	v17 =	vsel vm0, $0x1, v1;
	v7 =	vadd.s32 v7, v11;
	v11 =	vbroadcast v6, $0x8  }
0x2c7: {  	vm0 =	veq.s32 v6, v9;
	v9 =	vbroadcast v6, $0xA;
	v7 =	vadd.s32 v13, v7  }
0x2c8: {  	vm0 =	vmand vm0, vm5;
	v7 =	vadd.s32 v16, v7;
	vm1 =	veq.s32 v6, v11  }
0x2c9: {  	v11 =	vsel vm0, $0x1, v1;
	vm0 =	vmand vm2, vm12;
	v7 =	vadd.s32 v14, v7  }
0x2ca: {  	vm2 =	vcmask $0x3F34;
	vm1 =	vmand vm1, vm14;
	v7 =	vadd.s32 v15, v7  }
0x2cb: {  	v7 =	vadd.s32 v12, v7;
	v12 =	vsel vm1, $0x1, v1;
	vm1 =	veq.s32 v6, v9  }
0x2cc: {  	v9 =	vsel vm0, $0x1, v1;
	v7 =	vadd.s32 v17, v7;
	vm0 =	vmand vm1, vm10  }
0x2cd: {  	v7 =	vadd.s32 v11, v7;
	v11 =	vsel vm0, $0x1, v1  }
0x2ce: {  	vm0 =	vmand vm15, vm2;
	vm15 =	vcmask $0x3F04;
	v7 =	vadd.s32 v12, v7  }
0x2cf: {  	vm1 =	veq.s32 v6, v10;
	v10 =	vbroadcast v6, $0xE;
	v7 =	vadd.s32 v9, v7  }
0x2d0: {  	vm1 =	vmand vm1, vm4;
	v7 =	vadd.s32 v11, v7  }
0x2d1: {  	v9 =	vsel vm0, $0x1, v1;
	vm0 =	veq.s32 v6, v10;
	v7 =	vadd.s32 v8, v7  }
0x2d2: {  	vm0 =	vmand vm0, vm8;
	v8 =	vsel vm1, $0x1, v1;
	v7 =	vadd.s32 v9, v7  }
0x2d3: {  	v9 =	vsel vm0, $0x1, v1;
	v7 =	vadd.s32 v8, v7  }
0x2d4: {  	v7 =	vadd.s32 v9, v7  }
0x2d5: {  	v8 =	vld [tilespmem:s1+$0x0];
	s1 =	smov.u32 s5;
	_ =	sdelay $0x2  }
.Ltmp22:
0x2d6: {  	(pc) =	sbr.rel @p1 .LBB2_23-.Ltmp22, $4  }
0x2d7: {  	[tilespmem:v7+s23+$0x0] =	vst.idx.msk $0xffff, v5  }
0x2d8: {  	[tilespmem:v7+s24+$0x0] =	vst.idx.msk $0xffff, v8  }
0x2d9: {  	[tilespmem:v6+s22+$0x0] =	vst.idx.add.s32.msk $0xffff, v3  }
0x2da: {  	v5 =	vld [tilespmem:s3+$0x0]  }
.LBB2_24:
0x2db: {  	_ =	sdelay $0x3  }
0x2dc: {  	v6 =	vshrl.u32 v5, $0x10  }
0x2dd: {  	v6 =	vand.u32 $0xFF, v6  }
0x2de: {  	v7 =	vbroadcast v6, $0x0;
	v8 =	vbroadcast v6, $0x2  }
0x2df: {  	v9 =	vbroadcast v6, $0xB;
	v10 =	vbroadcast v6, $0x1  }
0x2e0: {  	v11 =	vbroadcast v6, $0xC;
	v47 =	vbroadcast v6, $0x3  }
0x2e1: {  	v12 =	vbroadcast v6, $0x4;
	v49 =	vbroadcast v6, $0x5  }
0x2e2: {  	v51 =	vbroadcast v6, $0xD;
	v53 =	vbroadcast v6, $0x8  }
0x2e3: {  	v54 =	vbroadcast v6, $0x9;
	vm0 =	veq.s32 v6, v7;
	vm1 =	veq.s32 v6, v9  }
0x2e4: {  	v7 =	vbroadcast v6, $0x6;
	vm0 =	vmand vm0, vm15;
	vm1 =	vmand vm1, vm3  }
0x2e5: {  	vm3 =	vcmask $0x3F1C;
	v13 =	vsel vm1, $0x1, v1;
	vm1 =	veq.s32 v6, v47  }
0x2e6: {  	v48 =	vsel vm0, $0x1, v1;
	vm0 =	veq.s32 v6, v12;
	v14 =	vld.idx.msk [tilespmem:v6+s22+$0x0], $0xffff;
	vm1 =	vmand vm1, vm11  }
0x2e7: {  	vm0 =	vmand vm0, vm9;
	v15 =	vsel vm1, $0x1, v1;
	vm1 =	veq.s32 v6, v10  }
0x2e8: {  	v50 =	vsel vm0, $0x1, v1;
	vm0 =	veq.s32 v6, v49;
	vm1 =	vmand vm1, vm6  }
0x2e9: {  	vm0 =	vmand vm0, vm7;
	v16 =	vsel vm1, $0x1, v1;
	vm1 =	veq.s32 v6, v8  }
0x2ea: {  	v52 =	vsel vm0, $0x1, v1;
	vm0 =	veq.s32 v6, v7;
	v7 =	vbroadcast v6, $0x7  }
0x2eb: {  	vm1 =	vmand vm1, vm13;
	vm0 =	vmand vm0, vm3;
	v14 =	vadd.s32 v16, v14  }
0x2ec: {  	v17 =	vsel vm1, $0x1, v1;
	v18 =	vsel vm0, $0x1, v1;
	v9 =	vadd.s32 v48, v14  }
0x2ed: {  	vm0 =	veq.s32 v6, v7;
	v7 =	vbroadcast v6, $0xA;
	v9 =	vadd.s32 v17, v9  }
0x2ee: {  	vm1 =	veq.s32 v6, v53;
	vm0 =	vmand vm0, vm5;
	v9 =	vadd.s32 v15, v9  }
0x2ef: {  	vm1 =	vmand vm1, vm14;
	v55 =	vsel vm0, $0x1, v1;
	v9 =	vadd.s32 v50, v9  }
0x2f0: {  	vm0 =	veq.s32 v6, v54;
	v56 =	vsel vm1, $0x1, v1;
	v8 =	vadd.s32 v52, v9  }
0x2f1: {  	vm1 =	veq.s32 v6, v7;
	vm0 =	vmand vm0, vm12;
	v7 =	vadd.s32 v18, v8  }
0x2f2: {  	v59 =	vbroadcast v6, $0xE;
	v57 =	vsel vm0, $0x1, v1;
	v7 =	vadd.s32 v55, v7  }
0x2f3: {  	vm0 =	vmand vm1, vm10;
	vm1 =	veq.s32 v6, v11;
	v7 =	vadd.s32 v56, v7  }
0x2f4: {  	v58 =	vsel vm0, $0x1, v1;
	vm0 =	veq.s32 v6, v51;
	v7 =	vadd.s32 v57, v7  }
0x2f5: {  	vm1 =	vmand vm1, vm2;
	vm0 =	vmand vm0, vm4;
	v7 =	vadd.s32 v58, v7  }
0x2f6: {  	v60 =	vsel vm1, $0x1, v1;
	vm1 =	veq.s32 v6, v59;
	v7 =	vadd.s32 v13, v7  }
0x2f7: {  	v61 =	vsel vm0, $0x1, v1;
	vm0 =	vmand vm1, vm8;
	v7 =	vadd.s32 v60, v7  }
0x2f8: {  	v62 =	vsel vm0, $0x1, v1;
	v7 =	vadd.s32 v61, v7  }
0x2f9: {  	v7 =	vadd.s32 v62, v7  }
0x2fa: {  	v63 =	vld [tilespmem:s1+$0x0];
	_ =	sdelay $0x2  }
0x2fb: {  	vm9 =	vcmask $0x2F2C  }
0x2fc: {  	vm7 =	vcmask $0x3734;
	vm3 =	vcmask $0x704;
	vm5 =	vcmask $0x1714;
	[tilespmem:v7+s23+$0x0] =	vst.idx.msk $0xffff, v5  }
0x2fd: {  	vm10 =	vcmask $0x3B38;
	vm2 =	vcmask $0x300;
	vm4 =	vcmask $0xB08;
	[tilespmem:v7+s24+$0x0] =	vst.idx.msk $0xffff, v63  }
0x2fe: {  	vm1 =	vcmask $0x1310;
	vm8 =	vcmask $0x3330;
	vm0 =	vcmask $0xF0C;
	[tilespmem:v6+s22+$0x0] =	vst.idx.add.s32.msk $0xffff, v3  }
.LBB2_25:
0x2ff: {  	[tilespmem:$0xB600] =	vst v1  }
0x300: {  	[tilespmem:$0xB610] =	vst v1  }
0x301: {  	[tilespmem:$0xB620] =	vst v1  }
0x302: {  	[tilespmem:$0xB630] =	vst v1  }
0x303: {  	[tilespmem:$0xB640] =	vst v1  }
0x304: {  	[tilespmem:$0xB650] =	vst v1  }
0x305: {  	[tilespmem:$0xB660] =	vst v1  }
0x306: {  	[tilespmem:$0xB670] =	vst v1  }
0x307: {  	[tilespmem:$0xB680] =	vst v1  }
0x308: {  	[tilespmem:$0xB690] =	vst v1  }
0x309: {  	[tilespmem:$0xB6A0] =	vst v1  }
.Ltmp23:
0x30a: {  	[tilespmem:$0xB6B0] =	vst v1;
	(pc) =	sbr.rel @!p0 .LBB2_26-.Ltmp23, $4  }
0x30b: {  	[tilespmem:$0xB6C0] =	vst v1  }
0x30c: {  	[tilespmem:$0xB6D0] =	vst v1  }
0x30d: {  	[tilespmem:$0xB6E0] =	vst v1;
	vm6 =	vcmask $0x1B18;
	vm11 =	vcmask $0x2B28  }
0x30e: {  	[tilespmem:$0xB6F0] =	vst v1;
	s1 =	simm.s32 $0x8D00;
	vm12 =	vcmask $0x2724;
	vm13 =	vcmask $0x2320;
	vm14 =	vcmask $0x1F1C  }
0x30f: {  	s0 =	rddreg [dreg:$0x13]  }
0x310: {  	p1 =	seq.s32 s0, $0x1  }
.Ltmp24:
0x311: {  	_ = 	snop;
	(pc) =	sbr.rel @p1 .LBB2_56-.Ltmp24, $2  }
0x312: {  	_ =	sdelay $0x2  }
0x313: {  	v5 =	vld [tilespmem:s1+$0x0];
	s3 =	sadd.s32 $0xFFFFFFFF, s0  }
.LBB2_55:
0x314: {  	p1 =	seq.s32 s3, $0x1;
	_ =	sdelay $0x3  }
0x315: {  	v5 =	vshrl.u32 v5, $0x18;
	_ =	sdelay $0x1  }
.Ltmp25:
0x316: {  	(pc) =	sbr.rel @!p1 .LBB2_55-.Ltmp25, $3  }
0x317: {  	_ =	sdelay $0x1  }
0x318: {  	s1 =	sadd.s32 $0x10, s1;
	[tilespmem:v5+s22+$0x0] =	vst.idx.add.s32.msk $0xffff, v3  }
0x319: {  	s3 =	sadd.s32 $0xFFFFFFFF, s3;
	v5 =	vld [tilespmem:s1+$0x0]  }
.LBB2_56:
0x31a: {  	_ =	sdelay $0x3  }
0x31b: {  	v5 =	vshrl.u32 v5, $0x18;
	_ =	sdelay $0x4  }
0x31c: {  	[tilespmem:v5+s22+$0x0] =	vst.idx.add.s32.msk $0xffff, v3  }
.LBB2_26:
0x31d: {  	s5 =	simm.s32 $0x0  }
0x31e: {  	s1 =	simm.s32 $0x0;
	s4 =	simm.s32 $0x40;
	s3 =	simm.s32 $0x0  }
.LBB2_27:
0x31f: {  	p1 =	seq.s32 s4, $0x3C0;
	v5 =	vld [tilespmem:s1+$0xB600];
	_ =	sdelay $0x4  }
0x320: {  	(v2sf) =	vpush v5, $0x0  }
0x321: {  	(v2sf) =	vpush v5, $0x1  }
0x322: {  	(v2sf) =	vpush v5, $0x2  }
0x323: {  	(v2sf) =	vpush v5, $0x3  }
0x324: {  	(v2sf) =	vpush v5, $0x4  }
0x325: {  	(v2sf) =	vpush v5, $0x5  }
0x326: {  	(v2sf) =	vpush v5, $0x6  }
0x327: {  	(v2sf) =	vpush v5, $0x7  }
0x328: {  	(v2sf) =	vpush v5, $0x8  }
0x329: {  	(v2sf) =	vpush v5, $0x9  }
0x32a: {  	(v2sf) =	vpush v5, $0xA  }
0x32b: {  	(v2sf) =	vpush v5, $0xB  }
0x32c: {  	(v2sf) =	vpush v5, $0xC  }
0x32d: {  	(v2sf) =	vpush v5, $0xD  }
0x32e: {  	(v2sf) =	vpush v5, $0xE  }
0x32f: {  	s0 =	spop (v2sf);
	(v2sf) =	vpush v5, $0xF  }
0x330: {  	s0 =	sadd.s32 s5, s0;
	s5 =	spop (v2sf)  }
0x331: {  	s6 =	sadd.s32 s5, s0;
	s5 =	spop (v2sf)  }
0x332: {  	s7 =	sadd.s32 s5, s6;
	s5 =	spop (v2sf)  }
0x333: {  	s8 =	sadd.s32 s5, s7;
	s5 =	spop (v2sf)  }
0x334: {  	s9 =	sadd.s32 s5, s8;
	s5 =	spop (v2sf)  }
0x335: {  	s10 =	sadd.s32 s5, s9;
	s5 =	spop (v2sf)  }
0x336: {  	s11 =	sadd.s32 s5, s10;
	s5 =	spop (v2sf)  }
0x337: {  	s12 =	sadd.s32 s5, s11;
	s5 =	spop (v2sf)  }
0x338: {  	s13 =	sadd.s32 s5, s12;
	s5 =	spop (v2sf)  }
0x339: {  	s14 =	sadd.s32 s5, s13;
	s5 =	spop (v2sf)  }
0x33a: {  	s15 =	sadd.s32 s5, s14;
	s5 =	spop (v2sf)  }
0x33b: {  	s16 =	sadd.s32 s5, s15;
	s5 =	spop (v2sf)  }
0x33c: {  	s17 =	sadd.s32 s5, s16;
	s5 =	spop (v2sf)  }
0x33d: {  	s21 =	sadd.s32 s5, s17;
	s5 =	spop (v2sf)  }
0x33e: {  	s5 =	sadd.s32 s5, s21;
	s30 =	spop (v2sf)  }
0x33f: {  	v5 =	vmov s5;
	s5 =	sadd.s32 s30, s5  }
0x340: {  	v5 =	vsel vm2, s3, v5;
	s3 =	smov.u32 s5  }
0x341: {  	v5 =	vsel vm3, s0, v5  }
0x342: {  	v5 =	vsel vm4, s6, v5  }
0x343: {  	v5 =	vsel vm0, s7, v5  }
0x344: {  	v5 =	vsel vm1, s8, v5  }
0x345: {  	v5 =	vsel vm5, s9, v5  }
0x346: {  	v5 =	vsel vm6, s10, v5  }
0x347: {  	v5 =	vsel vm14, s11, v5  }
0x348: {  	v5 =	vsel vm13, s12, v5  }
0x349: {  	v5 =	vsel vm12, s13, v5  }
0x34a: {  	v5 =	vsel vm11, s14, v5  }
.Ltmp26:
0x34b: {  	v5 =	vsel vm9, s15, v5;
	(pc) =	sbr.rel @!p1 .LBB2_27-.Ltmp26, $4  }
0x34c: {  	v5 =	vsel vm8, s16, v5  }
0x34d: {  	v5 =	vsel vm7, s17, v5  }
0x34e: {  	v5 =	vsel vm10, s21, v5  }
0x34f: {  	[tilespmem:s1+$0xB600] =	vst v5;
	s1 =	sshra.s32 s4, $0x2;
	s4 =	sadd.s32 $0x40, s4  }
0x350: {  	v5 =	vld [tilespmem:s1+$0xB600];
	_ =	sdelay $0x4  }
0x351: {  	(v2sf) =	vpush v5, $0x0  }
0x352: {  	(v2sf) =	vpush v5, $0x1  }
0x353: {  	(v2sf) =	vpush v5, $0x2  }
0x354: {  	(v2sf) =	vpush v5, $0x3  }
0x355: {  	(v2sf) =	vpush v5, $0x4  }
0x356: {  	(v2sf) =	vpush v5, $0x5  }
0x357: {  	(v2sf) =	vpush v5, $0x6  }
0x358: {  	(v2sf) =	vpush v5, $0x7  }
0x359: {  	(v2sf) =	vpush v5, $0x8  }
0x35a: {  	(v2sf) =	vpush v5, $0x9  }
0x35b: {  	(v2sf) =	vpush v5, $0xA  }
0x35c: {  	(v2sf) =	vpush v5, $0xB  }
0x35d: {  	(v2sf) =	vpush v5, $0xC  }
0x35e: {  	(v2sf) =	vpush v5, $0xD  }
0x35f: {  	(v2sf) =	vpush v5, $0xE  }
0x360: {  	s0 =	spop (v2sf)  }
0x361: {  	s0 =	sadd.s32 s5, s0;
	s4 =	spop (v2sf)  }
0x362: {  	s4 =	sadd.s32 s4, s0;
	s21 =	spop (v2sf)  }
0x363: {  	s5 =	sadd.s32 s21, s4;
	s6 =	spop (v2sf)  }
0x364: {  	s6 =	sadd.s32 s6, s5;
	s7 =	spop (v2sf)  }
0x365: {  	s7 =	sadd.s32 s7, s6;
	s8 =	spop (v2sf)  }
0x366: {  	s8 =	sadd.s32 s8, s7;
	s9 =	spop (v2sf)  }
0x367: {  	s9 =	sadd.s32 s9, s8;
	s10 =	spop (v2sf)  }
0x368: {  	s10 =	sadd.s32 s10, s9;
	s11 =	spop (v2sf)  }
0x369: {  	s11 =	sadd.s32 s11, s10;
	s12 =	spop (v2sf)  }
0x36a: {  	s12 =	sadd.s32 s12, s11;
	s13 =	spop (v2sf)  }
0x36b: {  	s13 =	sadd.s32 s13, s12;
	s14 =	spop (v2sf)  }
0x36c: {  	s14 =	sadd.s32 s14, s13;
	s15 =	spop (v2sf)  }
0x36d: {  	s15 =	sadd.s32 s15, s14;
	s16 =	spop (v2sf)  }
0x36e: {  	s16 =	sadd.s32 s16, s15;
	s17 =	spop (v2sf)  }
0x36f: {  	s17 =	sadd.s32 s17, s16  }
0x370: {  	v6 =	vmov s17  }
0x371: {  	(v2sf) =	vpush v5, $0xF;
	v5 =	vsel vm2, s3, v6  }
0x372: {  	v5 =	vsel vm3, s0, v5  }
0x373: {  	v5 =	vsel vm4, s4, v5  }
0x374: {  	v5 =	vsel vm0, s5, v5  }
0x375: {  	v5 =	vsel vm1, s6, v5  }
0x376: {  	v5 =	vsel vm5, s7, v5  }
0x377: {  	v5 =	vsel vm6, s8, v5  }
0x378: {  	v5 =	vsel vm14, s9, v5  }
0x379: {  	v5 =	vsel vm13, s10, v5  }
0x37a: {  	v5 =	vsel vm12, s11, v5  }
0x37b: {  	v5 =	vsel vm11, s12, v5  }
.Ltmp27:
0x37c: {  	v5 =	vsel vm9, s13, v5;
	(pc) =	sbr.rel @!p0 .LBB2_33-.Ltmp27, $4  }
0x37d: {  	v5 =	vsel vm8, s14, v5  }
0x37e: {  	v5 =	vsel vm7, s15, v5  }
0x37f: {  	v5 =	vsel vm10, s16, v5  }
0x380: {  	s30 =	spop (v2sf);
	vm9 =	vcmask $0x3F14;
	[tilespmem:s1+$0xB600] =	vst v5  }
0x381: {  	vm7 =	vcmask $0x3F30  }
0x382: {  	vm14 =	vcmask $0x3F34;
	vm13 =	vcmask $0x3F38;
	vm11 =	vcmask $0x3F3C  }
0x383: {  	vm12 =	vcmask $0x3F1C;
	vm6 =	vcmask $0x3F24;
	vm5 =	vcmask $0x3F2C  }
0x384: {  	s1 =	simm.s32 $0x8D00;
	s3 =	simm.s32 $0xA180;
	s4 =	rddreg [dreg:$0x13];
	vm8 =	vcmask $0x3F28;
	vm10 =	vmmov vm9;
	vm9 =	vmmov vm5  }
.LBB2_30:
0x385: {  	v5 =	vld [tilespmem:s1+$0x0];
	_ =	sdelay $0x4  }
0x386: {  	v6 =	vshrl.u32 v5, $0x18  }
0x387: {  	v7 =	vbroadcast v6, $0x0  }
0x388: {  	v8 =	vbroadcast v6, $0x2;
	v47 =	vbroadcast v6, $0x4  }
0x389: {  	v12 =	vbroadcast v6, $0x6;
	v49 =	vbroadcast v6, $0x8  }
0x38a: {  	vm5 =	vcmask $0x3F08;
	v50 =	vbroadcast v6, $0x9;
	v52 =	vbroadcast v6, $0xA  }
0x38b: {  	v53 =	vbroadcast v6, $0xB;
	vm0 =	veq.s32 v6, v7;
	v7 =	vbroadcast v6, $0x1  }
0x38c: {  	v55 =	vbroadcast v6, $0xC;
	v58 =	vbroadcast v6, $0xD;
	vm0 =	vmand vm0, vm15  }
0x38d: {  	vm1 =	veq.s32 v6, v8;
	v9 =	vsel vm0, $0x1, v1;
	vm0 =	veq.s32 v6, v7  }
0x38e: {  	v7 =	vbroadcast v6, $0x3;
	v13 =	vld.idx.msk [tilespmem:v6+s22+$0x0], $0xffff;
	vm0 =	vmand vm0, vm5;
	vm5 =	vcmask $0x3F0C  }
0x38f: {  	v59 =	vbroadcast v6, $0xE;
	vm1 =	vmand vm1, vm5;
	v10 =	vsel vm0, $0x1, v1  }
0x390: {  	vm0 =	veq.s32 v6, v7;
	v11 =	vsel vm1, $0x1, v1;
	vm1 =	vcmask $0x3F10  }
0x391: {  	v7 =	vbroadcast v6, $0x5;
	vm0 =	vmand vm0, vm1;
	vm1 =	veq.s32 v6, v47  }
0x392: {  	v48 =	vsel vm0, $0x1, v1;
	vm0 =	vmand vm1, vm10;
	vm1 =	vcmask $0x3F18  }
0x393: {  	v10 =	vadd.s32 v10, v13;
	v14 =	vsel vm0, $0x1, v1;
	vm0 =	veq.s32 v6, v7  }
0x394: {  	v7 =	vbroadcast v6, $0x7;
	v9 =	vadd.s32 v9, v10;
	vm0 =	vmand vm0, vm1  }
0x395: {  	vm1 =	veq.s32 v6, v12;
	v9 =	vadd.s32 v11, v9;
	v15 =	vsel vm0, $0x1, v1  }
0x396: {  	vm0 =	vmand vm1, vm12;
	vm1 =	veq.s32 v6, v7;
	v8 =	vadd.s32 v48, v9  }
0x397: {  	v7 =	vsel vm0, $0x1, v1;
	vm0 =	vcmask $0x3F20;
	v8 =	vadd.s32 v14, v8  }
0x398: {  	vm0 =	vmand vm1, vm0;
	vm1 =	veq.s32 v6, v49;
	v8 =	vadd.s32 v15, v8  }
0x399: {  	vm1 =	vmand vm1, vm6;
	v51 =	vsel vm0, $0x1, v1;
	vm0 =	veq.s32 v6, v50  }
0x39a: {  	v7 =	vadd.s32 v7, v8;
	v16 =	vsel vm1, $0x1, v1;
	vm0 =	vmand vm0, vm8  }
0x39b: {  	vm1 =	veq.s32 v6, v53;
	v54 =	vsel vm0, $0x1, v1;
	vm0 =	veq.s32 v6, v52  }
0x39c: {  	v7 =	vadd.s32 v51, v7;
	vm1 =	vmand vm1, vm7;
	vm0 =	vmand vm0, vm9  }
0x39d: {  	v7 =	vadd.s32 v16, v7;
	v56 =	vsel vm0, $0x1, v1;
	vm0 =	veq.s32 v6, v55  }
0x39e: {  	v57 =	vsel vm1, $0x1, v1;
	v7 =	vadd.s32 v54, v7;
	vm0 =	vmand vm0, vm14  }
0x39f: {  	v7 =	vadd.s32 v56, v7;
	v60 =	vsel vm0, $0x1, v1;
	vm0 =	veq.s32 v6, v58  }
0x3a0: {  	vm1 =	veq.s32 v6, v59;
	v7 =	vadd.s32 v57, v7;
	vm0 =	vmand vm0, vm13  }
0x3a1: {  	v7 =	vadd.s32 v60, v7;
	v61 =	vsel vm0, $0x1, v1;
	vm0 =	vmand vm1, vm11  }
0x3a2: {  	v62 =	vsel vm0, $0x1, v1;
	v7 =	vadd.s32 v61, v7  }
0x3a3: {  	v7 =	vadd.s32 v62, v7  }
0x3a4: {  	v63 =	vld [tilespmem:s3+$0x0]  }
0x3a5: {  	p1 =	sne.s32 s4, $0x1  }
.Ltmp28:
0x3a6: {  	_ = 	snop;
	(pc) =	sbr.rel @p1 .LBB2_30-.Ltmp28, $4  }
0x3a7: {  	_ = 	snop  }
0x3a8: {  	[tilespmem:v7+s25+$0x0] =	vst.idx.msk $0xffff, v5  }
0x3a9: {  	[tilespmem:v7+s26+$0x0] =	vst.idx.msk $0xffff, v63  }
0x3aa: {  	s1 =	sadd.s32 $0x10, s1;
	s3 =	sadd.s32 $0x10, s3;
	s4 =	sadd.s32 $0xFFFFFFFF, s4;
	[tilespmem:v6+s22+$0x0] =	vst.idx.add.s32.msk $0xffff, v3  }
0x3ab: {  	s0 =	rddreg [dreg:$0x13]  }
0x3ac: {  	p1 =	seq.s32 s0, $0x1  }
.Ltmp29:
0x3ad: {  	_ = 	snop;
	(pc) =	sbr.rel @p1 .LBB2_33-.Ltmp29, $3  }
0x3ae: {  	_ =	sdelay $0x1  }
0x3af: {  	s1 =	simm.s32 $0x11D80  }
0x3b0: {  	s3 =	sadd.s32 $0xFFFFFFFF, s0;
	[tilespmem:s1+$0x0] =	vst v4  }
.LBB2_32:
0x3b1: {  	p1 =	seq.s32 s3, $0x1  }
.Ltmp30:
0x3b2: {  	_ = 	snop;
	(pc) =	sbr.rel @!p1 .LBB2_32-.Ltmp30, $3  }
0x3b3: {  	_ =	sdelay $0x1  }
0x3b4: {  	s3 =	sadd.s32 $0xFFFFFFFF, s3;
	s1 =	sadd.s32 $0x10, s1  }
0x3b5: {  	[tilespmem:s1+$0x0] =	vst v4  }
.LBB2_33:
0x3b6: {  	s1 =	simm.s32 $0x40;
	s3 =	simm.s32 $0x0;
	vm5 =	vcmask $0x1714  }
.LBB2_34:
0x3b7: {  	p1 =	seq.s32 s1, $0x4FC0;
	[tilespmem:s3+$0x13200] =	vst v4;
	s0 =	smov.u32 s1;
	s1 =	sadd.s32 $0x40, s1  }
.Ltmp31:
0x3b8: {  	[tilespmem:s3+$0x14600] =	vst v4;
	(pc) =	sbr.rel @!p1 .LBB2_34-.Ltmp31, $2  }
0x3b9: {  	_ =	sdelay $0x2  }
0x3ba: {  	s3 =	sshra.s32 s0, $0x2  }
.Ltmp32:
0x3bb: {  	(pc) =	sbr.rel @!p0 .LBB2_39-.Ltmp32, $3  }
0x3bc: {  	_ =	sdelay $0x1  }
0x3bd: {  	[tilespmem:s3+$0x13200] =	vst v4  }
0x3be: {  	[tilespmem:s3+$0x14600] =	vst v4  }
0x3bf: {  	s1 =	simm.s32 $0x7880  }
0x3c0: {  	v5 =	vld [tilespmem:s1+$0x0];
	_ =	sdelay $0x7  }
0x3c1: {  	v6 =	vld.idx.msk [tilespmem:v5+s20+$0x0], $0xffff  }
0x3c2: {  	v7 =	vld.idx.msk [tilespmem:v5+s19+$0x0], $0xffff  }
0x3c3: {  	v8 =	vld.idx.msk [tilespmem:v5+s2+$0x0], $0xffff  }
0x3c4: {  	v5 =	vld.idx.msk [tilespmem:v5+s18+$0x0], $0xffff  }
0x3c5: {  	s0 =	rddreg [dreg:$0x13]  }
0x3c6: {  	p0 =	seq.s32 s0, $0x1  }
.Ltmp33:
0x3c7: {  	_ = 	snop;
	(pc) =	sbr.rel @p0 .LBB2_38-.Ltmp33, $4  }
0x3c8: {  	v6 =	vmax.f32 v6, $0.0e+00;
	v8 =	vmax.f32 v8, $0.0e+00  }
0x3c9: {  	s3 =	simm.s32 $0xB700;
	s5 =	simm.s32 $0xCB80;
	s7 =	simm.s32 $0xE000;
	v7 =	vmax.f32 v7, $0.0e+00;
	v9 =	vmax.f32 v5, $0.0e+00;
	v8 =	vmin.f32 v8, $6.000000000e+02  }
0x3ca: {  	s6 =	simm.s32 $0xF480;
	s4 =	simm.s32 $0x10900;
	s9 =	simm.s32 $0xE010;
	v5 =	vmin.f32 v6, $8.000000000e+02;
	v7 =	vmin.f32 v7, $6.000000000e+02;
	v9 =	vmin.f32 v9, $8.000000000e+02;
	[tilespmem:s3+$0x0] =	vst v8  }
0x3cb: {  	s10 =	simm.s32 $0xF490;
	s11 =	simm.s32 $0x10910;
	s8 =	sadd.s32 $0xFFFFFFFF, s0;
	v6 =	vsub.f32 v7, v8;
	v8 =	vsub.f32 v5, v9;
	[tilespmem:s5+$0x0] =	vst v9  }
.LBB2_37:
0x3cc: {  	[tilespmem:s7+$0x0] =	vst v7;
	s1 =	sadd.s32 $0x10, s1;
	s3 =	sadd.s32 $0x10, s3;
	s5 =	sadd.s32 $0x10, s5  }
0x3cd: {  	p0 =	seq.s32 s8, $0x1;
	s8 =	sadd.s32 $0xFFFFFFFF, s8;
	s7 =	smov.u32 s9;
	[tilespmem:s6+$0x0] =	vst v5;
	v5 =	vmul.f32 v8, v6  }
0x3ce: {  	s6 =	smov.u32 s10  }
0x3cf: {  	[tilespmem:s4+$0x0] =	vst v5;
	s4 =	smov.u32 s11  }
0x3d0: {  	v5 =	vld [tilespmem:s1+$0x0];
	_ =	sdelay $0x7  }
0x3d1: {  	v6 =	vld.idx.msk [tilespmem:v5+s20+$0x0], $0xffff  }
0x3d2: {  	v7 =	vld.idx.msk [tilespmem:v5+s19+$0x0], $0xffff  }
0x3d3: {  	v8 =	vld.idx.msk [tilespmem:v5+s2+$0x0], $0xffff  }
0x3d4: {  	v9 =	vld.idx.msk [tilespmem:v5+s18+$0x0], $0xffff;
	_ =	sdelay $0x2  }
0x3d5: {  	v5 =	vmax.f32 v6, $0.0e+00  }
.Ltmp34:
0x3d6: {  	v6 =	vmax.f32 v7, $0.0e+00;
	(pc) =	sbr.rel @!p0 .LBB2_37-.Ltmp34, $4  }
0x3d7: {  	v5 =	vmin.f32 v5, $8.000000000e+02;
	v7 =	vmax.f32 v8, $0.0e+00  }
0x3d8: {  	v8 =	vmin.f32 v7, $6.000000000e+02;
	v9 =	vmax.f32 v9, $0.0e+00;
	v7 =	vmin.f32 v6, $6.000000000e+02  }
0x3d9: {  	v9 =	vmin.f32 v9, $8.000000000e+02;
	v6 =	vsub.f32 v7, v8;
	[tilespmem:s3+$0x0] =	vst v8  }
0x3da: {  	s9 =	sadd.s32 $0x10, s9;
	s10 =	sadd.s32 $0x10, s10;
	s11 =	sadd.s32 $0x10, s11;
	v8 =	vsub.f32 v5, v9;
	[tilespmem:s5+$0x0] =	vst v9  }
.LBB2_38:
0x3db: {  	_ = 	snop  }
0x3dc: {  	[tilespmem:s7+$0x0] =	vst v7;
	v6 =	vmul.f32 v8, v6  }
0x3dd: {  	[tilespmem:s6+$0x0] =	vst v5  }
0x3de: {  	[tilespmem:s4+$0x0] =	vst v6  }
.LBB2_39:
0x3df: {  	p0 =	slt.s32 s31, $0x1  }
.Ltmp35:
0x3e0: {  	_ = 	snop;
	(pc) =	sbr.rel @p0 .LBB2_57-.Ltmp35, $1  }
0x3e1: {  	_ =	sdelay $0x3  }
.Ltmp36:
0x3e2: {  	(pc) =	sbr.rel .LBB2_41-.Ltmp36, $4  }
0x3e3: {  	s0 =	rddreg [dreg:$0x13]  }
0x3e4: {  	s1 =	sshll.u32 s0, $0x4  }
0x3e5: {  	[dreg:$0x12] =	wrdreg s31;
	s0 =	sadd.s32 $0xFFFFFFF0, s1  }
0x3e6: {  	s4 =	simm.s32 $0x0;
	[dreg:$0x14] =	wrdreg s0  }
.LBB2_68:
0x3e7: {  	s4 =	sadd.s32 $0x1, s4  }
0x3e8: {  	p0 =	slt.s32 s4, s31  }
.Ltmp37:
0x3e9: {  	_ = 	snop;
	(pc) =	sbr.rel @!p0 .LBB2_57-.Ltmp37, $1  }
0x3ea: {  	_ =	sdelay $0x3  }
.LBB2_41:
0x3eb: {  	v5 =	vld [tilespmem:s4+$0x11D80];
	_ =	sdelay $0x4  }
0x3ec: {  	(v2sf) =	vpush v5, $0x0;
	_ =	sdelay $0xe  }
0x3ed: {  	s0 =	spop (v2sf)  }
0x3ee: {  	p0 =	sne.f32 s0, $0.0e+00  }
.Ltmp38:
0x3ef: {  	_ = 	snop;
	(pc) =	sbr.rel @p0 .LBB2_68-.Ltmp38, $1  }
0x3f0: {  	_ =	sdelay $0x3  }
0x3f1: {  	v5 =	vld.msk [tilespmem:s4+$0xB700 ss:$0x0], $0xffff  }
0x3f2: {  	v6 =	vld.msk [tilespmem:s4+$0xCB80 ss:$0x0], $0xffff  }
0x3f3: {  	v7 =	vld.msk [tilespmem:s4+$0xE000 ss:$0x0], $0xffff  }
0x3f4: {  	v8 =	vld.msk [tilespmem:s4+$0xF480 ss:$0x0], $0xffff;
	s0 =	sand.u32 $0x7FFFFFF0, s4  }
0x3f5: {  	v10 =	vld [tilespmem:s0+$0xB700]  }
0x3f6: {  	v11 =	vld [tilespmem:s0+$0xCB80]  }
0x3f7: {  	v12 =	vld [tilespmem:s0+$0xE000]  }
0x3f8: {  	v13 =	vld [tilespmem:s0+$0xF480];
	_ =	sdelay $0x2  }
0x3f9: {  	v9 =	vld.msk [tilespmem:s4+$0x10900 ss:$0x0], $0xffff  }
0x3fa: {  	v14 =	vld [tilespmem:s0+$0x10900];
	v12 =	vmin.f32 v7, v12  }
0x3fb: {  	v10 =	vmax.f32 v5, v10;
	v13 =	vmin.f32 v8, v13;
	v11 =	vmax.f32 v6, v11  }
0x3fc: {  	v10 =	vsub.f32 v12, v10;
	v11 =	vsub.f32 v13, v11;
	_ =	sdelay $0x1  }
0x3fd: {  	v10 =	vmax.f32 v10, $0.0e+00;
	v11 =	vmax.f32 v11, $0.0e+00  }
0x3fe: {  	v10 =	vmul.f32 v11, v10;
	v11 =	vadd.f32 v14, v9;
	_ =	sdelay $0x1  }
0x3ff: {  	v11 =	vsub.f32 v11, v10;
	_ =	sdelay $0x1  }
0x400: {  	v11 =	vadd.f32 $9.999999710e-10, v11;
	_ =	sdelay $0x1  }
0x401: {  	(erf) = vrcp.f32 v11;
	_ =	sdelay $0x5  }
0x402: {  	s8 =	sadd.s32 $0x10, s0  }
0x403: {  	s5 =	ssub.s32 s1, s8  }
0x404: {  	s5 =	sand.u32 $0xFFFFFFE0, s5  }
0x405: {  	v63 =	vld [tilespmem:s0+$0x11D80];
	s5 =	sadd.s32 s8, s5;
	v11 =	vpop (erf)  }
0x406: {  	p0 =	sge.s32 s8, s5;
	v10 =	vmul.f32 v11, v10  }
.Ltmp39:
0x407: {  	v11 =	vor.u32 s0, v0;
	(pc) =	sbr.rel @p0 .LBB2_65-.Ltmp39, $4  }
0x408: {  	vm1 =	vgt.u32 v11, s4;
	vm0 =	vgt.f32 v10, $5.000000000e-01  }
0x409: {  	vm0 =	vmand vm1, vm0  }
0x40a: {  	s6 =	sshll.u32 s4, $0x2;
	v10 =	vsel vm0, $0x3F800000, v63  }
0x40b: {  	s6 =	sand.u32 $0xFFFFFFC0, s6;
	[tilespmem:s0+$0x11D80] =	vst v10  }
0x40c: {  	s30 =	sshra.s32 s6, $0x2  }
0x40d: {  	s0 =	sadd.s32 $0xB710, s30  }
0x40e: {  	s9 =	sadd.s32 $0xCB90, s30;
	v10 =	vld [tilespmem:s0+$0x10]  }
0x40f: {  	s10 =	sadd.s32 $0xE010, s30;
	v11 =	vld [tilespmem:s9+$0x10]  }
0x410: {  	s11 =	sadd.s32 $0xF490, s30;
	v14 =	vld [tilespmem:s10+$0x10]  }
0x411: {  	s8 =	sadd.s32 $0x20, s8;
	v17 =	vld [tilespmem:s11+$0x10]  }
0x412: {  	p2 =	slt.s32 s8, s5;
	v18 =	vld [tilespmem:s0+$0x0]  }
.Ltmp40:
0x413: {  	v13 =	vld [tilespmem:s9+$0x0];
	(pc) =	sbr.rel @!p2 .LBB2_44-.Ltmp40, $4  }
0x414: {  	s21 =	sadd.s32 $0x10910, s30;
	v15 =	vld [tilespmem:s10+$0x0]  }
0x415: {  	v12 =	vld [tilespmem:s21+$0x10];
	v14 =	vmin.f32 v7, v14  }
0x416: {  	v16 =	vld [tilespmem:s11+$0x0];
	v10 =	vmax.f32 v5, v10;
	v17 =	vmin.f32 v8, v17;
	v20 =	vmax.f32 v6, v11  }
0x417: {  	s12 =	simm.s32 $0x11D90;
	p0 =	por $0x0, $0x0;
	p1 =	por $0x0, $0x0;
	v11 =	vld [tilespmem:s21+$0x0];
	v19 =	vmax.f32 v5, v18;
	v21 =	vsub.f32 v14, v10;
	v20 =	vsub.f32 v17, v20  }
0x418: {  	v10 =	vmax.f32 v6, v13;
	s0 =	sadd.s32 $0xB730, s30  }
0x419: {  	s9 =	sadd.s32 $0xCBB0, s30;
	v13 =	vmin.f32 v7, v15;
	v14 =	vmax.f32 v21, $0.0e+00;
	v15 =	vmax.f32 v20, $0.0e+00;
	v20 =	vld [tilespmem:s0+$0x10]  }
0x41a: {  	s11 =	sadd.s32 $0xF4B0, s30;
	v18 =	vmul.f32 v15, v14;
	v12 =	vadd.f32 v12, v9;
	v14 =	vld [tilespmem:s9+$0x10]  }
0x41b: {  	s10 =	sadd.s32 $0xE030, s30;
	v13 =	vsub.f32 v13, v19;
	v19 =	vld [tilespmem:s11+$0x10];
	v15 =	vmin.f32 v8, v16  }
0x41c: {  	s8 =	sadd.s32 $0x20, s8;
	v16 =	vld [tilespmem:s10+$0x10];
	v10 =	vsub.f32 v15, v10;
	v12 =	vsub.f32 v12, v18  }
0x41d: {  	v21 =	vld [tilespmem:s0+$0x0];
	p2 =	slt.s32 s8, s5  }
.Ltmp41:
0x41e: {  	v15 =	vmax.f32 v13, $0.0e+00;
	v13 =	vld [tilespmem:s9+$0x0];
	v10 =	vmax.f32 v10, $0.0e+00;
	v12 =	vadd.f32 $9.999999710e-10, v12;
	(pc) =	sbr.rel @!p2 .LBB2_70-.Ltmp41, $4  }
0x41f: {  	s21 =	sadd.s32 $0x10930, s30;
	v11 =	vadd.f32 v11, v9;
	v10 =	vmul.f32 v10, v15;
	v15 =	vld [tilespmem:s10+$0x0]  }
0x420: {  	v20 =	vmax.f32 v5, v20;
	v23 =	vmin.f32 v8, v19;
	(erf) = vrcp.f32 v12;
	v12 =	vld [tilespmem:s21+$0x10]  }
0x421: {  	v14 =	vmax.f32 v6, v14;
	v22 =	vmin.f32 v7, v16;
	v16 =	vld [tilespmem:s11+$0x0];
	v17 =	vsub.f32 v11, v10  }
0x422: {  	p0 =	por $0x1, $0x1;
	v19 =	vmax.f32 v5, v21;
	v11 =	vld [tilespmem:s21+$0x0];
	v21 =	vsub.f32 v22, v20;
	v20 =	vsub.f32 v23, v14  }
0x423: {  	_ =	sdelay $0x2  }
0x424: {  	s9 =	sadd.s32 $0x11D90, s30;
	v13 =	vmax.f32 v6, v13;
	v14 =	vmax.f32 v21, $0.0e+00;
	v16 =	vmin.f32 v8, v16  }
0x425: {  	s0 =	sadd.s32 $0xB750, s30;
	v20 =	vmax.f32 v20, $0.0e+00;
	v21 =	vld [tilespmem:s9+$0x10];
	v13 =	vsub.f32 v16, v13;
	v16 =	vadd.f32 $9.999999710e-10, v17  }
0x426: {  	s15 =	sadd.s32 $0xF4D0, s30;
	v15 =	vmin.f32 v7, v15;
	v22 =	vld [tilespmem:s0+$0x10];
	v14 =	vmul.f32 v20, v14;
	v12 =	vadd.f32 v12, v9  }
0x427: {  	s11 =	sadd.s32 $0xE050, s30;
	v23 =	vld [tilespmem:s15+$0x10];
	v15 =	vsub.f32 v15, v19;
	(erf) = vrcp.f32 v16  }
0x428: {  	s10 =	sadd.s32 $0xCBD0, s30;
	v20 =	vld [tilespmem:s11+$0x10];
	v12 =	vsub.f32 v12, v14  }
0x429: {  	s14 =	sadd.s32 $0x20, s8;
	v19 =	vld [tilespmem:s10+$0x10];
	v15 =	vmax.f32 v15, $0.0e+00;
	v17 =	vpop (erf)  }
0x42a: {  	v24 =	vld [tilespmem:s0+$0x0];
	p2 =	slt.s32 s14, s5;
	v12 =	vadd.f32 $9.999999710e-10, v12;
	v17 =	vmul.f32 v17, v18;
	v18 =	vmax.f32 v13, $0.0e+00  }
.Ltmp42:
0x42b: {  	v11 =	vadd.f32 v11, v9;
	v13 =	vld [tilespmem:s10+$0x0];
	v18 =	vmul.f32 v18, v15;
	(pc) =	sbr.rel @!p2 .LBB2_72-.Ltmp42, $4  }
0x42c: {  	s31 =	sadd.s32 $0x10950, s30;
	v15 =	vld [tilespmem:s11+$0x0];
	(erf) = vrcp.f32 v12;
	vm0 =	vgt.f32 v17, $5.000000000e-01  }
0x42d: {  	s12 =	simm.s32 $0xB750;
	s13 =	simm.s32 $0xCBD0;
	s21 =	simm.s32 $0xE050;
	v20 =	vmin.f32 v7, v20;
	v12 =	vld [tilespmem:s31+$0x10];
	v17 =	vsub.f32 v11, v18;
	v11 =	vsel vm0, $0x3F800000, v21  }
0x42e: {  	s16 =	simm.s32 $0xF4D0;
	p1 =	por $0x1, $0x1;
	s8 =	smov.u32 s30;
	v16 =	vld [tilespmem:s15+$0x0];
	v21 =	vmax.f32 v5, v22;
	v22 =	vmin.f32 v8, v23;
	v23 =	vmax.f32 v6, v19  }
0x42f: {  	s15 =	simm.s32 $0x10950;
	s10 =	simm.s32 $0x11DB0;
	s11 =	smov.u32 s30;
	v19 =	vmax.f32 v5, v24;
	[tilespmem:s9+$0x10] =	vst v11;
	v11 =	vld [tilespmem:s31+$0x0];
	v21 =	vsub.f32 v20, v21;
	v20 =	vsub.f32 v22, v23  }
.LBB2_73:
0x430: {  	v13 =	vmax.f32 v6, v13;
	s12 =	sadd.s32 $0x20, s12;
	v17 =	vadd.f32 $9.999999710e-10, v17;
	s0 =	sadd.s32 s8, s10;
	v22 =	vld [tilespmem:s9+$0x0];
	v23 =	vpop (erf)  }
0x431: {  	s13 =	sadd.s32 $0x20, s13;
	s8 =	smov.u32 s11;
	s17 =	sadd.s32 s30, s12;
	v15 =	vmin.f32 v7, v15;
	v21 =	vmax.f32 v21, $0.0e+00;
	v20 =	vmax.f32 v20, $0.0e+00;
	v24 =	vld [tilespmem:s0+$0x10]  }
0x432: {  	s21 =	sadd.s32 $0x20, s21;
	s11 =	smov.u32 s30;
	s31 =	sadd.s32 s30, s13;
	v25 =	vld [tilespmem:s17+$0x10];
	v15 =	vsub.f32 v15, v19;
	v19 =	vmul.f32 v20, v21;
	v12 =	vadd.f32 v12, v9  }
0x433: {  	s14 =	sadd.s32 $0x20, s14;
	s16 =	sadd.s32 $0x20, s16;
	s3 =	sadd.s32 s11, s21;
	v20 =	vld [tilespmem:s31+$0x10];
	v26 =	vmin.f32 v8, v16;
	(erf) = vrcp.f32 v17;
	v17 =	vmul.f32 v23, v10;
	v10 =	vmovc v18  }
0x434: {  	s7 =	sadd.s32 s11, s16;
	p2 =	slt.s32 s14, s5;
	v21 =	vld [tilespmem:s3+$0x10];
	v15 =	vmax.f32 v15, $0.0e+00;
	v13 =	vsub.f32 v26, v13;
	v12 =	vsub.f32 v12, v19  }
0x435: {  	v11 =	vadd.f32 v11, v9;
	v23 =	vld [tilespmem:s7+$0x10];
	v16 =	vpop (erf);
	vm0 =	vgt.f32 v17, $5.000000000e-01  }
0x436: {  	v26 =	vld [tilespmem:s17+$0x0];
	v17 =	vmax.f32 v13, $0.0e+00;
	v12 =	vadd.f32 $9.999999710e-10, v12;
	v16 =	vmul.f32 v16, v14;
	v14 =	vmovc v19  }
.Ltmp43:
0x437: {  	s15 =	sadd.s32 $0x20, s15;
	v13 =	vld [tilespmem:s31+$0x0];
	v18 =	vmul.f32 v17, v15;
	v17 =	vsel vm0, $0x3F800000, v22;
	(pc) =	sbr.rel @p2 .LBB2_73-.Ltmp43, $4  }
0x438: {  	v15 =	vld [tilespmem:s3+$0x0];
	s3 =	sadd.s32 s11, s15;
	(erf) = vrcp.f32 v12;
	vm0 =	vgt.f32 v16, $5.000000000e-01;
	[tilespmem:s9+$0x0] =	vst v17;
	s9 =	smov.u32 s0  }
0x439: {  	v12 =	vld [tilespmem:s3+$0x10];
	v21 =	vmin.f32 v7, v21;
	v17 =	vsub.f32 v11, v18;
	v11 =	vsel vm0, $0x3F800000, v24  }
0x43a: {  	v22 =	vmax.f32 v5, v25;
	v20 =	vmax.f32 v6, v20;
	v16 =	vld [tilespmem:s7+$0x0];
	v23 =	vmin.f32 v8, v23;
	[tilespmem:s9+$0x10] =	vst v11  }
0x43b: {  	s10 =	sadd.s32 $0x20, s10;
	v21 =	vsub.f32 v21, v22;
	v11 =	vld [tilespmem:s3+$0x0];
	v19 =	vmax.f32 v5, v26;
	v20 =	vsub.f32 v23, v20  }
0x43c: {  	v22 =	vmov v10;
	s30 =	smov.u32 s11;
	v10 =	vmov v18;
	v18 =	vmov v14;
	s31 =	rddreg [dreg:$0x12];
	s12 =	simm.s32 $0x11D90  }
.LBB2_75:
0x43d: {  	_ = 	snop  }
0x43e: {  	v13 =	vmax.f32 v6, v13  }
0x43f: {  	v14 =	vmin.f32 v7, v15;
	v59 =	vmax.f32 v21, $0.0e+00;
	v16 =	vmin.f32 v8, v16  }
0x440: {  	v20 =	vmax.f32 v20, $0.0e+00;
	v14 =	vsub.f32 v14, v19;
	v13 =	vsub.f32 v16, v13  }
0x441: {  	v15 =	vmul.f32 v20, v59  }
0x442: {  	v12 =	vadd.f32 v12, v9;
	v14 =	vmax.f32 v14, $0.0e+00;
	v13 =	vmax.f32 v13, $0.0e+00  }
0x443: {  	v11 =	vadd.f32 v11, v9;
	v13 =	vmul.f32 v13, v14  }
0x444: {  	v12 =	vsub.f32 v12, v15  }
0x445: {  	v14 =	vadd.f32 @p0 $9.999999710e-10, v17;
	v11 =	vsub.f32 v11, v13  }
0x446: {  	v12 =	vadd.f32 $9.999999710e-10, v12  }
0x447: {  	(erf) = vrcp.f32 @p0 v14;
	v11 =	vadd.f32 $9.999999710e-10, v11  }
0x448: {  	(erf) = vrcp.f32 v12  }
0x449: {  	(erf) = vrcp.f32 v11;
	_ =	sdelay $0x2  }
0x44a: {  	s0 =	sadd.s32 @p0 s8, s10  }
0x44b: {  	s7 =	sadd.s32 @p0 $0x20, s10;
	s3 =	smov.u32 @p0 s0;
	v11 =	vld @p1 [tilespmem:s9+$0x0]  }
0x44c: {  	s12 =	smov.u32 @p0 s7;
	v12 =	vld @p0 [tilespmem:s0+$0x10];
	s0 =	smov.u32 @p0 s3;
	v14 =	vpop @p1 (erf)  }
0x44d: {  	s7 =	sadd.s32 s30, s12;
	v17 =	vld @p0 [tilespmem:s0+$0x0];
	v16 =	vpop @p0 (erf);
	v14 =	vmul.f32 @p1 v14, v22  }
0x44e: {  	v10 =	vpsel p0, v10, v0;
	v60 =	vld [tilespmem:s7+$0x10];
	v16 =	vmul.f32 @p0 v16, v18;
	v19 =	vpop @p0 (erf)  }
0x44f: {  	v62 =	vld [tilespmem:s7+$0x0];
	vm0 =	vgt.f32 @p1 v14, $5.000000000e-01;
	v10 =	vmul.f32 @p0 v19, v10;
	v61 =	vpop (erf)  }
0x450: {  	v11 =	vsel @p1 vm0, $0x3F800000, v11;
	vm0 =	vgt.f32 @p0 v16, $5.000000000e-01;
	v14 =	vmul.f32 v61, v15;
	v63 =	vpop (erf)  }
0x451: {  	[tilespmem:s9+$0x0] =	vst @p1 v11;
	v11 =	vsel @p0 vm0, $0x3F800000, v12;
	vm0 =	vgt.f32 @p0 v10, $5.000000000e-01;
	v10 =	vmul.f32 v63, v13  }
0x452: {  	[tilespmem:s3+$0x10] =	vst @p0 v11;
	v11 =	vsel @p0 vm0, $0x3F800000, v17;
	vm0 =	vgt.f32 v14, $5.000000000e-01  }
0x453: {  	[tilespmem:s0+$0x0] =	vst @p0 v11;
	v11 =	vsel vm0, $0x3F800000, v60;
	vm0 =	vgt.f32 v10, $5.000000000e-01  }
0x454: {  	[tilespmem:s7+$0x10] =	vst v11;
	v10 =	vsel vm0, $0x3F800000, v62  }
0x455: {  	[tilespmem:s7+$0x0] =	vst v10  }
.LBB2_65:
0x456: {  	p0 =	sge.s32 s5, s1  }
.Ltmp44:
0x457: {  	_ = 	snop;
	(pc) =	sbr.rel @p0 .LBB2_68-.Ltmp44, $1  }
0x458: {  	_ =	sdelay $0x3  }
0x459: {  	s0 =	sand.u32 $0x3FFFFFF0, s4;
	s3 =	rddreg [dreg:$0x14]  }
0x45a: {  	s0 =	ssub.s32 s3, s0  }
0x45b: {  	s0 =	sshll.u32 s0, $0x2  }
0x45c: {  	s0 =	sshra.s32 s0, $0x2  }
0x45d: {  	s0 =	sand.u32 $0xFFFFFFE0, s0  }
0x45e: {  	s7 =	sadd.s32 $0x11D90, s0;
	s8 =	sadd.s32 $0x10910, s0;
	s9 =	sadd.s32 $0xF490, s0  }
0x45f: {  	s10 =	sadd.s32 $0xE010, s0;
	s11 =	sadd.s32 $0xCB90, s0;
	s12 =	sadd.s32 $0xB710, s0  }
.LBB2_67:
0x460: {  	s0 =	sshra.s32 s6, $0x2  }
0x461: {  	s3 =	sadd.s32 s0, s12  }
0x462: {  	s16 =	sadd.s32 s0, s11;
	v10 =	vld [tilespmem:s3+$0x0]  }
0x463: {  	s17 =	sadd.s32 s0, s10;
	v11 =	vld [tilespmem:s16+$0x0]  }
0x464: {  	s21 =	sadd.s32 s0, s9;
	v12 =	vld [tilespmem:s17+$0x0]  }
0x465: {  	v13 =	vld [tilespmem:s21+$0x0];
	_ =	sdelay $0x2  }
0x466: {  	s30 =	sadd.s32 s0, s8  }
0x467: {  	v14 =	vld [tilespmem:s30+$0x0];
	v12 =	vmin.f32 v7, v12  }
0x468: {  	v10 =	vmax.f32 v5, v10;
	v13 =	vmin.f32 v8, v13;
	v11 =	vmax.f32 v6, v11  }
0x469: {  	v10 =	vsub.f32 v12, v10;
	v11 =	vsub.f32 v13, v11;
	_ =	sdelay $0x1  }
0x46a: {  	v10 =	vmax.f32 v10, $0.0e+00;
	v11 =	vmax.f32 v11, $0.0e+00  }
0x46b: {  	v10 =	vmul.f32 v11, v10;
	v11 =	vadd.f32 v14, v9;
	_ =	sdelay $0x1  }
0x46c: {  	v11 =	vsub.f32 v11, v10;
	_ =	sdelay $0x1  }
0x46d: {  	v11 =	vadd.f32 $9.999999710e-10, v11;
	_ =	sdelay $0x1  }
0x46e: {  	(erf) = vrcp.f32 v11;
	_ =	sdelay $0x6  }
0x46f: {  	s0 =	sadd.s32 s0, s7  }
0x470: {  	s5 =	sadd.s32 $0x10, s5;
	v11 =	vld [tilespmem:s0+$0x0]  }
0x471: {  	p0 =	slt.s32 s5, s1;
	v63 =	vpop (erf)  }
.Ltmp45:
0x472: {  	v10 =	vmul.f32 v63, v10;
	(pc) =	sbr.rel @p0 .LBB2_67-.Ltmp45, $4  }
0x473: {  	_ = 	snop  }
0x474: {  	vm0 =	vgt.f32 v10, $5.000000000e-01  }
0x475: {  	s7 =	sadd.s32 $0x10, s7;
	s8 =	sadd.s32 $0x10, s8;
	s9 =	sadd.s32 $0x10, s9;
	v10 =	vsel vm0, $0x3F800000, v11  }
0x476: {  	s10 =	sadd.s32 $0x10, s10;
	s11 =	sadd.s32 $0x10, s11;
	s12 =	sadd.s32 $0x10, s12;
	[tilespmem:s0+$0x0] =	vst v10  }
.Ltmp46:
0x477: {  	_ = 	snop;
	(pc) =	sbr.rel .LBB2_68-.Ltmp46, $1  }
0x478: {  	_ =	sdelay $0x3  }
.LBB2_44:
.Ltmp47:
0x479: {  	(pc) =	sbr.rel .LBB2_75-.Ltmp47, $2  }
0x47a: {  	_ =	sdelay $0x2  }
0x47b: {  	s10 =	simm.s32 $0x11D90  }
.LBB2_70:
.Ltmp48:
0x47c: {  	(pc) =	sbr.rel .LBB2_75-.Ltmp48, $2  }
0x47d: {  	_ =	sdelay $0x2  }
0x47e: {  	s10 =	simm.s32 $0x11D90;
	s8 =	smov.u32 s30  }
.LBB2_72:
.Ltmp49:
0x47f: {  	(pc) =	sbr.rel .LBB2_75-.Ltmp49, $2  }
0x480: {  	_ =	sdelay $0x2  }
0x481: {  	v22 =	vmov v10;
	s8 =	smov.u32 s30;
	v10 =	vmov v18;
	v18 =	vmov v14;
	s31 =	rddreg [dreg:$0x12];
	s12 =	simm.s32 $0x11D90  }
.LBB2_57:
0x482: {  	s0 =	rddreg [dreg:$0x13]  }
0x483: {  	p0 =	slt.s32 s0, $0x1  }
.Ltmp50:
0x484: {  	_ = 	snop;
	(pc) =	sbr.rel @p0 .LBB2_61-.Ltmp50, $2  }
0x485: {  	_ =	sdelay $0x2  }
0x486: {  	s6 =	simm.s32 $0x400  }
0x487: {  	s0 =	rddreg [dreg:$0x13]  }
0x488: {  	p0 =	sne.s32 s0, $0x1  }
.Ltmp51:
0x489: {  	_ = 	snop;
	(pc) =	sbr.rel @!p0 .LBB2_60-.Ltmp51, $4  }
0x48a: {  	_ = 	snop  }
0x48b: {  	s1 =	simm.s32 $0x7880  }
0x48c: {  	s5 =	simm.s32 $0x11D80;
	v6 =	vld [tilespmem:s1+$0x0]  }
0x48d: {  	v5 =	vmov s31;
	s3 =	simm.s32 $0x6400;
	s4 =	simm.s32 $0x0;
	v7 =	vld [tilespmem:s5+$0x0];
	s0 =	sadd.s32 $0xFFFFFFFF, s0  }
.LBB2_59:
0x48e: {  	p0 =	sne.s32 s0, $0x1;
	v8 =	vld [tilespmem:s3+$0x0];
	v9 =	vor.u32 s4, v0  }
0x48f: {  	vm0 =	vlt.s32 v9, v5;
	_ =	sdelay $0x2  }
0x490: {  	v7 =	vsub.f32 $1.000000000e+00, v7  }
0x491: {  	v8 =	vxor.u32 $0xFFFFFFFF, v8  }
.Ltmp52:
0x492: {  	v8 =	vmul.f32 v8, v7;
	(pc) =	sbr.rel @p0 .LBB2_59-.Ltmp52, $4  }
0x493: {  	[tilespmem:v6+s28+$0x0] =	vst.idx.msk vm0, v7  }
0x494: {  	s1 =	sadd.s32 $0x10, s1;
	[tilespmem:v6+s29+$0x0] =	vst.idx.msk vm0, v8  }
0x495: {  	s5 =	sadd.s32 $0x10, s5;
	v6 =	vld [tilespmem:s1+$0x0]  }
0x496: {  	s0 =	sadd.s32 $0xFFFFFFFF, s0;
	s3 =	sadd.s32 $0x10, s3;
	s4 =	sadd.s32 $0x10, s4;
	v7 =	vld [tilespmem:s5+$0x0]  }
.LBB2_60:
0x497: {  	v8 =	vld [tilespmem:s3+$0x0];
	v9 =	vor.u32 s4, v0  }
0x498: {  	vm0 =	vlt.s32 v9, v5;
	_ =	sdelay $0x2  }
0x499: {  	v5 =	vsub.f32 $1.000000000e+00, v7  }
0x49a: {  	v7 =	vxor.u32 $0xFFFFFFFF, v8  }
0x49b: {  	v7 =	vmul.f32 v7, v5  }
0x49c: {  	[tilespmem:v6+s28+$0x0] =	vst.idx.msk vm0, v5  }
0x49d: {  	[tilespmem:v6+s29+$0x0] =	vst.idx.msk vm0, v7  }
.LBB2_61:
0x49e: {  	s0 =	simm.s32 $0x0  }
0x49f: {  	v5 =	vld [tilespmem:s0+$0x14600]  }
0x4a0: {  	v7 =	vld [tilespmem:s0+$0x0]  }
0x4a1: {  	v8 =	vld [tilespmem:s0+$0x1400]  }
0x4a2: {  	s1 =	simm.s32 $0x40;
	v6 =	vld [tilespmem:s0+$0x2800]  }
.LBB2_62:
0x4a3: {  	p0 =	sne.s32 s1, $0x4FC0;
	v9 =	vld [tilespmem:s0+$0x3C00]  }
0x4a4: {  	v10 =	vmov v5  }
0x4a5: {  	v5 =	vmax.f32 v7, $0.0e+00  }
0x4a6: {  	v5 =	vmin.f32 v5, $6.000000000e+02;
	v7 =	vmax.f32 v8, $0.0e+00  }
0x4a7: {  	v8 =	vmul.f32 v5, v10;
	v5 =	vmin.f32 v7, $8.000000000e+02;
	v6 =	vmax.f32 v6, $0.0e+00  }
.Ltmp53:
0x4a8: {  	s3 =	sshra.s32 s1, $0x2;
	v11 =	vmul.f32 v5, v10;
	v6 =	vmin.f32 v6, $6.000000000e+02;
	v7 =	vmax.f32 v9, $0.0e+00;
	(pc) =	sbr.rel @p0 .LBB2_62-.Ltmp53, $4  }
0x4a9: {  	v5 =	vld [tilespmem:s3+$0x14600];
	v6 =	vmul.f32 v6, v10;
	v9 =	vmin.f32 v7, $8.000000000e+02;
	[tilespmem:s0+$0x0] =	vst v8  }
0x4aa: {  	v7 =	vld [tilespmem:s3+$0x0];
	v9 =	vmul.f32 v9, v10;
	[tilespmem:s0+$0x1400] =	vst v11  }
0x4ab: {  	v8 =	vld [tilespmem:s3+$0x1400];
	[tilespmem:s0+$0x2800] =	vst v6  }
0x4ac: {  	s1 =	sadd.s32 $0x40, s1;
	v6 =	vld [tilespmem:s3+$0x2800];
	[tilespmem:s0+$0x3C00] =	vst v9;
	s0 =	smov.u32 s3  }
0x4ad: {  	v9 =	vld [tilespmem:s0+$0x3C00];
	_ =	sdelay $0x1  }
0x4ae: {  	v7 =	vmax.f32 v7, $0.0e+00  }
0x4af: {  	v7 =	vmin.f32 v7, $6.000000000e+02;
	v8 =	vmax.f32 v8, $0.0e+00  }
0x4b0: {  	v7 =	vmul.f32 v7, v5;
	v8 =	vmin.f32 v8, $8.000000000e+02;
	v6 =	vmax.f32 v6, $0.0e+00  }
0x4b1: {  	v8 =	vmul.f32 v8, v5;
	v6 =	vmin.f32 v6, $6.000000000e+02;
	v9 =	vmax.f32 v9, $0.0e+00  }
0x4b2: {  	v6 =	vmul.f32 v6, v5;
	v9 =	vmin.f32 v9, $8.000000000e+02;
	[tilespmem:s0+$0x0] =	vst v7  }
0x4b3: {  	v5 =	vmul.f32 v9, v5;
	[tilespmem:s0+$0x1400] =	vst v8  }
0x4b4: {  	s14 =	rddreg [dreg:$0x9];
	[tilespmem:s0+$0x2800] =	vst v6  }
0x4b5: {  	s4 =	simm.s32 $0x80;
	s3 =	simm.s32 $0x200;
	s5 =	simm.s32 $0x1;
	[tilespmem:s0+$0x3C00] =	vst v5  }
0x4b6: {  	[hbm4b:s14+s4] =	stream.strided.scatter [tilespmem:s2], [sflag:$0x1], $0x1400, s3, s4, $0x38;
	[tilespmem:$0x15A00] =	vst v63  }
0x4b7: {  	_ =	swait.ge [sflag:s5], $0x1400  }
0x4b8: {  	[sflag:s5] =	ssyncset.done $0x0  }
0x4b9: {  	s15 =	rddreg [dreg:$0xa];
	[sflag:s5] =	ssyncadd.s32 $0xFFFFEC00  }
0x4ba: {  	[hbm4b:s15+s4] =	stream.strided.scatter [tilespmem:s18], [sflag:$0x1], $0x1400, s3, s4, $0x38;
	[tilespmem:$0x15A00] =	vst v63  }
0x4bb: {  	_ =	swait.ge [sflag:s5], $0x1400  }
0x4bc: {  	[sflag:s5] =	ssyncset.done $0x0  }
0x4bd: {  	s16 =	rddreg [dreg:$0xb];
	[sflag:s5] =	ssyncadd.s32 $0xFFFFEC00  }
0x4be: {  	[hbm4b:s16+s4] =	stream.strided.scatter [tilespmem:s19], [sflag:$0x1], $0x1400, s3, s4, $0x38;
	[tilespmem:$0x15A00] =	vst v63  }
0x4bf: {  	_ =	swait.ge [sflag:s5], $0x1400  }
0x4c0: {  	[sflag:s5] =	ssyncset.done $0x0  }
0x4c1: {  	s17 =	rddreg [dreg:$0xc];
	[sflag:s5] =	ssyncadd.s32 $0xFFFFEC00  }
0x4c2: {  	[hbm4b:s17+s4] =	stream.strided.scatter [tilespmem:s20], [sflag:$0x1], $0x1400, s3, s4, $0x38;
	[tilespmem:$0x15A00] =	vst v63  }
0x4c3: {  	_ =	swait.ge [sflag:s5], $0x1400  }
0x4c4: {  	[sflag:s5] =	ssyncset.done $0x0  }
0x4c5: {  	s21 =	rddreg [dreg:$0xd];
	[sflag:s5] =	ssyncadd.s32 $0xFFFFEC00  }
0x4c6: {  	[hbm4b:s21+s4] =	stream.strided.scatter [tilespmem:s29], [sflag:$0x1], $0x1400, s6, s4, $0x38;
	[tilespmem:$0x15A00] =	vst v63  }
0x4c7: {  	_ =	swait.ge [sflag:s5], $0x1400  }
0x4c8: {  	[sflag:s5] =	ssyncset.done $0x0  }
0x4c9: {  	s30 =	rddreg [dreg:$0xe];
	[sflag:s5] =	ssyncadd.s32 $0xFFFFEC00  }
0x4ca: {  	[hbm4b:s30+s4] =	stream.strided.scatter [tilespmem:s28], [sflag:$0x1], $0x1400, s6, s4, $0x38;
	[tilespmem:$0x15A00] =	vst v63  }
0x4cb: {  	_ =	swait.ge [sflag:s5], $0x1400  }
0x4cc: {  	s1 =	rddreg [dreg:$0x11]  }
0x4cd: {  	s31 =	rddreg [dreg:$0x10];
	s1 =	sadd.s32 $0x1, s1  }
0x4ce: {  	p0 =	sne.s32 s1, s31  }
.Ltmp54:
0x4cf: {  	_ = 	snop;
	(pc) =	sbr.rel @p0 .LBB2_2-.Ltmp54, $3  }
0x4d0: {  	_ =	sdelay $0x1  }
0x4d1: {  	[sflag:s5] =	ssyncset.done $0x0  }
0x4d2: {  	[sflag:s5] =	ssyncadd.s32 $0xFFFFEC00  }
.LBB2_64:
0x4d3: {  	_ =	sfence.sel $0x180000  }
0x4d4: {  	[bflag:$0x0] =	sbarrier.arrive $0xFFFF  }
0x4d5: {  	_ =	strace $0x90000047  }
0x4d6: {  	s0 =	stileid.u32;
	[bflag:$0x2] =	sbarrier.arrive $0xFFFF  }
0x4d7: {  	p0 =	sne.s32 s0, $0x0;
	s0 =	rddreg [dreg:$0x4]  }
0x4d8: {  	s0 =	sadd.s32 @!p0 $0x100000, s0  }
0x4d9: {  	[sflag:s0] =	ssyncadd.tile.s32 @!p0 $0x1;
	_ =	shalt  }
.Lfunc_end2:
_tile_overlayer_lowered:
.L_overlay_start_2:
0x4da: {  	(tag) =	ssettag $0x2  }
0x4db: {  	s0 =	rddreg [dreg:$0x0];
	s2 =	stileid.u32  }
0x4dc: {  	s1 =	rddreg [dreg:$0x1];
	p0 =	sne.s32 s2, $0x0  }
0x4dd: {  	s3 =	rddreg [dreg:$0x2];
	[bflag:$0x3] =	sbarrier.arrive $0xFFFF;
	s2 =	simm.s32 @!p0 $0x1C01  }
0x4de: {  	[timem:s3], [sflag:s2] =	dma.local @!p0 [hbm:s0], s1  }
0x4df: {  	s0 =	simm.s32 @!p0 $0x1  }
0x4e0: {  	_ =	swait.ge @!p0 [sflag:s0], s1  }
0x4e1: {  	s1 =	ssub.s32 @!p0 $0x0, s1;
	[sflag:s0] =	ssyncset.done @!p0 $0x0  }
0x4e2: {  	[sflag:s0] =	ssyncadd.s32 @!p0 s1  }
0x4e3: {  	[bflag:$0x3] =	sbarrier.arrive $0xFFFF  }
0x4e4: {  	_ =	shalt  }

</sc_bundles>
